<compile_context>
chip_gen: v7x
topology: tpu7x:2x2x1
jax: 0.10.2.dev20260603
libtpu: 0.0.44.dev20260713+nightly
codegen_flags: <defaults>
</compile_context>

<pallas_src>
import jax
import jax.numpy as jnp
from jax import lax
from jax.experimental import pallas as pl
from jax.experimental.pallas import tpu as pltpu
from jax.experimental.pallas import tpu_sc as plsc

NE = 8
DM = 1024
DF = 512
T = 2048
BM2 = 256
NBLK = 24
P = NBLK * BM2
NSC = 2
NTILE = 16
NW = NSC * NTILE
TPW = T // NW


def _route_kernel(x_ref, protoT_ref, logits_ref, meta_ref, blk_ref,
                  xbits_ref, w0w_ref, w1w_ref):
    x = x_ref[...]
    xsq = jnp.sum(x * x, axis=1, keepdims=True)
    xn = x / jnp.maximum(jnp.sqrt(xsq), 1e-12)
    pT = protoT_ref[...]
    psq = jnp.sum(pT * pT, axis=0, keepdims=True)
    pn = pT / jnp.maximum(jnp.sqrt(psq), 1e-12)
    logits = lax.dot_general(
        xn.astype(jnp.bfloat16), pn.astype(jnp.bfloat16),
        (((1,), (0,)), ((), ())), preferred_element_type=jnp.float32)
    logits_ref[...] = logits

    m = jnp.max(logits, axis=1, keepdims=True)
    ex = jnp.exp(logits - m)
    probs = ex / jnp.sum(ex, axis=1, keepdims=True)
    p1 = jnp.max(probs, axis=1, keepdims=True)
    masked = jnp.where(probs >= p1, -jnp.inf, probs)
    p2 = jnp.max(masked, axis=1, keepdims=True)
    sel = probs >= p2

    mask_i = sel.astype(jnp.int32)
    c = mask_i
    s = 1
    while s < T:
        c = c + jnp.concatenate(
            [jnp.zeros((s, NE), jnp.int32), c[:T - s]], axis=0)
        s *= 2
    excl = c - mask_i

    lane1 = lax.broadcasted_iota(jnp.int32, (1, NE), 1)
    offs_row = jnp.zeros((1, NE), jnp.int32)
    blk = jnp.zeros((1, NBLK), jnp.int32)
    bstart = lax.broadcasted_iota(jnp.int32, (1, NBLK), 1) * BM2
    off_e = jnp.zeros((), jnp.int32)
    for e in range(NE):
        cnt_e = jnp.sum(mask_i[:, e:e + 1])
        cp_e = ((cnt_e + BM2 - 1) >> 8) << 8
        offs_row = offs_row + jnp.where(lane1 == e, off_e, 0)
        off_e = off_e + cp_e
        blk = blk + (bstart >= off_e).astype(jnp.int32)
    blk_ref[...] = blk

    dest = offs_row + excl
    one1 = probs >= p1
    one2 = sel & (~one1)
    d0 = jnp.sum(jnp.where(one1, dest, 0), axis=1, keepdims=True)
    d1 = jnp.sum(jnp.where(one2, dest, 0), axis=1, keepdims=True)
    w0 = lax.bitcast_convert_type(p1, jnp.int32)
    w1 = lax.bitcast_convert_type(p2, jnp.int32)
    meta = jnp.concatenate([d0, d1, w0, w1], axis=1)
    meta_ref[...] = meta
    w0w_ref[...] = jnp.broadcast_to(p1, (T, 16))
    w1w_ref[...] = jnp.broadcast_to(p2, (T, 16))

    lo = lax.shift_right_logical(
        lax.bitcast_convert_type(
            x[:, :DM // 2].astype(jnp.bfloat16).astype(jnp.float32),
            jnp.int32), 16)
    hi = lax.bitcast_convert_type(
        x[:, DM // 2:].astype(jnp.bfloat16).astype(jnp.float32),
        jnp.int32) & jnp.int32(-65536)
    xbits_ref[...] = lo | hi


def _route(x, protoT):
    return pl.pallas_call(
        _route_kernel,
        in_specs=[
            pl.BlockSpec((T, DM), lambda: (0, 0)),
            pl.BlockSpec((DM, NE), lambda: (0, 0)),
        ],
        out_specs=[
            pl.BlockSpec((T, NE), lambda: (0, 0)),
            pl.BlockSpec((T, 4), lambda: (0, 0)),
            pl.BlockSpec((1, NBLK), lambda: (0, 0)),
            pl.BlockSpec((T, DM // 2), lambda: (0, 0)),
            pl.BlockSpec((T, 16), lambda: (0, 0)),
            pl.BlockSpec((T, 16), lambda: (0, 0)),
        ],
        out_shape=[
            jax.ShapeDtypeStruct((T, NE), jnp.float32),
            jax.ShapeDtypeStruct((T, 4), jnp.int32),
            jax.ShapeDtypeStruct((1, NBLK), jnp.int32),
            jax.ShapeDtypeStruct((T, DM // 2), jnp.int32),
            jax.ShapeDtypeStruct((T, 16), jnp.float32),
            jax.ShapeDtypeStruct((T, 16), jnp.float32),
        ],
    )(x, protoT)


def _dispatch_kernel(x_hbm, meta_hbm, xs_hbm, meta_v, rows_v, sem):
    c = lax.axis_index("c")
    s = lax.axis_index("s")
    wid = s * NSC + c
    base = wid * TPW
    pltpu.sync_copy(meta_hbm.at[wid], meta_v)
    pltpu.sync_copy(x_hbm.at[pl.ds(base, TPW)], rows_v)
    cps = [
        pltpu.make_async_copy(rows_v, xs_hbm.at[meta_v.at[0]], sem),
        pltpu.make_async_copy(rows_v, xs_hbm.at[meta_v.at[1]], sem),
    ]
    for cp in cps:
        cp.start()
    for cp in cps:
        cp.wait()


def _dispatch(x, meta_rs):
    mesh = plsc.VectorSubcoreMesh(core_axis_name="c", subcore_axis_name="s")
    f = pl.kernel(
        _dispatch_kernel,
        out_type=jax.ShapeDtypeStruct((P, DM // 2), jnp.int32),
        mesh=mesh,
        scratch_types=[
            pltpu.VMEM((4, TPW), jnp.int32),
            pltpu.VMEM((TPW, DM // 2), jnp.int32),
            pltpu.SemaphoreType.DMA,
        ],
    )
    return f(x, meta_rs)


def _mm(a, b):
    return lax.dot_general(a, b, (((1,), (0,)), ((), ())),
                           preferred_element_type=jnp.float32)


def _gemm_kernel(blk_ref, xs_ref, wg_ref, wu_ref, wd_ref, y_ref):
    e = blk_ref[0, pl.program_id(0)]

    @pl.when(e < NE)
    def _body():
        xi = xs_ref[...]
        xlo = lax.bitcast_convert_type(
            xi << 16, jnp.float32).astype(jnp.bfloat16)
        xhi = lax.bitcast_convert_type(
            xi & jnp.int32(-65536), jnp.float32).astype(jnp.bfloat16)
        wge = wg_ref[e]
        wue = wu_ref[e]
        g = _mm(xlo, wge[:DM // 2]) + _mm(xhi, wge[DM // 2:])
        u = _mm(xlo, wue[:DM // 2]) + _mm(xhi, wue[DM // 2:])
        h = (g / (1.0 + jnp.exp(-g))) * u
        hb = h.astype(jnp.bfloat16)
        y_ref[...] = _mm(hb, wd_ref[e])


def _gemm(blk, xs_bits, wg, wu, wd):
    return pl.pallas_call(
        _gemm_kernel,
        grid=(NBLK,),
        in_specs=[
            pl.BlockSpec(memory_space=pltpu.MemorySpace.SMEM),
            pl.BlockSpec((BM2, DM // 2), lambda i: (i, 0)),
            pl.BlockSpec((NE, DM, DF), lambda i: (0, 0, 0)),
            pl.BlockSpec((NE, DM, DF), lambda i: (0, 0, 0)),
            pl.BlockSpec((NE, DF, DM), lambda i: (0, 0, 0)),
        ],
        out_specs=pl.BlockSpec((BM2, DM), lambda i: (i, 0)),
        out_shape=jax.ShapeDtypeStruct((P, DM), jnp.float32),
    )(blk, xs_bits, wg, wu, wd)


def _combine_kernel(y_hbm, d0_hbm, d1_hbm, w0_hbm, w1_hbm, out_hbm,
                    idx0_v, idx1_v, wv0_v, wv1_v, buf0_v, buf1_v, sem):
    c = lax.axis_index("c")
    s = lax.axis_index("s")
    half = TPW // 2
    for h in range(2):
        row = (c * NTILE + s) * 2 + h
        pltpu.sync_copy(d0_hbm.at[row], idx0_v)
        pltpu.sync_copy(d1_hbm.at[row], idx1_v)
        tbase = (c * NTILE + s) * TPW + h * half
        pltpu.sync_copy(w0_hbm.at[pl.ds(tbase, half)], wv0_v)
        pltpu.sync_copy(w1_hbm.at[pl.ds(tbase, half)], wv1_v)
        cp0 = pltpu.make_async_copy(y_hbm.at[idx0_v], buf0_v, sem)
        cp0.start()
        cp1 = pltpu.make_async_copy(y_hbm.at[idx1_v], buf1_v, sem)
        cp1.start()
        cp0.wait()
        cp1.wait()

        def _add_row(r, _):
            b0 = wv0_v[r, :]
            b1 = wv1_v[r, :]
            for j in range(DM // 16):
                sl = pl.ds(j * 16, 16)
                buf0_v[r, sl] = b0 * buf0_v[r, sl] + b1 * buf1_v[r, sl]
            return 0

        lax.fori_loop(0, half, _add_row, 0)
        base = (c * NTILE + s) * TPW + h * half
        pltpu.sync_copy(buf0_v, out_hbm.at[pl.ds(base, half)])


def _combine(y, d0_rs, d1_rs, w0_rs, w1_rs):
    mesh = plsc.VectorSubcoreMesh(core_axis_name="c", subcore_axis_name="s")
    half = TPW // 2
    f = pl.kernel(
        _combine_kernel,
        out_type=jax.ShapeDtypeStruct((T, DM), jnp.float32),
        mesh=mesh,
        scratch_types=[
            pltpu.VMEM((half,), jnp.int32),
            pltpu.VMEM((half,), jnp.int32),
            pltpu.VMEM((half, 16), jnp.float32),
            pltpu.VMEM((half, 16), jnp.float32),
            pltpu.VMEM((half, DM), jnp.float32),
            pltpu.VMEM((half, DM), jnp.float32),
            pltpu.SemaphoreType.DMA,
        ],
    )
    return f(y, d0_rs, d1_rs, w0_rs, w1_rs)


@jax.jit
def kernel(hidden_states, proto, w_gate, w_up, w_down):
    B, S, D = hidden_states.shape
    x = hidden_states.reshape(T, D)
    protoT = proto.T
    wg = w_gate.astype(jnp.bfloat16)
    wu = w_up.astype(jnp.bfloat16)
    wd = w_down.astype(jnp.bfloat16)

    logits, meta, blk, x_bits, w0w, w1w = _route(x, protoT)

    meta_rs = meta.reshape(NW, TPW, 4).transpose(0, 2, 1)
    xs_bits = _dispatch(x_bits, meta_rs)

    y = _gemm(blk, xs_bits, wg, wu, wd)

    d0_rs = meta[:, 0].reshape(64, 32)
    d1_rs = meta[:, 1].reshape(64, 32)
    out = _combine(y, d0_rs, d1_rs, w0w, w1w)
    return out.reshape(B, S, D), logits

# --- scband reference (transcript-rebuilt; emitter-appended) ---
"""Pipeline reference for scband-arc-dyn-snt-28003186770656 (READ-ONLY COPY).

The authoritative reference and input builder live on the scoring server;
editing this copy changes nothing except your own understanding.
"""

import jax, jax.numpy as jnp
import numpy as np

NUM_EXPERTS = 8
TOP_K = 2
D_MODEL = 1024
D_FF = 512
BATCH = 1
SEQ = 2048


def setup_inputs(seed: int = 0) -> dict:
    key = jax.random.key(seed)
    k1, k2, k3, k4, k5 = jax.random.split(key, 5)
    hidden_states = jax.random.normal(k1, (BATCH, SEQ, D_MODEL), dtype=jnp.float32)
    proto = jax.random.normal(k2, (NUM_EXPERTS, D_MODEL), dtype=jnp.float32) * 0.02
    w_gate = jax.random.normal(k3, (NUM_EXPERTS, D_MODEL, D_FF), dtype=jnp.float32) * 0.02
    w_up = jax.random.normal(k4, (NUM_EXPERTS, D_MODEL, D_FF), dtype=jnp.float32) * 0.02
    w_down = jax.random.normal(k5, (NUM_EXPERTS, D_FF, D_MODEL), dtype=jnp.float32) * 0.02
    return {"hidden_states": hidden_states, "proto": proto, "w_gate": w_gate, "w_up": w_up, "w_down": w_down}


def _l2_normalize(x, axis):
    n = jnp.linalg.norm(x, axis=axis, keepdims=True)
    return x / jnp.clip(n, 1e-12, None)


def reference(hidden_states, proto, w_gate, w_up, w_down):
    B, S, D = hidden_states.shape
    x = hidden_states.reshape(-1, D)  # [T, D]
    # CPR router: cosine similarity between normalized tokens and normalized prototypes
    xn = _l2_normalize(x, axis=1)
    pn = _l2_normalize(proto, axis=1)
    router_logits = xn @ pn.T  # [T, E]
    routing_probs = jax.nn.softmax(router_logits.astype(jnp.float32), axis=1)
    routing_weights, selected_experts = jax.lax.top_k(routing_probs, TOP_K)  # [T, k]
    # MoE dispatch-combine (mathematically identical to index_add over selected tokens:
    # non-selected tokens receive combine weight 0)
    out = jnp.zeros_like(x)
    for e in range(NUM_EXPERTS):
        mask = (selected_experts == e).astype(x.dtype)  # [T, k]
        combine_w = jnp.sum(routing_weights * mask, axis=1)  # [T]
        gate_h = jax.nn.silu(x @ w_gate[e])
        up_h = x @ w_up[e]
        expert_out = (gate_h * up_h) @ w_down[e]
        out = out + expert_out * combine_w[:, None]
    return out.reshape(B, S, D), router_logits

if __name__ == "__main__":
    import jax
    _d = setup_inputs()
    print(jax.jit(kernel)(*tuple(_d.values())))

</pallas_src>

<mosaic_0001>
#map = affine_map<(d0, d1) -> (0, 0)>
#map1 = affine_map<(d0, d1) -> (0, 0, 0)>
module attributes {stable_mosaic.version = 14 : i64} {
  func.func @_dispatch_kernel(%arg0: i32, %arg1: i32, %arg2: memref<2048x512xi32, #tpu.memory_space<hbm>>, %arg3: memref<32x4x64xi32, #tpu.memory_space<hbm>>, %arg4: memref<6144x512xi32, #tpu.memory_space<hbm>>, %arg5: memref<4x64xi32, #tpu.memory_space<vmem>>, %arg6: memref<64x512xi32, #tpu.memory_space<vmem>>, %arg7: memref<!tpu.dma_semaphore, #tpu.memory_space<semaphore_mem>>) attributes {dimension_semantics = [#tpu.dimension_semantics<core_parallel>, #tpu.dimension_semantics<subcore_parallel>], iteration_bounds = array<i64: 2, 16>, scalar_prefetch = 0 : i64, scratch_operands = 3 : i64, tpu.core_type = #tpu.core_type<sc_vector_subcore>, window_params = [{transform_indices = #map}, {transform_indices = #map1}, {transform_indices = #map}]} {
    %mul3A = arith.constant 2 : i32
    %mul3A_0 = arith.muli %arg1, %mul3A : i32
    %add3A = arith.addi %mul3A_0, %arg0 : i32
    %mul3A_1 = arith.constant 64 : i32
    %mul3A_2 = arith.muli %add3A, %mul3A_1 : i32
    "tpu.region"() ({
      %run_scoped3A = tpu.sem_alloc : memref<!tpu.dma_semaphore, #tpu.memory_space<semaphore_mem>>
      %dma_start3A_29 = arith.constant 0 : i32
      %dma_start3A_30 = arith.constant 0 : i32
      %dma_start3A_31 = tpu.memref_slice %arg3[%add3A, %dma_start3A_29, %dma_start3A_30] : memref<32x4x64xi32, #tpu.memory_space<hbm>> -> memref<1x4x64xi32, #tpu.memory_space<hbm>>
      %dma_start3A_32 = tpu.memref_squeeze %dma_start3A_31 : memref<1x4x64xi32, #tpu.memory_space<hbm>> -> memref<4x64xi32, #tpu.memory_space<hbm>>
      %dma_start3A_33 = arith.constant 0 : i32
      %dma_start3A_34 = arith.constant 0 : i32
      %dma_start3A_35 = tpu.memref_slice %arg3[%add3A, %dma_start3A_33, %dma_start3A_34] : memref<32x4x64xi32, #tpu.memory_space<hbm>> -> memref<1x4x64xi32, #tpu.memory_space<hbm>>
      %dma_start3A_36 = tpu.memref_squeeze %dma_start3A_35 : memref<1x4x64xi32, #tpu.memory_space<hbm>> -> memref<4x64xi32, #tpu.memory_space<hbm>>
      tpu.enqueue_dma source(%dma_start3A_36 : memref<4x64xi32, #tpu.memory_space<hbm>>) target(%arg5 : memref<4x64xi32, #tpu.memory_space<vmem>>) target_semaphore(%run_scoped3A : memref<!tpu.dma_semaphore, #tpu.memory_space<semaphore_mem>>)
      %dma_wait3A_37 = arith.constant 0 : i32
      %dma_wait3A_38 = arith.constant 0 : i32
      %dma_wait3A_39 = tpu.memref_slice %arg3[%add3A, %dma_wait3A_37, %dma_wait3A_38] : memref<32x4x64xi32, #tpu.memory_space<hbm>> -> memref<1x4x64xi32, #tpu.memory_space<hbm>>
      %dma_wait3A_40 = tpu.memref_squeeze %dma_wait3A_39 : memref<1x4x64xi32, #tpu.memory_space<hbm>> -> memref<4x64xi32, #tpu.memory_space<hbm>>
      %dma_wait3A_41 = arith.constant 0 : i32
      %dma_wait3A_42 = arith.constant 0 : i32
      %dma_wait3A_43 = tpu.memref_slice %arg3[%add3A, %dma_wait3A_41, %dma_wait3A_42] : memref<32x4x64xi32, #tpu.memory_space<hbm>> -> memref<1x4x64xi32, #tpu.memory_space<hbm>>
      %dma_wait3A_44 = tpu.memref_squeeze %dma_wait3A_43 : memref<1x4x64xi32, #tpu.memory_space<hbm>> -> memref<4x64xi32, #tpu.memory_space<hbm>>
      tpu.wait_dma2 semaphore(%run_scoped3A : memref<!tpu.dma_semaphore, #tpu.memory_space<semaphore_mem>>) src(%dma_wait3A_44 : memref<4x64xi32, #tpu.memory_space<hbm>>) dst(%arg5 : memref<4x64xi32, #tpu.memory_space<vmem>>)
      tpu.yield
    }) : () -> ()
    "tpu.region"() ({
      %run_scoped3A = tpu.sem_alloc : memref<!tpu.dma_semaphore, #tpu.memory_space<semaphore_mem>>
      %dma_start3A_29 = arith.constant 0 : i32
      %dma_start3A_30 = tpu.memref_slice %arg2[%mul3A_2, %dma_start3A_29] : memref<2048x512xi32, #tpu.memory_space<hbm>> -> memref<64x512xi32, #tpu.memory_space<hbm>>
      %dma_start3A_31 = arith.constant 0 : i32
      %dma_start3A_32 = tpu.memref_slice %arg2[%mul3A_2, %dma_start3A_31] : memref<2048x512xi32, #tpu.memory_space<hbm>> -> memref<64x512xi32, #tpu.memory_space<hbm>>
      tpu.enqueue_dma source(%dma_start3A_32 : memref<64x512xi32, #tpu.memory_space<hbm>>) target(%arg6 : memref<64x512xi32, #tpu.memory_space<vmem>>) target_semaphore(%run_scoped3A : memref<!tpu.dma_semaphore, #tpu.memory_space<semaphore_mem>>)
      %dma_wait3A_33 = arith.constant 0 : i32
      %dma_wait3A_34 = tpu.memref_slice %arg2[%mul3A_2, %dma_wait3A_33] : memref<2048x512xi32, #tpu.memory_space<hbm>> -> memref<64x512xi32, #tpu.memory_space<hbm>>
      %dma_wait3A_35 = arith.constant 0 : i32
      %dma_wait3A_36 = tpu.memref_slice %arg2[%mul3A_2, %dma_wait3A_35] : memref<2048x512xi32, #tpu.memory_space<hbm>> -> memref<64x512xi32, #tpu.memory_space<hbm>>
      tpu.wait_dma2 semaphore(%run_scoped3A : memref<!tpu.dma_semaphore, #tpu.memory_space<semaphore_mem>>) src(%dma_wait3A_36 : memref<64x512xi32, #tpu.memory_space<hbm>>) dst(%arg6 : memref<64x512xi32, #tpu.memory_space<vmem>>)
      tpu.yield
    }) : () -> ()
    %dma_start3A = arith.constant 0 : i32
    %dma_start3A_3 = arith.constant 0 : i32
    %dma_start3A_4 = tpu.memref_slice %arg5[%dma_start3A, %dma_start3A_3] : memref<4x64xi32, #tpu.memory_space<vmem>> -> memref<1x64xi32, #tpu.memory_space<vmem>>
    %dma_start3A_5 = tpu.memref_squeeze %dma_start3A_4 : memref<1x64xi32, #tpu.memory_space<vmem>> -> memref<64xi32, #tpu.memory_space<vmem>>
    %dma_start3A_6 = arith.constant 0 : i32
    %dma_start3A_7 = arith.constant 0 : i32
    %dma_start3A_8 = tpu.memref_slice %arg4[%dma_start3A_6, %dma_start3A_7] : memref<6144x512xi32, #tpu.memory_space<hbm>> -> memref<6144x512xi32, #tpu.memory_space<hbm>>
    tpu.enqueue_indirect_dma source(%arg6 : memref<64x512xi32, #tpu.memory_space<vmem>>) target(%dma_start3A_8 : memref<6144x512xi32, #tpu.memory_space<hbm>>) offsets(%dma_start3A_5 : memref<64xi32, #tpu.memory_space<vmem>>) semaphore(%arg7 : memref<!tpu.dma_semaphore, #tpu.memory_space<semaphore_mem>>)
    %dma_start3A_9 = arith.constant 1 : i32
    %dma_start3A_10 = arith.constant 0 : i32
    %dma_start3A_11 = tpu.memref_slice %arg5[%dma_start3A_9, %dma_start3A_10] : memref<4x64xi32, #tpu.memory_space<vmem>> -> memref<1x64xi32, #tpu.memory_space<vmem>>
    %dma_start3A_12 = tpu.memref_squeeze %dma_start3A_11 : memref<1x64xi32, #tpu.memory_space<vmem>> -> memref<64xi32, #tpu.memory_space<vmem>>
    %dma_start3A_13 = arith.constant 0 : i32
    %dma_start3A_14 = arith.constant 0 : i32
    %dma_start3A_15 = tpu.memref_slice %arg4[%dma_start3A_13, %dma_start3A_14] : memref<6144x512xi32, #tpu.memory_space<hbm>> -> memref<6144x512xi32, #tpu.memory_space<hbm>>
    tpu.enqueue_indirect_dma source(%arg6 : memref<64x512xi32, #tpu.memory_space<vmem>>) target(%dma_start3A_15 : memref<6144x512xi32, #tpu.memory_space<hbm>>) offsets(%dma_start3A_12 : memref<64xi32, #tpu.memory_space<vmem>>) semaphore(%arg7 : memref<!tpu.dma_semaphore, #tpu.memory_space<semaphore_mem>>)
    %dma_wait3A = arith.constant 0 : i32
    %dma_wait3A_16 = arith.constant 0 : i32
    %dma_wait3A_17 = tpu.memref_slice %arg5[%dma_wait3A, %dma_wait3A_16] : memref<4x64xi32, #tpu.memory_space<vmem>> -> memref<1x64xi32, #tpu.memory_space<vmem>>
    %dma_wait3A_18 = tpu.memref_squeeze %dma_wait3A_17 : memref<1x64xi32, #tpu.memory_space<vmem>> -> memref<64xi32, #tpu.memory_space<vmem>>
    %dma_wait3A_19 = arith.constant 0 : i32
    %dma_wait3A_20 = arith.constant 0 : i32
    %dma_wait3A_21 = tpu.memref_slice %arg4[%dma_wait3A_19, %dma_wait3A_20] : memref<6144x512xi32, #tpu.memory_space<hbm>> -> memref<6144x512xi32, #tpu.memory_space<hbm>>
    tpu.wait_indirect_dma semaphore(%arg7 : memref<!tpu.dma_semaphore, #tpu.memory_space<semaphore_mem>>) src(%arg6 : memref<64x512xi32, #tpu.memory_space<vmem>>) dst(%dma_wait3A_21 : memref<6144x512xi32, #tpu.memory_space<hbm>>)
    %dma_wait3A_22 = arith.constant 1 : i32
    %dma_wait3A_23 = arith.constant 0 : i32
    %dma_wait3A_24 = tpu.memref_slice %arg5[%dma_wait3A_22, %dma_wait3A_23] : memref<4x64xi32, #tpu.memory_space<vmem>> -> memref<1x64xi32, #tpu.memory_space<vmem>>
    %dma_wait3A_25 = tpu.memref_squeeze %dma_wait3A_24 : memref<1x64xi32, #tpu.memory_space<vmem>> -> memref<64xi32, #tpu.memory_space<vmem>>
    %dma_wait3A_26 = arith.constant 0 : i32
    %dma_wait3A_27 = arith.constant 0 : i32
    %dma_wait3A_28 = tpu.memref_slice %arg4[%dma_wait3A_26, %dma_wait3A_27] : memref<6144x512xi32, #tpu.memory_space<hbm>> -> memref<6144x512xi32, #tpu.memory_space<hbm>>
    tpu.wait_indirect_dma semaphore(%arg7 : memref<!tpu.dma_semaphore, #tpu.memory_space<semaphore_mem>>) src(%arg6 : memref<64x512xi32, #tpu.memory_space<vmem>>) dst(%dma_wait3A_28 : memref<6144x512xi32, #tpu.memory_space<hbm>>)
    return
  }
}

#map = affine_map<(d0, d1) -> (0, 0)>
module attributes {stable_mosaic.version = 14 : i64} {
  func.func @_combine_kernel(%arg0: i32, %arg1: i32, %arg2: memref<6144x1024xf32, #tpu.memory_space<hbm>>, %arg3: memref<64x32xi32, #tpu.memory_space<hbm>>, %arg4: memref<64x32xi32, #tpu.memory_space<hbm>>, %arg5: memref<2048x16xf32, #tpu.memory_space<hbm>>, %arg6: memref<2048x16xf32, #tpu.memory_space<hbm>>, %arg7: memref<2048x1024xf32, #tpu.memory_space<hbm>>, %arg8: memref<32xi32, #tpu.memory_space<vmem>>, %arg9: memref<32xi32, #tpu.memory_space<vmem>>, %arg10: memref<32x16xf32, #tpu.memory_space<vmem>>, %arg11: memref<32x16xf32, #tpu.memory_space<vmem>>, %arg12: memref<32x1024xf32, #tpu.memory_space<vmem>>, %arg13: memref<32x1024xf32, #tpu.memory_space<vmem>>, %arg14: memref<!tpu.dma_semaphore, #tpu.memory_space<semaphore_mem>>) attributes {dimension_semantics = [#tpu.dimension_semantics<core_parallel>, #tpu.dimension_semantics<subcore_parallel>], iteration_bounds = array<i64: 2, 16>, scalar_prefetch = 0 : i64, scratch_operands = 7 : i64, tpu.core_type = #tpu.core_type<sc_vector_subcore>, window_params = [{transform_indices = #map}, {transform_indices = #map}, {transform_indices = #map}, {transform_indices = #map}, {transform_indices = #map}, {transform_indices = #map}]} {
    %mul3A = arith.constant 16 : i32
    %mul3A_0 = arith.muli %arg0, %mul3A : i32
    %add3A = arith.addi %mul3A_0, %arg1 : i32
    %mul3A_1 = arith.constant 2 : i32
    %mul3A_2 = arith.muli %add3A, %mul3A_1 : i32
    %add3A_3 = arith.constant 0 : i32
    %add3A_4 = arith.addi %mul3A_2, %add3A_3 : i32
    "tpu.region"() ({
      %run_scoped3A = tpu.sem_alloc : memref<!tpu.dma_semaphore, #tpu.memory_space<semaphore_mem>>
      %dma_start3A_75 = arith.constant 0 : i32
      %dma_start3A_76 = tpu.memref_slice %arg3[%add3A_4, %dma_start3A_75] : memref<64x32xi32, #tpu.memory_space<hbm>> -> memref<1x32xi32, #tpu.memory_space<hbm>>
      %dma_start3A_77 = tpu.memref_squeeze %dma_start3A_76 : memref<1x32xi32, #tpu.memory_space<hbm>> -> memref<32xi32, #tpu.memory_space<hbm>>
      %dma_start3A_78 = arith.constant 0 : i32
      %dma_start3A_79 = tpu.memref_slice %arg3[%add3A_4, %dma_start3A_78] : memref<64x32xi32, #tpu.memory_space<hbm>> -> memref<1x32xi32, #tpu.memory_space<hbm>>
      %dma_start3A_80 = tpu.memref_squeeze %dma_start3A_79 : memref<1x32xi32, #tpu.memory_space<hbm>> -> memref<32xi32, #tpu.memory_space<hbm>>
      tpu.enqueue_dma source(%dma_start3A_80 : memref<32xi32, #tpu.memory_space<hbm>>) target(%arg8 : memref<32xi32, #tpu.memory_space<vmem>>) target_semaphore(%run_scoped3A : memref<!tpu.dma_semaphore, #tpu.memory_space<semaphore_mem>>)
      %dma_wait3A_81 = arith.constant 0 : i32
      %dma_wait3A_82 = tpu.memref_slice %arg3[%add3A_4, %dma_wait3A_81] : memref<64x32xi32, #tpu.memory_space<hbm>> -> memref<1x32xi32, #tpu.memory_space<hbm>>
      %dma_wait3A_83 = tpu.memref_squeeze %dma_wait3A_82 : memref<1x32xi32, #tpu.memory_space<hbm>> -> memref<32xi32, #tpu.memory_space<hbm>>
      %dma_wait3A_84 = arith.constant 0 : i32
      %dma_wait3A_85 = tpu.memref_slice %arg3[%add3A_4, %dma_wait3A_84] : memref<64x32xi32, #tpu.memory_space<hbm>> -> memref<1x32xi32, #tpu.memory_space<hbm>>
      %dma_wait3A_86 = tpu.memref_squeeze %dma_wait3A_85 : memref<1x32xi32, #tpu.memory_space<hbm>> -> memref<32xi32, #tpu.memory_space<hbm>>
      tpu.wait_dma2 semaphore(%run_scoped3A : memref<!tpu.dma_semaphore, #tpu.memory_space<semaphore_mem>>) src(%dma_wait3A_86 : memref<32xi32, #tpu.memory_space<hbm>>) dst(%arg8 : memref<32xi32, #tpu.memory_space<vmem>>)
      tpu.yield
    }) : () -> ()
    "tpu.region"() ({
      %run_scoped3A = tpu.sem_alloc : memref<!tpu.dma_semaphore, #tpu.memory_space<semaphore_mem>>
      %dma_start3A_75 = arith.constant 0 : i32
      %dma_start3A_76 = tpu.memref_slice %arg4[%add3A_4, %dma_start3A_75] : memref<64x32xi32, #tpu.memory_space<hbm>> -> memref<1x32xi32, #tpu.memory_space<hbm>>
      %dma_start3A_77 = tpu.memref_squeeze %dma_start3A_76 : memref<1x32xi32, #tpu.memory_space<hbm>> -> memref<32xi32, #tpu.memory_space<hbm>>
      %dma_start3A_78 = arith.constant 0 : i32
      %dma_start3A_79 = tpu.memref_slice %arg4[%add3A_4, %dma_start3A_78] : memref<64x32xi32, #tpu.memory_space<hbm>> -> memref<1x32xi32, #tpu.memory_space<hbm>>
      %dma_start3A_80 = tpu.memref_squeeze %dma_start3A_79 : memref<1x32xi32, #tpu.memory_space<hbm>> -> memref<32xi32, #tpu.memory_space<hbm>>
      tpu.enqueue_dma source(%dma_start3A_80 : memref<32xi32, #tpu.memory_space<hbm>>) target(%arg9 : memref<32xi32, #tpu.memory_space<vmem>>) target_semaphore(%run_scoped3A : memref<!tpu.dma_semaphore, #tpu.memory_space<semaphore_mem>>)
      %dma_wait3A_81 = arith.constant 0 : i32
      %dma_wait3A_82 = tpu.memref_slice %arg4[%add3A_4, %dma_wait3A_81] : memref<64x32xi32, #tpu.memory_space<hbm>> -> memref<1x32xi32, #tpu.memory_space<hbm>>
      %dma_wait3A_83 = tpu.memref_squeeze %dma_wait3A_82 : memref<1x32xi32, #tpu.memory_space<hbm>> -> memref<32xi32, #tpu.memory_space<hbm>>
      %dma_wait3A_84 = arith.constant 0 : i32
      %dma_wait3A_85 = tpu.memref_slice %arg4[%add3A_4, %dma_wait3A_84] : memref<64x32xi32, #tpu.memory_space<hbm>> -> memref<1x32xi32, #tpu.memory_space<hbm>>
      %dma_wait3A_86 = tpu.memref_squeeze %dma_wait3A_85 : memref<1x32xi32, #tpu.memory_space<hbm>> -> memref<32xi32, #tpu.memory_space<hbm>>
      tpu.wait_dma2 semaphore(%run_scoped3A : memref<!tpu.dma_semaphore, #tpu.memory_space<semaphore_mem>>) src(%dma_wait3A_86 : memref<32xi32, #tpu.memory_space<hbm>>) dst(%arg9 : memref<32xi32, #tpu.memory_space<vmem>>)
      tpu.yield
    }) : () -> ()
    %mul3A_5 = arith.constant 16 : i32
    %mul3A_6 = arith.muli %arg0, %mul3A_5 : i32
    %add3A_7 = arith.addi %mul3A_6, %arg1 : i32
    %mul3A_8 = arith.constant 64 : i32
    %mul3A_9 = arith.muli %add3A_7, %mul3A_8 : i32
    %add3A_10 = arith.constant 0 : i32
    %add3A_11 = arith.addi %mul3A_9, %add3A_10 : i32
    "tpu.region"() ({
      %run_scoped3A = tpu.sem_alloc : memref<!tpu.dma_semaphore, #tpu.memory_space<semaphore_mem>>
      %dma_start3A_75 = arith.constant 0 : i32
      %dma_start3A_76 = tpu.memref_slice %arg5[%add3A_11, %dma_start3A_75] : memref<2048x16xf32, #tpu.memory_space<hbm>> -> memref<32x16xf32, #tpu.memory_space<hbm>>
      %dma_start3A_77 = arith.constant 0 : i32
      %dma_start3A_78 = tpu.memref_slice %arg5[%add3A_11, %dma_start3A_77] : memref<2048x16xf32, #tpu.memory_space<hbm>> -> memref<32x16xf32, #tpu.memory_space<hbm>>
      tpu.enqueue_dma source(%dma_start3A_78 : memref<32x16xf32, #tpu.memory_space<hbm>>) target(%arg10 : memref<32x16xf32, #tpu.memory_space<vmem>>) target_semaphore(%run_scoped3A : memref<!tpu.dma_semaphore, #tpu.memory_space<semaphore_mem>>)
      %dma_wait3A_79 = arith.constant 0 : i32
      %dma_wait3A_80 = tpu.memref_slice %arg5[%add3A_11, %dma_wait3A_79] : memref<2048x16xf32, #tpu.memory_space<hbm>> -> memref<32x16xf32, #tpu.memory_space<hbm>>
      %dma_wait3A_81 = arith.constant 0 : i32
      %dma_wait3A_82 = tpu.memref_slice %arg5[%add3A_11, %dma_wait3A_81] : memref<2048x16xf32, #tpu.memory_space<hbm>> -> memref<32x16xf32, #tpu.memory_space<hbm>>
      tpu.wait_dma2 semaphore(%run_scoped3A : memref<!tpu.dma_semaphore, #tpu.memory_space<semaphore_mem>>) src(%dma_wait3A_82 : memref<32x16xf32, #tpu.memory_space<hbm>>) dst(%arg10 : memref<32x16xf32, #tpu.memory_space<vmem>>)
      tpu.yield
    }) : () -> ()
    "tpu.region"() ({
      %run_scoped3A = tpu.sem_alloc : memref<!tpu.dma_semaphore, #tpu.memory_space<semaphore_mem>>
      %dma_start3A_75 = arith.constant 0 : i32
      %dma_start3A_76 = tpu.memref_slice %arg6[%add3A_11, %dma_start3A_75] : memref<2048x16xf32, #tpu.memory_space<hbm>> -> memref<32x16xf32, #tpu.memory_space<hbm>>
      %dma_start3A_77 = arith.constant 0 : i32
      %dma_start3A_78 = tpu.memref_slice %arg6[%add3A_11, %dma_start3A_77] : memref<2048x16xf32, #tpu.memory_space<hbm>> -> memref<32x16xf32, #tpu.memory_space<hbm>>
      tpu.enqueue_dma source(%dma_start3A_78 : memref<32x16xf32, #tpu.memory_space<hbm>>) target(%arg11 : memref<32x16xf32, #tpu.memory_space<vmem>>) target_semaphore(%run_scoped3A : memref<!tpu.dma_semaphore, #tpu.memory_space<semaphore_mem>>)
      %dma_wait3A_79 = arith.constant 0 : i32
      %dma_wait3A_80 = tpu.memref_slice %arg6[%add3A_11, %dma_wait3A_79] : memref<2048x16xf32, #tpu.memory_space<hbm>> -> memref<32x16xf32, #tpu.memory_space<hbm>>
      %dma_wait3A_81 = arith.constant 0 : i32
      %dma_wait3A_82 = tpu.memref_slice %arg6[%add3A_11, %dma_wait3A_81] : memref<2048x16xf32, #tpu.memory_space<hbm>> -> memref<32x16xf32, #tpu.memory_space<hbm>>
      tpu.wait_dma2 semaphore(%run_scoped3A : memref<!tpu.dma_semaphore, #tpu.memory_space<semaphore_mem>>) src(%dma_wait3A_82 : memref<32x16xf32, #tpu.memory_space<hbm>>) dst(%arg11 : memref<32x16xf32, #tpu.memory_space<vmem>>)
      tpu.yield
    }) : () -> ()
    %dma_start3A = arith.constant 0 : i32
    %dma_start3A_12 = arith.constant 0 : i32
    %dma_start3A_13 = tpu.memref_slice %arg2[%dma_start3A, %dma_start3A_12] : memref<6144x1024xf32, #tpu.memory_space<hbm>> -> memref<6144x1024xf32, #tpu.memory_space<hbm>>
    tpu.enqueue_indirect_dma source(%dma_start3A_13 : memref<6144x1024xf32, #tpu.memory_space<hbm>>) target(%arg12 : memref<32x1024xf32, #tpu.memory_space<vmem>>) offsets(%arg8 : memref<32xi32, #tpu.memory_space<vmem>>) semaphore(%arg14 : memref<!tpu.dma_semaphore, #tpu.memory_space<semaphore_mem>>)
    %dma_start3A_14 = arith.constant 0 : i32
    %dma_start3A_15 = arith.constant 0 : i32
    %dma_start3A_16 = tpu.memref_slice %arg2[%dma_start3A_14, %dma_start3A_15] : memref<6144x1024xf32, #tpu.memory_space<hbm>> -> memref<6144x1024xf32, #tpu.memory_space<hbm>>
    tpu.enqueue_indirect_dma source(%dma_start3A_16 : memref<6144x1024xf32, #tpu.memory_space<hbm>>) target(%arg13 : memref<32x1024xf32, #tpu.memory_space<vmem>>) offsets(%arg9 : memref<32xi32, #tpu.memory_space<vmem>>) semaphore(%arg14 : memref<!tpu.dma_semaphore, #tpu.memory_space<semaphore_mem>>)
    %dma_wait3A = arith.constant 0 : i32
    %dma_wait3A_17 = arith.constant 0 : i32
    %dma_wait3A_18 = tpu.memref_slice %arg2[%dma_wait3A, %dma_wait3A_17] : memref<6144x1024xf32, #tpu.memory_space<hbm>> -> memref<6144x1024xf32, #tpu.memory_space<hbm>>
    tpu.wait_indirect_dma semaphore(%arg14 : memref<!tpu.dma_semaphore, #tpu.memory_space<semaphore_mem>>) src(%dma_wait3A_18 : memref<6144x1024xf32, #tpu.memory_space<hbm>>) dst(%arg12 : memref<32x1024xf32, #tpu.memory_space<vmem>>)
    %dma_wait3A_19 = arith.constant 0 : i32
    %dma_wait3A_20 = arith.constant 0 : i32
    %dma_wait3A_21 = tpu.memref_slice %arg2[%dma_wait3A_19, %dma_wait3A_20] : memref<6144x1024xf32, #tpu.memory_space<hbm>> -> memref<6144x1024xf32, #tpu.memory_space<hbm>>
    tpu.wait_indirect_dma semaphore(%arg14 : memref<!tpu.dma_semaphore, #tpu.memory_space<semaphore_mem>>) src(%dma_wait3A_21 : memref<6144x1024xf32, #tpu.memory_space<hbm>>) dst(%arg13 : memref<32x1024xf32, #tpu.memory_space<vmem>>)
    %scan3A = arith.constant 0 : i32
    %scan3A_22 = arith.constant 0 : i32
    %scan3A_23 = arith.constant 32 : i32
    %scan3A_24 = arith.addi %scan3A_22, %scan3A_23 : i32
    %scan3A_25 = arith.constant 1 : i32
    %scan3A_26 = scf.for %scan3A_75 = %scan3A_22 to %scan3A_24 step %scan3A_25 iter_args(%scan3A_76 = %scan3A) -> (i32)  : i32 {
      %get3A = arith.index_cast %scan3A_75 : i32 to index
      %get3A_77 = arith.constant 0 : index
      %get3A_78 = tpu.vector_load %arg10[%get3A, %get3A_77] {strides = array<i32>} : memref<32x16xf32, #tpu.memory_space<vmem>>, vector<1x16xf32>,
      %get3A_79 = vector.shape_cast %get3A_78 : vector<1x16xf32> to vector<16xf32>
      %get3A_80 = arith.index_cast %scan3A_75 : i32 to index
      %get3A_81 = arith.constant 0 : index
      %get3A_82 = tpu.vector_load %arg11[%get3A_80, %get3A_81] {strides = array<i32>} : memref<32x16xf32, #tpu.memory_space<vmem>>, vector<1x16xf32>,
      %get3A_83 = vector.shape_cast %get3A_82 : vector<1x16xf32> to vector<16xf32>
      %get3A_84 = arith.index_cast %scan3A_75 : i32 to index
      %get3A_85 = arith.constant 0 : index
      %get3A_86 = tpu.vector_load %arg12[%get3A_84, %get3A_85] {strides = array<i32>} : memref<32x1024xf32, #tpu.memory_space<vmem>>, vector<1x16xf32>,
      %get3A_87 = vector.shape_cast %get3A_86 : vector<1x16xf32> to vector<16xf32>
      %mul3A_88 = arith.mulf %get3A_79, %get3A_87 : vector<16xf32>
      %get3A_89 = arith.index_cast %scan3A_75 : i32 to index
      %get3A_90 = arith.constant 0 : index
      %get3A_91 = tpu.vector_load %arg13[%get3A_89, %get3A_90] {strides = array<i32>} : memref<32x1024xf32, #tpu.memory_space<vmem>>, vector<1x16xf32>,
      %get3A_92 = vector.shape_cast %get3A_91 : vector<1x16xf32> to vector<16xf32>
      %mul3A_93 = arith.mulf %get3A_83, %get3A_92 : vector<16xf32>
      %add3A_94 = arith.addf %mul3A_88, %mul3A_93 : vector<16xf32>
      %swap3A = arith.index_cast %scan3A_75 : i32 to index
      %swap3A_95 = arith.constant 0 : index
      %swap3A_96 = tpu.vector_load %arg12[%swap3A, %swap3A_95] {strides = array<i32>} : memref<32x1024xf32, #tpu.memory_space<vmem>>, vector<1x16xf32>,
      %swap3A_97 = vector.shape_cast %swap3A_96 : vector<1x16xf32> to vector<16xf32>
      %swap3A_98 = vector.shape_cast %add3A_94 : vector<16xf32> to vector<1x16xf32>
      tpu.vector_store %arg12[%swap3A, %swap3A_95], %swap3A_98 {strides = array<i32>} : memref<32x1024xf32, #tpu.memory_space<vmem>>, vector<1x16xf32>,
      %get3A_99 = arith.index_cast %scan3A_75 : i32 to index
      %get3A_100 = arith.constant 16 : index
      %get3A_101 = tpu.vector_load %arg12[%get3A_99, %get3A_100] {strides = array<i32>} : memref<32x1024xf32, #tpu.memory_space<vmem>>, vector<1x16xf32>,
      %get3A_102 = vector.shape_cast %get3A_101 : vector<1x16xf32> to vector<16xf32>
      %mul3A_103 = arith.mulf %get3A_79, %get3A_102 : vector<16xf32>
      %get3A_104 = arith.index_cast %scan3A_75 : i32 to index
      %get3A_105 = arith.constant 16 : index
      %get3A_106 = tpu.vector_load %arg13[%get3A_104, %get3A_105] {strides = array<i32>} : memref<32x1024xf32, #tpu.memory_space<vmem>>, vector<1x16xf32>,
      %get3A_107 = vector.shape_cast %get3A_106 : vector<1x16xf32> to vector<16xf32>
      %mul3A_108 = arith.mulf %get3A_83, %get3A_107 : vector<16xf32>
      %add3A_109 = arith.addf %mul3A_103, %mul3A_108 : vector<16xf32>
      %swap3A_110 = arith.index_cast %scan3A_75 : i32 to index
      %swap3A_111 = arith.constant 16 : index
      %swap3A_112 = tpu.vector_load %arg12[%swap3A_110, %swap3A_111] {strides = array<i32>} : memref<32x1024xf32, #tpu.memory_space<vmem>>, vector<1x16xf32>,
      %swap3A_113 = vector.shape_cast %swap3A_112 : vector<1x16xf32> to vector<16xf32>
      %swap3A_114 = vector.shape_cast %add3A_109 : vector<16xf32> to vector<1x16xf32>
      tpu.vector_store %arg12[%swap3A_110, %swap3A_111], %swap3A_114 {strides = array<i32>} : memref<32x1024xf32, #tpu.memory_space<vmem>>, vector<1x16xf32>,
      %get3A_115 = arith.index_cast %scan3A_75 : i32 to index
      %get3A_116 = arith.constant 32 : index
      %get3A_117 = tpu.vector_load %arg12[%get3A_115, %get3A_116] {strides = array<i32>} : memref<32x1024xf32, #tpu.memory_space<vmem>>, vector<1x16xf32>,
      %get3A_118 = vector.shape_cast %get3A_117 : vector<1x16xf32> to vector<16xf32>
      %mul3A_119 = arith.mulf %get3A_79, %get3A_118 : vector<16xf32>
      %get3A_120 = arith.index_cast %scan3A_75 : i32 to index
      %get3A_121 = arith.constant 32 : index
      %get3A_122 = tpu.vector_load %arg13[%get3A_120, %get3A_121] {strides = array<i32>} : memref<32x1024xf32, #tpu.memory_space<vmem>>, vector<1x16xf32>,
      %get3A_123 = vector.shape_cast %get3A_122 : vector<1x16xf32> to vector<16xf32>
      %mul3A_124 = arith.mulf %get3A_83, %get3A_123 : vector<16xf32>
      %add3A_125 = arith.addf %mul3A_119, %mul3A_124 : vector<16xf32>
      %swap3A_126 = arith.index_cast %scan3A_75 : i32 to index
      %swap3A_127 = arith.constant 32 : index
      %swap3A_128 = tpu.vector_load %arg12[%swap3A_126, %swap3A_127] {strides = array<i32>} : memref<32x1024xf32, #tpu.memory_space<vmem>>, vector<1x16xf32>,
      %swap3A_129 = vector.shape_cast %swap3A_128 : vector<1x16xf32> to vector<16xf32>
      %swap3A_130 = vector.shape_cast %add3A_125 : vector<16xf32> to vector<1x16xf32>
      tpu.vector_store %arg12[%swap3A_126, %swap3A_127], %swap3A_130 {strides = array<i32>} : memref<32x1024xf32, #tpu.memory_space<vmem>>, vector<1x16xf32>,
      %get3A_131 = arith.index_cast %scan3A_75 : i32 to index
      %get3A_132 = arith.constant 48 : index
      %get3A_133 = tpu.vector_load %arg12[%get3A_131, %get3A_132] {strides = array<i32>} : memref<32x1024xf32, #tpu.memory_space<vmem>>, vector<1x16xf32>,
      %get3A_134 = vector.shape_cast %get3A_133 : vector<1x16xf32> to vector<16xf32>
      %mul3A_135 = arith.mulf %get3A_79, %get3A_134 : vector<16xf32>
      %get3A_136 = arith.index_cast %scan3A_75 : i32 to index
      %get3A_137 = arith.constant 48 : index
      %get3A_138 = tpu.vector_load %arg13[%get3A_136, %get3A_137] {strides = array<i32>} : memref<32x1024xf32, #tpu.memory_space<vmem>>, vector<1x16xf32>,
      %get3A_139 = vector.shape_cast %get3A_138 : vector<1x16xf32> to vector<16xf32>
      %mul3A_140 = arith.mulf %get3A_83, %get3A_139 : vector<16xf32>
      %add3A_141 = arith.addf %mul3A_135, %mul3A_140 : vector<16xf32>
      %swap3A_142 = arith.index_cast %scan3A_75 : i32 to index
      %swap3A_143 = arith.constant 48 : index
      %swap3A_144 = tpu.vector_load %arg12[%swap3A_142, %swap3A_143] {strides = array<i32>} : memref<32x1024xf32, #tpu.memory_space<vmem>>, vector<1x16xf32>,
      %swap3A_145 = vector.shape_cast %swap3A_144 : vector<1x16xf32> to vector<16xf32>
      %swap3A_146 = vector.shape_cast %add3A_141 : vector<16xf32> to vector<1x16xf32>
      tpu.vector_store %arg12[%swap3A_142, %swap3A_143], %swap3A_146 {strides = array<i32>} : memref<32x1024xf32, #tpu.memory_space<vmem>>, vector<1x16xf32>,
      %get3A_147 = arith.index_cast %scan3A_75 : i32 to index
      %get3A_148 = arith.constant 64 : index
      %get3A_149 = tpu.vector_load %arg12[%get3A_147, %get3A_148] {strides = array<i32>} : memref<32x1024xf32, #tpu.memory_space<vmem>>, vector<1x16xf32>,
      %get3A_150 = vector.shape_cast %get3A_149 : vector<1x16xf32> to vector<16xf32>
      %mul3A_151 = arith.mulf %get3A_79, %get3A_150 : vector<16xf32>
      %get3A_152 = arith.index_cast %scan3A_75 : i32 to index
      %get3A_153 = arith.constant 64 : index
      %get3A_154 = tpu.vector_load %arg13[%get3A_152, %get3A_153] {strides = array<i32>} : memref<32x1024xf32, #tpu.memory_space<vmem>>, vector<1x16xf32>,
      %get3A_155 = vector.shape_cast %get3A_154 : vector<1x16xf32> to vector<16xf32>
      %mul3A_156 = arith.mulf %get3A_83, %get3A_155 : vector<16xf32>
      %add3A_157 = arith.addf %mul3A_151, %mul3A_156 : vector<16xf32>
      %swap3A_158 = arith.index_cast %scan3A_75 : i32 to index
      %swap3A_159 = arith.constant 64 : index
      %swap3A_160 = tpu.vector_load %arg12[%swap3A_158, %swap3A_159] {strides = array<i32>} : memref<32x1024xf32, #tpu.memory_space<vmem>>, vector<1x16xf32>,
      %swap3A_161 = vector.shape_cast %swap3A_160 : vector<1x16xf32> to vector<16xf32>
      %swap3A_162 = vector.shape_cast %add3A_157 : vector<16xf32> to vector<1x16xf32>
      tpu.vector_store %arg12[%swap3A_158, %swap3A_159], %swap3A_162 {strides = array<i32>} : memref<32x1024xf32, #tpu.memory_space<vmem>>, vector<1x16xf32>,
      %get3A_163 = arith.index_cast %scan3A_75 : i32 to index
      %get3A_164 = arith.constant 80 : index
      %get3A_165 = tpu.vector_load %arg12[%get3A_163, %get3A_164] {strides = array<i32>} : memref<32x1024xf32, #tpu.memory_space<vmem>>, vector<1x16xf32>,
      %get3A_166 = vector.shape_cast %get3A_165 : vector<1x16xf32> to vector<16xf32>
      %mul3A_167 = arith.mulf %get3A_79, %get3A_166 : vector<16xf32>
      %get3A_168 = arith.index_cast %scan3A_75 : i32 to index
      %get3A_169 = arith.constant 80 : index
      %get3A_170 = tpu.vector_load %arg13[%get3A_168, %get3A_169] {strides = array<i32>} : memref<32x1024xf32, #tpu.memory_space<vmem>>, vector<1x16xf32>,
      %get3A_171 = vector.shape_cast %get3A_170 : vector<1x16xf32> to vector<16xf32>
      %mul3A_172 = arith.mulf %get3A_83, %get3A_171 : vector<16xf32>
      %add3A_173 = arith.addf %mul3A_167, %mul3A_172 : vector<16xf32>
      %swap3A_174 = arith.index_cast %scan3A_75 : i32 to index
      %swap3A_175 = arith.constant 80 : index
      %swap3A_176 = tpu.vector_load %arg12[%swap3A_174, %swap3A_175] {strides = array<i32>} : memref<32x1024xf32, #tpu.memory_space<vmem>>, vector<1x16xf32>,
      %swap3A_177 = vector.shape_cast %swap3A_176 : vector<1x16xf32> to vector<16xf32>
      %swap3A_178 = vector.shape_cast %add3A_173 : vector<16xf32> to vector<1x16xf32>
      tpu.vector_store %arg12[%swap3A_174, %swap3A_175], %swap3A_178 {strides = array<i32>} : memref<32x1024xf32, #tpu.memory_space<vmem>>, vector<1x16xf32>,
      %get3A_179 = arith.index_cast %scan3A_75 : i32 to index
      %get3A_180 = arith.constant 96 : index
      %get3A_181 = tpu.vector_load %arg12[%get3A_179, %get3A_180] {strides = array<i32>} : memref<32x1024xf32, #tpu.memory_space<vmem>>, vector<1x16xf32>,
      %get3A_182 = vector.shape_cast %get3A_181 : vector<1x16xf32> to vector<16xf32>
      %mul3A_183 = arith.mulf %get3A_79, %get3A_182 : vector<16xf32>
      %get3A_184 = arith.index_cast %scan3A_75 : i32 to index
      %get3A_185 = arith.constant 96 : index
      %get3A_186 = tpu.vector_load %arg13[%get3A_184, %get3A_185] {strides = array<i32>} : memref<32x1024xf32, #tpu.memory_space<vmem>>, vector<1x16xf32>,
      %get3A_187 = vector.shape_cast %get3A_186 : vector<1x16xf32> to vector<16xf32>
      %mul3A_188 = arith.mulf %get3A_83, %get3A_187 : vector<16xf32>
      %add3A_189 = arith.addf %mul3A_183, %mul3A_188 : vector<16xf32>
      %swap3A_190 = arith.index_cast %scan3A_75 : i32 to index
      %swap3A_191 = arith.constant 96 : index
      %swap3A_192 = tpu.vector_load %arg12[%swap3A_190, %swap3A_191] {strides = array<i32>} : memref<32x1024xf32, #tpu.memory_space<vmem>>, vector<1x16xf32>,
      %swap3A_193 = vector.shape_cast %swap3A_192 : vector<1x16xf32> to vector<16xf32>
      %swap3A_194 = vector.shape_cast %add3A_189 : vector<16xf32> to vector<1x16xf32>
      tpu.vector_store %arg12[%swap3A_190, %swap3A_191], %swap3A_194 {strides = array<i32>} : memref<32x1024xf32, #tpu.memory_space<vmem>>, vector<1x16xf32>,
      %get3A_195 = arith.index_cast %scan3A_75 : i32 to index
      %get3A_196 = arith.constant 112 : index
      %get3A_197 = tpu.vector_load %arg12[%get3A_195, %get3A_196] {strides = array<i32>} : memref<32x1024xf32, #tpu.memory_space<vmem>>, vector<1x16xf32>,
      %get3A_198 = vector.shape_cast %get3A_197 : vector<1x16xf32> to vector<16xf32>
      %mul3A_199 = arith.mulf %get3A_79, %get3A_198 : vector<16xf32>
      %get3A_200 = arith.index_cast %scan3A_75 : i32 to index
      %get3A_201 = arith.constant 112 : index
      %get3A_202 = tpu.vector_load %arg13[%get3A_200, %get3A_201] {strides = array<i32>} : memref<32x1024xf32, #tpu.memory_space<vmem>>, vector<1x16xf32>,
      %get3A_203 = vector.shape_cast %get3A_202 : vector<1x16xf32> to vector<16xf32>
      %mul3A_204 = arith.mulf %get3A_83, %get3A_203 : vector<16xf32>
      %add3A_205 = arith.addf %mul3A_199, %mul3A_204 : vector<16xf32>
      %swap3A_206 = arith.index_cast %scan3A_75 : i32 to index
      %swap3A_207 = arith.constant 112 : index
      %swap3A_208 = tpu.vector_load %arg12[%swap3A_206, %swap3A_207] {strides = array<i32>} : memref<32x1024xf32, #tpu.memory_space<vmem>>, vector<1x16xf32>,
      %swap3A_209 = vector.shape_cast %swap3A_208 : vector<1x16xf32> to vector<16xf32>
      %swap3A_210 = vector.shape_cast %add3A_205 : vector<16xf32> to vector<1x16xf32>
      tpu.vector_store %arg12[%swap3A_206, %swap3A_207], %swap3A_210 {strides = array<i32>} : memref<32x1024xf32, #tpu.memory_space<vmem>>, vector<1x16xf32>,
      %get3A_211 = arith.index_cast %scan3A_75 : i32 to index
      %get3A_212 = arith.constant 128 : index
      %get3A_213 = tpu.vector_load %arg12[%get3A_211, %get3A_212] {strides = array<i32>} : memref<32x1024xf32, #tpu.memory_space<vmem>>, vector<1x16xf32>,
      %get3A_214 = vector.shape_cast %get3A_213 : vector<1x16xf32> to vector<16xf32>
      %mul3A_215 = arith.mulf %get3A_79, %get3A_214 : vector<16xf32>
      %get3A_216 = arith.index_cast %scan3A_75 : i32 to index
      %get3A_217 = arith.constant 128 : index
      %get3A_218 = tpu.vector_load %arg13[%get3A_216, %get3A_217] {strides = array<i32>} : memref<32x1024xf32, #tpu.memory_space<vmem>>, vector<1x16xf32>,
      %get3A_219 = vector.shape_cast %get3A_218 : vector<1x16xf32> to vector<16xf32>
      %mul3A_220 = arith.mulf %get3A_83, %get3A_219 : vector<16xf32>
      %add3A_221 = arith.addf %mul3A_215, %mul3A_220 : vector<16xf32>
      %swap3A_222 = arith.index_cast %scan3A_75 : i32 to index
      %swap3A_223 = arith.constant 128 : index
      %swap3A_224 = tpu.vector_load %arg12[%swap3A_222, %swap3A_223] {strides = array<i32>} : memref<32x1024xf32, #tpu.memory_space<vmem>>, vector<1x16xf32>,
      %swap3A_225 = vector.shape_cast %swap3A_224 : vector<1x16xf32> to vector<16xf32>
      %swap3A_226 = vector.shape_cast %add3A_221 : vector<16xf32> to vector<1x16xf32>
      tpu.vector_store %arg12[%swap3A_222, %swap3A_223], %swap3A_226 {strides = array<i32>} : memref<32x1024xf32, #tpu.memory_space<vmem>>, vector<1x16xf32>,
      %get3A_227 = arith.index_cast %scan3A_75 : i32 to index
      %get3A_228 = arith.constant 144 : index
      %get3A_229 = tpu.vector_load %arg12[%get3A_227, %get3A_228] {strides = array<i32>} : memref<32x1024xf32, #tpu.memory_space<vmem>>, vector<1x16xf32>,
      %get3A_230 = vector.shape_cast %get3A_229 : vector<1x16xf32> to vector<16xf32>
      %mul3A_231 = arith.mulf %get3A_79, %get3A_230 : vector<16xf32>
      %get3A_232 = arith.index_cast %scan3A_75 : i32 to index
      %get3A_233 = arith.constant 144 : index
      %get3A_234 = tpu.vector_load %arg13[%get3A_232, %get3A_233] {strides = array<i32>} : memref<32x1024xf32, #tpu.memory_space<vmem>>, vector<1x16xf32>,
      %get3A_235 = vector.shape_cast %get3A_234 : vector<1x16xf32> to vector<16xf32>
      %mul3A_236 = arith.mulf %get3A_83, %get3A_235 : vector<16xf32>
      %add3A_237 = arith.addf %mul3A_231, %mul3A_236 : vector<16xf32>
      %swap3A_238 = arith.index_cast %scan3A_75 : i32 to index
      %swap3A_239 = arith.constant 144 : index
      %swap3A_240 = tpu.vector_load %arg12[%swap3A_238, %swap3A_239] {strides = array<i32>} : memref<32x1024xf32, #tpu.memory_space<vmem>>, vector<1x16xf32>,
      %swap3A_241 = vector.shape_cast %swap3A_240 : vector<1x16xf32> to vector<16xf32>
      %swap3A_242 = vector.shape_cast %add3A_237 : vector<16xf32> to vector<1x16xf32>
      tpu.vector_store %arg12[%swap3A_238, %swap3A_239], %swap3A_242 {strides = array<i32>} : memref<32x1024xf32, #tpu.memory_space<vmem>>, vector<1x16xf32>,
      %get3A_243 = arith.index_cast %scan3A_75 : i32 to index
      %get3A_244 = arith.constant 160 : index
      %get3A_245 = tpu.vector_load %arg12[%get3A_243, %get3A_244] {strides = array<i32>} : memref<32x1024xf32, #tpu.memory_space<vmem>>, vector<1x16xf32>,
      %get3A_246 = vector.shape_cast %get3A_245 : vector<1x16xf32> to vector<16xf32>
      %mul3A_247 = arith.mulf %get3A_79, %get3A_246 : vector<16xf32>
      %get3A_248 = arith.index_cast %scan3A_75 : i32 to index
      %get3A_249 = arith.constant 160 : index
      %get3A_250 = tpu.vector_load %arg13[%get3A_248, %get3A_249] {strides = array<i32>} : memref<32x1024xf32, #tpu.memory_space<vmem>>, vector<1x16xf32>,
      %get3A_251 = vector.shape_cast %get3A_250 : vector<1x16xf32> to vector<16xf32>
      %mul3A_252 = arith.mulf %get3A_83, %get3A_251 : vector<16xf32>
      %add3A_253 = arith.addf %mul3A_247, %mul3A_252 : vector<16xf32>
      %swap3A_254 = arith.index_cast %scan3A_75 : i32 to index
      %swap3A_255 = arith.constant 160 : index
      %swap3A_256 = tpu.vector_load %arg12[%swap3A_254, %swap3A_255] {strides = array<i32>} : memref<32x1024xf32, #tpu.memory_space<vmem>>, vector<1x16xf32>,
      %swap3A_257 = vector.shape_cast %swap3A_256 : vector<1x16xf32> to vector<16xf32>
      %swap3A_258 = vector.shape_cast %add3A_253 : vector<16xf32> to vector<1x16xf32>
      tpu.vector_store %arg12[%swap3A_254, %swap3A_255], %swap3A_258 {strides = array<i32>} : memref<32x1024xf32, #tpu.memory_space<vmem>>, vector<1x16xf32>,
      %get3A_259 = arith.index_cast %scan3A_75 : i32 to index
      %get3A_260 = arith.constant 176 : index
      %get3A_261 = tpu.vector_load %arg12[%get3A_259, %get3A_260] {strides = array<i32>} : memref<32x1024xf32, #tpu.memory_space<vmem>>, vector<1x16xf32>,
      %get3A_262 = vector.shape_cast %get3A_261 : vector<1x16xf32> to vector<16xf32>
      %mul3A_263 = arith.mulf %get3A_79, %get3A_262 : vector<16xf32>
      %get3A_264 = arith.index_cast %scan3A_75 : i32 to index
      %get3A_265 = arith.constant 176 : index
      %get3A_266 = tpu.vector_load %arg13[%get3A_264, %get3A_265] {strides = array<i32>} : memref<32x1024xf32, #tpu.memory_space<vmem>>, vector<1x16xf32>,
      %get3A_267 = vector.shape_cast %get3A_266 : vector<1x16xf32> to vector<16xf32>
      %mul3A_268 = arith.mulf %get3A_83, %get3A_267 : vector<16xf32>
      %add3A_269 = arith.addf %mul3A_263, %mul3A_268 : vector<16xf32>
      %swap3A_270 = arith.index_cast %scan3A_75 : i32 to index
      %swap3A_271 = arith.constant 176 : index
      %swap3A_272 = tpu.vector_load %arg12[%swap3A_270, %swap3A_271] {strides = array<i32>} : memref<32x1024xf32, #tpu.memory_space<vmem>>, vector<1x16xf32>,
      %swap3A_273 = vector.shape_cast %swap3A_272 : vector<1x16xf32> to vector<16xf32>
      %swap3A_274 = vector.shape_cast %add3A_269 : vector<16xf32> to vector<1x16xf32>
      tpu.vector_store %arg12[%swap3A_270, %swap3A_271], %swap3A_274 {strides = array<i32>} : memref<32x1024xf32, #tpu.memory_space<vmem>>, vector<1x16xf32>,
      %get3A_275 = arith.index_cast %scan3A_75 : i32 to index
      %get3A_276 = arith.constant 192 : index
      %get3A_277 = tpu.vector_load %arg12[%get3A_275, %get3A_276] {strides = array<i32>} : memref<32x1024xf32, #tpu.memory_space<vmem>>, vector<1x16xf32>,
      %get3A_278 = vector.shape_cast %get3A_277 : vector<1x16xf32> to vector<16xf32>
      %mul3A_279 = arith.mulf %get3A_79, %get3A_278 : vector<16xf32>
      %get3A_280 = arith.index_cast %scan3A_75 : i32 to index
      %get3A_281 = arith.constant 192 : index
      %get3A_282 = tpu.vector_load %arg13[%get3A_280, %get3A_281] {strides = array<i32>} : memref<32x1024xf32, #tpu.memory_space<vmem>>, vector<1x16xf32>,
      %get3A_283 = vector.shape_cast %get3A_282 : vector<1x16xf32> to vector<16xf32>
      %mul3A_284 = arith.mulf %get3A_83, %get3A_283 : vector<16xf32>
      %add3A_285 = arith.addf %mul3A_279, %mul3A_284 : vector<16xf32>
      %swap3A_286 = arith.index_cast %scan3A_75 : i32 to index
      %swap3A_287 = arith.constant 192 : index
      %swap3A_288 = tpu.vector_load %arg12[%swap3A_286, %swap3A_287] {strides = array<i32>} : memref<32x1024xf32, #tpu.memory_space<vmem>>, vector<1x16xf32>,
      %swap3A_289 = vector.shape_cast %swap3A_288 : vector<1x16xf32> to vector<16xf32>
      %swap3A_290 = vector.shape_cast %add3A_285 : vector<16xf32> to vector<1x16xf32>
      tpu.vector_store %arg12[%swap3A_286, %swap3A_287], %swap3A_290 {strides = array<i32>} : memref<32x1024xf32, #tpu.memory_space<vmem>>, vector<1x16xf32>,
      %get3A_291 = arith.index_cast %scan3A_75 : i32 to index
      %get3A_292 = arith.constant 208 : index
      %get3A_293 = tpu.vector_load %arg12[%get3A_291, %get3A_292] {strides = array<i32>} : memref<32x1024xf32, #tpu.memory_space<vmem>>, vector<1x16xf32>,
      %get3A_294 = vector.shape_cast %get3A_293 : vector<1x16xf32> to vector<16xf32>
      %mul3A_295 = arith.mulf %get3A_79, %get3A_294 : vector<16xf32>
      %get3A_296 = arith.index_cast %scan3A_75 : i32 to index
      %get3A_297 = arith.constant 208 : index
      %get3A_298 = tpu.vector_load %arg13[%get3A_296, %get3A_297] {strides = array<i32>} : memref<32x1024xf32, #tpu.memory_space<vmem>>, vector<1x16xf32>,
      %get3A_299 = vector.shape_cast %get3A_298 : vector<1x16xf32> to vector<16xf32>
      %mul3A_300 = arith.mulf %get3A_83, %get3A_299 : vector<16xf32>
      %add3A_301 = arith.addf %mul3A_295, %mul3A_300 : vector<16xf32>
      %swap3A_302 = arith.index_cast %scan3A_75 : i32 to index
      %swap3A_303 = arith.constant 208 : index
      %swap3A_304 = tpu.vector_load %arg12[%swap3A_302, %swap3A_303] {strides = array<i32>} : memref<32x1024xf32, #tpu.memory_space<vmem>>, vector<1x16xf32>,
      %swap3A_305 = vector.shape_cast %swap3A_304 : vector<1x16xf32> to vector<16xf32>
      %swap3A_306 = vector.shape_cast %add3A_301 : vector<16xf32> to vector<1x16xf32>
      tpu.vector_store %arg12[%swap3A_302, %swap3A_303], %swap3A_306 {strides = array<i32>} : memref<32x1024xf32, #tpu.memory_space<vmem>>, vector<1x16xf32>,
      %get3A_307 = arith.index_cast %scan3A_75 : i32 to index
      %get3A_308 = arith.constant 224 : index
      %get3A_309 = tpu.vector_load %arg12[%get3A_307, %get3A_308] {strides = array<i32>} : memref<32x1024xf32, #tpu.memory_space<vmem>>, vector<1x16xf32>,
      %get3A_310 = vector.shape_cast %get3A_309 : vector<1x16xf32> to vector<16xf32>
      %mul3A_311 = arith.mulf %get3A_79, %get3A_310 : vector<16xf32>
      %get3A_312 = arith.index_cast %scan3A_75 : i32 to index
      %get3A_313 = arith.constant 224 : index
      %get3A_314 = tpu.vector_load %arg13[%get3A_312, %get3A_313] {strides = array<i32>} : memref<32x1024xf32, #tpu.memory_space<vmem>>, vector<1x16xf32>,
      %get3A_315 = vector.shape_cast %get3A_314 : vector<1x16xf32> to vector<16xf32>
      %mul3A_316 = arith.mulf %get3A_83, %get3A_315 : vector<16xf32>
      %add3A_317 = arith.addf %mul3A_311, %mul3A_316 : vector<16xf32>
      %swap3A_318 = arith.index_cast %scan3A_75 : i32 to index
      %swap3A_319 = arith.constant 224 : index
      %swap3A_320 = tpu.vector_load %arg12[%swap3A_318, %swap3A_319] {strides = array<i32>} : memref<32x1024xf32, #tpu.memory_space<vmem>>, vector<1x16xf32>,
      %swap3A_321 = vector.shape_cast %swap3A_320 : vector<1x16xf32> to vector<16xf32>
      %swap3A_322 = vector.shape_cast %add3A_317 : vector<16xf32> to vector<1x16xf32>
      tpu.vector_store %arg12[%swap3A_318, %swap3A_319], %swap3A_322 {strides = array<i32>} : memref<32x1024xf32, #tpu.memory_space<vmem>>, vector<1x16xf32>,
      %get3A_323 = arith.index_cast %scan3A_75 : i32 to index
      %get3A_324 = arith.constant 240 : index
      %get3A_325 = tpu.vector_load %arg12[%get3A_323, %get3A_324] {strides = array<i32>} : memref<32x1024xf32, #tpu.memory_space<vmem>>, vector<1x16xf32>,
      %get3A_326 = vector.shape_cast %get3A_325 : vector<1x16xf32> to vector<16xf32>
      %mul3A_327 = arith.mulf %get3A_79, %get3A_326 : vector<16xf32>
      %get3A_328 = arith.index_cast %scan3A_75 : i32 to index
      %get3A_329 = arith.constant 240 : index
      %get3A_330 = tpu.vector_load %arg13[%get3A_328, %get3A_329] {strides = array<i32>} : memref<32x1024xf32, #tpu.memory_space<vmem>>, vector<1x16xf32>,
      %get3A_331 = vector.shape_cast %get3A_330 : vector<1x16xf32> to vector<16xf32>
      %mul3A_332 = arith.mulf %get3A_83, %get3A_331 : vector<16xf32>
      %add3A_333 = arith.addf %mul3A_327, %mul3A_332 : vector<16xf32>
      %swap3A_334 = arith.index_cast %scan3A_75 : i32 to index
      %swap3A_335 = arith.constant 240 : index
      %swap3A_336 = tpu.vector_load %arg12[%swap3A_334, %swap3A_335] {strides = array<i32>} : memref<32x1024xf32, #tpu.memory_space<vmem>>, vector<1x16xf32>,
      %swap3A_337 = vector.shape_cast %swap3A_336 : vector<1x16xf32> to vector<16xf32>
      %swap3A_338 = vector.shape_cast %add3A_333 : vector<16xf32> to vector<1x16xf32>
      tpu.vector_store %arg12[%swap3A_334, %swap3A_335], %swap3A_338 {strides = array<i32>} : memref<32x1024xf32, #tpu.memory_space<vmem>>, vector<1x16xf32>,
      %get3A_339 = arith.index_cast %scan3A_75 : i32 to index
      %get3A_340 = arith.constant 256 : index
      %get3A_341 = tpu.vector_load %arg12[%get3A_339, %get3A_340] {strides = array<i32>} : memref<32x1024xf32, #tpu.memory_space<vmem>>, vector<1x16xf32>,
      %get3A_342 = vector.shape_cast %get3A_341 : vector<1x16xf32> to vector<16xf32>
      %mul3A_343 = arith.mulf %get3A_79, %get3A_342 : vector<16xf32>
      %get3A_344 = arith.index_cast %scan3A_75 : i32 to index
      %get3A_345 = arith.constant 256 : index
      %get3A_346 = tpu.vector_load %arg13[%get3A_344, %get3A_345] {strides = array<i32>} : memref<32x1024xf32, #tpu.memory_space<vmem>>, vector<1x16xf32>,
      %get3A_347 = vector.shape_cast %get3A_346 : vector<1x16xf32> to vector<16xf32>
      %mul3A_348 = arith.mulf %get3A_83, %get3A_347 : vector<16xf32>
      %add3A_349 = arith.addf %mul3A_343, %mul3A_348 : vector<16xf32>
      %swap3A_350 = arith.index_cast %scan3A_75 : i32 to index
      %swap3A_351 = arith.constant 256 : index
      %swap3A_352 = tpu.vector_load %arg12[%swap3A_350, %swap3A_351] {strides = array<i32>} : memref<32x1024xf32, #tpu.memory_space<vmem>>, vector<1x16xf32>,
      %swap3A_353 = vector.shape_cast %swap3A_352 : vector<1x16xf32> to vector<16xf32>
      %swap3A_354 = vector.shape_cast %add3A_349 : vector<16xf32> to vector<1x16xf32>
      tpu.vector_store %arg12[%swap3A_350, %swap3A_351], %swap3A_354 {strides = array<i32>} : memref<32x1024xf32, #tpu.memory_space<vmem>>, vector<1x16xf32>,
      %get3A_355 = arith.index_cast %scan3A_75 : i32 to index
      %get3A_356 = arith.constant 272 : index
      %get3A_357 = tpu.vector_load %arg12[%get3A_355, %get3A_356] {strides = array<i32>} : memref<32x1024xf32, #tpu.memory_space<vmem>>, vector<1x16xf32>,
      %get3A_358 = vector.shape_cast %get3A_357 : vector<1x16xf32> to vector<16xf32>
      %mul3A_359 = arith.mulf %get3A_79, %get3A_358 : vector<16xf32>
      %get3A_360 = arith.index_cast %scan3A_75 : i32 to index
      %get3A_361 = arith.constant 272 : index
      %get3A_362 = tpu.vector_load %arg13[%get3A_360, %get3A_361] {strides = array<i32>} : memref<32x1024xf32, #tpu.memory_space<vmem>>, vector<1x16xf32>,
      %get3A_363 = vector.shape_cast %get3A_362 : vector<1x16xf32> to vector<16xf32>
      %mul3A_364 = arith.mulf %get3A_83, %get3A_363 : vector<16xf32>
      %add3A_365 = arith.addf %mul3A_359, %mul3A_364 : vector<16xf32>
      %swap3A_366 = arith.index_cast %scan3A_75 : i32 to index
      %swap3A_367 = arith.constant 272 : index
      %swap3A_368 = tpu.vector_load %arg12[%swap3A_366, %swap3A_367] {strides = array<i32>} : memref<32x1024xf32, #tpu.memory_space<vmem>>, vector<1x16xf32>,
      %swap3A_369 = vector.shape_cast %swap3A_368 : vector<1x16xf32> to vector<16xf32>
      %swap3A_370 = vector.shape_cast %add3A_365 : vector<16xf32> to vector<1x16xf32>
      tpu.vector_store %arg12[%swap3A_366, %swap3A_367], %swap3A_370 {strides = array<i32>} : memref<32x1024xf32, #tpu.memory_space<vmem>>, vector<1x16xf32>,
      %get3A_371 = arith.index_cast %scan3A_75 : i32 to index
      %get3A_372 = arith.constant 288 : index
      %get3A_373 = tpu.vector_load %arg12[%get3A_371, %get3A_372] {strides = array<i32>} : memref<32x1024xf32, #tpu.memory_space<vmem>>, vector<1x16xf32>,
      %get3A_374 = vector.shape_cast %get3A_373 : vector<1x16xf32> to vector<16xf32>
      %mul3A_375 = arith.mulf %get3A_79, %get3A_374 : vector<16xf32>
      %get3A_376 = arith.index_cast %scan3A_75 : i32 to index
      %get3A_377 = arith.constant 288 : index
      %get3A_378 = tpu.vector_load %arg13[%get3A_376, %get3A_377] {strides = array<i32>} : memref<32x1024xf32, #tpu.memory_space<vmem>>, vector<1x16xf32>,
      %get3A_379 = vector.shape_cast %get3A_378 : vector<1x16xf32> to vector<16xf32>
      %mul3A_380 = arith.mulf %get3A_83, %get3A_379 : vector<16xf32>
      %add3A_381 = arith.addf %mul3A_375, %mul3A_380 : vector<16xf32>
      %swap3A_382 = arith.index_cast %scan3A_75 : i32 to index
      %swap3A_383 = arith.constant 288 : index
      %swap3A_384 = tpu.vector_load %arg12[%swap3A_382, %swap3A_383] {strides = array<i32>} : memref<32x1024xf32, #tpu.memory_space<vmem>>, vector<1x16xf32>,
      %swap3A_385 = vector.shape_cast %swap3A_384 : vector<1x16xf32> to vector<16xf32>
      %swap3A_386 = vector.shape_cast %add3A_381 : vector<16xf32> to vector<1x16xf32>
      tpu.vector_store %arg12[%swap3A_382, %swap3A_383], %swap3A_386 {strides = array<i32>} : memref<32x1024xf32, #tpu.memory_space<vmem>>, vector<1x16xf32>,
      %get3A_387 = arith.index_cast %scan3A_75 : i32 to index
      %get3A_388 = arith.constant 304 : index
      %get3A_389 = tpu.vector_load %arg12[%get3A_387, %get3A_388] {strides = array<i32>} : memref<32x1024xf32, #tpu.memory_space<vmem>>, vector<1x16xf32>,
      %get3A_390 = vector.shape_cast %get3A_389 : vector<1x16xf32> to vector<16xf32>
      %mul3A_391 = arith.mulf %get3A_79, %get3A_390 : vector<16xf32>
      %get3A_392 = arith.index_cast %scan3A_75 : i32 to index
      %get3A_393 = arith.constant 304 : index
      %get3A_394 = tpu.vector_load %arg13[%get3A_392, %get3A_393] {strides = array<i32>} : memref<32x1024xf32, #tpu.memory_space<vmem>>, vector<1x16xf32>,
      %get3A_395 = vector.shape_cast %get3A_394 : vector<1x16xf32> to vector<16xf32>
      %mul3A_396 = arith.mulf %get3A_83, %get3A_395 : vector<16xf32>
      %add3A_397 = arith.addf %mul3A_391, %mul3A_396 : vector<16xf32>
      %swap3A_398 = arith.index_cast %scan3A_75 : i32 to index
      %swap3A_399 = arith.constant 304 : index
      %swap3A_400 = tpu.vector_load %arg12[%swap3A_398, %swap3A_399] {strides = array<i32>} : memref<32x1024xf32, #tpu.memory_space<vmem>>, vector<1x16xf32>,
      %swap3A_401 = vector.shape_cast %swap3A_400 : vector<1x16xf32> to vector<16xf32>
      %swap3A_402 = vector.shape_cast %add3A_397 : vector<16xf32> to vector<1x16xf32>
      tpu.vector_store %arg12[%swap3A_398, %swap3A_399], %swap3A_402 {strides = array<i32>} : memref<32x1024xf32, #tpu.memory_space<vmem>>, vector<1x16xf32>,
      %get3A_403 = arith.index_cast %scan3A_75 : i32 to index
      %get3A_404 = arith.constant 320 : index
      %get3A_405 = tpu.vector_load %arg12[%get3A_403, %get3A_404] {strides = array<i32>} : memref<32x1024xf32, #tpu.memory_space<vmem>>, vector<1x16xf32>,
      %get3A_406 = vector.shape_cast %get3A_405 : vector<1x16xf32> to vector<16xf32>
      %mul3A_407 = arith.mulf %get3A_79, %get3A_406 : vector<16xf32>
      %get3A_408 = arith.index_cast %scan3A_75 : i32 to index
      %get3A_409 = arith.constant 320 : index
      %get3A_410 = tpu.vector_load %arg13[%get3A_408, %get3A_409] {strides = array<i32>} : memref<32x1024xf32, #tpu.memory_space<vmem>>, vector<1x16xf32>,
      %get3A_411 = vector.shape_cast %get3A_410 : vector<1x16xf32> to vector<16xf32>
      %mul3A_412 = arith.mulf %get3A_83, %get3A_411 : vector<16xf32>
      %add3A_413 = arith.addf %mul3A_407, %mul3A_412 : vector<16xf32>
      %swap3A_414 = arith.index_cast %scan3A_75 : i32 to index
      %swap3A_415 = arith.constant 320 : index
      %swap3A_416 = tpu.vector_load %arg12[%swap3A_414, %swap3A_415] {strides = array<i32>} : memref<32x1024xf32, #tpu.memory_space<vmem>>, vector<1x16xf32>,
      %swap3A_417 = vector.shape_cast %swap3A_416 : vector<1x16xf32> to vector<16xf32>
      %swap3A_418 = vector.shape_cast %add3A_413 : vector<16xf32> to vector<1x16xf32>
      tpu.vector_store %arg12[%swap3A_414, %swap3A_415], %swap3A_418 {strides = array<i32>} : memref<32x1024xf32, #tpu.memory_space<vmem>>, vector<1x16xf32>,
      %get3A_419 = arith.index_cast %scan3A_75 : i32 to index
      %get3A_420 = arith.constant 336 : index
      %get3A_421 = tpu.vector_load %arg12[%get3A_419, %get3A_420] {strides = array<i32>} : memref<32x1024xf32, #tpu.memory_space<vmem>>, vector<1x16xf32>,
      %get3A_422 = vector.shape_cast %get3A_421 : vector<1x16xf32> to vector<16xf32>
      %mul3A_423 = arith.mulf %get3A_79, %get3A_422 : vector<16xf32>
      %get3A_424 = arith.index_cast %scan3A_75 : i32 to index
      %get3A_425 = arith.constant 336 : index
      %get3A_426 = tpu.vector_load %arg13[%get3A_424, %get3A_425] {strides = array<i32>} : memref<32x1024xf32, #tpu.memory_space<vmem>>, vector<1x16xf32>,
      %get3A_427 = vector.shape_cast %get3A_426 : vector<1x16xf32> to vector<16xf32>
      %mul3A_428 = arith.mulf %get3A_83, %get3A_427 : vector<16xf32>
      %add3A_429 = arith.addf %mul3A_423, %mul3A_428 : vector<16xf32>
      %swap3A_430 = arith.index_cast %scan3A_75 : i32 to index
      %swap3A_431 = arith.constant 336 : index
      %swap3A_432 = tpu.vector_load %arg12[%swap3A_430, %swap3A_431] {strides = array<i32>} : memref<32x1024xf32, #tpu.memory_space<vmem>>, vector<1x16xf32>,
      %swap3A_433 = vector.shape_cast %swap3A_432 : vector<1x16xf32> to vector<16xf32>
      %swap3A_434 = vector.shape_cast %add3A_429 : vector<16xf32> to vector<1x16xf32>
      tpu.vector_store %arg12[%swap3A_430, %swap3A_431], %swap3A_434 {strides = array<i32>} : memref<32x1024xf32, #tpu.memory_space<vmem>>, vector<1x16xf32>,
      %get3A_435 = arith.index_cast %scan3A_75 : i32 to index
      %get3A_436 = arith.constant 352 : index
      %get3A_437 = tpu.vector_load %arg12[%get3A_435, %get3A_436] {strides = array<i32>} : memref<32x1024xf32, #tpu.memory_space<vmem>>, vector<1x16xf32>,
      %get3A_438 = vector.shape_cast %get3A_437 : vector<1x16xf32> to vector<16xf32>
      %mul3A_439 = arith.mulf %get3A_79, %get3A_438 : vector<16xf32>
      %get3A_440 = arith.index_cast %scan3A_75 : i32 to index
      %get3A_441 = arith.constant 352 : index
      %get3A_442 = tpu.vector_load %arg13[%get3A_440, %get3A_441] {strides = array<i32>} : memref<32x1024xf32, #tpu.memory_space<vmem>>, vector<1x16xf32>,
      %get3A_443 = vector.shape_cast %get3A_442 : vector<1x16xf32> to vector<16xf32>
      %mul3A_444 = arith.mulf %get3A_83, %get3A_443 : vector<16xf32>
      %add3A_445 = arith.addf %mul3A_439, %mul3A_444 : vector<16xf32>
      %swap3A_446 = arith.index_cast %scan3A_75 : i32 to index
      %swap3A_447 = arith.constant 352 : index
      %swap3A_448 = tpu.vector_load %arg12[%swap3A_446, %swap3A_447] {strides = array<i32>} : memref<32x1024xf32, #tpu.memory_space<vmem>>, vector<1x16xf32>,
      %swap3A_449 = vector.shape_cast %swap3A_448 : vector<1x16xf32> to vector<16xf32>
      %swap3A_450 = vector.shape_cast %add3A_445 : vector<16xf32> to vector<1x16xf32>
      tpu.vector_store %arg12[%swap3A_446, %swap3A_447], %swap3A_450 {strides = array<i32>} : memref<32x1024xf32, #tpu.memory_space<vmem>>, vector<1x16xf32>,
      %get3A_451 = arith.index_cast %scan3A_75 : i32 to index
      %get3A_452 = arith.constant 368 : index
      %get3A_453 = tpu.vector_load %arg12[%get3A_451, %get3A_452] {strides = array<i32>} : memref<32x1024xf32, #tpu.memory_space<vmem>>, vector<1x16xf32>,
      %get3A_454 = vector.shape_cast %get3A_453 : vector<1x16xf32> to vector<16xf32>
      %mul3A_455 = arith.mulf %get3A_79, %get3A_454 : vector<16xf32>
      %get3A_456 = arith.index_cast %scan3A_75 : i32 to index
      %get3A_457 = arith.constant 368 : index
      %get3A_458 = tpu.vector_load %arg13[%get3A_456, %get3A_457] {strides = array<i32>} : memref<32x1024xf32, #tpu.memory_space<vmem>>, vector<1x16xf32>,
      %get3A_459 = vector.shape_cast %get3A_458 : vector<1x16xf32> to vector<16xf32>
      %mul3A_460 = arith.mulf %get3A_83, %get3A_459 : vector<16xf32>
      %add3A_461 = arith.addf %mul3A_455, %mul3A_460 : vector<16xf32>
      %swap3A_462 = arith.index_cast %scan3A_75 : i32 to index
      %swap3A_463 = arith.constant 368 : index
      %swap3A_464 = tpu.vector_load %arg12[%swap3A_462, %swap3A_463] {strides = array<i32>} : memref<32x1024xf32, #tpu.memory_space<vmem>>, vector<1x16xf32>,
      %swap3A_465 = vector.shape_cast %swap3A_464 : vector<1x16xf32> to vector<16xf32>
      %swap3A_466 = vector.shape_cast %add3A_461 : vector<16xf32> to vector<1x16xf32>
      tpu.vector_store %arg12[%swap3A_462, %swap3A_463], %swap3A_466 {strides = array<i32>} : memref<32x1024xf32, #tpu.memory_space<vmem>>, vector<1x16xf32>,
      %get3A_467 = arith.index_cast %scan3A_75 : i32 to index
      %get3A_468 = arith.constant 384 : index
      %get3A_469 = tpu.vector_load %arg12[%get3A_467, %get3A_468] {strides = array<i32>} : memref<32x1024xf32, #tpu.memory_space<vmem>>, vector<1x16xf32>,
      %get3A_470 = vector.shape_cast %get3A_469 : vector<1x16xf32> to vector<16xf32>
      %mul3A_471 = arith.mulf %get3A_79, %get3A_470 : vector<16xf32>
      %get3A_472 = arith.index_cast %scan3A_75 : i32 to index
      %get3A_473 = arith.constant 384 : index
      %get3A_474 = tpu.vector_load %arg13[%get3A_472, %get3A_473] {strides = array<i32>} : memref<32x1024xf32, #tpu.memory_space<vmem>>, vector<1x16xf32>,
      %get3A_475 = vector.shape_cast %get3A_474 : vector<1x16xf32> to vector<16xf32>
      %mul3A_476 = arith.mulf %get3A_83, %get3A_475 : vector<16xf32>
      %add3A_477 = arith.addf %mul3A_471, %mul3A_476 : vector<16xf32>
      %swap3A_478 = arith.index_cast %scan3A_75 : i32 to index
      %swap3A_479 = arith.constant 384 : index
      %swap3A_480 = tpu.vector_load %arg12[%swap3A_478, %swap3A_479] {strides = array<i32>} : memref<32x1024xf32, #tpu.memory_space<vmem>>, vector<1x16xf32>,
      %swap3A_481 = vector.shape_cast %swap3A_480 : vector<1x16xf32> to vector<16xf32>
      %swap3A_482 = vector.shape_cast %add3A_477 : vector<16xf32> to vector<1x16xf32>
      tpu.vector_store %arg12[%swap3A_478, %swap3A_479], %swap3A_482 {strides = array<i32>} : memref<32x1024xf32, #tpu.memory_space<vmem>>, vector<1x16xf32>,
      %get3A_483 = arith.index_cast %scan3A_75 : i32 to index
      %get3A_484 = arith.constant 400 : index
      %get3A_485 = tpu.vector_load %arg12[%get3A_483, %get3A_484] {strides = array<i32>} : memref<32x1024xf32, #tpu.memory_space<vmem>>, vector<1x16xf32>,
      %get3A_486 = vector.shape_cast %get3A_485 : vector<1x16xf32> to vector<16xf32>
      %mul3A_487 = arith.mulf %get3A_79, %get3A_486 : vector<16xf32>
      %get3A_488 = arith.index_cast %scan3A_75 : i32 to index
      %get3A_489 = arith.constant 400 : index
      %get3A_490 = tpu.vector_load %arg13[%get3A_488, %get3A_489] {strides = array<i32>} : memref<32x1024xf32, #tpu.memory_space<vmem>>, vector<1x16xf32>,
      %get3A_491 = vector.shape_cast %get3A_490 : vector<1x16xf32> to vector<16xf32>
      %mul3A_492 = arith.mulf %get3A_83, %get3A_491 : vector<16xf32>
      %add3A_493 = arith.addf %mul3A_487, %mul3A_492 : vector<16xf32>
      %swap3A_494 = arith.index_cast %scan3A_75 : i32 to index
      %swap3A_495 = arith.constant 400 : index
      %swap3A_496 = tpu.vector_load %arg12[%swap3A_494, %swap3A_495] {strides = array<i32>} : memref<32x1024xf32, #tpu.memory_space<vmem>>, vector<1x16xf32>,
      %swap3A_497 = vector.shape_cast %swap3A_496 : vector<1x16xf32> to vector<16xf32>
      %swap3A_498 = vector.shape_cast %add3A_493 : vector<16xf32> to vector<1x16xf32>
      tpu.vector_store %arg12[%swap3A_494, %swap3A_495], %swap3A_498 {strides = array<i32>} : memref<32x1024xf32, #tpu.memory_space<vmem>>, vector<1x16xf32>,
      %get3A_499 = arith.index_cast %scan3A_75 : i32 to index
      %get3A_500 = arith.constant 416 : index
      %get3A_501 = tpu.vector_load %arg12[%get3A_499, %get3A_500] {strides = array<i32>} : memref<32x1024xf32, #tpu.memory_space<vmem>>, vector<1x16xf32>,
      %get3A_502 = vector.shape_cast %get3A_501 : vector<1x16xf32> to vector<16xf32>
      %mul3A_503 = arith.mulf %get3A_79, %get3A_502 : vector<16xf32>
      %get3A_504 = arith.index_cast %scan3A_75 : i32 to index
      %get3A_505 = arith.constant 416 : index
      %get3A_506 = tpu.vector_load %arg13[%get3A_504, %get3A_505] {strides = array<i32>} : memref<32x1024xf32, #tpu.memory_space<vmem>>, vector<1x16xf32>,
      %get3A_507 = vector.shape_cast %get3A_506 : vector<1x16xf32> to vector<16xf32>
      %mul3A_508 = arith.mulf %get3A_83, %get3A_507 : vector<16xf32>
      %add3A_509 = arith.addf %mul3A_503, %mul3A_508 : vector<16xf32>
      %swap3A_510 = arith.index_cast %scan3A_75 : i32 to index
      %swap3A_511 = arith.constant 416 : index
      %swap3A_512 = tpu.vector_load %arg12[%swap3A_510, %swap3A_511] {strides = array<i32>} : memref<32x1024xf32, #tpu.memory_space<vmem>>, vector<1x16xf32>,
      %swap3A_513 = vector.shape_cast %swap3A_512 : vector<1x16xf32> to vector<16xf32>
      %swap3A_514 = vector.shape_cast %add3A_509 : vector<16xf32> to vector<1x16xf32>
      tpu.vector_store %arg12[%swap3A_510, %swap3A_511], %swap3A_514 {strides = array<i32>} : memref<32x1024xf32, #tpu.memory_space<vmem>>, vector<1x16xf32>,
      %get3A_515 = arith.index_cast %scan3A_75 : i32 to index
      %get3A_516 = arith.constant 432 : index
      %get3A_517 = tpu.vector_load %arg12[%get3A_515, %get3A_516] {strides = array<i32>} : memref<32x1024xf32, #tpu.memory_space<vmem>>, vector<1x16xf32>,
      %get3A_518 = vector.shape_cast %get3A_517 : vector<1x16xf32> to vector<16xf32>
      %mul3A_519 = arith.mulf %get3A_79, %get3A_518 : vector<16xf32>
      %get3A_520 = arith.index_cast %scan3A_75 : i32 to index
      %get3A_521 = arith.constant 432 : index
      %get3A_522 = tpu.vector_load %arg13[%get3A_520, %get3A_521] {strides = array<i32>} : memref<32x1024xf32, #tpu.memory_space<vmem>>, vector<1x16xf32>,
      %get3A_523 = vector.shape_cast %get3A_522 : vector<1x16xf32> to vector<16xf32>
      %mul3A_524 = arith.mulf %get3A_83, %get3A_523 : vector<16xf32>
      %add3A_525 = arith.addf %mul3A_519, %mul3A_524 : vector<16xf32>
      %swap3A_526 = arith.index_cast %scan3A_75 : i32 to index
      %swap3A_527 = arith.constant 432 : index
      %swap3A_528 = tpu.vector_load %arg12[%swap3A_526, %swap3A_527] {strides = array<i32>} : memref<32x1024xf32, #tpu.memory_space<vmem>>, vector<1x16xf32>,
      %swap3A_529 = vector.shape_cast %swap3A_528 : vector<1x16xf32> to vector<16xf32>
      %swap3A_530 = vector.shape_cast %add3A_525 : vector<16xf32> to vector<1x16xf32>
      tpu.vector_store %arg12[%swap3A_526, %swap3A_527], %swap3A_530 {strides = array<i32>} : memref<32x1024xf32, #tpu.memory_space<vmem>>, vector<1x16xf32>,
      %get3A_531 = arith.index_cast %scan3A_75 : i32 to index
      %get3A_532 = arith.constant 448 : index
      %get3A_533 = tpu.vector_load %arg12[%get3A_531, %get3A_532] {strides = array<i32>} : memref<32x1024xf32, #tpu.memory_space<vmem>>, vector<1x16xf32>,
      %get3A_534 = vector.shape_cast %get3A_533 : vector<1x16xf32> to vector<16xf32>
      %mul3A_535 = arith.mulf %get3A_79, %get3A_534 : vector<16xf32>
      %get3A_536 = arith.index_cast %scan3A_75 : i32 to index
      %get3A_537 = arith.constant 448 : index
      %get3A_538 = tpu.vector_load %arg13[%get3A_536, %get3A_537] {strides = array<i32>} : memref<32x1024xf32, #tpu.memory_space<vmem>>, vector<1x16xf32>,
      %get3A_539 = vector.shape_cast %get3A_538 : vector<1x16xf32> to vector<16xf32>
      %mul3A_540 = arith.mulf %get3A_83, %get3A_539 : vector<16xf32>
      %add3A_541 = arith.addf %mul3A_535, %mul3A_540 : vector<16xf32>
      %swap3A_542 = arith.index_cast %scan3A_75 : i32 to index
      %swap3A_543 = arith.constant 448 : index
      %swap3A_544 = tpu.vector_load %arg12[%swap3A_542, %swap3A_543] {strides = array<i32>} : memref<32x1024xf32, #tpu.memory_space<vmem>>, vector<1x16xf32>,
      %swap3A_545 = vector.shape_cast %swap3A_544 : vector<1x16xf32> to vector<16xf32>
      %swap3A_546 = vector.shape_cast %add3A_541 : vector<16xf32> to vector<1x16xf32>
      tpu.vector_store %arg12[%swap3A_542, %swap3A_543], %swap3A_546 {strides = array<i32>} : memref<32x1024xf32, #tpu.memory_space<vmem>>, vector<1x16xf32>,
      %get3A_547 = arith.index_cast %scan3A_75 : i32 to index
      %get3A_548 = arith.constant 464 : index
      %get3A_549 = tpu.vector_load %arg12[%get3A_547, %get3A_548] {strides = array<i32>} : memref<32x1024xf32, #tpu.memory_space<vmem>>, vector<1x16xf32>,
      %get3A_550 = vector.shape_cast %get3A_549 : vector<1x16xf32> to vector<16xf32>
      %mul3A_551 = arith.mulf %get3A_79, %get3A_550 : vector<16xf32>
      %get3A_552 = arith.index_cast %scan3A_75 : i32 to index
      %get3A_553 = arith.constant 464 : index
      %get3A_554 = tpu.vector_load %arg13[%get3A_552, %get3A_553] {strides = array<i32>} : memref<32x1024xf32, #tpu.memory_space<vmem>>, vector<1x16xf32>,
      %get3A_555 = vector.shape_cast %get3A_554 : vector<1x16xf32> to vector<16xf32>
      %mul3A_556 = arith.mulf %get3A_83, %get3A_555 : vector<16xf32>
      %add3A_557 = arith.addf %mul3A_551, %mul3A_556 : vector<16xf32>
      %swap3A_558 = arith.index_cast %scan3A_75 : i32 to index
      %swap3A_559 = arith.constant 464 : index
      %swap3A_560 = tpu.vector_load %arg12[%swap3A_558, %swap3A_559] {strides = array<i32>} : memref<32x1024xf32, #tpu.memory_space<vmem>>, vector<1x16xf32>,
      %swap3A_561 = vector.shape_cast %swap3A_560 : vector<1x16xf32> to vector<16xf32>
      %swap3A_562 = vector.shape_cast %add3A_557 : vector<16xf32> to vector<1x16xf32>
      tpu.vector_store %arg12[%swap3A_558, %swap3A_559], %swap3A_562 {strides = array<i32>} : memref<32x1024xf32, #tpu.memory_space<vmem>>, vector<1x16xf32>,
      %get3A_563 = arith.index_cast %scan3A_75 : i32 to index
      %get3A_564 = arith.constant 480 : index
      %get3A_565 = tpu.vector_load %arg12[%get3A_563, %get3A_564] {strides = array<i32>} : memref<32x1024xf32, #tpu.memory_space<vmem>>, vector<1x16xf32>,
      %get3A_566 = vector.shape_cast %get3A_565 : vector<1x16xf32> to vector<16xf32>
      %mul3A_567 = arith.mulf %get3A_79, %get3A_566 : vector<16xf32>
      %get3A_568 = arith.index_cast %scan3A_75 : i32 to index
      %get3A_569 = arith.constant 480 : index
      %get3A_570 = tpu.vector_load %arg13[%get3A_568, %get3A_569] {strides = array<i32>} : memref<32x1024xf32, #tpu.memory_space<vmem>>, vector<1x16xf32>,
      %get3A_571 = vector.shape_cast %get3A_570 : vector<1x16xf32> to vector<16xf32>
      %mul3A_572 = arith.mulf %get3A_83, %get3A_571 : vector<16xf32>
      %add3A_573 = arith.addf %mul3A_567, %mul3A_572 : vector<16xf32>
      %swap3A_574 = arith.index_cast %scan3A_75 : i32 to index
      %swap3A_575 = arith.constant 480 : index
      %swap3A_576 = tpu.vector_load %arg12[%swap3A_574, %swap3A_575] {strides = array<i32>} : memref<32x1024xf32, #tpu.memory_space<vmem>>, vector<1x16xf32>,
      %swap3A_577 = vector.shape_cast %swap3A_576 : vector<1x16xf32> to vector<16xf32>
      %swap3A_578 = vector.shape_cast %add3A_573 : vector<16xf32> to vector<1x16xf32>
      tpu.vector_store %arg12[%swap3A_574, %swap3A_575], %swap3A_578 {strides = array<i32>} : memref<32x1024xf32, #tpu.memory_space<vmem>>, vector<1x16xf32>,
      %get3A_579 = arith.index_cast %scan3A_75 : i32 to index
      %get3A_580 = arith.constant 496 : index
      %get3A_581 = tpu.vector_load %arg12[%get3A_579, %get3A_580] {strides = array<i32>} : memref<32x1024xf32, #tpu.memory_space<vmem>>, vector<1x16xf32>,
      %get3A_582 = vector.shape_cast %get3A_581 : vector<1x16xf32> to vector<16xf32>
      %mul3A_583 = arith.mulf %get3A_79, %get3A_582 : vector<16xf32>
      %get3A_584 = arith.index_cast %scan3A_75 : i32 to index
      %get3A_585 = arith.constant 496 : index
      %get3A_586 = tpu.vector_load %arg13[%get3A_584, %get3A_585] {strides = array<i32>} : memref<32x1024xf32, #tpu.memory_space<vmem>>, vector<1x16xf32>,
      %get3A_587 = vector.shape_cast %get3A_586 : vector<1x16xf32> to vector<16xf32>
      %mul3A_588 = arith.mulf %get3A_83, %get3A_587 : vector<16xf32>
      %add3A_589 = arith.addf %mul3A_583, %mul3A_588 : vector<16xf32>
      %swap3A_590 = arith.index_cast %scan3A_75 : i32 to index
      %swap3A_591 = arith.constant 496 : index
      %swap3A_592 = tpu.vector_load %arg12[%swap3A_590, %swap3A_591] {strides = array<i32>} : memref<32x1024xf32, #tpu.memory_space<vmem>>, vector<1x16xf32>,
      %swap3A_593 = vector.shape_cast %swap3A_592 : vector<1x16xf32> to vector<16xf32>
      %swap3A_594 = vector.shape_cast %add3A_589 : vector<16xf32> to vector<1x16xf32>
      tpu.vector_store %arg12[%swap3A_590, %swap3A_591], %swap3A_594 {strides = array<i32>} : memref<32x1024xf32, #tpu.memory_space<vmem>>, vector<1x16xf32>,
      %get3A_595 = arith.index_cast %scan3A_75 : i32 to index
      %get3A_596 = arith.constant 512 : index
      %get3A_597 = tpu.vector_load %arg12[%get3A_595, %get3A_596] {strides = array<i32>} : memref<32x1024xf32, #tpu.memory_space<vmem>>, vector<1x16xf32>,
      %get3A_598 = vector.shape_cast %get3A_597 : vector<1x16xf32> to vector<16xf32>
      %mul3A_599 = arith.mulf %get3A_79, %get3A_598 : vector<16xf32>
      %get3A_600 = arith.index_cast %scan3A_75 : i32 to index
      %get3A_601 = arith.constant 512 : index
      %get3A_602 = tpu.vector_load %arg13[%get3A_600, %get3A_601] {strides = array<i32>} : memref<32x1024xf32, #tpu.memory_space<vmem>>, vector<1x16xf32>,
      %get3A_603 = vector.shape_cast %get3A_602 : vector<1x16xf32> to vector<16xf32>
      %mul3A_604 = arith.mulf %get3A_83, %get3A_603 : vector<16xf32>
      %add3A_605 = arith.addf %mul3A_599, %mul3A_604 : vector<16xf32>
      %swap3A_606 = arith.index_cast %scan3A_75 : i32 to index
      %swap3A_607 = arith.constant 512 : index
      %swap3A_608 = tpu.vector_load %arg12[%swap3A_606, %swap3A_607] {strides = array<i32>} : memref<32x1024xf32, #tpu.memory_space<vmem>>, vector<1x16xf32>,
      %swap3A_609 = vector.shape_cast %swap3A_608 : vector<1x16xf32> to vector<16xf32>
      %swap3A_610 = vector.shape_cast %add3A_605 : vector<16xf32> to vector<1x16xf32>
      tpu.vector_store %arg12[%swap3A_606, %swap3A_607], %swap3A_610 {strides = array<i32>} : memref<32x1024xf32, #tpu.memory_space<vmem>>, vector<1x16xf32>,
      %get3A_611 = arith.index_cast %scan3A_75 : i32 to index
      %get3A_612 = arith.constant 528 : index
      %get3A_613 = tpu.vector_load %arg12[%get3A_611, %get3A_612] {strides = array<i32>} : memref<32x1024xf32, #tpu.memory_space<vmem>>, vector<1x16xf32>,
      %get3A_614 = vector.shape_cast %get3A_613 : vector<1x16xf32> to vector<16xf32>
      %mul3A_615 = arith.mulf %get3A_79, %get3A_614 : vector<16xf32>
      %get3A_616 = arith.index_cast %scan3A_75 : i32 to index
      %get3A_617 = arith.constant 528 : index
      %get3A_618 = tpu.vector_load %arg13[%get3A_616, %get3A_617] {strides = array<i32>} : memref<32x1024xf32, #tpu.memory_space<vmem>>, vector<1x16xf32>,
      %get3A_619 = vector.shape_cast %get3A_618 : vector<1x16xf32> to vector<16xf32>
      %mul3A_620 = arith.mulf %get3A_83, %get3A_619 : vector<16xf32>
      %add3A_621 = arith.addf %mul3A_615, %mul3A_620 : vector<16xf32>
      %swap3A_622 = arith.index_cast %scan3A_75 : i32 to index
      %swap3A_623 = arith.constant 528 : index
      %swap3A_624 = tpu.vector_load %arg12[%swap3A_622, %swap3A_623] {strides = array<i32>} : memref<32x1024xf32, #tpu.memory_space<vmem>>, vector<1x16xf32>,
      %swap3A_625 = vector.shape_cast %swap3A_624 : vector<1x16xf32> to vector<16xf32>
      %swap3A_626 = vector.shape_cast %add3A_621 : vector<16xf32> to vector<1x16xf32>
      tpu.vector_store %arg12[%swap3A_622, %swap3A_623], %swap3A_626 {strides = array<i32>} : memref<32x1024xf32, #tpu.memory_space<vmem>>, vector<1x16xf32>,
      %get3A_627 = arith.index_cast %scan3A_75 : i32 to index
      %get3A_628 = arith.constant 544 : index
      %get3A_629 = tpu.vector_load %arg12[%get3A_627, %get3A_628] {strides = array<i32>} : memref<32x1024xf32, #tpu.memory_space<vmem>>, vector<1x16xf32>,
      %get3A_630 = vector.shape_cast %get3A_629 : vector<1x16xf32> to vector<16xf32>
      %mul3A_631 = arith.mulf %get3A_79, %get3A_630 : vector<16xf32>
      %get3A_632 = arith.index_cast %scan3A_75 : i32 to index
      %get3A_633 = arith.constant 544 : index
      %get3A_634 = tpu.vector_load %arg13[%get3A_632, %get3A_633] {strides = array<i32>} : memref<32x1024xf32, #tpu.memory_space<vmem>>, vector<1x16xf32>,
      %get3A_635 = vector.shape_cast %get3A_634 : vector<1x16xf32> to vector<16xf32>
      %mul3A_636 = arith.mulf %get3A_83, %get3A_635 : vector<16xf32>
      %add3A_637 = arith.addf %mul3A_631, %mul3A_636 : vector<16xf32>
      %swap3A_638 = arith.index_cast %scan3A_75 : i32 to index
      %swap3A_639 = arith.constant 544 : index
      %swap3A_640 = tpu.vector_load %arg12[%swap3A_638, %swap3A_639] {strides = array<i32>} : memref<32x1024xf32, #tpu.memory_space<vmem>>, vector<1x16xf32>,
      %swap3A_641 = vector.shape_cast %swap3A_640 : vector<1x16xf32> to vector<16xf32>
      %swap3A_642 = vector.shape_cast %add3A_637 : vector<16xf32> to vector<1x16xf32>
      tpu.vector_store %arg12[%swap3A_638, %swap3A_639], %swap3A_642 {strides = array<i32>} : memref<32x1024xf32, #tpu.memory_space<vmem>>, vector<1x16xf32>,
      %get3A_643 = arith.index_cast %scan3A_75 : i32 to index
      %get3A_644 = arith.constant 560 : index
      %get3A_645 = tpu.vector_load %arg12[%get3A_643, %get3A_644] {strides = array<i32>} : memref<32x1024xf32, #tpu.memory_space<vmem>>, vector<1x16xf32>,
      %get3A_646 = vector.shape_cast %get3A_645 : vector<1x16xf32> to vector<16xf32>
      %mul3A_647 = arith.mulf %get3A_79, %get3A_646 : vector<16xf32>
      %get3A_648 = arith.index_cast %scan3A_75 : i32 to index
      %get3A_649 = arith.constant 560 : index
      %get3A_650 = tpu.vector_load %arg13[%get3A_648, %get3A_649] {strides = array<i32>} : memref<32x1024xf32, #tpu.memory_space<vmem>>, vector<1x16xf32>,
      %get3A_651 = vector.shape_cast %get3A_650 : vector<1x16xf32> to vector<16xf32>
      %mul3A_652 = arith.mulf %get3A_83, %get3A_651 : vector<16xf32>
      %add3A_653 = arith.addf %mul3A_647, %mul3A_652 : vector<16xf32>
      %swap3A_654 = arith.index_cast %scan3A_75 : i32 to index
      %swap3A_655 = arith.constant 560 : index
      %swap3A_656 = tpu.vector_load %arg12[%swap3A_654, %swap3A_655] {strides = array<i32>} : memref<32x1024xf32, #tpu.memory_space<vmem>>, vector<1x16xf32>,
      %swap3A_657 = vector.shape_cast %swap3A_656 : vector<1x16xf32> to vector<16xf32>
      %swap3A_658 = vector.shape_cast %add3A_653 : vector<16xf32> to vector<1x16xf32>
      tpu.vector_store %arg12[%swap3A_654, %swap3A_655], %swap3A_658 {strides = array<i32>} : memref<32x1024xf32, #tpu.memory_space<vmem>>, vector<1x16xf32>,
      %get3A_659 = arith.index_cast %scan3A_75 : i32 to index
      %get3A_660 = arith.constant 576 : index
      %get3A_661 = tpu.vector_load %arg12[%get3A_659, %get3A_660] {strides = array<i32>} : memref<32x1024xf32, #tpu.memory_space<vmem>>, vector<1x16xf32>,
      %get3A_662 = vector.shape_cast %get3A_661 : vector<1x16xf32> to vector<16xf32>
      %mul3A_663 = arith.mulf %get3A_79, %get3A_662 : vector<16xf32>
      %get3A_664 = arith.index_cast %scan3A_75 : i32 to index
      %get3A_665 = arith.constant 576 : index
      %get3A_666 = tpu.vector_load %arg13[%get3A_664, %get3A_665] {strides = array<i32>} : memref<32x1024xf32, #tpu.memory_space<vmem>>, vector<1x16xf32>,
      %get3A_667 = vector.shape_cast %get3A_666 : vector<1x16xf32> to vector<16xf32>
      %mul3A_668 = arith.mulf %get3A_83, %get3A_667 : vector<16xf32>
      %add3A_669 = arith.addf %mul3A_663, %mul3A_668 : vector<16xf32>
      %swap3A_670 = arith.index_cast %scan3A_75 : i32 to index
      %swap3A_671 = arith.constant 576 : index
      %swap3A_672 = tpu.vector_load %arg12[%swap3A_670, %swap3A_671] {strides = array<i32>} : memref<32x1024xf32, #tpu.memory_space<vmem>>, vector<1x16xf32>,
      %swap3A_673 = vector.shape_cast %swap3A_672 : vector<1x16xf32> to vector<16xf32>
      %swap3A_674 = vector.shape_cast %add3A_669 : vector<16xf32> to vector<1x16xf32>
      tpu.vector_store %arg12[%swap3A_670, %swap3A_671], %swap3A_674 {strides = array<i32>} : memref<32x1024xf32, #tpu.memory_space<vmem>>, vector<1x16xf32>,
      %get3A_675 = arith.index_cast %scan3A_75 : i32 to index
      %get3A_676 = arith.constant 592 : index
      %get3A_677 = tpu.vector_load %arg12[%get3A_675, %get3A_676] {strides = array<i32>} : memref<32x1024xf32, #tpu.memory_space<vmem>>, vector<1x16xf32>,
      %get3A_678 = vector.shape_cast %get3A_677 : vector<1x16xf32> to vector<16xf32>
      %mul3A_679 = arith.mulf %get3A_79, %get3A_678 : vector<16xf32>
      %get3A_680 = arith.index_cast %scan3A_75 : i32 to index
      %get3A_681 = arith.constant 592 : index
      %get3A_682 = tpu.vector_load %arg13[%get3A_680, %get3A_681] {strides = array<i32>} : memref<32x1024xf32, #tpu.memory_space<vmem>>, vector<1x16xf32>,
      %get3A_683 = vector.shape_cast %get3A_682 : vector<1x16xf32> to vector<16xf32>
      %mul3A_684 = arith.mulf %get3A_83, %get3A_683 : vector<16xf32>
      %add3A_685 = arith.addf %mul3A_679, %mul3A_684 : vector<16xf32>
      %swap3A_686 = arith.index_cast %scan3A_75 : i32 to index
      %swap3A_687 = arith.constant 592 : index
      %swap3A_688 = tpu.vector_load %arg12[%swap3A_686, %swap3A_687] {strides = array<i32>} : memref<32x1024xf32, #tpu.memory_space<vmem>>, vector<1x16xf32>,
      %swap3A_689 = vector.shape_cast %swap3A_688 : vector<1x16xf32> to vector<16xf32>
      %swap3A_690 = vector.shape_cast %add3A_685 : vector<16xf32> to vector<1x16xf32>
      tpu.vector_store %arg12[%swap3A_686, %swap3A_687], %swap3A_690 {strides = array<i32>} : memref<32x1024xf32, #tpu.memory_space<vmem>>, vector<1x16xf32>,
      %get3A_691 = arith.index_cast %scan3A_75 : i32 to index
      %get3A_692 = arith.constant 608 : index
      %get3A_693 = tpu.vector_load %arg12[%get3A_691, %get3A_692] {strides = array<i32>} : memref<32x1024xf32, #tpu.memory_space<vmem>>, vector<1x16xf32>,
      %get3A_694 = vector.shape_cast %get3A_693 : vector<1x16xf32> to vector<16xf32>
      %mul3A_695 = arith.mulf %get3A_79, %get3A_694 : vector<16xf32>
      %get3A_696 = arith.index_cast %scan3A_75 : i32 to index
      %get3A_697 = arith.constant 608 : index
      %get3A_698 = tpu.vector_load %arg13[%get3A_696, %get3A_697] {strides = array<i32>} : memref<32x1024xf32, #tpu.memory_space<vmem>>, vector<1x16xf32>,
      %get3A_699 = vector.shape_cast %get3A_698 : vector<1x16xf32> to vector<16xf32>
      %mul3A_700 = arith.mulf %get3A_83, %get3A_699 : vector<16xf32>
      %add3A_701 = arith.addf %mul3A_695, %mul3A_700 : vector<16xf32>
      %swap3A_702 = arith.index_cast %scan3A_75 : i32 to index
      %swap3A_703 = arith.constant 608 : index
      %swap3A_704 = tpu.vector_load %arg12[%swap3A_702, %swap3A_703] {strides = array<i32>} : memref<32x1024xf32, #tpu.memory_space<vmem>>, vector<1x16xf32>,
      %swap3A_705 = vector.shape_cast %swap3A_704 : vector<1x16xf32> to vector<16xf32>
      %swap3A_706 = vector.shape_cast %add3A_701 : vector<16xf32> to vector<1x16xf32>
      tpu.vector_store %arg12[%swap3A_702, %swap3A_703], %swap3A_706 {strides = array<i32>} : memref<32x1024xf32, #tpu.memory_space<vmem>>, vector<1x16xf32>,
      %get3A_707 = arith.index_cast %scan3A_75 : i32 to index
      %get3A_708 = arith.constant 624 : index
      %get3A_709 = tpu.vector_load %arg12[%get3A_707, %get3A_708] {strides = array<i32>} : memref<32x1024xf32, #tpu.memory_space<vmem>>, vector<1x16xf32>,
      %get3A_710 = vector.shape_cast %get3A_709 : vector<1x16xf32> to vector<16xf32>
      %mul3A_711 = arith.mulf %get3A_79, %get3A_710 : vector<16xf32>
      %get3A_712 = arith.index_cast %scan3A_75 : i32 to index
      %get3A_713 = arith.constant 624 : index
      %get3A_714 = tpu.vector_load %arg13[%get3A_712, %get3A_713] {strides = array<i32>} : memref<32x1024xf32, #tpu.memory_space<vmem>>, vector<1x16xf32>,
      %get3A_715 = vector.shape_cast %get3A_714 : vector<1x16xf32> to vector<16xf32>
      %mul3A_716 = arith.mulf %get3A_83, %get3A_715 : vector<16xf32>
      %add3A_717 = arith.addf %mul3A_711, %mul3A_716 : vector<16xf32>
      %swap3A_718 = arith.index_cast %scan3A_75 : i32 to index
      %swap3A_719 = arith.constant 624 : index
      %swap3A_720 = tpu.vector_load %arg12[%swap3A_718, %swap3A_719] {strides = array<i32>} : memref<32x1024xf32, #tpu.memory_space<vmem>>, vector<1x16xf32>,
      %swap3A_721 = vector.shape_cast %swap3A_720 : vector<1x16xf32> to vector<16xf32>
      %swap3A_722 = vector.shape_cast %add3A_717 : vector<16xf32> to vector<1x16xf32>
      tpu.vector_store %arg12[%swap3A_718, %swap3A_719], %swap3A_722 {strides = array<i32>} : memref<32x1024xf32, #tpu.memory_space<vmem>>, vector<1x16xf32>,
      %get3A_723 = arith.index_cast %scan3A_75 : i32 to index
      %get3A_724 = arith.constant 640 : index
      %get3A_725 = tpu.vector_load %arg12[%get3A_723, %get3A_724] {strides = array<i32>} : memref<32x1024xf32, #tpu.memory_space<vmem>>, vector<1x16xf32>,
      %get3A_726 = vector.shape_cast %get3A_725 : vector<1x16xf32> to vector<16xf32>
      %mul3A_727 = arith.mulf %get3A_79, %get3A_726 : vector<16xf32>
      %get3A_728 = arith.index_cast %scan3A_75 : i32 to index
      %get3A_729 = arith.constant 640 : index
      %get3A_730 = tpu.vector_load %arg13[%get3A_728, %get3A_729] {strides = array<i32>} : memref<32x1024xf32, #tpu.memory_space<vmem>>, vector<1x16xf32>,
      %get3A_731 = vector.shape_cast %get3A_730 : vector<1x16xf32> to vector<16xf32>
      %mul3A_732 = arith.mulf %get3A_83, %get3A_731 : vector<16xf32>
      %add3A_733 = arith.addf %mul3A_727, %mul3A_732 : vector<16xf32>
      %swap3A_734 = arith.index_cast %scan3A_75 : i32 to index
      %swap3A_735 = arith.constant 640 : index
      %swap3A_736 = tpu.vector_load %arg12[%swap3A_734, %swap3A_735] {strides = array<i32>} : memref<32x1024xf32, #tpu.memory_space<vmem>>, vector<1x16xf32>,
      %swap3A_737 = vector.shape_cast %swap3A_736 : vector<1x16xf32> to vector<16xf32>
      %swap3A_738 = vector.shape_cast %add3A_733 : vector<16xf32> to vector<1x16xf32>
      tpu.vector_store %arg12[%swap3A_734, %swap3A_735], %swap3A_738 {strides = array<i32>} : memref<32x1024xf32, #tpu.memory_space<vmem>>, vector<1x16xf32>,
      %get3A_739 = arith.index_cast %scan3A_75 : i32 to index
      %get3A_740 = arith.constant 656 : index
      %get3A_741 = tpu.vector_load %arg12[%get3A_739, %get3A_740] {strides = array<i32>} : memref<32x1024xf32, #tpu.memory_space<vmem>>, vector<1x16xf32>,
      %get3A_742 = vector.shape_cast %get3A_741 : vector<1x16xf32> to vector<16xf32>
      %mul3A_743 = arith.mulf %get3A_79, %get3A_742 : vector<16xf32>
      %get3A_744 = arith.index_cast %scan3A_75 : i32 to index
      %get3A_745 = arith.constant 656 : index
      %get3A_746 = tpu.vector_load %arg13[%get3A_744, %get3A_745] {strides = array<i32>} : memref<32x1024xf32, #tpu.memory_space<vmem>>, vector<1x16xf32>,
      %get3A_747 = vector.shape_cast %get3A_746 : vector<1x16xf32> to vector<16xf32>
      %mul3A_748 = arith.mulf %get3A_83, %get3A_747 : vector<16xf32>
      %add3A_749 = arith.addf %mul3A_743, %mul3A_748 : vector<16xf32>
      %swap3A_750 = arith.index_cast %scan3A_75 : i32 to index
      %swap3A_751 = arith.constant 656 : index
      %swap3A_752 = tpu.vector_load %arg12[%swap3A_750, %swap3A_751] {strides = array<i32>} : memref<32x1024xf32, #tpu.memory_space<vmem>>, vector<1x16xf32>,
      %swap3A_753 = vector.shape_cast %swap3A_752 : vector<1x16xf32> to vector<16xf32>
      %swap3A_754 = vector.shape_cast %add3A_749 : vector<16xf32> to vector<1x16xf32>
      tpu.vector_store %arg12[%swap3A_750, %swap3A_751], %swap3A_754 {strides = array<i32>} : memref<32x1024xf32, #tpu.memory_space<vmem>>, vector<1x16xf32>,
      %get3A_755 = arith.index_cast %scan3A_75 : i32 to index
      %get3A_756 = arith.constant 672 : index
      %get3A_757 = tpu.vector_load %arg12[%get3A_755, %get3A_756] {strides = array<i32>} : memref<32x1024xf32, #tpu.memory_space<vmem>>, vector<1x16xf32>,
      %get3A_758 = vector.shape_cast %get3A_757 : vector<1x16xf32> to vector<16xf32>
      %mul3A_759 = arith.mulf %get3A_79, %get3A_758 : vector<16xf32>
      %get3A_760 = arith.index_cast %scan3A_75 : i32 to index
      %get3A_761 = arith.constant 672 : index
      %get3A_762 = tpu.vector_load %arg13[%get3A_760, %get3A_761] {strides = array<i32>} : memref<32x1024xf32, #tpu.memory_space<vmem>>, vector<1x16xf32>,
      %get3A_763 = vector.shape_cast %get3A_762 : vector<1x16xf32> to vector<16xf32>
      %mul3A_764 = arith.mulf %get3A_83, %get3A_763 : vector<16xf32>
      %add3A_765 = arith.addf %mul3A_759, %mul3A_764 : vector<16xf32>
      %swap3A_766 = arith.index_cast %scan3A_75 : i32 to index
      %swap3A_767 = arith.constant 672 : index
      %swap3A_768 = tpu.vector_load %arg12[%swap3A_766, %swap3A_767] {strides = array<i32>} : memref<32x1024xf32, #tpu.memory_space<vmem>>, vector<1x16xf32>,
      %swap3A_769 = vector.shape_cast %swap3A_768 : vector<1x16xf32> to vector<16xf32>
      %swap3A_770 = vector.shape_cast %add3A_765 : vector<16xf32> to vector<1x16xf32>
      tpu.vector_store %arg12[%swap3A_766, %swap3A_767], %swap3A_770 {strides = array<i32>} : memref<32x1024xf32, #tpu.memory_space<vmem>>, vector<1x16xf32>,
      %get3A_771 = arith.index_cast %scan3A_75 : i32 to index
      %get3A_772 = arith.constant 688 : index
      %get3A_773 = tpu.vector_load %arg12[%get3A_771, %get3A_772] {strides = array<i32>} : memref<32x1024xf32, #tpu.memory_space<vmem>>, vector<1x16xf32>,
      %get3A_774 = vector.shape_cast %get3A_773 : vector<1x16xf32> to vector<16xf32>
      %mul3A_775 = arith.mulf %get3A_79, %get3A_774 : vector<16xf32>
      %get3A_776 = arith.index_cast %scan3A_75 : i32 to index
      %get3A_777 = arith.constant 688 : index
      %get3A_778 = tpu.vector_load %arg13[%get3A_776, %get3A_777] {strides = array<i32>} : memref<32x1024xf32, #tpu.memory_space<vmem>>, vector<1x16xf32>,
      %get3A_779 = vector.shape_cast %get3A_778 : vector<1x16xf32> to vector<16xf32>
      %mul3A_780 = arith.mulf %get3A_83, %get3A_779 : vector<16xf32>
      %add3A_781 = arith.addf %mul3A_775, %mul3A_780 : vector<16xf32>
      %swap3A_782 = arith.index_cast %scan3A_75 : i32 to index
      %swap3A_783 = arith.constant 688 : index
      %swap3A_784 = tpu.vector_load %arg12[%swap3A_782, %swap3A_783] {strides = array<i32>} : memref<32x1024xf32, #tpu.memory_space<vmem>>, vector<1x16xf32>,
      %swap3A_785 = vector.shape_cast %swap3A_784 : vector<1x16xf32> to vector<16xf32>
      %swap3A_786 = vector.shape_cast %add3A_781 : vector<16xf32> to vector<1x16xf32>
      tpu.vector_store %arg12[%swap3A_782, %swap3A_783], %swap3A_786 {strides = array<i32>} : memref<32x1024xf32, #tpu.memory_space<vmem>>, vector<1x16xf32>,
      %get3A_787 = arith.index_cast %scan3A_75 : i32 to index
      %get3A_788 = arith.constant 704 : index
      %get3A_789 = tpu.vector_load %arg12[%get3A_787, %get3A_788] {strides = array<i32>} : memref<32x1024xf32, #tpu.memory_space<vmem>>, vector<1x16xf32>,
      %get3A_790 = vector.shape_cast %get3A_789 : vector<1x16xf32> to vector<16xf32>
      %mul3A_791 = arith.mulf %get3A_79, %get3A_790 : vector<16xf32>
      %get3A_792 = arith.index_cast %scan3A_75 : i32 to index
      %get3A_793 = arith.constant 704 : index
      %get3A_794 = tpu.vector_load %arg13[%get3A_792, %get3A_793] {strides = array<i32>} : memref<32x1024xf32, #tpu.memory_space<vmem>>, vector<1x16xf32>,
      %get3A_795 = vector.shape_cast %get3A_794 : vector<1x16xf32> to vector<16xf32>
      %mul3A_796 = arith.mulf %get3A_83, %get3A_795 : vector<16xf32>
      %add3A_797 = arith.addf %mul3A_791, %mul3A_796 : vector<16xf32>
      %swap3A_798 = arith.index_cast %scan3A_75 : i32 to index
      %swap3A_799 = arith.constant 704 : index
      %swap3A_800 = tpu.vector_load %arg12[%swap3A_798, %swap3A_799] {strides = array<i32>} : memref<32x1024xf32, #tpu.memory_space<vmem>>, vector<1x16xf32>,
      %swap3A_801 = vector.shape_cast %swap3A_800 : vector<1x16xf32> to vector<16xf32>
      %swap3A_802 = vector.shape_cast %add3A_797 : vector<16xf32> to vector<1x16xf32>
      tpu.vector_store %arg12[%swap3A_798, %swap3A_799], %swap3A_802 {strides = array<i32>} : memref<32x1024xf32, #tpu.memory_space<vmem>>, vector<1x16xf32>,
      %get3A_803 = arith.index_cast %scan3A_75 : i32 to index
      %get3A_804 = arith.constant 720 : index
      %get3A_805 = tpu.vector_load %arg12[%get3A_803, %get3A_804] {strides = array<i32>} : memref<32x1024xf32, #tpu.memory_space<vmem>>, vector<1x16xf32>,
      %get3A_806 = vector.shape_cast %get3A_805 : vector<1x16xf32> to vector<16xf32>
      %mul3A_807 = arith.mulf %get3A_79, %get3A_806 : vector<16xf32>
      %get3A_808 = arith.index_cast %scan3A_75 : i32 to index
      %get3A_809 = arith.constant 720 : index
      %get3A_810 = tpu.vector_load %arg13[%get3A_808, %get3A_809] {strides = array<i32>} : memref<32x1024xf32, #tpu.memory_space<vmem>>, vector<1x16xf32>,
      %get3A_811 = vector.shape_cast %get3A_810 : vector<1x16xf32> to vector<16xf32>
      %mul3A_812 = arith.mulf %get3A_83, %get3A_811 : vector<16xf32>
      %add3A_813 = arith.addf %mul3A_807, %mul3A_812 : vector<16xf32>
      %swap3A_814 = arith.index_cast %scan3A_75 : i32 to index
      %swap3A_815 = arith.constant 720 : index
      %swap3A_816 = tpu.vector_load %arg12[%swap3A_814, %swap3A_815] {strides = array<i32>} : memref<32x1024xf32, #tpu.memory_space<vmem>>, vector<1x16xf32>,
      %swap3A_817 = vector.shape_cast %swap3A_816 : vector<1x16xf32> to vector<16xf32>
      %swap3A_818 = vector.shape_cast %add3A_813 : vector<16xf32> to vector<1x16xf32>
      tpu.vector_store %arg12[%swap3A_814, %swap3A_815], %swap3A_818 {strides = array<i32>} : memref<32x1024xf32, #tpu.memory_space<vmem>>, vector<1x16xf32>,
      %get3A_819 = arith.index_cast %scan3A_75 : i32 to index
      %get3A_820 = arith.constant 736 : index
      %get3A_821 = tpu.vector_load %arg12[%get3A_819, %get3A_820] {strides = array<i32>} : memref<32x1024xf32, #tpu.memory_space<vmem>>, vector<1x16xf32>,
      %get3A_822 = vector.shape_cast %get3A_821 : vector<1x16xf32> to vector<16xf32>
      %mul3A_823 = arith.mulf %get3A_79, %get3A_822 : vector<16xf32>
      %get3A_824 = arith.index_cast %scan3A_75 : i32 to index
      %get3A_825 = arith.constant 736 : index
      %get3A_826 = tpu.vector_load %arg13[%get3A_824, %get3A_825] {strides = array<i32>} : memref<32x1024xf32, #tpu.memory_space<vmem>>, vector<1x16xf32>,
      %get3A_827 = vector.shape_cast %get3A_826 : vector<1x16xf32> to vector<16xf32>
      %mul3A_828 = arith.mulf %get3A_83, %get3A_827 : vector<16xf32>
      %add3A_829 = arith.addf %mul3A_823, %mul3A_828 : vector<16xf32>
      %swap3A_830 = arith.index_cast %scan3A_75 : i32 to index
      %swap3A_831 = arith.constant 736 : index
      %swap3A_832 = tpu.vector_load %arg12[%swap3A_830, %swap3A_831] {strides = array<i32>} : memref<32x1024xf32, #tpu.memory_space<vmem>>, vector<1x16xf32>,
      %swap3A_833 = vector.shape_cast %swap3A_832 : vector<1x16xf32> to vector<16xf32>
      %swap3A_834 = vector.shape_cast %add3A_829 : vector<16xf32> to vector<1x16xf32>
      tpu.vector_store %arg12[%swap3A_830, %swap3A_831], %swap3A_834 {strides = array<i32>} : memref<32x1024xf32, #tpu.memory_space<vmem>>, vector<1x16xf32>,
      %get3A_835 = arith.index_cast %scan3A_75 : i32 to index
      %get3A_836 = arith.constant 752 : index
      %get3A_837 = tpu.vector_load %arg12[%get3A_835, %get3A_836] {strides = array<i32>} : memref<32x1024xf32, #tpu.memory_space<vmem>>, vector<1x16xf32>,
      %get3A_838 = vector.shape_cast %get3A_837 : vector<1x16xf32> to vector<16xf32>
      %mul3A_839 = arith.mulf %get3A_79, %get3A_838 : vector<16xf32>
      %get3A_840 = arith.index_cast %scan3A_75 : i32 to index
      %get3A_841 = arith.constant 752 : index
      %get3A_842 = tpu.vector_load %arg13[%get3A_840, %get3A_841] {strides = array<i32>} : memref<32x1024xf32, #tpu.memory_space<vmem>>, vector<1x16xf32>,
      %get3A_843 = vector.shape_cast %get3A_842 : vector<1x16xf32> to vector<16xf32>
      %mul3A_844 = arith.mulf %get3A_83, %get3A_843 : vector<16xf32>
      %add3A_845 = arith.addf %mul3A_839, %mul3A_844 : vector<16xf32>
      %swap3A_846 = arith.index_cast %scan3A_75 : i32 to index
      %swap3A_847 = arith.constant 752 : index
      %swap3A_848 = tpu.vector_load %arg12[%swap3A_846, %swap3A_847] {strides = array<i32>} : memref<32x1024xf32, #tpu.memory_space<vmem>>, vector<1x16xf32>,
      %swap3A_849 = vector.shape_cast %swap3A_848 : vector<1x16xf32> to vector<16xf32>
      %swap3A_850 = vector.shape_cast %add3A_845 : vector<16xf32> to vector<1x16xf32>
      tpu.vector_store %arg12[%swap3A_846, %swap3A_847], %swap3A_850 {strides = array<i32>} : memref<32x1024xf32, #tpu.memory_space<vmem>>, vector<1x16xf32>,
      %get3A_851 = arith.index_cast %scan3A_75 : i32 to index
      %get3A_852 = arith.constant 768 : index
      %get3A_853 = tpu.vector_load %arg12[%get3A_851, %get3A_852] {strides = array<i32>} : memref<32x1024xf32, #tpu.memory_space<vmem>>, vector<1x16xf32>,
      %get3A_854 = vector.shape_cast %get3A_853 : vector<1x16xf32> to vector<16xf32>
      %mul3A_855 = arith.mulf %get3A_79, %get3A_854 : vector<16xf32>
      %get3A_856 = arith.index_cast %scan3A_75 : i32 to index
      %get3A_857 = arith.constant 768 : index
      %get3A_858 = tpu.vector_load %arg13[%get3A_856, %get3A_857] {strides = array<i32>} : memref<32x1024xf32, #tpu.memory_space<vmem>>, vector<1x16xf32>,
      %get3A_859 = vector.shape_cast %get3A_858 : vector<1x16xf32> to vector<16xf32>
      %mul3A_860 = arith.mulf %get3A_83, %get3A_859 : vector<16xf32>
      %add3A_861 = arith.addf %mul3A_855, %mul3A_860 : vector<16xf32>
      %swap3A_862 = arith.index_cast %scan3A_75 : i32 to index
      %swap3A_863 = arith.constant 768 : index
      %swap3A_864 = tpu.vector_load %arg12[%swap3A_862, %swap3A_863] {strides = array<i32>} : memref<32x1024xf32, #tpu.memory_space<vmem>>, vector<1x16xf32>,
      %swap3A_865 = vector.shape_cast %swap3A_864 : vector<1x16xf32> to vector<16xf32>
      %swap3A_866 = vector.shape_cast %add3A_861 : vector<16xf32> to vector<1x16xf32>
      tpu.vector_store %arg12[%swap3A_862, %swap3A_863], %swap3A_866 {strides = array<i32>} : memref<32x1024xf32, #tpu.memory_space<vmem>>, vector<1x16xf32>,
      %get3A_867 = arith.index_cast %scan3A_75 : i32 to index
      %get3A_868 = arith.constant 784 : index
      %get3A_869 = tpu.vector_load %arg12[%get3A_867, %get3A_868] {strides = array<i32>} : memref<32x1024xf32, #tpu.memory_space<vmem>>, vector<1x16xf32>,
      %get3A_870 = vector.shape_cast %get3A_869 : vector<1x16xf32> to vector<16xf32>
      %mul3A_871 = arith.mulf %get3A_79, %get3A_870 : vector<16xf32>
      %get3A_872 = arith.index_cast %scan3A_75 : i32 to index
      %get3A_873 = arith.constant 784 : index
      %get3A_874 = tpu.vector_load %arg13[%get3A_872, %get3A_873] {strides = array<i32>} : memref<32x1024xf32, #tpu.memory_space<vmem>>, vector<1x16xf32>,
      %get3A_875 = vector.shape_cast %get3A_874 : vector<1x16xf32> to vector<16xf32>
      %mul3A_876 = arith.mulf %get3A_83, %get3A_875 : vector<16xf32>
      %add3A_877 = arith.addf %mul3A_871, %mul3A_876 : vector<16xf32>
      %swap3A_878 = arith.index_cast %scan3A_75 : i32 to index
      %swap3A_879 = arith.constant 784 : index
      %swap3A_880 = tpu.vector_load %arg12[%swap3A_878, %swap3A_879] {strides = array<i32>} : memref<32x1024xf32, #tpu.memory_space<vmem>>, vector<1x16xf32>,
      %swap3A_881 = vector.shape_cast %swap3A_880 : vector<1x16xf32> to vector<16xf32>
      %swap3A_882 = vector.shape_cast %add3A_877 : vector<16xf32> to vector<1x16xf32>
      tpu.vector_store %arg12[%swap3A_878, %swap3A_879], %swap3A_882 {strides = array<i32>} : memref<32x1024xf32, #tpu.memory_space<vmem>>, vector<1x16xf32>,
      %get3A_883 = arith.index_cast %scan3A_75 : i32 to index
      %get3A_884 = arith.constant 800 : index
      %get3A_885 = tpu.vector_load %arg12[%get3A_883, %get3A_884] {strides = array<i32>} : memref<32x1024xf32, #tpu.memory_space<vmem>>, vector<1x16xf32>,
      %get3A_886 = vector.shape_cast %get3A_885 : vector<1x16xf32> to vector<16xf32>
      %mul3A_887 = arith.mulf %get3A_79, %get3A_886 : vector<16xf32>
      %get3A_888 = arith.index_cast %scan3A_75 : i32 to index
      %get3A_889 = arith.constant 800 : index
      %get3A_890 = tpu.vector_load %arg13[%get3A_888, %get3A_889] {strides = array<i32>} : memref<32x1024xf32, #tpu.memory_space<vmem>>, vector<1x16xf32>,
      %get3A_891 = vector.shape_cast %get3A_890 : vector<1x16xf32> to vector<16xf32>
      %mul3A_892 = arith.mulf %get3A_83, %get3A_891 : vector<16xf32>
      %add3A_893 = arith.addf %mul3A_887, %mul3A_892 : vector<16xf32>
      %swap3A_894 = arith.index_cast %scan3A_75 : i32 to index
      %swap3A_895 = arith.constant 800 : index
      %swap3A_896 = tpu.vector_load %arg12[%swap3A_894, %swap3A_895] {strides = array<i32>} : memref<32x1024xf32, #tpu.memory_space<vmem>>, vector<1x16xf32>,
      %swap3A_897 = vector.shape_cast %swap3A_896 : vector<1x16xf32> to vector<16xf32>
      %swap3A_898 = vector.shape_cast %add3A_893 : vector<16xf32> to vector<1x16xf32>
      tpu.vector_store %arg12[%swap3A_894, %swap3A_895], %swap3A_898 {strides = array<i32>} : memref<32x1024xf32, #tpu.memory_space<vmem>>, vector<1x16xf32>,
      %get3A_899 = arith.index_cast %scan3A_75 : i32 to index
      %get3A_900 = arith.constant 816 : index
      %get3A_901 = tpu.vector_load %arg12[%get3A_899, %get3A_900] {strides = array<i32>} : memref<32x1024xf32, #tpu.memory_space<vmem>>, vector<1x16xf32>,
      %get3A_902 = vector.shape_cast %get3A_901 : vector<1x16xf32> to vector<16xf32>
      %mul3A_903 = arith.mulf %get3A_79, %get3A_902 : vector<16xf32>
      %get3A_904 = arith.index_cast %scan3A_75 : i32 to index
      %get3A_905 = arith.constant 816 : index
      %get3A_906 = tpu.vector_load %arg13[%get3A_904, %get3A_905] {strides = array<i32>} : memref<32x1024xf32, #tpu.memory_space<vmem>>, vector<1x16xf32>,
      %get3A_907 = vector.shape_cast %get3A_906 : vector<1x16xf32> to vector<16xf32>
      %mul3A_908 = arith.mulf %get3A_83, %get3A_907 : vector<16xf32>
      %add3A_909 = arith.addf %mul3A_903, %mul3A_908 : vector<16xf32>
      %swap3A_910 = arith.index_cast %scan3A_75 : i32 to index
      %swap3A_911 = arith.constant 816 : index
      %swap3A_912 = tpu.vector_load %arg12[%swap3A_910, %swap3A_911] {strides = array<i32>} : memref<32x1024xf32, #tpu.memory_space<vmem>>, vector<1x16xf32>,
      %swap3A_913 = vector.shape_cast %swap3A_912 : vector<1x16xf32> to vector<16xf32>
      %swap3A_914 = vector.shape_cast %add3A_909 : vector<16xf32> to vector<1x16xf32>
      tpu.vector_store %arg12[%swap3A_910, %swap3A_911], %swap3A_914 {strides = array<i32>} : memref<32x1024xf32, #tpu.memory_space<vmem>>, vector<1x16xf32>,
      %get3A_915 = arith.index_cast %scan3A_75 : i32 to index
      %get3A_916 = arith.constant 832 : index
      %get3A_917 = tpu.vector_load %arg12[%get3A_915, %get3A_916] {strides = array<i32>} : memref<32x1024xf32, #tpu.memory_space<vmem>>, vector<1x16xf32>,
      %get3A_918 = vector.shape_cast %get3A_917 : vector<1x16xf32> to vector<16xf32>
      %mul3A_919 = arith.mulf %get3A_79, %get3A_918 : vector<16xf32>
      %get3A_920 = arith.index_cast %scan3A_75 : i32 to index
      %get3A_921 = arith.constant 832 : index
      %get3A_922 = tpu.vector_load %arg13[%get3A_920, %get3A_921] {strides = array<i32>} : memref<32x1024xf32, #tpu.memory_space<vmem>>, vector<1x16xf32>,
      %get3A_923 = vector.shape_cast %get3A_922 : vector<1x16xf32> to vector<16xf32>
      %mul3A_924 = arith.mulf %get3A_83, %get3A_923 : vector<16xf32>
      %add3A_925 = arith.addf %mul3A_919, %mul3A_924 : vector<16xf32>
      %swap3A_926 = arith.index_cast %scan3A_75 : i32 to index
      %swap3A_927 = arith.constant 832 : index
      %swap3A_928 = tpu.vector_load %arg12[%swap3A_926, %swap3A_927] {strides = array<i32>} : memref<32x1024xf32, #tpu.memory_space<vmem>>, vector<1x16xf32>,
      %swap3A_929 = vector.shape_cast %swap3A_928 : vector<1x16xf32> to vector<16xf32>
      %swap3A_930 = vector.shape_cast %add3A_925 : vector<16xf32> to vector<1x16xf32>
      tpu.vector_store %arg12[%swap3A_926, %swap3A_927], %swap3A_930 {strides = array<i32>} : memref<32x1024xf32, #tpu.memory_space<vmem>>, vector<1x16xf32>,
      %get3A_931 = arith.index_cast %scan3A_75 : i32 to index
      %get3A_932 = arith.constant 848 : index
      %get3A_933 = tpu.vector_load %arg12[%get3A_931, %get3A_932] {strides = array<i32>} : memref<32x1024xf32, #tpu.memory_space<vmem>>, vector<1x16xf32>,
      %get3A_934 = vector.shape_cast %get3A_933 : vector<1x16xf32> to vector<16xf32>
      %mul3A_935 = arith.mulf %get3A_79, %get3A_934 : vector<16xf32>
      %get3A_936 = arith.index_cast %scan3A_75 : i32 to index
      %get3A_937 = arith.constant 848 : index
      %get3A_938 = tpu.vector_load %arg13[%get3A_936, %get3A_937] {strides = array<i32>} : memref<32x1024xf32, #tpu.memory_space<vmem>>, vector<1x16xf32>,
      %get3A_939 = vector.shape_cast %get3A_938 : vector<1x16xf32> to vector<16xf32>
      %mul3A_940 = arith.mulf %get3A_83, %get3A_939 : vector<16xf32>
      %add3A_941 = arith.addf %mul3A_935, %mul3A_940 : vector<16xf32>
      %swap3A_942 = arith.index_cast %scan3A_75 : i32 to index
      %swap3A_943 = arith.constant 848 : index
      %swap3A_944 = tpu.vector_load %arg12[%swap3A_942, %swap3A_943] {strides = array<i32>} : memref<32x1024xf32, #tpu.memory_space<vmem>>, vector<1x16xf32>,
      %swap3A_945 = vector.shape_cast %swap3A_944 : vector<1x16xf32> to vector<16xf32>
      %swap3A_946 = vector.shape_cast %add3A_941 : vector<16xf32> to vector<1x16xf32>
      tpu.vector_store %arg12[%swap3A_942, %swap3A_943], %swap3A_946 {strides = array<i32>} : memref<32x1024xf32, #tpu.memory_space<vmem>>, vector<1x16xf32>,
      %get3A_947 = arith.index_cast %scan3A_75 : i32 to index
      %get3A_948 = arith.constant 864 : index
      %get3A_949 = tpu.vector_load %arg12[%get3A_947, %get3A_948] {strides = array<i32>} : memref<32x1024xf32, #tpu.memory_space<vmem>>, vector<1x16xf32>,
      %get3A_950 = vector.shape_cast %get3A_949 : vector<1x16xf32> to vector<16xf32>
      %mul3A_951 = arith.mulf %get3A_79, %get3A_950 : vector<16xf32>
      %get3A_952 = arith.index_cast %scan3A_75 : i32 to index
      %get3A_953 = arith.constant 864 : index
      %get3A_954 = tpu.vector_load %arg13[%get3A_952, %get3A_953] {strides = array<i32>} : memref<32x1024xf32, #tpu.memory_space<vmem>>, vector<1x16xf32>,
      %get3A_955 = vector.shape_cast %get3A_954 : vector<1x16xf32> to vector<16xf32>
      %mul3A_956 = arith.mulf %get3A_83, %get3A_955 : vector<16xf32>
      %add3A_957 = arith.addf %mul3A_951, %mul3A_956 : vector<16xf32>
      %swap3A_958 = arith.index_cast %scan3A_75 : i32 to index
      %swap3A_959 = arith.constant 864 : index
      %swap3A_960 = tpu.vector_load %arg12[%swap3A_958, %swap3A_959] {strides = array<i32>} : memref<32x1024xf32, #tpu.memory_space<vmem>>, vector<1x16xf32>,
      %swap3A_961 = vector.shape_cast %swap3A_960 : vector<1x16xf32> to vector<16xf32>
      %swap3A_962 = vector.shape_cast %add3A_957 : vector<16xf32> to vector<1x16xf32>
      tpu.vector_store %arg12[%swap3A_958, %swap3A_959], %swap3A_962 {strides = array<i32>} : memref<32x1024xf32, #tpu.memory_space<vmem>>, vector<1x16xf32>,
      %get3A_963 = arith.index_cast %scan3A_75 : i32 to index
      %get3A_964 = arith.constant 880 : index
      %get3A_965 = tpu.vector_load %arg12[%get3A_963, %get3A_964] {strides = array<i32>} : memref<32x1024xf32, #tpu.memory_space<vmem>>, vector<1x16xf32>,
      %get3A_966 = vector.shape_cast %get3A_965 : vector<1x16xf32> to vector<16xf32>
      %mul3A_967 = arith.mulf %get3A_79, %get3A_966 : vector<16xf32>
      %get3A_968 = arith.index_cast %scan3A_75 : i32 to index
      %get3A_969 = arith.constant 880 : index
      %get3A_970 = tpu.vector_load %arg13[%get3A_968, %get3A_969] {strides = array<i32>} : memref<32x1024xf32, #tpu.memory_space<vmem>>, vector<1x16xf32>,
      %get3A_971 = vector.shape_cast %get3A_970 : vector<1x16xf32> to vector<16xf32>
      %mul3A_972 = arith.mulf %get3A_83, %get3A_971 : vector<16xf32>
      %add3A_973 = arith.addf %mul3A_967, %mul3A_972 : vector<16xf32>
      %swap3A_974 = arith.index_cast %scan3A_75 : i32 to index
      %swap3A_975 = arith.constant 880 : index
      %swap3A_976 = tpu.vector_load %arg12[%swap3A_974, %swap3A_975] {strides = array<i32>} : memref<32x1024xf32, #tpu.memory_space<vmem>>, vector<1x16xf32>,
      %swap3A_977 = vector.shape_cast %swap3A_976 : vector<1x16xf32> to vector<16xf32>
      %swap3A_978 = vector.shape_cast %add3A_973 : vector<16xf32> to vector<1x16xf32>
      tpu.vector_store %arg12[%swap3A_974, %swap3A_975], %swap3A_978 {strides = array<i32>} : memref<32x1024xf32, #tpu.memory_space<vmem>>, vector<1x16xf32>,
      %get3A_979 = arith.index_cast %scan3A_75 : i32 to index
      %get3A_980 = arith.constant 896 : index
      %get3A_981 = tpu.vector_load %arg12[%get3A_979, %get3A_980] {strides = array<i32>} : memref<32x1024xf32, #tpu.memory_space<vmem>>, vector<1x16xf32>,
      %get3A_982 = vector.shape_cast %get3A_981 : vector<1x16xf32> to vector<16xf32>
      %mul3A_983 = arith.mulf %get3A_79, %get3A_982 : vector<16xf32>
      %get3A_984 = arith.index_cast %scan3A_75 : i32 to index
      %get3A_985 = arith.constant 896 : index
      %get3A_986 = tpu.vector_load %arg13[%get3A_984, %get3A_985] {strides = array<i32>} : memref<32x1024xf32, #tpu.memory_space<vmem>>, vector<1x16xf32>,
      %get3A_987 = vector.shape_cast %get3A_986 : vector<1x16xf32> to vector<16xf32>
      %mul3A_988 = arith.mulf %get3A_83, %get3A_987 : vector<16xf32>
      %add3A_989 = arith.addf %mul3A_983, %mul3A_988 : vector<16xf32>
      %swap3A_990 = arith.index_cast %scan3A_75 : i32 to index
      %swap3A_991 = arith.constant 896 : index
      %swap3A_992 = tpu.vector_load %arg12[%swap3A_990, %swap3A_991] {strides = array<i32>} : memref<32x1024xf32, #tpu.memory_space<vmem>>, vector<1x16xf32>,
      %swap3A_993 = vector.shape_cast %swap3A_992 : vector<1x16xf32> to vector<16xf32>
      %swap3A_994 = vector.shape_cast %add3A_989 : vector<16xf32> to vector<1x16xf32>
      tpu.vector_store %arg12[%swap3A_990, %swap3A_991], %swap3A_994 {strides = array<i32>} : memref<32x1024xf32, #tpu.memory_space<vmem>>, vector<1x16xf32>,
      %get3A_995 = arith.index_cast %scan3A_75 : i32 to index
      %get3A_996 = arith.constant 912 : index
      %get3A_997 = tpu.vector_load %arg12[%get3A_995, %get3A_996] {strides = array<i32>} : memref<32x1024xf32, #tpu.memory_space<vmem>>, vector<1x16xf32>,
      %get3A_998 = vector.shape_cast %get3A_997 : vector<1x16xf32> to vector<16xf32>
      %mul3A_999 = arith.mulf %get3A_79, %get3A_998 : vector<16xf32>
      %get3A_1000 = arith.index_cast %scan3A_75 : i32 to index
      %get3A_1001 = arith.constant 912 : index
      %get3A_1002 = tpu.vector_load %arg13[%get3A_1000, %get3A_1001] {strides = array<i32>} : memref<32x1024xf32, #tpu.memory_space<vmem>>, vector<1x16xf32>,
      %get3A_1003 = vector.shape_cast %get3A_1002 : vector<1x16xf32> to vector<16xf32>
      %mul3A_1004 = arith.mulf %get3A_83, %get3A_1003 : vector<16xf32>
      %add3A_1005 = arith.addf %mul3A_999, %mul3A_1004 : vector<16xf32>
      %swap3A_1006 = arith.index_cast %scan3A_75 : i32 to index
      %swap3A_1007 = arith.constant 912 : index
      %swap3A_1008 = tpu.vector_load %arg12[%swap3A_1006, %swap3A_1007] {strides = array<i32>} : memref<32x1024xf32, #tpu.memory_space<vmem>>, vector<1x16xf32>,
      %swap3A_1009 = vector.shape_cast %swap3A_1008 : vector<1x16xf32> to vector<16xf32>
      %swap3A_1010 = vector.shape_cast %add3A_1005 : vector<16xf32> to vector<1x16xf32>
      tpu.vector_store %arg12[%swap3A_1006, %swap3A_1007], %swap3A_1010 {strides = array<i32>} : memref<32x1024xf32, #tpu.memory_space<vmem>>, vector<1x16xf32>,
      %get3A_1011 = arith.index_cast %scan3A_75 : i32 to index
      %get3A_1012 = arith.constant 928 : index
      %get3A_1013 = tpu.vector_load %arg12[%get3A_1011, %get3A_1012] {strides = array<i32>} : memref<32x1024xf32, #tpu.memory_space<vmem>>, vector<1x16xf32>,
      %get3A_1014 = vector.shape_cast %get3A_1013 : vector<1x16xf32> to vector<16xf32>
      %mul3A_1015 = arith.mulf %get3A_79, %get3A_1014 : vector<16xf32>
      %get3A_1016 = arith.index_cast %scan3A_75 : i32 to index
      %get3A_1017 = arith.constant 928 : index
      %get3A_1018 = tpu.vector_load %arg13[%get3A_1016, %get3A_1017] {strides = array<i32>} : memref<32x1024xf32, #tpu.memory_space<vmem>>, vector<1x16xf32>,
      %get3A_1019 = vector.shape_cast %get3A_1018 : vector<1x16xf32> to vector<16xf32>
      %mul3A_1020 = arith.mulf %get3A_83, %get3A_1019 : vector<16xf32>
      %add3A_1021 = arith.addf %mul3A_1015, %mul3A_1020 : vector<16xf32>
      %swap3A_1022 = arith.index_cast %scan3A_75 : i32 to index
      %swap3A_1023 = arith.constant 928 : index
      %swap3A_1024 = tpu.vector_load %arg12[%swap3A_1022, %swap3A_1023] {strides = array<i32>} : memref<32x1024xf32, #tpu.memory_space<vmem>>, vector<1x16xf32>,
      %swap3A_1025 = vector.shape_cast %swap3A_1024 : vector<1x16xf32> to vector<16xf32>
      %swap3A_1026 = vector.shape_cast %add3A_1021 : vector<16xf32> to vector<1x16xf32>
      tpu.vector_store %arg12[%swap3A_1022, %swap3A_1023], %swap3A_1026 {strides = array<i32>} : memref<32x1024xf32, #tpu.memory_space<vmem>>, vector<1x16xf32>,
      %get3A_1027 = arith.index_cast %scan3A_75 : i32 to index
      %get3A_1028 = arith.constant 944 : index
      %get3A_1029 = tpu.vector_load %arg12[%get3A_1027, %get3A_1028] {strides = array<i32>} : memref<32x1024xf32, #tpu.memory_space<vmem>>, vector<1x16xf32>,
      %get3A_1030 = vector.shape_cast %get3A_1029 : vector<1x16xf32> to vector<16xf32>
      %mul3A_1031 = arith.mulf %get3A_79, %get3A_1030 : vector<16xf32>
      %get3A_1032 = arith.index_cast %scan3A_75 : i32 to index
      %get3A_1033 = arith.constant 944 : index
      %get3A_1034 = tpu.vector_load %arg13[%get3A_1032, %get3A_1033] {strides = array<i32>} : memref<32x1024xf32, #tpu.memory_space<vmem>>, vector<1x16xf32>,
      %get3A_1035 = vector.shape_cast %get3A_1034 : vector<1x16xf32> to vector<16xf32>
      %mul3A_1036 = arith.mulf %get3A_83, %get3A_1035 : vector<16xf32>
      %add3A_1037 = arith.addf %mul3A_1031, %mul3A_1036 : vector<16xf32>
      %swap3A_1038 = arith.index_cast %scan3A_75 : i32 to index
      %swap3A_1039 = arith.constant 944 : index
      %swap3A_1040 = tpu.vector_load %arg12[%swap3A_1038, %swap3A_1039] {strides = array<i32>} : memref<32x1024xf32, #tpu.memory_space<vmem>>, vector<1x16xf32>,
      %swap3A_1041 = vector.shape_cast %swap3A_1040 : vector<1x16xf32> to vector<16xf32>
      %swap3A_1042 = vector.shape_cast %add3A_1037 : vector<16xf32> to vector<1x16xf32>
      tpu.vector_store %arg12[%swap3A_1038, %swap3A_1039], %swap3A_1042 {strides = array<i32>} : memref<32x1024xf32, #tpu.memory_space<vmem>>, vector<1x16xf32>,
      %get3A_1043 = arith.index_cast %scan3A_75 : i32 to index
      %get3A_1044 = arith.constant 960 : index
      %get3A_1045 = tpu.vector_load %arg12[%get3A_1043, %get3A_1044] {strides = array<i32>} : memref<32x1024xf32, #tpu.memory_space<vmem>>, vector<1x16xf32>,
      %get3A_1046 = vector.shape_cast %get3A_1045 : vector<1x16xf32> to vector<16xf32>
      %mul3A_1047 = arith.mulf %get3A_79, %get3A_1046 : vector<16xf32>
      %get3A_1048 = arith.index_cast %scan3A_75 : i32 to index
      %get3A_1049 = arith.constant 960 : index
      %get3A_1050 = tpu.vector_load %arg13[%get3A_1048, %get3A_1049] {strides = array<i32>} : memref<32x1024xf32, #tpu.memory_space<vmem>>, vector<1x16xf32>,
      %get3A_1051 = vector.shape_cast %get3A_1050 : vector<1x16xf32> to vector<16xf32>
      %mul3A_1052 = arith.mulf %get3A_83, %get3A_1051 : vector<16xf32>
      %add3A_1053 = arith.addf %mul3A_1047, %mul3A_1052 : vector<16xf32>
      %swap3A_1054 = arith.index_cast %scan3A_75 : i32 to index
      %swap3A_1055 = arith.constant 960 : index
      %swap3A_1056 = tpu.vector_load %arg12[%swap3A_1054, %swap3A_1055] {strides = array<i32>} : memref<32x1024xf32, #tpu.memory_space<vmem>>, vector<1x16xf32>,
      %swap3A_1057 = vector.shape_cast %swap3A_1056 : vector<1x16xf32> to vector<16xf32>
      %swap3A_1058 = vector.shape_cast %add3A_1053 : vector<16xf32> to vector<1x16xf32>
      tpu.vector_store %arg12[%swap3A_1054, %swap3A_1055], %swap3A_1058 {strides = array<i32>} : memref<32x1024xf32, #tpu.memory_space<vmem>>, vector<1x16xf32>,
      %get3A_1059 = arith.index_cast %scan3A_75 : i32 to index
      %get3A_1060 = arith.constant 976 : index
      %get3A_1061 = tpu.vector_load %arg12[%get3A_1059, %get3A_1060] {strides = array<i32>} : memref<32x1024xf32, #tpu.memory_space<vmem>>, vector<1x16xf32>,
      %get3A_1062 = vector.shape_cast %get3A_1061 : vector<1x16xf32> to vector<16xf32>
      %mul3A_1063 = arith.mulf %get3A_79, %get3A_1062 : vector<16xf32>
      %get3A_1064 = arith.index_cast %scan3A_75 : i32 to index
      %get3A_1065 = arith.constant 976 : index
      %get3A_1066 = tpu.vector_load %arg13[%get3A_1064, %get3A_1065] {strides = array<i32>} : memref<32x1024xf32, #tpu.memory_space<vmem>>, vector<1x16xf32>,
      %get3A_1067 = vector.shape_cast %get3A_1066 : vector<1x16xf32> to vector<16xf32>
      %mul3A_1068 = arith.mulf %get3A_83, %get3A_1067 : vector<16xf32>
      %add3A_1069 = arith.addf %mul3A_1063, %mul3A_1068 : vector<16xf32>
      %swap3A_1070 = arith.index_cast %scan3A_75 : i32 to index
      %swap3A_1071 = arith.constant 976 : index
      %swap3A_1072 = tpu.vector_load %arg12[%swap3A_1070, %swap3A_1071] {strides = array<i32>} : memref<32x1024xf32, #tpu.memory_space<vmem>>, vector<1x16xf32>,
      %swap3A_1073 = vector.shape_cast %swap3A_1072 : vector<1x16xf32> to vector<16xf32>
      %swap3A_1074 = vector.shape_cast %add3A_1069 : vector<16xf32> to vector<1x16xf32>
      tpu.vector_store %arg12[%swap3A_1070, %swap3A_1071], %swap3A_1074 {strides = array<i32>} : memref<32x1024xf32, #tpu.memory_space<vmem>>, vector<1x16xf32>,
      %get3A_1075 = arith.index_cast %scan3A_75 : i32 to index
      %get3A_1076 = arith.constant 992 : index
      %get3A_1077 = tpu.vector_load %arg12[%get3A_1075, %get3A_1076] {strides = array<i32>} : memref<32x1024xf32, #tpu.memory_space<vmem>>, vector<1x16xf32>,
      %get3A_1078 = vector.shape_cast %get3A_1077 : vector<1x16xf32> to vector<16xf32>
      %mul3A_1079 = arith.mulf %get3A_79, %get3A_1078 : vector<16xf32>
      %get3A_1080 = arith.index_cast %scan3A_75 : i32 to index
      %get3A_1081 = arith.constant 992 : index
      %get3A_1082 = tpu.vector_load %arg13[%get3A_1080, %get3A_1081] {strides = array<i32>} : memref<32x1024xf32, #tpu.memory_space<vmem>>, vector<1x16xf32>,
      %get3A_1083 = vector.shape_cast %get3A_1082 : vector<1x16xf32> to vector<16xf32>
      %mul3A_1084 = arith.mulf %get3A_83, %get3A_1083 : vector<16xf32>
      %add3A_1085 = arith.addf %mul3A_1079, %mul3A_1084 : vector<16xf32>
      %swap3A_1086 = arith.index_cast %scan3A_75 : i32 to index
      %swap3A_1087 = arith.constant 992 : index
      %swap3A_1088 = tpu.vector_load %arg12[%swap3A_1086, %swap3A_1087] {strides = array<i32>} : memref<32x1024xf32, #tpu.memory_space<vmem>>, vector<1x16xf32>,
      %swap3A_1089 = vector.shape_cast %swap3A_1088 : vector<1x16xf32> to vector<16xf32>
      %swap3A_1090 = vector.shape_cast %add3A_1085 : vector<16xf32> to vector<1x16xf32>
      tpu.vector_store %arg12[%swap3A_1086, %swap3A_1087], %swap3A_1090 {strides = array<i32>} : memref<32x1024xf32, #tpu.memory_space<vmem>>, vector<1x16xf32>,
      %get3A_1091 = arith.index_cast %scan3A_75 : i32 to index
      %get3A_1092 = arith.constant 1008 : index
      %get3A_1093 = tpu.vector_load %arg12[%get3A_1091, %get3A_1092] {strides = array<i32>} : memref<32x1024xf32, #tpu.memory_space<vmem>>, vector<1x16xf32>,
      %get3A_1094 = vector.shape_cast %get3A_1093 : vector<1x16xf32> to vector<16xf32>
      %mul3A_1095 = arith.mulf %get3A_79, %get3A_1094 : vector<16xf32>
      %get3A_1096 = arith.index_cast %scan3A_75 : i32 to index
      %get3A_1097 = arith.constant 1008 : index
      %get3A_1098 = tpu.vector_load %arg13[%get3A_1096, %get3A_1097] {strides = array<i32>} : memref<32x1024xf32, #tpu.memory_space<vmem>>, vector<1x16xf32>,
      %get3A_1099 = vector.shape_cast %get3A_1098 : vector<1x16xf32> to vector<16xf32>
      %mul3A_1100 = arith.mulf %get3A_83, %get3A_1099 : vector<16xf32>
      %add3A_1101 = arith.addf %mul3A_1095, %mul3A_1100 : vector<16xf32>
      %swap3A_1102 = arith.index_cast %scan3A_75 : i32 to index
      %swap3A_1103 = arith.constant 1008 : index
      %swap3A_1104 = tpu.vector_load %arg12[%swap3A_1102, %swap3A_1103] {strides = array<i32>} : memref<32x1024xf32, #tpu.memory_space<vmem>>, vector<1x16xf32>,
      %swap3A_1105 = vector.shape_cast %swap3A_1104 : vector<1x16xf32> to vector<16xf32>
      %swap3A_1106 = vector.shape_cast %add3A_1101 : vector<16xf32> to vector<1x16xf32>
      tpu.vector_store %arg12[%swap3A_1102, %swap3A_1103], %swap3A_1106 {strides = array<i32>} : memref<32x1024xf32, #tpu.memory_space<vmem>>, vector<1x16xf32>,
      %scan3A_1107 = arith.constant 0 : i32
      scf.yield %scan3A_1107 : i32
    }
    %scan3A_27 = arith.constant 32 : i32
    %mul3A_28 = arith.constant 16 : i32
    %mul3A_29 = arith.muli %arg0, %mul3A_28 : i32
    %add3A_30 = arith.addi %mul3A_29, %arg1 : i32
    %mul3A_31 = arith.constant 64 : i32
    %mul3A_32 = arith.muli %add3A_30, %mul3A_31 : i32
    %add3A_33 = arith.constant 0 : i32
    %add3A_34 = arith.addi %mul3A_32, %add3A_33 : i32
    "tpu.region"() ({
      %run_scoped3A = tpu.sem_alloc : memref<!tpu.dma_semaphore, #tpu.memory_space<semaphore_mem>>
      %dma_start3A_75 = arith.constant 0 : i32
      %dma_start3A_76 = tpu.memref_slice %arg7[%add3A_34, %dma_start3A_75] : memref<2048x1024xf32, #tpu.memory_space<hbm>> -> memref<32x1024xf32, #tpu.memory_space<hbm>>
      %dma_start3A_77 = arith.constant 0 : i32
      %dma_start3A_78 = tpu.memref_slice %arg7[%add3A_34, %dma_start3A_77] : memref<2048x1024xf32, #tpu.memory_space<hbm>> -> memref<32x1024xf32, #tpu.memory_space<hbm>>
      tpu.enqueue_dma source(%arg12 : memref<32x1024xf32, #tpu.memory_space<vmem>>) target(%dma_start3A_78 : memref<32x1024xf32, #tpu.memory_space<hbm>>) target_semaphore(%run_scoped3A : memref<!tpu.dma_semaphore, #tpu.memory_space<semaphore_mem>>)
      %dma_wait3A_79 = arith.constant 0 : i32
      %dma_wait3A_80 = tpu.memref_slice %arg7[%add3A_34, %dma_wait3A_79] : memref<2048x1024xf32, #tpu.memory_space<hbm>> -> memref<32x1024xf32, #tpu.memory_space<hbm>>
      %dma_wait3A_81 = arith.constant 0 : i32
      %dma_wait3A_82 = tpu.memref_slice %arg7[%add3A_34, %dma_wait3A_81] : memref<2048x1024xf32, #tpu.memory_space<hbm>> -> memref<32x1024xf32, #tpu.memory_space<hbm>>
      tpu.wait_dma2 semaphore(%run_scoped3A : memref<!tpu.dma_semaphore, #tpu.memory_space<semaphore_mem>>) src(%arg12 : memref<32x1024xf32, #tpu.memory_space<vmem>>) dst(%dma_wait3A_82 : memref<32x1024xf32, #tpu.memory_space<hbm>>)
      tpu.yield
    }) : () -> ()
    %mul3A_35 = arith.constant 16 : i32
    %mul3A_36 = arith.muli %arg0, %mul3A_35 : i32
    %add3A_37 = arith.addi %mul3A_36, %arg1 : i32
    %mul3A_38 = arith.constant 2 : i32
    %mul3A_39 = arith.muli %add3A_37, %mul3A_38 : i32
    %add3A_40 = arith.constant 1 : i32
    %add3A_41 = arith.addi %mul3A_39, %add3A_40 : i32
    "tpu.region"() ({
      %run_scoped3A = tpu.sem_alloc : memref<!tpu.dma_semaphore, #tpu.memory_space<semaphore_mem>>
      %dma_start3A_75 = arith.constant 0 : i32
      %dma_start3A_76 = tpu.memref_slice %arg3[%add3A_41, %dma_start3A_75] : memref<64x32xi32, #tpu.memory_space<hbm>> -> memref<1x32xi32, #tpu.memory_space<hbm>>
      %dma_start3A_77 = tpu.memref_squeeze %dma_start3A_76 : memref<1x32xi32, #tpu.memory_space<hbm>> -> memref<32xi32, #tpu.memory_space<hbm>>
      %dma_start3A_78 = arith.constant 0 : i32
      %dma_start3A_79 = tpu.memref_slice %arg3[%add3A_41, %dma_start3A_78] : memref<64x32xi32, #tpu.memory_space<hbm>> -> memref<1x32xi32, #tpu.memory_space<hbm>>
      %dma_start3A_80 = tpu.memref_squeeze %dma_start3A_79 : memref<1x32xi32, #tpu.memory_space<hbm>> -> memref<32xi32, #tpu.memory_space<hbm>>
      tpu.enqueue_dma source(%dma_start3A_80 : memref<32xi32, #tpu.memory_space<hbm>>) target(%arg8 : memref<32xi32, #tpu.memory_space<vmem>>) target_semaphore(%run_scoped3A : memref<!tpu.dma_semaphore, #tpu.memory_space<semaphore_mem>>)
      %dma_wait3A_81 = arith.constant 0 : i32
      %dma_wait3A_82 = tpu.memref_slice %arg3[%add3A_41, %dma_wait3A_81] : memref<64x32xi32, #tpu.memory_space<hbm>> -> memref<1x32xi32, #tpu.memory_space<hbm>>
      %dma_wait3A_83 = tpu.memref_squeeze %dma_wait3A_82 : memref<1x32xi32, #tpu.memory_space<hbm>> -> memref<32xi32, #tpu.memory_space<hbm>>
      %dma_wait3A_84 = arith.constant 0 : i32
      %dma_wait3A_85 = tpu.memref_slice %arg3[%add3A_41, %dma_wait3A_84] : memref<64x32xi32, #tpu.memory_space<hbm>> -> memref<1x32xi32, #tpu.memory_space<hbm>>
      %dma_wait3A_86 = tpu.memref_squeeze %dma_wait3A_85 : memref<1x32xi32, #tpu.memory_space<hbm>> -> memref<32xi32, #tpu.memory_space<hbm>>
      tpu.wait_dma2 semaphore(%run_scoped3A : memref<!tpu.dma_semaphore, #tpu.memory_space<semaphore_mem>>) src(%dma_wait3A_86 : memref<32xi32, #tpu.memory_space<hbm>>) dst(%arg8 : memref<32xi32, #tpu.memory_space<vmem>>)
      tpu.yield
    }) : () -> ()
    "tpu.region"() ({
      %run_scoped3A = tpu.sem_alloc : memref<!tpu.dma_semaphore, #tpu.memory_space<semaphore_mem>>
      %dma_start3A_75 = arith.constant 0 : i32
      %dma_start3A_76 = tpu.memref_slice %arg4[%add3A_41, %dma_start3A_75] : memref<64x32xi32, #tpu.memory_space<hbm>> -> memref<1x32xi32, #tpu.memory_space<hbm>>
      %dma_start3A_77 = tpu.memref_squeeze %dma_start3A_76 : memref<1x32xi32, #tpu.memory_space<hbm>> -> memref<32xi32, #tpu.memory_space<hbm>>
      %dma_start3A_78 = arith.constant 0 : i32
      %dma_start3A_79 = tpu.memref_slice %arg4[%add3A_41, %dma_start3A_78] : memref<64x32xi32, #tpu.memory_space<hbm>> -> memref<1x32xi32, #tpu.memory_space<hbm>>
      %dma_start3A_80 = tpu.memref_squeeze %dma_start3A_79 : memref<1x32xi32, #tpu.memory_space<hbm>> -> memref<32xi32, #tpu.memory_space<hbm>>
      tpu.enqueue_dma source(%dma_start3A_80 : memref<32xi32, #tpu.memory_space<hbm>>) target(%arg9 : memref<32xi32, #tpu.memory_space<vmem>>) target_semaphore(%run_scoped3A : memref<!tpu.dma_semaphore, #tpu.memory_space<semaphore_mem>>)
      %dma_wait3A_81 = arith.constant 0 : i32
      %dma_wait3A_82 = tpu.memref_slice %arg4[%add3A_41, %dma_wait3A_81] : memref<64x32xi32, #tpu.memory_space<hbm>> -> memref<1x32xi32, #tpu.memory_space<hbm>>
      %dma_wait3A_83 = tpu.memref_squeeze %dma_wait3A_82 : memref<1x32xi32, #tpu.memory_space<hbm>> -> memref<32xi32, #tpu.memory_space<hbm>>
      %dma_wait3A_84 = arith.constant 0 : i32
      %dma_wait3A_85 = tpu.memref_slice %arg4[%add3A_41, %dma_wait3A_84] : memref<64x32xi32, #tpu.memory_space<hbm>> -> memref<1x32xi32, #tpu.memory_space<hbm>>
      %dma_wait3A_86 = tpu.memref_squeeze %dma_wait3A_85 : memref<1x32xi32, #tpu.memory_space<hbm>> -> memref<32xi32, #tpu.memory_space<hbm>>
      tpu.wait_dma2 semaphore(%run_scoped3A : memref<!tpu.dma_semaphore, #tpu.memory_space<semaphore_mem>>) src(%dma_wait3A_86 : memref<32xi32, #tpu.memory_space<hbm>>) dst(%arg9 : memref<32xi32, #tpu.memory_space<vmem>>)
      tpu.yield
    }) : () -> ()
    %mul3A_42 = arith.constant 16 : i32
    %mul3A_43 = arith.muli %arg0, %mul3A_42 : i32
    %add3A_44 = arith.addi %mul3A_43, %arg1 : i32
    %mul3A_45 = arith.constant 64 : i32
    %mul3A_46 = arith.muli %add3A_44, %mul3A_45 : i32
    %add3A_47 = arith.constant 32 : i32
    %add3A_48 = arith.addi %mul3A_46, %add3A_47 : i32
    "tpu.region"() ({
      %run_scoped3A = tpu.sem_alloc : memref<!tpu.dma_semaphore, #tpu.memory_space<semaphore_mem>>
      %dma_start3A_75 = arith.constant 0 : i32
      %dma_start3A_76 = tpu.memref_slice %arg5[%add3A_48, %dma_start3A_75] : memref<2048x16xf32, #tpu.memory_space<hbm>> -> memref<32x16xf32, #tpu.memory_space<hbm>>
      %dma_start3A_77 = arith.constant 0 : i32
      %dma_start3A_78 = tpu.memref_slice %arg5[%add3A_48, %dma_start3A_77] : memref<2048x16xf32, #tpu.memory_space<hbm>> -> memref<32x16xf32, #tpu.memory_space<hbm>>
      tpu.enqueue_dma source(%dma_start3A_78 : memref<32x16xf32, #tpu.memory_space<hbm>>) target(%arg10 : memref<32x16xf32, #tpu.memory_space<vmem>>) target_semaphore(%run_scoped3A : memref<!tpu.dma_semaphore, #tpu.memory_space<semaphore_mem>>)
      %dma_wait3A_79 = arith.constant 0 : i32
      %dma_wait3A_80 = tpu.memref_slice %arg5[%add3A_48, %dma_wait3A_79] : memref<2048x16xf32, #tpu.memory_space<hbm>> -> memref<32x16xf32, #tpu.memory_space<hbm>>
      %dma_wait3A_81 = arith.constant 0 : i32
      %dma_wait3A_82 = tpu.memref_slice %arg5[%add3A_48, %dma_wait3A_81] : memref<2048x16xf32, #tpu.memory_space<hbm>> -> memref<32x16xf32, #tpu.memory_space<hbm>>
      tpu.wait_dma2 semaphore(%run_scoped3A : memref<!tpu.dma_semaphore, #tpu.memory_space<semaphore_mem>>) src(%dma_wait3A_82 : memref<32x16xf32, #tpu.memory_space<hbm>>) dst(%arg10 : memref<32x16xf32, #tpu.memory_space<vmem>>)
      tpu.yield
    }) : () -> ()
    "tpu.region"() ({
      %run_scoped3A = tpu.sem_alloc : memref<!tpu.dma_semaphore, #tpu.memory_space<semaphore_mem>>
      %dma_start3A_75 = arith.constant 0 : i32
      %dma_start3A_76 = tpu.memref_slice %arg6[%add3A_48, %dma_start3A_75] : memref<2048x16xf32, #tpu.memory_space<hbm>> -> memref<32x16xf32, #tpu.memory_space<hbm>>
      %dma_start3A_77 = arith.constant 0 : i32
      %dma_start3A_78 = tpu.memref_slice %arg6[%add3A_48, %dma_start3A_77] : memref<2048x16xf32, #tpu.memory_space<hbm>> -> memref<32x16xf32, #tpu.memory_space<hbm>>
      tpu.enqueue_dma source(%dma_start3A_78 : memref<32x16xf32, #tpu.memory_space<hbm>>) target(%arg11 : memref<32x16xf32, #tpu.memory_space<vmem>>) target_semaphore(%run_scoped3A : memref<!tpu.dma_semaphore, #tpu.memory_space<semaphore_mem>>)
      %dma_wait3A_79 = arith.constant 0 : i32
      %dma_wait3A_80 = tpu.memref_slice %arg6[%add3A_48, %dma_wait3A_79] : memref<2048x16xf32, #tpu.memory_space<hbm>> -> memref<32x16xf32, #tpu.memory_space<hbm>>
      %dma_wait3A_81 = arith.constant 0 : i32
      %dma_wait3A_82 = tpu.memref_slice %arg6[%add3A_48, %dma_wait3A_81] : memref<2048x16xf32, #tpu.memory_space<hbm>> -> memref<32x16xf32, #tpu.memory_space<hbm>>
      tpu.wait_dma2 semaphore(%run_scoped3A : memref<!tpu.dma_semaphore, #tpu.memory_space<semaphore_mem>>) src(%dma_wait3A_82 : memref<32x16xf32, #tpu.memory_space<hbm>>) dst(%arg11 : memref<32x16xf32, #tpu.memory_space<vmem>>)
      tpu.yield
    }) : () -> ()
    %dma_start3A_49 = arith.constant 0 : i32
    %dma_start3A_50 = arith.constant 0 : i32
    %dma_start3A_51 = tpu.memref_slice %arg2[%dma_start3A_49, %dma_start3A_50] : memref<6144x1024xf32, #tpu.memory_space<hbm>> -> memref<6144x1024xf32, #tpu.memory_space<hbm>>
    tpu.enqueue_indirect_dma source(%dma_start3A_51 : memref<6144x1024xf32, #tpu.memory_space<hbm>>) target(%arg12 : memref<32x1024xf32, #tpu.memory_space<vmem>>) offsets(%arg8 : memref<32xi32, #tpu.memory_space<vmem>>) semaphore(%arg14 : memref<!tpu.dma_semaphore, #tpu.memory_space<semaphore_mem>>)
    %dma_start3A_52 = arith.constant 0 : i32
    %dma_start3A_53 = arith.constant 0 : i32
    %dma_start3A_54 = tpu.memref_slice %arg2[%dma_start3A_52, %dma_start3A_53] : memref<6144x1024xf32, #tpu.memory_space<hbm>> -> memref<6144x1024xf32, #tpu.memory_space<hbm>>
    tpu.enqueue_indirect_dma source(%dma_start3A_54 : memref<6144x1024xf32, #tpu.memory_space<hbm>>) target(%arg13 : memref<32x1024xf32, #tpu.memory_space<vmem>>) offsets(%arg9 : memref<32xi32, #tpu.memory_space<vmem>>) semaphore(%arg14 : memref<!tpu.dma_semaphore, #tpu.memory_space<semaphore_mem>>)
    %dma_wait3A_55 = arith.constant 0 : i32
    %dma_wait3A_56 = arith.constant 0 : i32
    %dma_wait3A_57 = tpu.memref_slice %arg2[%dma_wait3A_55, %dma_wait3A_56] : memref<6144x1024xf32, #tpu.memory_space<hbm>> -> memref<6144x1024xf32, #tpu.memory_space<hbm>>
    tpu.wait_indirect_dma semaphore(%arg14 : memref<!tpu.dma_semaphore, #tpu.memory_space<semaphore_mem>>) src(%dma_wait3A_57 : memref<6144x1024xf32, #tpu.memory_space<hbm>>) dst(%arg12 : memref<32x1024xf32, #tpu.memory_space<vmem>>)
    %dma_wait3A_58 = arith.constant 0 : i32
    %dma_wait3A_59 = arith.constant 0 : i32
    %dma_wait3A_60 = tpu.memref_slice %arg2[%dma_wait3A_58, %dma_wait3A_59] : memref<6144x1024xf32, #tpu.memory_space<hbm>> -> memref<6144x1024xf32, #tpu.memory_space<hbm>>
    tpu.wait_indirect_dma semaphore(%arg14 : memref<!tpu.dma_semaphore, #tpu.memory_space<semaphore_mem>>) src(%dma_wait3A_60 : memref<6144x1024xf32, #tpu.memory_space<hbm>>) dst(%arg13 : memref<32x1024xf32, #tpu.memory_space<vmem>>)
    %scan3A_61 = arith.constant 0 : i32
    %scan3A_62 = arith.constant 0 : i32
    %scan3A_63 = arith.constant 32 : i32
    %scan3A_64 = arith.addi %scan3A_62, %scan3A_63 : i32
    %scan3A_65 = arith.constant 1 : i32
    %scan3A_66 = scf.for %scan3A_75 = %scan3A_62 to %scan3A_64 step %scan3A_65 iter_args(%scan3A_76 = %scan3A_61) -> (i32)  : i32 {
      %get3A = arith.index_cast %scan3A_75 : i32 to index
      %get3A_77 = arith.constant 0 : index
      %get3A_78 = tpu.vector_load %arg10[%get3A, %get3A_77] {strides = array<i32>} : memref<32x16xf32, #tpu.memory_space<vmem>>, vector<1x16xf32>,
      %get3A_79 = vector.shape_cast %get3A_78 : vector<1x16xf32> to vector<16xf32>
      %get3A_80 = arith.index_cast %scan3A_75 : i32 to index
      %get3A_81 = arith.constant 0 : index
      %get3A_82 = tpu.vector_load %arg11[%get3A_80, %get3A_81] {strides = array<i32>} : memref<32x16xf32, #tpu.memory_space<vmem>>, vector<1x16xf32>,
      %get3A_83 = vector.shape_cast %get3A_82 : vector<1x16xf32> to vector<16xf32>
      %get3A_84 = arith.index_cast %scan3A_75 : i32 to index
      %get3A_85 = arith.constant 0 : index
      %get3A_86 = tpu.vector_load %arg12[%get3A_84, %get3A_85] {strides = array<i32>} : memref<32x1024xf32, #tpu.memory_space<vmem>>, vector<1x16xf32>,
      %get3A_87 = vector.shape_cast %get3A_86 : vector<1x16xf32> to vector<16xf32>
      %mul3A_88 = arith.mulf %get3A_79, %get3A_87 : vector<16xf32>
      %get3A_89 = arith.index_cast %scan3A_75 : i32 to index
      %get3A_90 = arith.constant 0 : index
      %get3A_91 = tpu.vector_load %arg13[%get3A_89, %get3A_90] {strides = array<i32>} : memref<32x1024xf32, #tpu.memory_space<vmem>>, vector<1x16xf32>,
      %get3A_92 = vector.shape_cast %get3A_91 : vector<1x16xf32> to vector<16xf32>
      %mul3A_93 = arith.mulf %get3A_83, %get3A_92 : vector<16xf32>
      %add3A_94 = arith.addf %mul3A_88, %mul3A_93 : vector<16xf32>
      %swap3A = arith.index_cast %scan3A_75 : i32 to index
      %swap3A_95 = arith.constant 0 : index
      %swap3A_96 = tpu.vector_load %arg12[%swap3A, %swap3A_95] {strides = array<i32>} : memref<32x1024xf32, #tpu.memory_space<vmem>>, vector<1x16xf32>,
      %swap3A_97 = vector.shape_cast %swap3A_96 : vector<1x16xf32> to vector<16xf32>
      %swap3A_98 = vector.shape_cast %add3A_94 : vector<16xf32> to vector<1x16xf32>
      tpu.vector_store %arg12[%swap3A, %swap3A_95], %swap3A_98 {strides = array<i32>} : memref<32x1024xf32, #tpu.memory_space<vmem>>, vector<1x16xf32>,
      %get3A_99 = arith.index_cast %scan3A_75 : i32 to index
      %get3A_100 = arith.constant 16 : index
      %get3A_101 = tpu.vector_load %arg12[%get3A_99, %get3A_100] {strides = array<i32>} : memref<32x1024xf32, #tpu.memory_space<vmem>>, vector<1x16xf32>,
      %get3A_102 = vector.shape_cast %get3A_101 : vector<1x16xf32> to vector<16xf32>
      %mul3A_103 = arith.mulf %get3A_79, %get3A_102 : vector<16xf32>
      %get3A_104 = arith.index_cast %scan3A_75 : i32 to index
      %get3A_105 = arith.constant 16 : index
      %get3A_106 = tpu.vector_load %arg13[%get3A_104, %get3A_105] {strides = array<i32>} : memref<32x1024xf32, #tpu.memory_space<vmem>>, vector<1x16xf32>,
      %get3A_107 = vector.shape_cast %get3A_106 : vector<1x16xf32> to vector<16xf32>
      %mul3A_108 = arith.mulf %get3A_83, %get3A_107 : vector<16xf32>
      %add3A_109 = arith.addf %mul3A_103, %mul3A_108 : vector<16xf32>
      %swap3A_110 = arith.index_cast %scan3A_75 : i32 to index
      %swap3A_111 = arith.constant 16 : index
      %swap3A_112 = tpu.vector_load %arg12[%swap3A_110, %swap3A_111] {strides = array<i32>} : memref<32x1024xf32, #tpu.memory_space<vmem>>, vector<1x16xf32>,
      %swap3A_113 = vector.shape_cast %swap3A_112 : vector<1x16xf32> to vector<16xf32>
      %swap3A_114 = vector.shape_cast %add3A_109 : vector<16xf32> to vector<1x16xf32>
      tpu.vector_store %arg12[%swap3A_110, %swap3A_111], %swap3A_114 {strides = array<i32>} : memref<32x1024xf32, #tpu.memory_space<vmem>>, vector<1x16xf32>,
      %get3A_115 = arith.index_cast %scan3A_75 : i32 to index
      %get3A_116 = arith.constant 32 : index
      %get3A_117 = tpu.vector_load %arg12[%get3A_115, %get3A_116] {strides = array<i32>} : memref<32x1024xf32, #tpu.memory_space<vmem>>, vector<1x16xf32>,
      %get3A_118 = vector.shape_cast %get3A_117 : vector<1x16xf32> to vector<16xf32>
      %mul3A_119 = arith.mulf %get3A_79, %get3A_118 : vector<16xf32>
      %get3A_120 = arith.index_cast %scan3A_75 : i32 to index
      %get3A_121 = arith.constant 32 : index
      %get3A_122 = tpu.vector_load %arg13[%get3A_120, %get3A_121] {strides = array<i32>} : memref<32x1024xf32, #tpu.memory_space<vmem>>, vector<1x16xf32>,
      %get3A_123 = vector.shape_cast %get3A_122 : vector<1x16xf32> to vector<16xf32>
      %mul3A_124 = arith.mulf %get3A_83, %get3A_123 : vector<16xf32>
      %add3A_125 = arith.addf %mul3A_119, %mul3A_124 : vector<16xf32>
      %swap3A_126 = arith.index_cast %scan3A_75 : i32 to index
      %swap3A_127 = arith.constant 32 : index
      %swap3A_128 = tpu.vector_load %arg12[%swap3A_126, %swap3A_127] {strides = array<i32>} : memref<32x1024xf32, #tpu.memory_space<vmem>>, vector<1x16xf32>,
      %swap3A_129 = vector.shape_cast %swap3A_128 : vector<1x16xf32> to vector<16xf32>
      %swap3A_130 = vector.shape_cast %add3A_125 : vector<16xf32> to vector<1x16xf32>
      tpu.vector_store %arg12[%swap3A_126, %swap3A_127], %swap3A_130 {strides = array<i32>} : memref<32x1024xf32, #tpu.memory_space<vmem>>, vector<1x16xf32>,
      %get3A_131 = arith.index_cast %scan3A_75 : i32 to index
      %get3A_132 = arith.constant 48 : index
      %get3A_133 = tpu.vector_load %arg12[%get3A_131, %get3A_132] {strides = array<i32>} : memref<32x1024xf32, #tpu.memory_space<vmem>>, vector<1x16xf32>,
      %get3A_134 = vector.shape_cast %get3A_133 : vector<1x16xf32> to vector<16xf32>
      %mul3A_135 = arith.mulf %get3A_79, %get3A_134 : vector<16xf32>
      %get3A_136 = arith.index_cast %scan3A_75 : i32 to index
      %get3A_137 = arith.constant 48 : index
      %get3A_138 = tpu.vector_load %arg13[%get3A_136, %get3A_137] {strides = array<i32>} : memref<32x1024xf32, #tpu.memory_space<vmem>>, vector<1x16xf32>,
      %get3A_139 = vector.shape_cast %get3A_138 : vector<1x16xf32> to vector<16xf32>
      %mul3A_140 = arith.mulf %get3A_83, %get3A_139 : vector<16xf32>
      %add3A_141 = arith.addf %mul3A_135, %mul3A_140 : vector<16xf32>
      %swap3A_142 = arith.index_cast %scan3A_75 : i32 to index
      %swap3A_143 = arith.constant 48 : index
      %swap3A_144 = tpu.vector_load %arg12[%swap3A_142, %swap3A_143] {strides = array<i32>} : memref<32x1024xf32, #tpu.memory_space<vmem>>, vector<1x16xf32>,
      %swap3A_145 = vector.shape_cast %swap3A_144 : vector<1x16xf32> to vector<16xf32>
      %swap3A_146 = vector.shape_cast %add3A_141 : vector<16xf32> to vector<1x16xf32>
      tpu.vector_store %arg12[%swap3A_142, %swap3A_143], %swap3A_146 {strides = array<i32>} : memref<32x1024xf32, #tpu.memory_space<vmem>>, vector<1x16xf32>,
      %get3A_147 = arith.index_cast %scan3A_75 : i32 to index
      %get3A_148 = arith.constant 64 : index
      %get3A_149 = tpu.vector_load %arg12[%get3A_147, %get3A_148] {strides = array<i32>} : memref<32x1024xf32, #tpu.memory_space<vmem>>, vector<1x16xf32>,
      %get3A_150 = vector.shape_cast %get3A_149 : vector<1x16xf32> to vector<16xf32>
      %mul3A_151 = arith.mulf %get3A_79, %get3A_150 : vector<16xf32>
      %get3A_152 = arith.index_cast %scan3A_75 : i32 to index
      %get3A_153 = arith.constant 64 : index
      %get3A_154 = tpu.vector_load %arg13[%get3A_152, %get3A_153] {strides = array<i32>} : memref<32x1024xf32, #tpu.memory_space<vmem>>, vector<1x16xf32>,
      %get3A_155 = vector.shape_cast %get3A_154 : vector<1x16xf32> to vector<16xf32>
      %mul3A_156 = arith.mulf %get3A_83, %get3A_155 : vector<16xf32>
      %add3A_157 = arith.addf %mul3A_151, %mul3A_156 : vector<16xf32>
      %swap3A_158 = arith.index_cast %scan3A_75 : i32 to index
      %swap3A_159 = arith.constant 64 : index
      %swap3A_160 = tpu.vector_load %arg12[%swap3A_158, %swap3A_159] {strides = array<i32>} : memref<32x1024xf32, #tpu.memory_space<vmem>>, vector<1x16xf32>,
      %swap3A_161 = vector.shape_cast %swap3A_160 : vector<1x16xf32> to vector<16xf32>
      %swap3A_162 = vector.shape_cast %add3A_157 : vector<16xf32> to vector<1x16xf32>
      tpu.vector_store %arg12[%swap3A_158, %swap3A_159], %swap3A_162 {strides = array<i32>} : memref<32x1024xf32, #tpu.memory_space<vmem>>, vector<1x16xf32>,
      %get3A_163 = arith.index_cast %scan3A_75 : i32 to index
      %get3A_164 = arith.constant 80 : index
      %get3A_165 = tpu.vector_load %arg12[%get3A_163, %get3A_164] {strides = array<i32>} : memref<32x1024xf32, #tpu.memory_space<vmem>>, vector<1x16xf32>,
      %get3A_166 = vector.shape_cast %get3A_165 : vector<1x16xf32> to vector<16xf32>
      %mul3A_167 = arith.mulf %get3A_79, %get3A_166 : vector<16xf32>
      %get3A_168 = arith.index_cast %scan3A_75 : i32 to index
      %get3A_169 = arith.constant 80 : index
      %get3A_170 = tpu.vector_load %arg13[%get3A_168, %get3A_169] {strides = array<i32>} : memref<32x1024xf32, #tpu.memory_space<vmem>>, vector<1x16xf32>,
      %get3A_171 = vector.shape_cast %get3A_170 : vector<1x16xf32> to vector<16xf32>
      %mul3A_172 = arith.mulf %get3A_83, %get3A_171 : vector<16xf32>
      %add3A_173 = arith.addf %mul3A_167, %mul3A_172 : vector<16xf32>
      %swap3A_174 = arith.index_cast %scan3A_75 : i32 to index
      %swap3A_175 = arith.constant 80 : index
      %swap3A_176 = tpu.vector_load %arg12[%swap3A_174, %swap3A_175] {strides = array<i32>} : memref<32x1024xf32, #tpu.memory_space<vmem>>, vector<1x16xf32>,
      %swap3A_177 = vector.shape_cast %swap3A_176 : vector<1x16xf32> to vector<16xf32>
      %swap3A_178 = vector.shape_cast %add3A_173 : vector<16xf32> to vector<1x16xf32>
      tpu.vector_store %arg12[%swap3A_174, %swap3A_175], %swap3A_178 {strides = array<i32>} : memref<32x1024xf32, #tpu.memory_space<vmem>>, vector<1x16xf32>,
      %get3A_179 = arith.index_cast %scan3A_75 : i32 to index
      %get3A_180 = arith.constant 96 : index
      %get3A_181 = tpu.vector_load %arg12[%get3A_179, %get3A_180] {strides = array<i32>} : memref<32x1024xf32, #tpu.memory_space<vmem>>, vector<1x16xf32>,
      %get3A_182 = vector.shape_cast %get3A_181 : vector<1x16xf32> to vector<16xf32>
      %mul3A_183 = arith.mulf %get3A_79, %get3A_182 : vector<16xf32>
      %get3A_184 = arith.index_cast %scan3A_75 : i32 to index
      %get3A_185 = arith.constant 96 : index
      %get3A_186 = tpu.vector_load %arg13[%get3A_184, %get3A_185] {strides = array<i32>} : memref<32x1024xf32, #tpu.memory_space<vmem>>, vector<1x16xf32>,
      %get3A_187 = vector.shape_cast %get3A_186 : vector<1x16xf32> to vector<16xf32>
      %mul3A_188 = arith.mulf %get3A_83, %get3A_187 : vector<16xf32>
      %add3A_189 = arith.addf %mul3A_183, %mul3A_188 : vector<16xf32>
      %swap3A_190 = arith.index_cast %scan3A_75 : i32 to index
      %swap3A_191 = arith.constant 96 : index
      %swap3A_192 = tpu.vector_load %arg12[%swap3A_190, %swap3A_191] {strides = array<i32>} : memref<32x1024xf32, #tpu.memory_space<vmem>>, vector<1x16xf32>,
      %swap3A_193 = vector.shape_cast %swap3A_192 : vector<1x16xf32> to vector<16xf32>
      %swap3A_194 = vector.shape_cast %add3A_189 : vector<16xf32> to vector<1x16xf32>
      tpu.vector_store %arg12[%swap3A_190, %swap3A_191], %swap3A_194 {strides = array<i32>} : memref<32x1024xf32, #tpu.memory_space<vmem>>, vector<1x16xf32>,
      %get3A_195 = arith.index_cast %scan3A_75 : i32 to index
      %get3A_196 = arith.constant 112 : index
      %get3A_197 = tpu.vector_load %arg12[%get3A_195, %get3A_196] {strides = array<i32>} : memref<32x1024xf32, #tpu.memory_space<vmem>>, vector<1x16xf32>,
      %get3A_198 = vector.shape_cast %get3A_197 : vector<1x16xf32> to vector<16xf32>
      %mul3A_199 = arith.mulf %get3A_79, %get3A_198 : vector<16xf32>
      %get3A_200 = arith.index_cast %scan3A_75 : i32 to index
      %get3A_201 = arith.constant 112 : index
      %get3A_202 = tpu.vector_load %arg13[%get3A_200, %get3A_201] {strides = array<i32>} : memref<32x1024xf32, #tpu.memory_space<vmem>>, vector<1x16xf32>,
      %get3A_203 = vector.shape_cast %get3A_202 : vector<1x16xf32> to vector<16xf32>
      %mul3A_204 = arith.mulf %get3A_83, %get3A_203 : vector<16xf32>
      %add3A_205 = arith.addf %mul3A_199, %mul3A_204 : vector<16xf32>
      %swap3A_206 = arith.index_cast %scan3A_75 : i32 to index
      %swap3A_207 = arith.constant 112 : index
      %swap3A_208 = tpu.vector_load %arg12[%swap3A_206, %swap3A_207] {strides = array<i32>} : memref<32x1024xf32, #tpu.memory_space<vmem>>, vector<1x16xf32>,
      %swap3A_209 = vector.shape_cast %swap3A_208 : vector<1x16xf32> to vector<16xf32>
      %swap3A_210 = vector.shape_cast %add3A_205 : vector<16xf32> to vector<1x16xf32>
      tpu.vector_store %arg12[%swap3A_206, %swap3A_207], %swap3A_210 {strides = array<i32>} : memref<32x1024xf32, #tpu.memory_space<vmem>>, vector<1x16xf32>,
      %get3A_211 = arith.index_cast %scan3A_75 : i32 to index
      %get3A_212 = arith.constant 128 : index
      %get3A_213 = tpu.vector_load %arg12[%get3A_211, %get3A_212] {strides = array<i32>} : memref<32x1024xf32, #tpu.memory_space<vmem>>, vector<1x16xf32>,
      %get3A_214 = vector.shape_cast %get3A_213 : vector<1x16xf32> to vector<16xf32>
      %mul3A_215 = arith.mulf %get3A_79, %get3A_214 : vector<16xf32>
      %get3A_216 = arith.index_cast %scan3A_75 : i32 to index
      %get3A_217 = arith.constant 128 : index
      %get3A_218 = tpu.vector_load %arg13[%get3A_216, %get3A_217] {strides = array<i32>} : memref<32x1024xf32, #tpu.memory_space<vmem>>, vector<1x16xf32>,
      %get3A_219 = vector.shape_cast %get3A_218 : vector<1x16xf32> to vector<16xf32>
      %mul3A_220 = arith.mulf %get3A_83, %get3A_219 : vector<16xf32>
      %add3A_221 = arith.addf %mul3A_215, %mul3A_220 : vector<16xf32>
      %swap3A_222 = arith.index_cast %scan3A_75 : i32 to index
      %swap3A_223 = arith.constant 128 : index
      %swap3A_224 = tpu.vector_load %arg12[%swap3A_222, %swap3A_223] {strides = array<i32>} : memref<32x1024xf32, #tpu.memory_space<vmem>>, vector<1x16xf32>,
      %swap3A_225 = vector.shape_cast %swap3A_224 : vector<1x16xf32> to vector<16xf32>
      %swap3A_226 = vector.shape_cast %add3A_221 : vector<16xf32> to vector<1x16xf32>
      tpu.vector_store %arg12[%swap3A_222, %swap3A_223], %swap3A_226 {strides = array<i32>} : memref<32x1024xf32, #tpu.memory_space<vmem>>, vector<1x16xf32>,
      %get3A_227 = arith.index_cast %scan3A_75 : i32 to index
      %get3A_228 = arith.constant 144 : index
      %get3A_229 = tpu.vector_load %arg12[%get3A_227, %get3A_228] {strides = array<i32>} : memref<32x1024xf32, #tpu.memory_space<vmem>>, vector<1x16xf32>,
      %get3A_230 = vector.shape_cast %get3A_229 : vector<1x16xf32> to vector<16xf32>
      %mul3A_231 = arith.mulf %get3A_79, %get3A_230 : vector<16xf32>
      %get3A_232 = arith.index_cast %scan3A_75 : i32 to index
      %get3A_233 = arith.constant 144 : index
      %get3A_234 = tpu.vector_load %arg13[%get3A_232, %get3A_233] {strides = array<i32>} : memref<32x1024xf32, #tpu.memory_space<vmem>>, vector<1x16xf32>,
      %get3A_235 = vector.shape_cast %get3A_234 : vector<1x16xf32> to vector<16xf32>
      %mul3A_236 = arith.mulf %get3A_83, %get3A_235 : vector<16xf32>
      %add3A_237 = arith.addf %mul3A_231, %mul3A_236 : vector<16xf32>
      %swap3A_238 = arith.index_cast %scan3A_75 : i32 to index
      %swap3A_239 = arith.constant 144 : index
      %swap3A_240 = tpu.vector_load %arg12[%swap3A_238, %swap3A_239] {strides = array<i32>} : memref<32x1024xf32, #tpu.memory_space<vmem>>, vector<1x16xf32>,
      %swap3A_241 = vector.shape_cast %swap3A_240 : vector<1x16xf32> to vector<16xf32>
      %swap3A_242 = vector.shape_cast %add3A_237 : vector<16xf32> to vector<1x16xf32>
      tpu.vector_store %arg12[%swap3A_238, %swap3A_239], %swap3A_242 {strides = array<i32>} : memref<32x1024xf32, #tpu.memory_space<vmem>>, vector<1x16xf32>,
      %get3A_243 = arith.index_cast %scan3A_75 : i32 to index
      %get3A_244 = arith.constant 160 : index
      %get3A_245 = tpu.vector_load %arg12[%get3A_243, %get3A_244] {strides = array<i32>} : memref<32x1024xf32, #tpu.memory_space<vmem>>, vector<1x16xf32>,
      %get3A_246 = vector.shape_cast %get3A_245 : vector<1x16xf32> to vector<16xf32>
      %mul3A_247 = arith.mulf %get3A_79, %get3A_246 : vector<16xf32>
      %get3A_248 = arith.index_cast %scan3A_75 : i32 to index
      %get3A_249 = arith.constant 160 : index
      %get3A_250 = tpu.vector_load %arg13[%get3A_248, %get3A_249] {strides = array<i32>} : memref<32x1024xf32, #tpu.memory_space<vmem>>, vector<1x16xf32>,
      %get3A_251 = vector.shape_cast %get3A_250 : vector<1x16xf32> to vector<16xf32>
      %mul3A_252 = arith.mulf %get3A_83, %get3A_251 : vector<16xf32>
      %add3A_253 = arith.addf %mul3A_247, %mul3A_252 : vector<16xf32>
      %swap3A_254 = arith.index_cast %scan3A_75 : i32 to index
      %swap3A_255 = arith.constant 160 : index
      %swap3A_256 = tpu.vector_load %arg12[%swap3A_254, %swap3A_255] {strides = array<i32>} : memref<32x1024xf32, #tpu.memory_space<vmem>>, vector<1x16xf32>,
      %swap3A_257 = vector.shape_cast %swap3A_256 : vector<1x16xf32> to vector<16xf32>
      %swap3A_258 = vector.shape_cast %add3A_253 : vector<16xf32> to vector<1x16xf32>
      tpu.vector_store %arg12[%swap3A_254, %swap3A_255], %swap3A_258 {strides = array<i32>} : memref<32x1024xf32, #tpu.memory_space<vmem>>, vector<1x16xf32>,
      %get3A_259 = arith.index_cast %scan3A_75 : i32 to index
      %get3A_260 = arith.constant 176 : index
      %get3A_261 = tpu.vector_load %arg12[%get3A_259, %get3A_260] {strides = array<i32>} : memref<32x1024xf32, #tpu.memory_space<vmem>>, vector<1x16xf32>,
      %get3A_262 = vector.shape_cast %get3A_261 : vector<1x16xf32> to vector<16xf32>
      %mul3A_263 = arith.mulf %get3A_79, %get3A_262 : vector<16xf32>
      %get3A_264 = arith.index_cast %scan3A_75 : i32 to index
      %get3A_265 = arith.constant 176 : index
      %get3A_266 = tpu.vector_load %arg13[%get3A_264, %get3A_265] {strides = array<i32>} : memref<32x1024xf32, #tpu.memory_space<vmem>>, vector<1x16xf32>,
      %get3A_267 = vector.shape_cast %get3A_266 : vector<1x16xf32> to vector<16xf32>
      %mul3A_268 = arith.mulf %get3A_83, %get3A_267 : vector<16xf32>
      %add3A_269 = arith.addf %mul3A_263, %mul3A_268 : vector<16xf32>
      %swap3A_270 = arith.index_cast %scan3A_75 : i32 to index
      %swap3A_271 = arith.constant 176 : index
      %swap3A_272 = tpu.vector_load %arg12[%swap3A_270, %swap3A_271] {strides = array<i32>} : memref<32x1024xf32, #tpu.memory_space<vmem>>, vector<1x16xf32>,
      %swap3A_273 = vector.shape_cast %swap3A_272 : vector<1x16xf32> to vector<16xf32>
      %swap3A_274 = vector.shape_cast %add3A_269 : vector<16xf32> to vector<1x16xf32>
      tpu.vector_store %arg12[%swap3A_270, %swap3A_271], %swap3A_274 {strides = array<i32>} : memref<32x1024xf32, #tpu.memory_space<vmem>>, vector<1x16xf32>,
      %get3A_275 = arith.index_cast %scan3A_75 : i32 to index
      %get3A_276 = arith.constant 192 : index
      %get3A_277 = tpu.vector_load %arg12[%get3A_275, %get3A_276] {strides = array<i32>} : memref<32x1024xf32, #tpu.memory_space<vmem>>, vector<1x16xf32>,
      %get3A_278 = vector.shape_cast %get3A_277 : vector<1x16xf32> to vector<16xf32>
      %mul3A_279 = arith.mulf %get3A_79, %get3A_278 : vector<16xf32>
      %get3A_280 = arith.index_cast %scan3A_75 : i32 to index
      %get3A_281 = arith.constant 192 : index
      %get3A_282 = tpu.vector_load %arg13[%get3A_280, %get3A_281] {strides = array<i32>} : memref<32x1024xf32, #tpu.memory_space<vmem>>, vector<1x16xf32>,
      %get3A_283 = vector.shape_cast %get3A_282 : vector<1x16xf32> to vector<16xf32>
      %mul3A_284 = arith.mulf %get3A_83, %get3A_283 : vector<16xf32>
      %add3A_285 = arith.addf %mul3A_279, %mul3A_284 : vector<16xf32>
      %swap3A_286 = arith.index_cast %scan3A_75 : i32 to index
      %swap3A_287 = arith.constant 192 : index
      %swap3A_288 = tpu.vector_load %arg12[%swap3A_286, %swap3A_287] {strides = array<i32>} : memref<32x1024xf32, #tpu.memory_space<vmem>>, vector<1x16xf32>,
      %swap3A_289 = vector.shape_cast %swap3A_288 : vector<1x16xf32> to vector<16xf32>
      %swap3A_290 = vector.shape_cast %add3A_285 : vector<16xf32> to vector<1x16xf32>
      tpu.vector_store %arg12[%swap3A_286, %swap3A_287], %swap3A_290 {strides = array<i32>} : memref<32x1024xf32, #tpu.memory_space<vmem>>, vector<1x16xf32>,
      %get3A_291 = arith.index_cast %scan3A_75 : i32 to index
      %get3A_292 = arith.constant 208 : index
      %get3A_293 = tpu.vector_load %arg12[%get3A_291, %get3A_292] {strides = array<i32>} : memref<32x1024xf32, #tpu.memory_space<vmem>>, vector<1x16xf32>,
      %get3A_294 = vector.shape_cast %get3A_293 : vector<1x16xf32> to vector<16xf32>
      %mul3A_295 = arith.mulf %get3A_79, %get3A_294 : vector<16xf32>
      %get3A_296 = arith.index_cast %scan3A_75 : i32 to index
      %get3A_297 = arith.constant 208 : index
      %get3A_298 = tpu.vector_load %arg13[%get3A_296, %get3A_297] {strides = array<i32>} : memref<32x1024xf32, #tpu.memory_space<vmem>>, vector<1x16xf32>,
      %get3A_299 = vector.shape_cast %get3A_298 : vector<1x16xf32> to vector<16xf32>
      %mul3A_300 = arith.mulf %get3A_83, %get3A_299 : vector<16xf32>
      %add3A_301 = arith.addf %mul3A_295, %mul3A_300 : vector<16xf32>
      %swap3A_302 = arith.index_cast %scan3A_75 : i32 to index
      %swap3A_303 = arith.constant 208 : index
      %swap3A_304 = tpu.vector_load %arg12[%swap3A_302, %swap3A_303] {strides = array<i32>} : memref<32x1024xf32, #tpu.memory_space<vmem>>, vector<1x16xf32>,
      %swap3A_305 = vector.shape_cast %swap3A_304 : vector<1x16xf32> to vector<16xf32>
      %swap3A_306 = vector.shape_cast %add3A_301 : vector<16xf32> to vector<1x16xf32>
      tpu.vector_store %arg12[%swap3A_302, %swap3A_303], %swap3A_306 {strides = array<i32>} : memref<32x1024xf32, #tpu.memory_space<vmem>>, vector<1x16xf32>,
      %get3A_307 = arith.index_cast %scan3A_75 : i32 to index
      %get3A_308 = arith.constant 224 : index
      %get3A_309 = tpu.vector_load %arg12[%get3A_307, %get3A_308] {strides = array<i32>} : memref<32x1024xf32, #tpu.memory_space<vmem>>, vector<1x16xf32>,
      %get3A_310 = vector.shape_cast %get3A_309 : vector<1x16xf32> to vector<16xf32>
      %mul3A_311 = arith.mulf %get3A_79, %get3A_310 : vector<16xf32>
      %get3A_312 = arith.index_cast %scan3A_75 : i32 to index
      %get3A_313 = arith.constant 224 : index
      %get3A_314 = tpu.vector_load %arg13[%get3A_312, %get3A_313] {strides = array<i32>} : memref<32x1024xf32, #tpu.memory_space<vmem>>, vector<1x16xf32>,
      %get3A_315 = vector.shape_cast %get3A_314 : vector<1x16xf32> to vector<16xf32>
      %mul3A_316 = arith.mulf %get3A_83, %get3A_315 : vector<16xf32>
      %add3A_317 = arith.addf %mul3A_311, %mul3A_316 : vector<16xf32>
      %swap3A_318 = arith.index_cast %scan3A_75 : i32 to index
      %swap3A_319 = arith.constant 224 : index
      %swap3A_320 = tpu.vector_load %arg12[%swap3A_318, %swap3A_319] {strides = array<i32>} : memref<32x1024xf32, #tpu.memory_space<vmem>>, vector<1x16xf32>,
      %swap3A_321 = vector.shape_cast %swap3A_320 : vector<1x16xf32> to vector<16xf32>
      %swap3A_322 = vector.shape_cast %add3A_317 : vector<16xf32> to vector<1x16xf32>
      tpu.vector_store %arg12[%swap3A_318, %swap3A_319], %swap3A_322 {strides = array<i32>} : memref<32x1024xf32, #tpu.memory_space<vmem>>, vector<1x16xf32>,
      %get3A_323 = arith.index_cast %scan3A_75 : i32 to index
      %get3A_324 = arith.constant 240 : index
      %get3A_325 = tpu.vector_load %arg12[%get3A_323, %get3A_324] {strides = array<i32>} : memref<32x1024xf32, #tpu.memory_space<vmem>>, vector<1x16xf32>,
      %get3A_326 = vector.shape_cast %get3A_325 : vector<1x16xf32> to vector<16xf32>
      %mul3A_327 = arith.mulf %get3A_79, %get3A_326 : vector<16xf32>
      %get3A_328 = arith.index_cast %scan3A_75 : i32 to index
      %get3A_329 = arith.constant 240 : index
      %get3A_330 = tpu.vector_load %arg13[%get3A_328, %get3A_329] {strides = array<i32>} : memref<32x1024xf32, #tpu.memory_space<vmem>>, vector<1x16xf32>,
      %get3A_331 = vector.shape_cast %get3A_330 : vector<1x16xf32> to vector<16xf32>
      %mul3A_332 = arith.mulf %get3A_83, %get3A_331 : vector<16xf32>
      %add3A_333 = arith.addf %mul3A_327, %mul3A_332 : vector<16xf32>
      %swap3A_334 = arith.index_cast %scan3A_75 : i32 to index
      %swap3A_335 = arith.constant 240 : index
      %swap3A_336 = tpu.vector_load %arg12[%swap3A_334, %swap3A_335] {strides = array<i32>} : memref<32x1024xf32, #tpu.memory_space<vmem>>, vector<1x16xf32>,
      %swap3A_337 = vector.shape_cast %swap3A_336 : vector<1x16xf32> to vector<16xf32>
      %swap3A_338 = vector.shape_cast %add3A_333 : vector<16xf32> to vector<1x16xf32>
      tpu.vector_store %arg12[%swap3A_334, %swap3A_335], %swap3A_338 {strides = array<i32>} : memref<32x1024xf32, #tpu.memory_space<vmem>>, vector<1x16xf32>,
      %get3A_339 = arith.index_cast %scan3A_75 : i32 to index
      %get3A_340 = arith.constant 256 : index
      %get3A_341 = tpu.vector_load %arg12[%get3A_339, %get3A_340] {strides = array<i32>} : memref<32x1024xf32, #tpu.memory_space<vmem>>, vector<1x16xf32>,
      %get3A_342 = vector.shape_cast %get3A_341 : vector<1x16xf32> to vector<16xf32>
      %mul3A_343 = arith.mulf %get3A_79, %get3A_342 : vector<16xf32>
      %get3A_344 = arith.index_cast %scan3A_75 : i32 to index
      %get3A_345 = arith.constant 256 : index
      %get3A_346 = tpu.vector_load %arg13[%get3A_344, %get3A_345] {strides = array<i32>} : memref<32x1024xf32, #tpu.memory_space<vmem>>, vector<1x16xf32>,
      %get3A_347 = vector.shape_cast %get3A_346 : vector<1x16xf32> to vector<16xf32>
      %mul3A_348 = arith.mulf %get3A_83, %get3A_347 : vector<16xf32>
      %add3A_349 = arith.addf %mul3A_343, %mul3A_348 : vector<16xf32>
      %swap3A_350 = arith.index_cast %scan3A_75 : i32 to index
      %swap3A_351 = arith.constant 256 : index
      %swap3A_352 = tpu.vector_load %arg12[%swap3A_350, %swap3A_351] {strides = array<i32>} : memref<32x1024xf32, #tpu.memory_space<vmem>>, vector<1x16xf32>,
      %swap3A_353 = vector.shape_cast %swap3A_352 : vector<1x16xf32> to vector<16xf32>
      %swap3A_354 = vector.shape_cast %add3A_349 : vector<16xf32> to vector<1x16xf32>
      tpu.vector_store %arg12[%swap3A_350, %swap3A_351], %swap3A_354 {strides = array<i32>} : memref<32x1024xf32, #tpu.memory_space<vmem>>, vector<1x16xf32>,
      %get3A_355 = arith.index_cast %scan3A_75 : i32 to index
      %get3A_356 = arith.constant 272 : index
      %get3A_357 = tpu.vector_load %arg12[%get3A_355, %get3A_356] {strides = array<i32>} : memref<32x1024xf32, #tpu.memory_space<vmem>>, vector<1x16xf32>,
      %get3A_358 = vector.shape_cast %get3A_357 : vector<1x16xf32> to vector<16xf32>
      %mul3A_359 = arith.mulf %get3A_79, %get3A_358 : vector<16xf32>
      %get3A_360 = arith.index_cast %scan3A_75 : i32 to index
      %get3A_361 = arith.constant 272 : index
      %get3A_362 = tpu.vector_load %arg13[%get3A_360, %get3A_361] {strides = array<i32>} : memref<32x1024xf32, #tpu.memory_space<vmem>>, vector<1x16xf32>,
      %get3A_363 = vector.shape_cast %get3A_362 : vector<1x16xf32> to vector<16xf32>
      %mul3A_364 = arith.mulf %get3A_83, %get3A_363 : vector<16xf32>
      %add3A_365 = arith.addf %mul3A_359, %mul3A_364 : vector<16xf32>
      %swap3A_366 = arith.index_cast %scan3A_75 : i32 to index
      %swap3A_367 = arith.constant 272 : index
      %swap3A_368 = tpu.vector_load %arg12[%swap3A_366, %swap3A_367] {strides = array<i32>} : memref<32x1024xf32, #tpu.memory_space<vmem>>, vector<1x16xf32>,
      %swap3A_369 = vector.shape_cast %swap3A_368 : vector<1x16xf32> to vector<16xf32>
      %swap3A_370 = vector.shape_cast %add3A_365 : vector<16xf32> to vector<1x16xf32>
      tpu.vector_store %arg12[%swap3A_366, %swap3A_367], %swap3A_370 {strides = array<i32>} : memref<32x1024xf32, #tpu.memory_space<vmem>>, vector<1x16xf32>,
      %get3A_371 = arith.index_cast %scan3A_75 : i32 to index
      %get3A_372 = arith.constant 288 : index
      %get3A_373 = tpu.vector_load %arg12[%get3A_371, %get3A_372] {strides = array<i32>} : memref<32x1024xf32, #tpu.memory_space<vmem>>, vector<1x16xf32>,
      %get3A_374 = vector.shape_cast %get3A_373 : vector<1x16xf32> to vector<16xf32>
      %mul3A_375 = arith.mulf %get3A_79, %get3A_374 : vector<16xf32>
      %get3A_376 = arith.index_cast %scan3A_75 : i32 to index
      %get3A_377 = arith.constant 288 : index
      %get3A_378 = tpu.vector_load %arg13[%get3A_376, %get3A_377] {strides = array<i32>} : memref<32x1024xf32, #tpu.memory_space<vmem>>, vector<1x16xf32>,
      %get3A_379 = vector.shape_cast %get3A_378 : vector<1x16xf32> to vector<16xf32>
      %mul3A_380 = arith.mulf %get3A_83, %get3A_379 : vector<16xf32>
      %add3A_381 = arith.addf %mul3A_375, %mul3A_380 : vector<16xf32>
      %swap3A_382 = arith.index_cast %scan3A_75 : i32 to index
      %swap3A_383 = arith.constant 288 : index
      %swap3A_384 = tpu.vector_load %arg12[%swap3A_382, %swap3A_383] {strides = array<i32>} : memref<32x1024xf32, #tpu.memory_space<vmem>>, vector<1x16xf32>,
      %swap3A_385 = vector.shape_cast %swap3A_384 : vector<1x16xf32> to vector<16xf32>
      %swap3A_386 = vector.shape_cast %add3A_381 : vector<16xf32> to vector<1x16xf32>
      tpu.vector_store %arg12[%swap3A_382, %swap3A_383], %swap3A_386 {strides = array<i32>} : memref<32x1024xf32, #tpu.memory_space<vmem>>, vector<1x16xf32>,
      %get3A_387 = arith.index_cast %scan3A_75 : i32 to index
      %get3A_388 = arith.constant 304 : index
      %get3A_389 = tpu.vector_load %arg12[%get3A_387, %get3A_388] {strides = array<i32>} : memref<32x1024xf32, #tpu.memory_space<vmem>>, vector<1x16xf32>,
      %get3A_390 = vector.shape_cast %get3A_389 : vector<1x16xf32> to vector<16xf32>
      %mul3A_391 = arith.mulf %get3A_79, %get3A_390 : vector<16xf32>
      %get3A_392 = arith.index_cast %scan3A_75 : i32 to index
      %get3A_393 = arith.constant 304 : index
      %get3A_394 = tpu.vector_load %arg13[%get3A_392, %get3A_393] {strides = array<i32>} : memref<32x1024xf32, #tpu.memory_space<vmem>>, vector<1x16xf32>,
      %get3A_395 = vector.shape_cast %get3A_394 : vector<1x16xf32> to vector<16xf32>
      %mul3A_396 = arith.mulf %get3A_83, %get3A_395 : vector<16xf32>
      %add3A_397 = arith.addf %mul3A_391, %mul3A_396 : vector<16xf32>
      %swap3A_398 = arith.index_cast %scan3A_75 : i32 to index
      %swap3A_399 = arith.constant 304 : index
      %swap3A_400 = tpu.vector_load %arg12[%swap3A_398, %swap3A_399] {strides = array<i32>} : memref<32x1024xf32, #tpu.memory_space<vmem>>, vector<1x16xf32>,
      %swap3A_401 = vector.shape_cast %swap3A_400 : vector<1x16xf32> to vector<16xf32>
      %swap3A_402 = vector.shape_cast %add3A_397 : vector<16xf32> to vector<1x16xf32>
      tpu.vector_store %arg12[%swap3A_398, %swap3A_399], %swap3A_402 {strides = array<i32>} : memref<32x1024xf32, #tpu.memory_space<vmem>>, vector<1x16xf32>,
      %get3A_403 = arith.index_cast %scan3A_75 : i32 to index
      %get3A_404 = arith.constant 320 : index
      %get3A_405 = tpu.vector_load %arg12[%get3A_403, %get3A_404] {strides = array<i32>} : memref<32x1024xf32, #tpu.memory_space<vmem>>, vector<1x16xf32>,
      %get3A_406 = vector.shape_cast %get3A_405 : vector<1x16xf32> to vector<16xf32>
      %mul3A_407 = arith.mulf %get3A_79, %get3A_406 : vector<16xf32>
      %get3A_408 = arith.index_cast %scan3A_75 : i32 to index
      %get3A_409 = arith.constant 320 : index
      %get3A_410 = tpu.vector_load %arg13[%get3A_408, %get3A_409] {strides = array<i32>} : memref<32x1024xf32, #tpu.memory_space<vmem>>, vector<1x16xf32>,
      %get3A_411 = vector.shape_cast %get3A_410 : vector<1x16xf32> to vector<16xf32>
      %mul3A_412 = arith.mulf %get3A_83, %get3A_411 : vector<16xf32>
      %add3A_413 = arith.addf %mul3A_407, %mul3A_412 : vector<16xf32>
      %swap3A_414 = arith.index_cast %scan3A_75 : i32 to index
      %swap3A_415 = arith.constant 320 : index
      %swap3A_416 = tpu.vector_load %arg12[%swap3A_414, %swap3A_415] {strides = array<i32>} : memref<32x1024xf32, #tpu.memory_space<vmem>>, vector<1x16xf32>,
      %swap3A_417 = vector.shape_cast %swap3A_416 : vector<1x16xf32> to vector<16xf32>
      %swap3A_418 = vector.shape_cast %add3A_413 : vector<16xf32> to vector<1x16xf32>
      tpu.vector_store %arg12[%swap3A_414, %swap3A_415], %swap3A_418 {strides = array<i32>} : memref<32x1024xf32, #tpu.memory_space<vmem>>, vector<1x16xf32>,
      %get3A_419 = arith.index_cast %scan3A_75 : i32 to index
      %get3A_420 = arith.constant 336 : index
      %get3A_421 = tpu.vector_load %arg12[%get3A_419, %get3A_420] {strides = array<i32>} : memref<32x1024xf32, #tpu.memory_space<vmem>>, vector<1x16xf32>,
      %get3A_422 = vector.shape_cast %get3A_421 : vector<1x16xf32> to vector<16xf32>
      %mul3A_423 = arith.mulf %get3A_79, %get3A_422 : vector<16xf32>
      %get3A_424 = arith.index_cast %scan3A_75 : i32 to index
      %get3A_425 = arith.constant 336 : index
      %get3A_426 = tpu.vector_load %arg13[%get3A_424, %get3A_425] {strides = array<i32>} : memref<32x1024xf32, #tpu.memory_space<vmem>>, vector<1x16xf32>,
      %get3A_427 = vector.shape_cast %get3A_426 : vector<1x16xf32> to vector<16xf32>
      %mul3A_428 = arith.mulf %get3A_83, %get3A_427 : vector<16xf32>
      %add3A_429 = arith.addf %mul3A_423, %mul3A_428 : vector<16xf32>
      %swap3A_430 = arith.index_cast %scan3A_75 : i32 to index
      %swap3A_431 = arith.constant 336 : index
      %swap3A_432 = tpu.vector_load %arg12[%swap3A_430, %swap3A_431] {strides = array<i32>} : memref<32x1024xf32, #tpu.memory_space<vmem>>, vector<1x16xf32>,
      %swap3A_433 = vector.shape_cast %swap3A_432 : vector<1x16xf32> to vector<16xf32>
      %swap3A_434 = vector.shape_cast %add3A_429 : vector<16xf32> to vector<1x16xf32>
      tpu.vector_store %arg12[%swap3A_430, %swap3A_431], %swap3A_434 {strides = array<i32>} : memref<32x1024xf32, #tpu.memory_space<vmem>>, vector<1x16xf32>,
      %get3A_435 = arith.index_cast %scan3A_75 : i32 to index
      %get3A_436 = arith.constant 352 : index
      %get3A_437 = tpu.vector_load %arg12[%get3A_435, %get3A_436] {strides = array<i32>} : memref<32x1024xf32, #tpu.memory_space<vmem>>, vector<1x16xf32>,
      %get3A_438 = vector.shape_cast %get3A_437 : vector<1x16xf32> to vector<16xf32>
      %mul3A_439 = arith.mulf %get3A_79, %get3A_438 : vector<16xf32>
      %get3A_440 = arith.index_cast %scan3A_75 : i32 to index
      %get3A_441 = arith.constant 352 : index
      %get3A_442 = tpu.vector_load %arg13[%get3A_440, %get3A_441] {strides = array<i32>} : memref<32x1024xf32, #tpu.memory_space<vmem>>, vector<1x16xf32>,
      %get3A_443 = vector.shape_cast %get3A_442 : vector<1x16xf32> to vector<16xf32>
      %mul3A_444 = arith.mulf %get3A_83, %get3A_443 : vector<16xf32>
      %add3A_445 = arith.addf %mul3A_439, %mul3A_444 : vector<16xf32>
      %swap3A_446 = arith.index_cast %scan3A_75 : i32 to index
      %swap3A_447 = arith.constant 352 : index
      %swap3A_448 = tpu.vector_load %arg12[%swap3A_446, %swap3A_447] {strides = array<i32>} : memref<32x1024xf32, #tpu.memory_space<vmem>>, vector<1x16xf32>,
      %swap3A_449 = vector.shape_cast %swap3A_448 : vector<1x16xf32> to vector<16xf32>
      %swap3A_450 = vector.shape_cast %add3A_445 : vector<16xf32> to vector<1x16xf32>
      tpu.vector_store %arg12[%swap3A_446, %swap3A_447], %swap3A_450 {strides = array<i32>} : memref<32x1024xf32, #tpu.memory_space<vmem>>, vector<1x16xf32>,
      %get3A_451 = arith.index_cast %scan3A_75 : i32 to index
      %get3A_452 = arith.constant 368 : index
      %get3A_453 = tpu.vector_load %arg12[%get3A_451, %get3A_452] {strides = array<i32>} : memref<32x1024xf32, #tpu.memory_space<vmem>>, vector<1x16xf32>,
      %get3A_454 = vector.shape_cast %get3A_453 : vector<1x16xf32> to vector<16xf32>
      %mul3A_455 = arith.mulf %get3A_79, %get3A_454 : vector<16xf32>
      %get3A_456 = arith.index_cast %scan3A_75 : i32 to index
      %get3A_457 = arith.constant 368 : index
      %get3A_458 = tpu.vector_load %arg13[%get3A_456, %get3A_457] {strides = array<i32>} : memref<32x1024xf32, #tpu.memory_space<vmem>>, vector<1x16xf32>,
      %get3A_459 = vector.shape_cast %get3A_458 : vector<1x16xf32> to vector<16xf32>
      %mul3A_460 = arith.mulf %get3A_83, %get3A_459 : vector<16xf32>
      %add3A_461 = arith.addf %mul3A_455, %mul3A_460 : vector<16xf32>
      %swap3A_462 = arith.index_cast %scan3A_75 : i32 to index
      %swap3A_463 = arith.constant 368 : index
      %swap3A_464 = tpu.vector_load %arg12[%swap3A_462, %swap3A_463] {strides = array<i32>} : memref<32x1024xf32, #tpu.memory_space<vmem>>, vector<1x16xf32>,
      %swap3A_465 = vector.shape_cast %swap3A_464 : vector<1x16xf32> to vector<16xf32>
      %swap3A_466 = vector.shape_cast %add3A_461 : vector<16xf32> to vector<1x16xf32>
      tpu.vector_store %arg12[%swap3A_462, %swap3A_463], %swap3A_466 {strides = array<i32>} : memref<32x1024xf32, #tpu.memory_space<vmem>>, vector<1x16xf32>,
      %get3A_467 = arith.index_cast %scan3A_75 : i32 to index
      %get3A_468 = arith.constant 384 : index
      %get3A_469 = tpu.vector_load %arg12[%get3A_467, %get3A_468] {strides = array<i32>} : memref<32x1024xf32, #tpu.memory_space<vmem>>, vector<1x16xf32>,
      %get3A_470 = vector.shape_cast %get3A_469 : vector<1x16xf32> to vector<16xf32>
      %mul3A_471 = arith.mulf %get3A_79, %get3A_470 : vector<16xf32>
      %get3A_472 = arith.index_cast %scan3A_75 : i32 to index
      %get3A_473 = arith.constant 384 : index
      %get3A_474 = tpu.vector_load %arg13[%get3A_472, %get3A_473] {strides = array<i32>} : memref<32x1024xf32, #tpu.memory_space<vmem>>, vector<1x16xf32>,
      %get3A_475 = vector.shape_cast %get3A_474 : vector<1x16xf32> to vector<16xf32>
      %mul3A_476 = arith.mulf %get3A_83, %get3A_475 : vector<16xf32>
      %add3A_477 = arith.addf %mul3A_471, %mul3A_476 : vector<16xf32>
      %swap3A_478 = arith.index_cast %scan3A_75 : i32 to index
      %swap3A_479 = arith.constant 384 : index
      %swap3A_480 = tpu.vector_load %arg12[%swap3A_478, %swap3A_479] {strides = array<i32>} : memref<32x1024xf32, #tpu.memory_space<vmem>>, vector<1x16xf32>,
      %swap3A_481 = vector.shape_cast %swap3A_480 : vector<1x16xf32> to vector<16xf32>
      %swap3A_482 = vector.shape_cast %add3A_477 : vector<16xf32> to vector<1x16xf32>
      tpu.vector_store %arg12[%swap3A_478, %swap3A_479], %swap3A_482 {strides = array<i32>} : memref<32x1024xf32, #tpu.memory_space<vmem>>, vector<1x16xf32>,
      %get3A_483 = arith.index_cast %scan3A_75 : i32 to index
      %get3A_484 = arith.constant 400 : index
      %get3A_485 = tpu.vector_load %arg12[%get3A_483, %get3A_484] {strides = array<i32>} : memref<32x1024xf32, #tpu.memory_space<vmem>>, vector<1x16xf32>,
      %get3A_486 = vector.shape_cast %get3A_485 : vector<1x16xf32> to vector<16xf32>
      %mul3A_487 = arith.mulf %get3A_79, %get3A_486 : vector<16xf32>
      %get3A_488 = arith.index_cast %scan3A_75 : i32 to index
      %get3A_489 = arith.constant 400 : index
      %get3A_490 = tpu.vector_load %arg13[%get3A_488, %get3A_489] {strides = array<i32>} : memref<32x1024xf32, #tpu.memory_space<vmem>>, vector<1x16xf32>,
      %get3A_491 = vector.shape_cast %get3A_490 : vector<1x16xf32> to vector<16xf32>
      %mul3A_492 = arith.mulf %get3A_83, %get3A_491 : vector<16xf32>
      %add3A_493 = arith.addf %mul3A_487, %mul3A_492 : vector<16xf32>
      %swap3A_494 = arith.index_cast %scan3A_75 : i32 to index
      %swap3A_495 = arith.constant 400 : index
      %swap3A_496 = tpu.vector_load %arg12[%swap3A_494, %swap3A_495] {strides = array<i32>} : memref<32x1024xf32, #tpu.memory_space<vmem>>, vector<1x16xf32>,
      %swap3A_497 = vector.shape_cast %swap3A_496 : vector<1x16xf32> to vector<16xf32>
      %swap3A_498 = vector.shape_cast %add3A_493 : vector<16xf32> to vector<1x16xf32>
      tpu.vector_store %arg12[%swap3A_494, %swap3A_495], %swap3A_498 {strides = array<i32>} : memref<32x1024xf32, #tpu.memory_space<vmem>>, vector<1x16xf32>,
      %get3A_499 = arith.index_cast %scan3A_75 : i32 to index
      %get3A_500 = arith.constant 416 : index
      %get3A_501 = tpu.vector_load %arg12[%get3A_499, %get3A_500] {strides = array<i32>} : memref<32x1024xf32, #tpu.memory_space<vmem>>, vector<1x16xf32>,
      %get3A_502 = vector.shape_cast %get3A_501 : vector<1x16xf32> to vector<16xf32>
      %mul3A_503 = arith.mulf %get3A_79, %get3A_502 : vector<16xf32>
      %get3A_504 = arith.index_cast %scan3A_75 : i32 to index
      %get3A_505 = arith.constant 416 : index
      %get3A_506 = tpu.vector_load %arg13[%get3A_504, %get3A_505] {strides = array<i32>} : memref<32x1024xf32, #tpu.memory_space<vmem>>, vector<1x16xf32>,
      %get3A_507 = vector.shape_cast %get3A_506 : vector<1x16xf32> to vector<16xf32>
      %mul3A_508 = arith.mulf %get3A_83, %get3A_507 : vector<16xf32>
      %add3A_509 = arith.addf %mul3A_503, %mul3A_508 : vector<16xf32>
      %swap3A_510 = arith.index_cast %scan3A_75 : i32 to index
      %swap3A_511 = arith.constant 416 : index
      %swap3A_512 = tpu.vector_load %arg12[%swap3A_510, %swap3A_511] {strides = array<i32>} : memref<32x1024xf32, #tpu.memory_space<vmem>>, vector<1x16xf32>,
      %swap3A_513 = vector.shape_cast %swap3A_512 : vector<1x16xf32> to vector<16xf32>
      %swap3A_514 = vector.shape_cast %add3A_509 : vector<16xf32> to vector<1x16xf32>
      tpu.vector_store %arg12[%swap3A_510, %swap3A_511], %swap3A_514 {strides = array<i32>} : memref<32x1024xf32, #tpu.memory_space<vmem>>, vector<1x16xf32>,
      %get3A_515 = arith.index_cast %scan3A_75 : i32 to index
      %get3A_516 = arith.constant 432 : index
      %get3A_517 = tpu.vector_load %arg12[%get3A_515, %get3A_516] {strides = array<i32>} : memref<32x1024xf32, #tpu.memory_space<vmem>>, vector<1x16xf32>,
      %get3A_518 = vector.shape_cast %get3A_517 : vector<1x16xf32> to vector<16xf32>
      %mul3A_519 = arith.mulf %get3A_79, %get3A_518 : vector<16xf32>
      %get3A_520 = arith.index_cast %scan3A_75 : i32 to index
      %get3A_521 = arith.constant 432 : index
      %get3A_522 = tpu.vector_load %arg13[%get3A_520, %get3A_521] {strides = array<i32>} : memref<32x1024xf32, #tpu.memory_space<vmem>>, vector<1x16xf32>,
      %get3A_523 = vector.shape_cast %get3A_522 : vector<1x16xf32> to vector<16xf32>
      %mul3A_524 = arith.mulf %get3A_83, %get3A_523 : vector<16xf32>
      %add3A_525 = arith.addf %mul3A_519, %mul3A_524 : vector<16xf32>
      %swap3A_526 = arith.index_cast %scan3A_75 : i32 to index
      %swap3A_527 = arith.constant 432 : index
      %swap3A_528 = tpu.vector_load %arg12[%swap3A_526, %swap3A_527] {strides = array<i32>} : memref<32x1024xf32, #tpu.memory_space<vmem>>, vector<1x16xf32>,
      %swap3A_529 = vector.shape_cast %swap3A_528 : vector<1x16xf32> to vector<16xf32>
      %swap3A_530 = vector.shape_cast %add3A_525 : vector<16xf32> to vector<1x16xf32>
      tpu.vector_store %arg12[%swap3A_526, %swap3A_527], %swap3A_530 {strides = array<i32>} : memref<32x1024xf32, #tpu.memory_space<vmem>>, vector<1x16xf32>,
      %get3A_531 = arith.index_cast %scan3A_75 : i32 to index
      %get3A_532 = arith.constant 448 : index
      %get3A_533 = tpu.vector_load %arg12[%get3A_531, %get3A_532] {strides = array<i32>} : memref<32x1024xf32, #tpu.memory_space<vmem>>, vector<1x16xf32>,
      %get3A_534 = vector.shape_cast %get3A_533 : vector<1x16xf32> to vector<16xf32>
      %mul3A_535 = arith.mulf %get3A_79, %get3A_534 : vector<16xf32>
      %get3A_536 = arith.index_cast %scan3A_75 : i32 to index
      %get3A_537 = arith.constant 448 : index
      %get3A_538 = tpu.vector_load %arg13[%get3A_536, %get3A_537] {strides = array<i32>} : memref<32x1024xf32, #tpu.memory_space<vmem>>, vector<1x16xf32>,
      %get3A_539 = vector.shape_cast %get3A_538 : vector<1x16xf32> to vector<16xf32>
      %mul3A_540 = arith.mulf %get3A_83, %get3A_539 : vector<16xf32>
      %add3A_541 = arith.addf %mul3A_535, %mul3A_540 : vector<16xf32>
      %swap3A_542 = arith.index_cast %scan3A_75 : i32 to index
      %swap3A_543 = arith.constant 448 : index
      %swap3A_544 = tpu.vector_load %arg12[%swap3A_542, %swap3A_543] {strides = array<i32>} : memref<32x1024xf32, #tpu.memory_space<vmem>>, vector<1x16xf32>,
      %swap3A_545 = vector.shape_cast %swap3A_544 : vector<1x16xf32> to vector<16xf32>
      %swap3A_546 = vector.shape_cast %add3A_541 : vector<16xf32> to vector<1x16xf32>
      tpu.vector_store %arg12[%swap3A_542, %swap3A_543], %swap3A_546 {strides = array<i32>} : memref<32x1024xf32, #tpu.memory_space<vmem>>, vector<1x16xf32>,
      %get3A_547 = arith.index_cast %scan3A_75 : i32 to index
      %get3A_548 = arith.constant 464 : index
      %get3A_549 = tpu.vector_load %arg12[%get3A_547, %get3A_548] {strides = array<i32>} : memref<32x1024xf32, #tpu.memory_space<vmem>>, vector<1x16xf32>,
      %get3A_550 = vector.shape_cast %get3A_549 : vector<1x16xf32> to vector<16xf32>
      %mul3A_551 = arith.mulf %get3A_79, %get3A_550 : vector<16xf32>
      %get3A_552 = arith.index_cast %scan3A_75 : i32 to index
      %get3A_553 = arith.constant 464 : index
      %get3A_554 = tpu.vector_load %arg13[%get3A_552, %get3A_553] {strides = array<i32>} : memref<32x1024xf32, #tpu.memory_space<vmem>>, vector<1x16xf32>,
      %get3A_555 = vector.shape_cast %get3A_554 : vector<1x16xf32> to vector<16xf32>
      %mul3A_556 = arith.mulf %get3A_83, %get3A_555 : vector<16xf32>
      %add3A_557 = arith.addf %mul3A_551, %mul3A_556 : vector<16xf32>
      %swap3A_558 = arith.index_cast %scan3A_75 : i32 to index
      %swap3A_559 = arith.constant 464 : index
      %swap3A_560 = tpu.vector_load %arg12[%swap3A_558, %swap3A_559] {strides = array<i32>} : memref<32x1024xf32, #tpu.memory_space<vmem>>, vector<1x16xf32>,
      %swap3A_561 = vector.shape_cast %swap3A_560 : vector<1x16xf32> to vector<16xf32>
      %swap3A_562 = vector.shape_cast %add3A_557 : vector<16xf32> to vector<1x16xf32>
      tpu.vector_store %arg12[%swap3A_558, %swap3A_559], %swap3A_562 {strides = array<i32>} : memref<32x1024xf32, #tpu.memory_space<vmem>>, vector<1x16xf32>,
      %get3A_563 = arith.index_cast %scan3A_75 : i32 to index
      %get3A_564 = arith.constant 480 : index
      %get3A_565 = tpu.vector_load %arg12[%get3A_563, %get3A_564] {strides = array<i32>} : memref<32x1024xf32, #tpu.memory_space<vmem>>, vector<1x16xf32>,
      %get3A_566 = vector.shape_cast %get3A_565 : vector<1x16xf32> to vector<16xf32>
      %mul3A_567 = arith.mulf %get3A_79, %get3A_566 : vector<16xf32>
      %get3A_568 = arith.index_cast %scan3A_75 : i32 to index
      %get3A_569 = arith.constant 480 : index
      %get3A_570 = tpu.vector_load %arg13[%get3A_568, %get3A_569] {strides = array<i32>} : memref<32x1024xf32, #tpu.memory_space<vmem>>, vector<1x16xf32>,
      %get3A_571 = vector.shape_cast %get3A_570 : vector<1x16xf32> to vector<16xf32>
      %mul3A_572 = arith.mulf %get3A_83, %get3A_571 : vector<16xf32>
      %add3A_573 = arith.addf %mul3A_567, %mul3A_572 : vector<16xf32>
      %swap3A_574 = arith.index_cast %scan3A_75 : i32 to index
      %swap3A_575 = arith.constant 480 : index
      %swap3A_576 = tpu.vector_load %arg12[%swap3A_574, %swap3A_575] {strides = array<i32>} : memref<32x1024xf32, #tpu.memory_space<vmem>>, vector<1x16xf32>,
      %swap3A_577 = vector.shape_cast %swap3A_576 : vector<1x16xf32> to vector<16xf32>
      %swap3A_578 = vector.shape_cast %add3A_573 : vector<16xf32> to vector<1x16xf32>
      tpu.vector_store %arg12[%swap3A_574, %swap3A_575], %swap3A_578 {strides = array<i32>} : memref<32x1024xf32, #tpu.memory_space<vmem>>, vector<1x16xf32>,
      %get3A_579 = arith.index_cast %scan3A_75 : i32 to index
      %get3A_580 = arith.constant 496 : index
      %get3A_581 = tpu.vector_load %arg12[%get3A_579, %get3A_580] {strides = array<i32>} : memref<32x1024xf32, #tpu.memory_space<vmem>>, vector<1x16xf32>,
      %get3A_582 = vector.shape_cast %get3A_581 : vector<1x16xf32> to vector<16xf32>
      %mul3A_583 = arith.mulf %get3A_79, %get3A_582 : vector<16xf32>
      %get3A_584 = arith.index_cast %scan3A_75 : i32 to index
      %get3A_585 = arith.constant 496 : index
      %get3A_586 = tpu.vector_load %arg13[%get3A_584, %get3A_585] {strides = array<i32>} : memref<32x1024xf32, #tpu.memory_space<vmem>>, vector<1x16xf32>,
      %get3A_587 = vector.shape_cast %get3A_586 : vector<1x16xf32> to vector<16xf32>
      %mul3A_588 = arith.mulf %get3A_83, %get3A_587 : vector<16xf32>
      %add3A_589 = arith.addf %mul3A_583, %mul3A_588 : vector<16xf32>
      %swap3A_590 = arith.index_cast %scan3A_75 : i32 to index
      %swap3A_591 = arith.constant 496 : index
      %swap3A_592 = tpu.vector_load %arg12[%swap3A_590, %swap3A_591] {strides = array<i32>} : memref<32x1024xf32, #tpu.memory_space<vmem>>, vector<1x16xf32>,
      %swap3A_593 = vector.shape_cast %swap3A_592 : vector<1x16xf32> to vector<16xf32>
      %swap3A_594 = vector.shape_cast %add3A_589 : vector<16xf32> to vector<1x16xf32>
      tpu.vector_store %arg12[%swap3A_590, %swap3A_591], %swap3A_594 {strides = array<i32>} : memref<32x1024xf32, #tpu.memory_space<vmem>>, vector<1x16xf32>,
      %get3A_595 = arith.index_cast %scan3A_75 : i32 to index
      %get3A_596 = arith.constant 512 : index
      %get3A_597 = tpu.vector_load %arg12[%get3A_595, %get3A_596] {strides = array<i32>} : memref<32x1024xf32, #tpu.memory_space<vmem>>, vector<1x16xf32>,
      %get3A_598 = vector.shape_cast %get3A_597 : vector<1x16xf32> to vector<16xf32>
      %mul3A_599 = arith.mulf %get3A_79, %get3A_598 : vector<16xf32>
      %get3A_600 = arith.index_cast %scan3A_75 : i32 to index
      %get3A_601 = arith.constant 512 : index
      %get3A_602 = tpu.vector_load %arg13[%get3A_600, %get3A_601] {strides = array<i32>} : memref<32x1024xf32, #tpu.memory_space<vmem>>, vector<1x16xf32>,
      %get3A_603 = vector.shape_cast %get3A_602 : vector<1x16xf32> to vector<16xf32>
      %mul3A_604 = arith.mulf %get3A_83, %get3A_603 : vector<16xf32>
      %add3A_605 = arith.addf %mul3A_599, %mul3A_604 : vector<16xf32>
      %swap3A_606 = arith.index_cast %scan3A_75 : i32 to index
      %swap3A_607 = arith.constant 512 : index
      %swap3A_608 = tpu.vector_load %arg12[%swap3A_606, %swap3A_607] {strides = array<i32>} : memref<32x1024xf32, #tpu.memory_space<vmem>>, vector<1x16xf32>,
      %swap3A_609 = vector.shape_cast %swap3A_608 : vector<1x16xf32> to vector<16xf32>
      %swap3A_610 = vector.shape_cast %add3A_605 : vector<16xf32> to vector<1x16xf32>
      tpu.vector_store %arg12[%swap3A_606, %swap3A_607], %swap3A_610 {strides = array<i32>} : memref<32x1024xf32, #tpu.memory_space<vmem>>, vector<1x16xf32>,
      %get3A_611 = arith.index_cast %scan3A_75 : i32 to index
      %get3A_612 = arith.constant 528 : index
      %get3A_613 = tpu.vector_load %arg12[%get3A_611, %get3A_612] {strides = array<i32>} : memref<32x1024xf32, #tpu.memory_space<vmem>>, vector<1x16xf32>,
      %get3A_614 = vector.shape_cast %get3A_613 : vector<1x16xf32> to vector<16xf32>
      %mul3A_615 = arith.mulf %get3A_79, %get3A_614 : vector<16xf32>
      %get3A_616 = arith.index_cast %scan3A_75 : i32 to index
      %get3A_617 = arith.constant 528 : index
      %get3A_618 = tpu.vector_load %arg13[%get3A_616, %get3A_617] {strides = array<i32>} : memref<32x1024xf32, #tpu.memory_space<vmem>>, vector<1x16xf32>,
      %get3A_619 = vector.shape_cast %get3A_618 : vector<1x16xf32> to vector<16xf32>
      %mul3A_620 = arith.mulf %get3A_83, %get3A_619 : vector<16xf32>
      %add3A_621 = arith.addf %mul3A_615, %mul3A_620 : vector<16xf32>
      %swap3A_622 = arith.index_cast %scan3A_75 : i32 to index
      %swap3A_623 = arith.constant 528 : index
      %swap3A_624 = tpu.vector_load %arg12[%swap3A_622, %swap3A_623] {strides = array<i32>} : memref<32x1024xf32, #tpu.memory_space<vmem>>, vector<1x16xf32>,
      %swap3A_625 = vector.shape_cast %swap3A_624 : vector<1x16xf32> to vector<16xf32>
      %swap3A_626 = vector.shape_cast %add3A_621 : vector<16xf32> to vector<1x16xf32>
      tpu.vector_store %arg12[%swap3A_622, %swap3A_623], %swap3A_626 {strides = array<i32>} : memref<32x1024xf32, #tpu.memory_space<vmem>>, vector<1x16xf32>,
      %get3A_627 = arith.index_cast %scan3A_75 : i32 to index
      %get3A_628 = arith.constant 544 : index
      %get3A_629 = tpu.vector_load %arg12[%get3A_627, %get3A_628] {strides = array<i32>} : memref<32x1024xf32, #tpu.memory_space<vmem>>, vector<1x16xf32>,
      %get3A_630 = vector.shape_cast %get3A_629 : vector<1x16xf32> to vector<16xf32>
      %mul3A_631 = arith.mulf %get3A_79, %get3A_630 : vector<16xf32>
      %get3A_632 = arith.index_cast %scan3A_75 : i32 to index
      %get3A_633 = arith.constant 544 : index
      %get3A_634 = tpu.vector_load %arg13[%get3A_632, %get3A_633] {strides = array<i32>} : memref<32x1024xf32, #tpu.memory_space<vmem>>, vector<1x16xf32>,
      %get3A_635 = vector.shape_cast %get3A_634 : vector<1x16xf32> to vector<16xf32>
      %mul3A_636 = arith.mulf %get3A_83, %get3A_635 : vector<16xf32>
      %add3A_637 = arith.addf %mul3A_631, %mul3A_636 : vector<16xf32>
      %swap3A_638 = arith.index_cast %scan3A_75 : i32 to index
      %swap3A_639 = arith.constant 544 : index
      %swap3A_640 = tpu.vector_load %arg12[%swap3A_638, %swap3A_639] {strides = array<i32>} : memref<32x1024xf32, #tpu.memory_space<vmem>>, vector<1x16xf32>,
      %swap3A_641 = vector.shape_cast %swap3A_640 : vector<1x16xf32> to vector<16xf32>
      %swap3A_642 = vector.shape_cast %add3A_637 : vector<16xf32> to vector<1x16xf32>
      tpu.vector_store %arg12[%swap3A_638, %swap3A_639], %swap3A_642 {strides = array<i32>} : memref<32x1024xf32, #tpu.memory_space<vmem>>, vector<1x16xf32>,
      %get3A_643 = arith.index_cast %scan3A_75 : i32 to index
      %get3A_644 = arith.constant 560 : index
      %get3A_645 = tpu.vector_load %arg12[%get3A_643, %get3A_644] {strides = array<i32>} : memref<32x1024xf32, #tpu.memory_space<vmem>>, vector<1x16xf32>,
      %get3A_646 = vector.shape_cast %get3A_645 : vector<1x16xf32> to vector<16xf32>
      %mul3A_647 = arith.mulf %get3A_79, %get3A_646 : vector<16xf32>
      %get3A_648 = arith.index_cast %scan3A_75 : i32 to index
      %get3A_649 = arith.constant 560 : index
      %get3A_650 = tpu.vector_load %arg13[%get3A_648, %get3A_649] {strides = array<i32>} : memref<32x1024xf32, #tpu.memory_space<vmem>>, vector<1x16xf32>,
      %get3A_651 = vector.shape_cast %get3A_650 : vector<1x16xf32> to vector<16xf32>
      %mul3A_652 = arith.mulf %get3A_83, %get3A_651 : vector<16xf32>
      %add3A_653 = arith.addf %mul3A_647, %mul3A_652 : vector<16xf32>
      %swap3A_654 = arith.index_cast %scan3A_75 : i32 to index
      %swap3A_655 = arith.constant 560 : index
      %swap3A_656 = tpu.vector_load %arg12[%swap3A_654, %swap3A_655] {strides = array<i32>} : memref<32x1024xf32, #tpu.memory_space<vmem>>, vector<1x16xf32>,
      %swap3A_657 = vector.shape_cast %swap3A_656 : vector<1x16xf32> to vector<16xf32>
      %swap3A_658 = vector.shape_cast %add3A_653 : vector<16xf32> to vector<1x16xf32>
      tpu.vector_store %arg12[%swap3A_654, %swap3A_655], %swap3A_658 {strides = array<i32>} : memref<32x1024xf32, #tpu.memory_space<vmem>>, vector<1x16xf32>,
      %get3A_659 = arith.index_cast %scan3A_75 : i32 to index
      %get3A_660 = arith.constant 576 : index
      %get3A_661 = tpu.vector_load %arg12[%get3A_659, %get3A_660] {strides = array<i32>} : memref<32x1024xf32, #tpu.memory_space<vmem>>, vector<1x16xf32>,
      %get3A_662 = vector.shape_cast %get3A_661 : vector<1x16xf32> to vector<16xf32>
      %mul3A_663 = arith.mulf %get3A_79, %get3A_662 : vector<16xf32>
      %get3A_664 = arith.index_cast %scan3A_75 : i32 to index
      %get3A_665 = arith.constant 576 : index
      %get3A_666 = tpu.vector_load %arg13[%get3A_664, %get3A_665] {strides = array<i32>} : memref<32x1024xf32, #tpu.memory_space<vmem>>, vector<1x16xf32>,
      %get3A_667 = vector.shape_cast %get3A_666 : vector<1x16xf32> to vector<16xf32>
      %mul3A_668 = arith.mulf %get3A_83, %get3A_667 : vector<16xf32>
      %add3A_669 = arith.addf %mul3A_663, %mul3A_668 : vector<16xf32>
      %swap3A_670 = arith.index_cast %scan3A_75 : i32 to index
      %swap3A_671 = arith.constant 576 : index
      %swap3A_672 = tpu.vector_load %arg12[%swap3A_670, %swap3A_671] {strides = array<i32>} : memref<32x1024xf32, #tpu.memory_space<vmem>>, vector<1x16xf32>,
      %swap3A_673 = vector.shape_cast %swap3A_672 : vector<1x16xf32> to vector<16xf32>
      %swap3A_674 = vector.shape_cast %add3A_669 : vector<16xf32> to vector<1x16xf32>
      tpu.vector_store %arg12[%swap3A_670, %swap3A_671], %swap3A_674 {strides = array<i32>} : memref<32x1024xf32, #tpu.memory_space<vmem>>, vector<1x16xf32>,
      %get3A_675 = arith.index_cast %scan3A_75 : i32 to index
      %get3A_676 = arith.constant 592 : index
      %get3A_677 = tpu.vector_load %arg12[%get3A_675, %get3A_676] {strides = array<i32>} : memref<32x1024xf32, #tpu.memory_space<vmem>>, vector<1x16xf32>,
      %get3A_678 = vector.shape_cast %get3A_677 : vector<1x16xf32> to vector<16xf32>
      %mul3A_679 = arith.mulf %get3A_79, %get3A_678 : vector<16xf32>
      %get3A_680 = arith.index_cast %scan3A_75 : i32 to index
      %get3A_681 = arith.constant 592 : index
      %get3A_682 = tpu.vector_load %arg13[%get3A_680, %get3A_681] {strides = array<i32>} : memref<32x1024xf32, #tpu.memory_space<vmem>>, vector<1x16xf32>,
      %get3A_683 = vector.shape_cast %get3A_682 : vector<1x16xf32> to vector<16xf32>
      %mul3A_684 = arith.mulf %get3A_83, %get3A_683 : vector<16xf32>
      %add3A_685 = arith.addf %mul3A_679, %mul3A_684 : vector<16xf32>
      %swap3A_686 = arith.index_cast %scan3A_75 : i32 to index
      %swap3A_687 = arith.constant 592 : index
      %swap3A_688 = tpu.vector_load %arg12[%swap3A_686, %swap3A_687] {strides = array<i32>} : memref<32x1024xf32, #tpu.memory_space<vmem>>, vector<1x16xf32>,
      %swap3A_689 = vector.shape_cast %swap3A_688 : vector<1x16xf32> to vector<16xf32>
      %swap3A_690 = vector.shape_cast %add3A_685 : vector<16xf32> to vector<1x16xf32>
      tpu.vector_store %arg12[%swap3A_686, %swap3A_687], %swap3A_690 {strides = array<i32>} : memref<32x1024xf32, #tpu.memory_space<vmem>>, vector<1x16xf32>,
      %get3A_691 = arith.index_cast %scan3A_75 : i32 to index
      %get3A_692 = arith.constant 608 : index
      %get3A_693 = tpu.vector_load %arg12[%get3A_691, %get3A_692] {strides = array<i32>} : memref<32x1024xf32, #tpu.memory_space<vmem>>, vector<1x16xf32>,
      %get3A_694 = vector.shape_cast %get3A_693 : vector<1x16xf32> to vector<16xf32>
      %mul3A_695 = arith.mulf %get3A_79, %get3A_694 : vector<16xf32>
      %get3A_696 = arith.index_cast %scan3A_75 : i32 to index
      %get3A_697 = arith.constant 608 : index
      %get3A_698 = tpu.vector_load %arg13[%get3A_696, %get3A_697] {strides = array<i32>} : memref<32x1024xf32, #tpu.memory_space<vmem>>, vector<1x16xf32>,
      %get3A_699 = vector.shape_cast %get3A_698 : vector<1x16xf32> to vector<16xf32>
      %mul3A_700 = arith.mulf %get3A_83, %get3A_699 : vector<16xf32>
      %add3A_701 = arith.addf %mul3A_695, %mul3A_700 : vector<16xf32>
      %swap3A_702 = arith.index_cast %scan3A_75 : i32 to index
      %swap3A_703 = arith.constant 608 : index
      %swap3A_704 = tpu.vector_load %arg12[%swap3A_702, %swap3A_703] {strides = array<i32>} : memref<32x1024xf32, #tpu.memory_space<vmem>>, vector<1x16xf32>,
      %swap3A_705 = vector.shape_cast %swap3A_704 : vector<1x16xf32> to vector<16xf32>
      %swap3A_706 = vector.shape_cast %add3A_701 : vector<16xf32> to vector<1x16xf32>
      tpu.vector_store %arg12[%swap3A_702, %swap3A_703], %swap3A_706 {strides = array<i32>} : memref<32x1024xf32, #tpu.memory_space<vmem>>, vector<1x16xf32>,
      %get3A_707 = arith.index_cast %scan3A_75 : i32 to index
      %get3A_708 = arith.constant 624 : index
      %get3A_709 = tpu.vector_load %arg12[%get3A_707, %get3A_708] {strides = array<i32>} : memref<32x1024xf32, #tpu.memory_space<vmem>>, vector<1x16xf32>,
      %get3A_710 = vector.shape_cast %get3A_709 : vector<1x16xf32> to vector<16xf32>
      %mul3A_711 = arith.mulf %get3A_79, %get3A_710 : vector<16xf32>
      %get3A_712 = arith.index_cast %scan3A_75 : i32 to index
      %get3A_713 = arith.constant 624 : index
      %get3A_714 = tpu.vector_load %arg13[%get3A_712, %get3A_713] {strides = array<i32>} : memref<32x1024xf32, #tpu.memory_space<vmem>>, vector<1x16xf32>,
      %get3A_715 = vector.shape_cast %get3A_714 : vector<1x16xf32> to vector<16xf32>
      %mul3A_716 = arith.mulf %get3A_83, %get3A_715 : vector<16xf32>
      %add3A_717 = arith.addf %mul3A_711, %mul3A_716 : vector<16xf32>
      %swap3A_718 = arith.index_cast %scan3A_75 : i32 to index
      %swap3A_719 = arith.constant 624 : index
      %swap3A_720 = tpu.vector_load %arg12[%swap3A_718, %swap3A_719] {strides = array<i32>} : memref<32x1024xf32, #tpu.memory_space<vmem>>, vector<1x16xf32>,
      %swap3A_721 = vector.shape_cast %swap3A_720 : vector<1x16xf32> to vector<16xf32>
      %swap3A_722 = vector.shape_cast %add3A_717 : vector<16xf32> to vector<1x16xf32>
      tpu.vector_store %arg12[%swap3A_718, %swap3A_719], %swap3A_722 {strides = array<i32>} : memref<32x1024xf32, #tpu.memory_space<vmem>>, vector<1x16xf32>,
      %get3A_723 = arith.index_cast %scan3A_75 : i32 to index
      %get3A_724 = arith.constant 640 : index
      %get3A_725 = tpu.vector_load %arg12[%get3A_723, %get3A_724] {strides = array<i32>} : memref<32x1024xf32, #tpu.memory_space<vmem>>, vector<1x16xf32>,
      %get3A_726 = vector.shape_cast %get3A_725 : vector<1x16xf32> to vector<16xf32>
      %mul3A_727 = arith.mulf %get3A_79, %get3A_726 : vector<16xf32>
      %get3A_728 = arith.index_cast %scan3A_75 : i32 to index
      %get3A_729 = arith.constant 640 : index
      %get3A_730 = tpu.vector_load %arg13[%get3A_728, %get3A_729] {strides = array<i32>} : memref<32x1024xf32, #tpu.memory_space<vmem>>, vector<1x16xf32>,
      %get3A_731 = vector.shape_cast %get3A_730 : vector<1x16xf32> to vector<16xf32>
      %mul3A_732 = arith.mulf %get3A_83, %get3A_731 : vector<16xf32>
      %add3A_733 = arith.addf %mul3A_727, %mul3A_732 : vector<16xf32>
      %swap3A_734 = arith.index_cast %scan3A_75 : i32 to index
      %swap3A_735 = arith.constant 640 : index
      %swap3A_736 = tpu.vector_load %arg12[%swap3A_734, %swap3A_735] {strides = array<i32>} : memref<32x1024xf32, #tpu.memory_space<vmem>>, vector<1x16xf32>,
      %swap3A_737 = vector.shape_cast %swap3A_736 : vector<1x16xf32> to vector<16xf32>
      %swap3A_738 = vector.shape_cast %add3A_733 : vector<16xf32> to vector<1x16xf32>
      tpu.vector_store %arg12[%swap3A_734, %swap3A_735], %swap3A_738 {strides = array<i32>} : memref<32x1024xf32, #tpu.memory_space<vmem>>, vector<1x16xf32>,
      %get3A_739 = arith.index_cast %scan3A_75 : i32 to index
      %get3A_740 = arith.constant 656 : index
      %get3A_741 = tpu.vector_load %arg12[%get3A_739, %get3A_740] {strides = array<i32>} : memref<32x1024xf32, #tpu.memory_space<vmem>>, vector<1x16xf32>,
      %get3A_742 = vector.shape_cast %get3A_741 : vector<1x16xf32> to vector<16xf32>
      %mul3A_743 = arith.mulf %get3A_79, %get3A_742 : vector<16xf32>
      %get3A_744 = arith.index_cast %scan3A_75 : i32 to index
      %get3A_745 = arith.constant 656 : index
      %get3A_746 = tpu.vector_load %arg13[%get3A_744, %get3A_745] {strides = array<i32>} : memref<32x1024xf32, #tpu.memory_space<vmem>>, vector<1x16xf32>,
      %get3A_747 = vector.shape_cast %get3A_746 : vector<1x16xf32> to vector<16xf32>
      %mul3A_748 = arith.mulf %get3A_83, %get3A_747 : vector<16xf32>
      %add3A_749 = arith.addf %mul3A_743, %mul3A_748 : vector<16xf32>
      %swap3A_750 = arith.index_cast %scan3A_75 : i32 to index
      %swap3A_751 = arith.constant 656 : index
      %swap3A_752 = tpu.vector_load %arg12[%swap3A_750, %swap3A_751] {strides = array<i32>} : memref<32x1024xf32, #tpu.memory_space<vmem>>, vector<1x16xf32>,
      %swap3A_753 = vector.shape_cast %swap3A_752 : vector<1x16xf32> to vector<16xf32>
      %swap3A_754 = vector.shape_cast %add3A_749 : vector<16xf32> to vector<1x16xf32>
      tpu.vector_store %arg12[%swap3A_750, %swap3A_751], %swap3A_754 {strides = array<i32>} : memref<32x1024xf32, #tpu.memory_space<vmem>>, vector<1x16xf32>,
      %get3A_755 = arith.index_cast %scan3A_75 : i32 to index
      %get3A_756 = arith.constant 672 : index
      %get3A_757 = tpu.vector_load %arg12[%get3A_755, %get3A_756] {strides = array<i32>} : memref<32x1024xf32, #tpu.memory_space<vmem>>, vector<1x16xf32>,
      %get3A_758 = vector.shape_cast %get3A_757 : vector<1x16xf32> to vector<16xf32>
      %mul3A_759 = arith.mulf %get3A_79, %get3A_758 : vector<16xf32>
      %get3A_760 = arith.index_cast %scan3A_75 : i32 to index
      %get3A_761 = arith.constant 672 : index
      %get3A_762 = tpu.vector_load %arg13[%get3A_760, %get3A_761] {strides = array<i32>} : memref<32x1024xf32, #tpu.memory_space<vmem>>, vector<1x16xf32>,
      %get3A_763 = vector.shape_cast %get3A_762 : vector<1x16xf32> to vector<16xf32>
      %mul3A_764 = arith.mulf %get3A_83, %get3A_763 : vector<16xf32>
      %add3A_765 = arith.addf %mul3A_759, %mul3A_764 : vector<16xf32>
      %swap3A_766 = arith.index_cast %scan3A_75 : i32 to index
      %swap3A_767 = arith.constant 672 : index
      %swap3A_768 = tpu.vector_load %arg12[%swap3A_766, %swap3A_767] {strides = array<i32>} : memref<32x1024xf32, #tpu.memory_space<vmem>>, vector<1x16xf32>,
      %swap3A_769 = vector.shape_cast %swap3A_768 : vector<1x16xf32> to vector<16xf32>
      %swap3A_770 = vector.shape_cast %add3A_765 : vector<16xf32> to vector<1x16xf32>
      tpu.vector_store %arg12[%swap3A_766, %swap3A_767], %swap3A_770 {strides = array<i32>} : memref<32x1024xf32, #tpu.memory_space<vmem>>, vector<1x16xf32>,
      %get3A_771 = arith.index_cast %scan3A_75 : i32 to index
      %get3A_772 = arith.constant 688 : index
      %get3A_773 = tpu.vector_load %arg12[%get3A_771, %get3A_772] {strides = array<i32>} : memref<32x1024xf32, #tpu.memory_space<vmem>>, vector<1x16xf32>,
      %get3A_774 = vector.shape_cast %get3A_773 : vector<1x16xf32> to vector<16xf32>
      %mul3A_775 = arith.mulf %get3A_79, %get3A_774 : vector<16xf32>
      %get3A_776 = arith.index_cast %scan3A_75 : i32 to index
      %get3A_777 = arith.constant 688 : index
      %get3A_778 = tpu.vector_load %arg13[%get3A_776, %get3A_777] {strides = array<i32>} : memref<32x1024xf32, #tpu.memory_space<vmem>>, vector<1x16xf32>,
      %get3A_779 = vector.shape_cast %get3A_778 : vector<1x16xf32> to vector<16xf32>
      %mul3A_780 = arith.mulf %get3A_83, %get3A_779 : vector<16xf32>
      %add3A_781 = arith.addf %mul3A_775, %mul3A_780 : vector<16xf32>
      %swap3A_782 = arith.index_cast %scan3A_75 : i32 to index
      %swap3A_783 = arith.constant 688 : index
      %swap3A_784 = tpu.vector_load %arg12[%swap3A_782, %swap3A_783] {strides = array<i32>} : memref<32x1024xf32, #tpu.memory_space<vmem>>, vector<1x16xf32>,
      %swap3A_785 = vector.shape_cast %swap3A_784 : vector<1x16xf32> to vector<16xf32>
      %swap3A_786 = vector.shape_cast %add3A_781 : vector<16xf32> to vector<1x16xf32>
      tpu.vector_store %arg12[%swap3A_782, %swap3A_783], %swap3A_786 {strides = array<i32>} : memref<32x1024xf32, #tpu.memory_space<vmem>>, vector<1x16xf32>,
      %get3A_787 = arith.index_cast %scan3A_75 : i32 to index
      %get3A_788 = arith.constant 704 : index
      %get3A_789 = tpu.vector_load %arg12[%get3A_787, %get3A_788] {strides = array<i32>} : memref<32x1024xf32, #tpu.memory_space<vmem>>, vector<1x16xf32>,
      %get3A_790 = vector.shape_cast %get3A_789 : vector<1x16xf32> to vector<16xf32>
      %mul3A_791 = arith.mulf %get3A_79, %get3A_790 : vector<16xf32>
      %get3A_792 = arith.index_cast %scan3A_75 : i32 to index
      %get3A_793 = arith.constant 704 : index
      %get3A_794 = tpu.vector_load %arg13[%get3A_792, %get3A_793] {strides = array<i32>} : memref<32x1024xf32, #tpu.memory_space<vmem>>, vector<1x16xf32>,
      %get3A_795 = vector.shape_cast %get3A_794 : vector<1x16xf32> to vector<16xf32>
      %mul3A_796 = arith.mulf %get3A_83, %get3A_795 : vector<16xf32>
      %add3A_797 = arith.addf %mul3A_791, %mul3A_796 : vector<16xf32>
      %swap3A_798 = arith.index_cast %scan3A_75 : i32 to index
      %swap3A_799 = arith.constant 704 : index
      %swap3A_800 = tpu.vector_load %arg12[%swap3A_798, %swap3A_799] {strides = array<i32>} : memref<32x1024xf32, #tpu.memory_space<vmem>>, vector<1x16xf32>,
      %swap3A_801 = vector.shape_cast %swap3A_800 : vector<1x16xf32> to vector<16xf32>
      %swap3A_802 = vector.shape_cast %add3A_797 : vector<16xf32> to vector<1x16xf32>
      tpu.vector_store %arg12[%swap3A_798, %swap3A_799], %swap3A_802 {strides = array<i32>} : memref<32x1024xf32, #tpu.memory_space<vmem>>, vector<1x16xf32>,
      %get3A_803 = arith.index_cast %scan3A_75 : i32 to index
      %get3A_804 = arith.constant 720 : index
      %get3A_805 = tpu.vector_load %arg12[%get3A_803, %get3A_804] {strides = array<i32>} : memref<32x1024xf32, #tpu.memory_space<vmem>>, vector<1x16xf32>,
      %get3A_806 = vector.shape_cast %get3A_805 : vector<1x16xf32> to vector<16xf32>
      %mul3A_807 = arith.mulf %get3A_79, %get3A_806 : vector<16xf32>
      %get3A_808 = arith.index_cast %scan3A_75 : i32 to index
      %get3A_809 = arith.constant 720 : index
      %get3A_810 = tpu.vector_load %arg13[%get3A_808, %get3A_809] {strides = array<i32>} : memref<32x1024xf32, #tpu.memory_space<vmem>>, vector<1x16xf32>,
      %get3A_811 = vector.shape_cast %get3A_810 : vector<1x16xf32> to vector<16xf32>
      %mul3A_812 = arith.mulf %get3A_83, %get3A_811 : vector<16xf32>
      %add3A_813 = arith.addf %mul3A_807, %mul3A_812 : vector<16xf32>
      %swap3A_814 = arith.index_cast %scan3A_75 : i32 to index
      %swap3A_815 = arith.constant 720 : index
      %swap3A_816 = tpu.vector_load %arg12[%swap3A_814, %swap3A_815] {strides = array<i32>} : memref<32x1024xf32, #tpu.memory_space<vmem>>, vector<1x16xf32>,
      %swap3A_817 = vector.shape_cast %swap3A_816 : vector<1x16xf32> to vector<16xf32>
      %swap3A_818 = vector.shape_cast %add3A_813 : vector<16xf32> to vector<1x16xf32>
      tpu.vector_store %arg12[%swap3A_814, %swap3A_815], %swap3A_818 {strides = array<i32>} : memref<32x1024xf32, #tpu.memory_space<vmem>>, vector<1x16xf32>,
      %get3A_819 = arith.index_cast %scan3A_75 : i32 to index
      %get3A_820 = arith.constant 736 : index
      %get3A_821 = tpu.vector_load %arg12[%get3A_819, %get3A_820] {strides = array<i32>} : memref<32x1024xf32, #tpu.memory_space<vmem>>, vector<1x16xf32>,
      %get3A_822 = vector.shape_cast %get3A_821 : vector<1x16xf32> to vector<16xf32>
      %mul3A_823 = arith.mulf %get3A_79, %get3A_822 : vector<16xf32>
      %get3A_824 = arith.index_cast %scan3A_75 : i32 to index
      %get3A_825 = arith.constant 736 : index
      %get3A_826 = tpu.vector_load %arg13[%get3A_824, %get3A_825] {strides = array<i32>} : memref<32x1024xf32, #tpu.memory_space<vmem>>, vector<1x16xf32>,
      %get3A_827 = vector.shape_cast %get3A_826 : vector<1x16xf32> to vector<16xf32>
      %mul3A_828 = arith.mulf %get3A_83, %get3A_827 : vector<16xf32>
      %add3A_829 = arith.addf %mul3A_823, %mul3A_828 : vector<16xf32>
      %swap3A_830 = arith.index_cast %scan3A_75 : i32 to index
      %swap3A_831 = arith.constant 736 : index
      %swap3A_832 = tpu.vector_load %arg12[%swap3A_830, %swap3A_831] {strides = array<i32>} : memref<32x1024xf32, #tpu.memory_space<vmem>>, vector<1x16xf32>,
      %swap3A_833 = vector.shape_cast %swap3A_832 : vector<1x16xf32> to vector<16xf32>
      %swap3A_834 = vector.shape_cast %add3A_829 : vector<16xf32> to vector<1x16xf32>
      tpu.vector_store %arg12[%swap3A_830, %swap3A_831], %swap3A_834 {strides = array<i32>} : memref<32x1024xf32, #tpu.memory_space<vmem>>, vector<1x16xf32>,
      %get3A_835 = arith.index_cast %scan3A_75 : i32 to index
      %get3A_836 = arith.constant 752 : index
      %get3A_837 = tpu.vector_load %arg12[%get3A_835, %get3A_836] {strides = array<i32>} : memref<32x1024xf32, #tpu.memory_space<vmem>>, vector<1x16xf32>,
      %get3A_838 = vector.shape_cast %get3A_837 : vector<1x16xf32> to vector<16xf32>
      %mul3A_839 = arith.mulf %get3A_79, %get3A_838 : vector<16xf32>
      %get3A_840 = arith.index_cast %scan3A_75 : i32 to index
      %get3A_841 = arith.constant 752 : index
      %get3A_842 = tpu.vector_load %arg13[%get3A_840, %get3A_841] {strides = array<i32>} : memref<32x1024xf32, #tpu.memory_space<vmem>>, vector<1x16xf32>,
      %get3A_843 = vector.shape_cast %get3A_842 : vector<1x16xf32> to vector<16xf32>
      %mul3A_844 = arith.mulf %get3A_83, %get3A_843 : vector<16xf32>
      %add3A_845 = arith.addf %mul3A_839, %mul3A_844 : vector<16xf32>
      %swap3A_846 = arith.index_cast %scan3A_75 : i32 to index
      %swap3A_847 = arith.constant 752 : index
      %swap3A_848 = tpu.vector_load %arg12[%swap3A_846, %swap3A_847] {strides = array<i32>} : memref<32x1024xf32, #tpu.memory_space<vmem>>, vector<1x16xf32>,
      %swap3A_849 = vector.shape_cast %swap3A_848 : vector<1x16xf32> to vector<16xf32>
      %swap3A_850 = vector.shape_cast %add3A_845 : vector<16xf32> to vector<1x16xf32>
      tpu.vector_store %arg12[%swap3A_846, %swap3A_847], %swap3A_850 {strides = array<i32>} : memref<32x1024xf32, #tpu.memory_space<vmem>>, vector<1x16xf32>,
      %get3A_851 = arith.index_cast %scan3A_75 : i32 to index
      %get3A_852 = arith.constant 768 : index
      %get3A_853 = tpu.vector_load %arg12[%get3A_851, %get3A_852] {strides = array<i32>} : memref<32x1024xf32, #tpu.memory_space<vmem>>, vector<1x16xf32>,
      %get3A_854 = vector.shape_cast %get3A_853 : vector<1x16xf32> to vector<16xf32>
      %mul3A_855 = arith.mulf %get3A_79, %get3A_854 : vector<16xf32>
      %get3A_856 = arith.index_cast %scan3A_75 : i32 to index
      %get3A_857 = arith.constant 768 : index
      %get3A_858 = tpu.vector_load %arg13[%get3A_856, %get3A_857] {strides = array<i32>} : memref<32x1024xf32, #tpu.memory_space<vmem>>, vector<1x16xf32>,
      %get3A_859 = vector.shape_cast %get3A_858 : vector<1x16xf32> to vector<16xf32>
      %mul3A_860 = arith.mulf %get3A_83, %get3A_859 : vector<16xf32>
      %add3A_861 = arith.addf %mul3A_855, %mul3A_860 : vector<16xf32>
      %swap3A_862 = arith.index_cast %scan3A_75 : i32 to index
      %swap3A_863 = arith.constant 768 : index
      %swap3A_864 = tpu.vector_load %arg12[%swap3A_862, %swap3A_863] {strides = array<i32>} : memref<32x1024xf32, #tpu.memory_space<vmem>>, vector<1x16xf32>,
      %swap3A_865 = vector.shape_cast %swap3A_864 : vector<1x16xf32> to vector<16xf32>
      %swap3A_866 = vector.shape_cast %add3A_861 : vector<16xf32> to vector<1x16xf32>
      tpu.vector_store %arg12[%swap3A_862, %swap3A_863], %swap3A_866 {strides = array<i32>} : memref<32x1024xf32, #tpu.memory_space<vmem>>, vector<1x16xf32>,
      %get3A_867 = arith.index_cast %scan3A_75 : i32 to index
      %get3A_868 = arith.constant 784 : index
      %get3A_869 = tpu.vector_load %arg12[%get3A_867, %get3A_868] {strides = array<i32>} : memref<32x1024xf32, #tpu.memory_space<vmem>>, vector<1x16xf32>,
      %get3A_870 = vector.shape_cast %get3A_869 : vector<1x16xf32> to vector<16xf32>
      %mul3A_871 = arith.mulf %get3A_79, %get3A_870 : vector<16xf32>
      %get3A_872 = arith.index_cast %scan3A_75 : i32 to index
      %get3A_873 = arith.constant 784 : index
      %get3A_874 = tpu.vector_load %arg13[%get3A_872, %get3A_873] {strides = array<i32>} : memref<32x1024xf32, #tpu.memory_space<vmem>>, vector<1x16xf32>,
      %get3A_875 = vector.shape_cast %get3A_874 : vector<1x16xf32> to vector<16xf32>
      %mul3A_876 = arith.mulf %get3A_83, %get3A_875 : vector<16xf32>
      %add3A_877 = arith.addf %mul3A_871, %mul3A_876 : vector<16xf32>
      %swap3A_878 = arith.index_cast %scan3A_75 : i32 to index
      %swap3A_879 = arith.constant 784 : index
      %swap3A_880 = tpu.vector_load %arg12[%swap3A_878, %swap3A_879] {strides = array<i32>} : memref<32x1024xf32, #tpu.memory_space<vmem>>, vector<1x16xf32>,
      %swap3A_881 = vector.shape_cast %swap3A_880 : vector<1x16xf32> to vector<16xf32>
      %swap3A_882 = vector.shape_cast %add3A_877 : vector<16xf32> to vector<1x16xf32>
      tpu.vector_store %arg12[%swap3A_878, %swap3A_879], %swap3A_882 {strides = array<i32>} : memref<32x1024xf32, #tpu.memory_space<vmem>>, vector<1x16xf32>,
      %get3A_883 = arith.index_cast %scan3A_75 : i32 to index
      %get3A_884 = arith.constant 800 : index
      %get3A_885 = tpu.vector_load %arg12[%get3A_883, %get3A_884] {strides = array<i32>} : memref<32x1024xf32, #tpu.memory_space<vmem>>, vector<1x16xf32>,
      %get3A_886 = vector.shape_cast %get3A_885 : vector<1x16xf32> to vector<16xf32>
      %mul3A_887 = arith.mulf %get3A_79, %get3A_886 : vector<16xf32>
      %get3A_888 = arith.index_cast %scan3A_75 : i32 to index
      %get3A_889 = arith.constant 800 : index
      %get3A_890 = tpu.vector_load %arg13[%get3A_888, %get3A_889] {strides = array<i32>} : memref<32x1024xf32, #tpu.memory_space<vmem>>, vector<1x16xf32>,
      %get3A_891 = vector.shape_cast %get3A_890 : vector<1x16xf32> to vector<16xf32>
      %mul3A_892 = arith.mulf %get3A_83, %get3A_891 : vector<16xf32>
      %add3A_893 = arith.addf %mul3A_887, %mul3A_892 : vector<16xf32>
      %swap3A_894 = arith.index_cast %scan3A_75 : i32 to index
      %swap3A_895 = arith.constant 800 : index
      %swap3A_896 = tpu.vector_load %arg12[%swap3A_894, %swap3A_895] {strides = array<i32>} : memref<32x1024xf32, #tpu.memory_space<vmem>>, vector<1x16xf32>,
      %swap3A_897 = vector.shape_cast %swap3A_896 : vector<1x16xf32> to vector<16xf32>
      %swap3A_898 = vector.shape_cast %add3A_893 : vector<16xf32> to vector<1x16xf32>
      tpu.vector_store %arg12[%swap3A_894, %swap3A_895], %swap3A_898 {strides = array<i32>} : memref<32x1024xf32, #tpu.memory_space<vmem>>, vector<1x16xf32>,
      %get3A_899 = arith.index_cast %scan3A_75 : i32 to index
      %get3A_900 = arith.constant 816 : index
      %get3A_901 = tpu.vector_load %arg12[%get3A_899, %get3A_900] {strides = array<i32>} : memref<32x1024xf32, #tpu.memory_space<vmem>>, vector<1x16xf32>,
      %get3A_902 = vector.shape_cast %get3A_901 : vector<1x16xf32> to vector<16xf32>
      %mul3A_903 = arith.mulf %get3A_79, %get3A_902 : vector<16xf32>
      %get3A_904 = arith.index_cast %scan3A_75 : i32 to index
      %get3A_905 = arith.constant 816 : index
      %get3A_906 = tpu.vector_load %arg13[%get3A_904, %get3A_905] {strides = array<i32>} : memref<32x1024xf32, #tpu.memory_space<vmem>>, vector<1x16xf32>,
      %get3A_907 = vector.shape_cast %get3A_906 : vector<1x16xf32> to vector<16xf32>
      %mul3A_908 = arith.mulf %get3A_83, %get3A_907 : vector<16xf32>
      %add3A_909 = arith.addf %mul3A_903, %mul3A_908 : vector<16xf32>
      %swap3A_910 = arith.index_cast %scan3A_75 : i32 to index
      %swap3A_911 = arith.constant 816 : index
      %swap3A_912 = tpu.vector_load %arg12[%swap3A_910, %swap3A_911] {strides = array<i32>} : memref<32x1024xf32, #tpu.memory_space<vmem>>, vector<1x16xf32>,
      %swap3A_913 = vector.shape_cast %swap3A_912 : vector<1x16xf32> to vector<16xf32>
      %swap3A_914 = vector.shape_cast %add3A_909 : vector<16xf32> to vector<1x16xf32>
      tpu.vector_store %arg12[%swap3A_910, %swap3A_911], %swap3A_914 {strides = array<i32>} : memref<32x1024xf32, #tpu.memory_space<vmem>>, vector<1x16xf32>,
      %get3A_915 = arith.index_cast %scan3A_75 : i32 to index
      %get3A_916 = arith.constant 832 : index
      %get3A_917 = tpu.vector_load %arg12[%get3A_915, %get3A_916] {strides = array<i32>} : memref<32x1024xf32, #tpu.memory_space<vmem>>, vector<1x16xf32>,
      %get3A_918 = vector.shape_cast %get3A_917 : vector<1x16xf32> to vector<16xf32>
      %mul3A_919 = arith.mulf %get3A_79, %get3A_918 : vector<16xf32>
      %get3A_920 = arith.index_cast %scan3A_75 : i32 to index
      %get3A_921 = arith.constant 832 : index
      %get3A_922 = tpu.vector_load %arg13[%get3A_920, %get3A_921] {strides = array<i32>} : memref<32x1024xf32, #tpu.memory_space<vmem>>, vector<1x16xf32>,
      %get3A_923 = vector.shape_cast %get3A_922 : vector<1x16xf32> to vector<16xf32>
      %mul3A_924 = arith.mulf %get3A_83, %get3A_923 : vector<16xf32>
      %add3A_925 = arith.addf %mul3A_919, %mul3A_924 : vector<16xf32>
      %swap3A_926 = arith.index_cast %scan3A_75 : i32 to index
      %swap3A_927 = arith.constant 832 : index
      %swap3A_928 = tpu.vector_load %arg12[%swap3A_926, %swap3A_927] {strides = array<i32>} : memref<32x1024xf32, #tpu.memory_space<vmem>>, vector<1x16xf32>,
      %swap3A_929 = vector.shape_cast %swap3A_928 : vector<1x16xf32> to vector<16xf32>
      %swap3A_930 = vector.shape_cast %add3A_925 : vector<16xf32> to vector<1x16xf32>
      tpu.vector_store %arg12[%swap3A_926, %swap3A_927], %swap3A_930 {strides = array<i32>} : memref<32x1024xf32, #tpu.memory_space<vmem>>, vector<1x16xf32>,
      %get3A_931 = arith.index_cast %scan3A_75 : i32 to index
      %get3A_932 = arith.constant 848 : index
      %get3A_933 = tpu.vector_load %arg12[%get3A_931, %get3A_932] {strides = array<i32>} : memref<32x1024xf32, #tpu.memory_space<vmem>>, vector<1x16xf32>,
      %get3A_934 = vector.shape_cast %get3A_933 : vector<1x16xf32> to vector<16xf32>
      %mul3A_935 = arith.mulf %get3A_79, %get3A_934 : vector<16xf32>
      %get3A_936 = arith.index_cast %scan3A_75 : i32 to index
      %get3A_937 = arith.constant 848 : index
      %get3A_938 = tpu.vector_load %arg13[%get3A_936, %get3A_937] {strides = array<i32>} : memref<32x1024xf32, #tpu.memory_space<vmem>>, vector<1x16xf32>,
      %get3A_939 = vector.shape_cast %get3A_938 : vector<1x16xf32> to vector<16xf32>
      %mul3A_940 = arith.mulf %get3A_83, %get3A_939 : vector<16xf32>
      %add3A_941 = arith.addf %mul3A_935, %mul3A_940 : vector<16xf32>
      %swap3A_942 = arith.index_cast %scan3A_75 : i32 to index
      %swap3A_943 = arith.constant 848 : index
      %swap3A_944 = tpu.vector_load %arg12[%swap3A_942, %swap3A_943] {strides = array<i32>} : memref<32x1024xf32, #tpu.memory_space<vmem>>, vector<1x16xf32>,
      %swap3A_945 = vector.shape_cast %swap3A_944 : vector<1x16xf32> to vector<16xf32>
      %swap3A_946 = vector.shape_cast %add3A_941 : vector<16xf32> to vector<1x16xf32>
      tpu.vector_store %arg12[%swap3A_942, %swap3A_943], %swap3A_946 {strides = array<i32>} : memref<32x1024xf32, #tpu.memory_space<vmem>>, vector<1x16xf32>,
      %get3A_947 = arith.index_cast %scan3A_75 : i32 to index
      %get3A_948 = arith.constant 864 : index
      %get3A_949 = tpu.vector_load %arg12[%get3A_947, %get3A_948] {strides = array<i32>} : memref<32x1024xf32, #tpu.memory_space<vmem>>, vector<1x16xf32>,
      %get3A_950 = vector.shape_cast %get3A_949 : vector<1x16xf32> to vector<16xf32>
      %mul3A_951 = arith.mulf %get3A_79, %get3A_950 : vector<16xf32>
      %get3A_952 = arith.index_cast %scan3A_75 : i32 to index
      %get3A_953 = arith.constant 864 : index
      %get3A_954 = tpu.vector_load %arg13[%get3A_952, %get3A_953] {strides = array<i32>} : memref<32x1024xf32, #tpu.memory_space<vmem>>, vector<1x16xf32>,
      %get3A_955 = vector.shape_cast %get3A_954 : vector<1x16xf32> to vector<16xf32>
      %mul3A_956 = arith.mulf %get3A_83, %get3A_955 : vector<16xf32>
      %add3A_957 = arith.addf %mul3A_951, %mul3A_956 : vector<16xf32>
      %swap3A_958 = arith.index_cast %scan3A_75 : i32 to index
      %swap3A_959 = arith.constant 864 : index
      %swap3A_960 = tpu.vector_load %arg12[%swap3A_958, %swap3A_959] {strides = array<i32>} : memref<32x1024xf32, #tpu.memory_space<vmem>>, vector<1x16xf32>,
      %swap3A_961 = vector.shape_cast %swap3A_960 : vector<1x16xf32> to vector<16xf32>
      %swap3A_962 = vector.shape_cast %add3A_957 : vector<16xf32> to vector<1x16xf32>
      tpu.vector_store %arg12[%swap3A_958, %swap3A_959], %swap3A_962 {strides = array<i32>} : memref<32x1024xf32, #tpu.memory_space<vmem>>, vector<1x16xf32>,
      %get3A_963 = arith.index_cast %scan3A_75 : i32 to index
      %get3A_964 = arith.constant 880 : index
      %get3A_965 = tpu.vector_load %arg12[%get3A_963, %get3A_964] {strides = array<i32>} : memref<32x1024xf32, #tpu.memory_space<vmem>>, vector<1x16xf32>,
      %get3A_966 = vector.shape_cast %get3A_965 : vector<1x16xf32> to vector<16xf32>
      %mul3A_967 = arith.mulf %get3A_79, %get3A_966 : vector<16xf32>
      %get3A_968 = arith.index_cast %scan3A_75 : i32 to index
      %get3A_969 = arith.constant 880 : index
      %get3A_970 = tpu.vector_load %arg13[%get3A_968, %get3A_969] {strides = array<i32>} : memref<32x1024xf32, #tpu.memory_space<vmem>>, vector<1x16xf32>,
      %get3A_971 = vector.shape_cast %get3A_970 : vector<1x16xf32> to vector<16xf32>
      %mul3A_972 = arith.mulf %get3A_83, %get3A_971 : vector<16xf32>
      %add3A_973 = arith.addf %mul3A_967, %mul3A_972 : vector<16xf32>
      %swap3A_974 = arith.index_cast %scan3A_75 : i32 to index
      %swap3A_975 = arith.constant 880 : index
      %swap3A_976 = tpu.vector_load %arg12[%swap3A_974, %swap3A_975] {strides = array<i32>} : memref<32x1024xf32, #tpu.memory_space<vmem>>, vector<1x16xf32>,
      %swap3A_977 = vector.shape_cast %swap3A_976 : vector<1x16xf32> to vector<16xf32>
      %swap3A_978 = vector.shape_cast %add3A_973 : vector<16xf32> to vector<1x16xf32>
      tpu.vector_store %arg12[%swap3A_974, %swap3A_975], %swap3A_978 {strides = array<i32>} : memref<32x1024xf32, #tpu.memory_space<vmem>>, vector<1x16xf32>,
      %get3A_979 = arith.index_cast %scan3A_75 : i32 to index
      %get3A_980 = arith.constant 896 : index
      %get3A_981 = tpu.vector_load %arg12[%get3A_979, %get3A_980] {strides = array<i32>} : memref<32x1024xf32, #tpu.memory_space<vmem>>, vector<1x16xf32>,
      %get3A_982 = vector.shape_cast %get3A_981 : vector<1x16xf32> to vector<16xf32>
      %mul3A_983 = arith.mulf %get3A_79, %get3A_982 : vector<16xf32>
      %get3A_984 = arith.index_cast %scan3A_75 : i32 to index
      %get3A_985 = arith.constant 896 : index
      %get3A_986 = tpu.vector_load %arg13[%get3A_984, %get3A_985] {strides = array<i32>} : memref<32x1024xf32, #tpu.memory_space<vmem>>, vector<1x16xf32>,
      %get3A_987 = vector.shape_cast %get3A_986 : vector<1x16xf32> to vector<16xf32>
      %mul3A_988 = arith.mulf %get3A_83, %get3A_987 : vector<16xf32>
      %add3A_989 = arith.addf %mul3A_983, %mul3A_988 : vector<16xf32>
      %swap3A_990 = arith.index_cast %scan3A_75 : i32 to index
      %swap3A_991 = arith.constant 896 : index
      %swap3A_992 = tpu.vector_load %arg12[%swap3A_990, %swap3A_991] {strides = array<i32>} : memref<32x1024xf32, #tpu.memory_space<vmem>>, vector<1x16xf32>,
      %swap3A_993 = vector.shape_cast %swap3A_992 : vector<1x16xf32> to vector<16xf32>
      %swap3A_994 = vector.shape_cast %add3A_989 : vector<16xf32> to vector<1x16xf32>
      tpu.vector_store %arg12[%swap3A_990, %swap3A_991], %swap3A_994 {strides = array<i32>} : memref<32x1024xf32, #tpu.memory_space<vmem>>, vector<1x16xf32>,
      %get3A_995 = arith.index_cast %scan3A_75 : i32 to index
      %get3A_996 = arith.constant 912 : index
      %get3A_997 = tpu.vector_load %arg12[%get3A_995, %get3A_996] {strides = array<i32>} : memref<32x1024xf32, #tpu.memory_space<vmem>>, vector<1x16xf32>,
      %get3A_998 = vector.shape_cast %get3A_997 : vector<1x16xf32> to vector<16xf32>
      %mul3A_999 = arith.mulf %get3A_79, %get3A_998 : vector<16xf32>
      %get3A_1000 = arith.index_cast %scan3A_75 : i32 to index
      %get3A_1001 = arith.constant 912 : index
      %get3A_1002 = tpu.vector_load %arg13[%get3A_1000, %get3A_1001] {strides = array<i32>} : memref<32x1024xf32, #tpu.memory_space<vmem>>, vector<1x16xf32>,
      %get3A_1003 = vector.shape_cast %get3A_1002 : vector<1x16xf32> to vector<16xf32>
      %mul3A_1004 = arith.mulf %get3A_83, %get3A_1003 : vector<16xf32>
      %add3A_1005 = arith.addf %mul3A_999, %mul3A_1004 : vector<16xf32>
      %swap3A_1006 = arith.index_cast %scan3A_75 : i32 to index
      %swap3A_1007 = arith.constant 912 : index
      %swap3A_1008 = tpu.vector_load %arg12[%swap3A_1006, %swap3A_1007] {strides = array<i32>} : memref<32x1024xf32, #tpu.memory_space<vmem>>, vector<1x16xf32>,
      %swap3A_1009 = vector.shape_cast %swap3A_1008 : vector<1x16xf32> to vector<16xf32>
      %swap3A_1010 = vector.shape_cast %add3A_1005 : vector<16xf32> to vector<1x16xf32>
      tpu.vector_store %arg12[%swap3A_1006, %swap3A_1007], %swap3A_1010 {strides = array<i32>} : memref<32x1024xf32, #tpu.memory_space<vmem>>, vector<1x16xf32>,
      %get3A_1011 = arith.index_cast %scan3A_75 : i32 to index
      %get3A_1012 = arith.constant 928 : index
      %get3A_1013 = tpu.vector_load %arg12[%get3A_1011, %get3A_1012] {strides = array<i32>} : memref<32x1024xf32, #tpu.memory_space<vmem>>, vector<1x16xf32>,
      %get3A_1014 = vector.shape_cast %get3A_1013 : vector<1x16xf32> to vector<16xf32>
      %mul3A_1015 = arith.mulf %get3A_79, %get3A_1014 : vector<16xf32>
      %get3A_1016 = arith.index_cast %scan3A_75 : i32 to index
      %get3A_1017 = arith.constant 928 : index
      %get3A_1018 = tpu.vector_load %arg13[%get3A_1016, %get3A_1017] {strides = array<i32>} : memref<32x1024xf32, #tpu.memory_space<vmem>>, vector<1x16xf32>,
      %get3A_1019 = vector.shape_cast %get3A_1018 : vector<1x16xf32> to vector<16xf32>
      %mul3A_1020 = arith.mulf %get3A_83, %get3A_1019 : vector<16xf32>
      %add3A_1021 = arith.addf %mul3A_1015, %mul3A_1020 : vector<16xf32>
      %swap3A_1022 = arith.index_cast %scan3A_75 : i32 to index
      %swap3A_1023 = arith.constant 928 : index
      %swap3A_1024 = tpu.vector_load %arg12[%swap3A_1022, %swap3A_1023] {strides = array<i32>} : memref<32x1024xf32, #tpu.memory_space<vmem>>, vector<1x16xf32>,
      %swap3A_1025 = vector.shape_cast %swap3A_1024 : vector<1x16xf32> to vector<16xf32>
      %swap3A_1026 = vector.shape_cast %add3A_1021 : vector<16xf32> to vector<1x16xf32>
      tpu.vector_store %arg12[%swap3A_1022, %swap3A_1023], %swap3A_1026 {strides = array<i32>} : memref<32x1024xf32, #tpu.memory_space<vmem>>, vector<1x16xf32>,
      %get3A_1027 = arith.index_cast %scan3A_75 : i32 to index
      %get3A_1028 = arith.constant 944 : index
      %get3A_1029 = tpu.vector_load %arg12[%get3A_1027, %get3A_1028] {strides = array<i32>} : memref<32x1024xf32, #tpu.memory_space<vmem>>, vector<1x16xf32>,
      %get3A_1030 = vector.shape_cast %get3A_1029 : vector<1x16xf32> to vector<16xf32>
      %mul3A_1031 = arith.mulf %get3A_79, %get3A_1030 : vector<16xf32>
      %get3A_1032 = arith.index_cast %scan3A_75 : i32 to index
      %get3A_1033 = arith.constant 944 : index
      %get3A_1034 = tpu.vector_load %arg13[%get3A_1032, %get3A_1033] {strides = array<i32>} : memref<32x1024xf32, #tpu.memory_space<vmem>>, vector<1x16xf32>,
      %get3A_1035 = vector.shape_cast %get3A_1034 : vector<1x16xf32> to vector<16xf32>
      %mul3A_1036 = arith.mulf %get3A_83, %get3A_1035 : vector<16xf32>
      %add3A_1037 = arith.addf %mul3A_1031, %mul3A_1036 : vector<16xf32>
      %swap3A_1038 = arith.index_cast %scan3A_75 : i32 to index
      %swap3A_1039 = arith.constant 944 : index
      %swap3A_1040 = tpu.vector_load %arg12[%swap3A_1038, %swap3A_1039] {strides = array<i32>} : memref<32x1024xf32, #tpu.memory_space<vmem>>, vector<1x16xf32>,
      %swap3A_1041 = vector.shape_cast %swap3A_1040 : vector<1x16xf32> to vector<16xf32>
      %swap3A_1042 = vector.shape_cast %add3A_1037 : vector<16xf32> to vector<1x16xf32>
      tpu.vector_store %arg12[%swap3A_1038, %swap3A_1039], %swap3A_1042 {strides = array<i32>} : memref<32x1024xf32, #tpu.memory_space<vmem>>, vector<1x16xf32>,
      %get3A_1043 = arith.index_cast %scan3A_75 : i32 to index
      %get3A_1044 = arith.constant 960 : index
      %get3A_1045 = tpu.vector_load %arg12[%get3A_1043, %get3A_1044] {strides = array<i32>} : memref<32x1024xf32, #tpu.memory_space<vmem>>, vector<1x16xf32>,
      %get3A_1046 = vector.shape_cast %get3A_1045 : vector<1x16xf32> to vector<16xf32>
      %mul3A_1047 = arith.mulf %get3A_79, %get3A_1046 : vector<16xf32>
      %get3A_1048 = arith.index_cast %scan3A_75 : i32 to index
      %get3A_1049 = arith.constant 960 : index
      %get3A_1050 = tpu.vector_load %arg13[%get3A_1048, %get3A_1049] {strides = array<i32>} : memref<32x1024xf32, #tpu.memory_space<vmem>>, vector<1x16xf32>,
      %get3A_1051 = vector.shape_cast %get3A_1050 : vector<1x16xf32> to vector<16xf32>
      %mul3A_1052 = arith.mulf %get3A_83, %get3A_1051 : vector<16xf32>
      %add3A_1053 = arith.addf %mul3A_1047, %mul3A_1052 : vector<16xf32>
      %swap3A_1054 = arith.index_cast %scan3A_75 : i32 to index
      %swap3A_1055 = arith.constant 960 : index
      %swap3A_1056 = tpu.vector_load %arg12[%swap3A_1054, %swap3A_1055] {strides = array<i32>} : memref<32x1024xf32, #tpu.memory_space<vmem>>, vector<1x16xf32>,
      %swap3A_1057 = vector.shape_cast %swap3A_1056 : vector<1x16xf32> to vector<16xf32>
      %swap3A_1058 = vector.shape_cast %add3A_1053 : vector<16xf32> to vector<1x16xf32>
      tpu.vector_store %arg12[%swap3A_1054, %swap3A_1055], %swap3A_1058 {strides = array<i32>} : memref<32x1024xf32, #tpu.memory_space<vmem>>, vector<1x16xf32>,
      %get3A_1059 = arith.index_cast %scan3A_75 : i32 to index
      %get3A_1060 = arith.constant 976 : index
      %get3A_1061 = tpu.vector_load %arg12[%get3A_1059, %get3A_1060] {strides = array<i32>} : memref<32x1024xf32, #tpu.memory_space<vmem>>, vector<1x16xf32>,
      %get3A_1062 = vector.shape_cast %get3A_1061 : vector<1x16xf32> to vector<16xf32>
      %mul3A_1063 = arith.mulf %get3A_79, %get3A_1062 : vector<16xf32>
      %get3A_1064 = arith.index_cast %scan3A_75 : i32 to index
      %get3A_1065 = arith.constant 976 : index
      %get3A_1066 = tpu.vector_load %arg13[%get3A_1064, %get3A_1065] {strides = array<i32>} : memref<32x1024xf32, #tpu.memory_space<vmem>>, vector<1x16xf32>,
      %get3A_1067 = vector.shape_cast %get3A_1066 : vector<1x16xf32> to vector<16xf32>
      %mul3A_1068 = arith.mulf %get3A_83, %get3A_1067 : vector<16xf32>
      %add3A_1069 = arith.addf %mul3A_1063, %mul3A_1068 : vector<16xf32>
      %swap3A_1070 = arith.index_cast %scan3A_75 : i32 to index
      %swap3A_1071 = arith.constant 976 : index
      %swap3A_1072 = tpu.vector_load %arg12[%swap3A_1070, %swap3A_1071] {strides = array<i32>} : memref<32x1024xf32, #tpu.memory_space<vmem>>, vector<1x16xf32>,
      %swap3A_1073 = vector.shape_cast %swap3A_1072 : vector<1x16xf32> to vector<16xf32>
      %swap3A_1074 = vector.shape_cast %add3A_1069 : vector<16xf32> to vector<1x16xf32>
      tpu.vector_store %arg12[%swap3A_1070, %swap3A_1071], %swap3A_1074 {strides = array<i32>} : memref<32x1024xf32, #tpu.memory_space<vmem>>, vector<1x16xf32>,
      %get3A_1075 = arith.index_cast %scan3A_75 : i32 to index
      %get3A_1076 = arith.constant 992 : index
      %get3A_1077 = tpu.vector_load %arg12[%get3A_1075, %get3A_1076] {strides = array<i32>} : memref<32x1024xf32, #tpu.memory_space<vmem>>, vector<1x16xf32>,
      %get3A_1078 = vector.shape_cast %get3A_1077 : vector<1x16xf32> to vector<16xf32>
      %mul3A_1079 = arith.mulf %get3A_79, %get3A_1078 : vector<16xf32>
      %get3A_1080 = arith.index_cast %scan3A_75 : i32 to index
      %get3A_1081 = arith.constant 992 : index
      %get3A_1082 = tpu.vector_load %arg13[%get3A_1080, %get3A_1081] {strides = array<i32>} : memref<32x1024xf32, #tpu.memory_space<vmem>>, vector<1x16xf32>,
      %get3A_1083 = vector.shape_cast %get3A_1082 : vector<1x16xf32> to vector<16xf32>
      %mul3A_1084 = arith.mulf %get3A_83, %get3A_1083 : vector<16xf32>
      %add3A_1085 = arith.addf %mul3A_1079, %mul3A_1084 : vector<16xf32>
      %swap3A_1086 = arith.index_cast %scan3A_75 : i32 to index
      %swap3A_1087 = arith.constant 992 : index
      %swap3A_1088 = tpu.vector_load %arg12[%swap3A_1086, %swap3A_1087] {strides = array<i32>} : memref<32x1024xf32, #tpu.memory_space<vmem>>, vector<1x16xf32>,
      %swap3A_1089 = vector.shape_cast %swap3A_1088 : vector<1x16xf32> to vector<16xf32>
      %swap3A_1090 = vector.shape_cast %add3A_1085 : vector<16xf32> to vector<1x16xf32>
      tpu.vector_store %arg12[%swap3A_1086, %swap3A_1087], %swap3A_1090 {strides = array<i32>} : memref<32x1024xf32, #tpu.memory_space<vmem>>, vector<1x16xf32>,
      %get3A_1091 = arith.index_cast %scan3A_75 : i32 to index
      %get3A_1092 = arith.constant 1008 : index
      %get3A_1093 = tpu.vector_load %arg12[%get3A_1091, %get3A_1092] {strides = array<i32>} : memref<32x1024xf32, #tpu.memory_space<vmem>>, vector<1x16xf32>,
      %get3A_1094 = vector.shape_cast %get3A_1093 : vector<1x16xf32> to vector<16xf32>
      %mul3A_1095 = arith.mulf %get3A_79, %get3A_1094 : vector<16xf32>
      %get3A_1096 = arith.index_cast %scan3A_75 : i32 to index
      %get3A_1097 = arith.constant 1008 : index
      %get3A_1098 = tpu.vector_load %arg13[%get3A_1096, %get3A_1097] {strides = array<i32>} : memref<32x1024xf32, #tpu.memory_space<vmem>>, vector<1x16xf32>,
      %get3A_1099 = vector.shape_cast %get3A_1098 : vector<1x16xf32> to vector<16xf32>
      %mul3A_1100 = arith.mulf %get3A_83, %get3A_1099 : vector<16xf32>
      %add3A_1101 = arith.addf %mul3A_1095, %mul3A_1100 : vector<16xf32>
      %swap3A_1102 = arith.index_cast %scan3A_75 : i32 to index
      %swap3A_1103 = arith.constant 1008 : index
      %swap3A_1104 = tpu.vector_load %arg12[%swap3A_1102, %swap3A_1103] {strides = array<i32>} : memref<32x1024xf32, #tpu.memory_space<vmem>>, vector<1x16xf32>,
      %swap3A_1105 = vector.shape_cast %swap3A_1104 : vector<1x16xf32> to vector<16xf32>
      %swap3A_1106 = vector.shape_cast %add3A_1101 : vector<16xf32> to vector<1x16xf32>
      tpu.vector_store %arg12[%swap3A_1102, %swap3A_1103], %swap3A_1106 {strides = array<i32>} : memref<32x1024xf32, #tpu.memory_space<vmem>>, vector<1x16xf32>,
      %scan3A_1107 = arith.constant 0 : i32
      scf.yield %scan3A_1107 : i32
    }
    %scan3A_67 = arith.constant 32 : i32
    %mul3A_68 = arith.constant 16 : i32
    %mul3A_69 = arith.muli %arg0, %mul3A_68 : i32
    %add3A_70 = arith.addi %mul3A_69, %arg1 : i32
    %mul3A_71 = arith.constant 64 : i32
    %mul3A_72 = arith.muli %add3A_70, %mul3A_71 : i32
    %add3A_73 = arith.constant 32 : i32
    %add3A_74 = arith.addi %mul3A_72, %add3A_73 : i32
    "tpu.region"() ({
      %run_scoped3A = tpu.sem_alloc : memref<!tpu.dma_semaphore, #tpu.memory_space<semaphore_mem>>
      %dma_start3A_75 = arith.constant 0 : i32
      %dma_start3A_76 = tpu.memref_slice %arg7[%add3A_74, %dma_start3A_75] : memref<2048x1024xf32, #tpu.memory_space<hbm>> -> memref<32x1024xf32, #tpu.memory_space<hbm>>
      %dma_start3A_77 = arith.constant 0 : i32
      %dma_start3A_78 = tpu.memref_slice %arg7[%add3A_74, %dma_start3A_77] : memref<2048x1024xf32, #tpu.memory_space<hbm>> -> memref<32x1024xf32, #tpu.memory_space<hbm>>
      tpu.enqueue_dma source(%arg12 : memref<32x1024xf32, #tpu.memory_space<vmem>>) target(%dma_start3A_78 : memref<32x1024xf32, #tpu.memory_space<hbm>>) target_semaphore(%run_scoped3A : memref<!tpu.dma_semaphore, #tpu.memory_space<semaphore_mem>>)
      %dma_wait3A_79 = arith.constant 0 : i32
      %dma_wait3A_80 = tpu.memref_slice %arg7[%add3A_74, %dma_wait3A_79] : memref<2048x1024xf32, #tpu.memory_space<hbm>> -> memref<32x1024xf32, #tpu.memory_space<hbm>>
      %dma_wait3A_81 = arith.constant 0 : i32
      %dma_wait3A_82 = tpu.memref_slice %arg7[%add3A_74, %dma_wait3A_81] : memref<2048x1024xf32, #tpu.memory_space<hbm>> -> memref<32x1024xf32, #tpu.memory_space<hbm>>
      tpu.wait_dma2 semaphore(%run_scoped3A : memref<!tpu.dma_semaphore, #tpu.memory_space<semaphore_mem>>) src(%arg12 : memref<32x1024xf32, #tpu.memory_space<vmem>>) dst(%dma_wait3A_82 : memref<32x1024xf32, #tpu.memory_space<hbm>>)
      tpu.yield
    }) : () -> ()
    return
  }
}

module attributes {stable_mosaic.version = 14 : i64} {
  func.func @_route_kernel(%arg0: memref<2048x1024xf32, #tpu.memory_space<vmem>>, %arg1: memref<1024x8xf32, #tpu.memory_space<vmem>>, %arg2: memref<2048x8xf32, #tpu.memory_space<vmem>>, %arg3: memref<2048x4xi32, #tpu.memory_space<vmem>>, %arg4: memref<1x24xi32, #tpu.memory_space<vmem>>, %arg5: memref<2048x512xi32, #tpu.memory_space<vmem>>, %arg6: memref<2048x16xf32, #tpu.memory_space<vmem>>, %arg7: memref<2048x16xf32, #tpu.memory_space<vmem>>) attributes {dimension_semantics = [], scalar_prefetch = 0 : i64, scratch_operands = 0 : i64, tpu.core_type = #tpu.core_type<tc>} {
    %get3A = arith.constant 0 : index
    %get3A_0 = arith.constant 0 : index
    %get3A_1 = vector.load %arg0[%get3A, %get3A_0] : memref<2048x1024xf32, #tpu.memory_space<vmem>>, vector<2048x1024xf32>
    %mul3A = arith.mulf %get3A_1, %get3A_1 : vector<2048x1024xf32>
    %reduce_sum3A = arith.constant dense<0.000000e+00> : vector<2048xf32>
    %reduce_sum3A_2 = vector.multi_reduction <add>, %mul3A, %reduce_sum3A [1] : vector<2048x1024xf32> to vector<2048xf32>
    %broadcast_in_dim3A = vector.shape_cast %reduce_sum3A_2 : vector<2048xf32> to vector<2048x1xf32>
    %sqrt3A = math.sqrt %broadcast_in_dim3A : vector<2048x1xf32>
    %max3A = arith.constant 9.99999996E-13 : f32
    %max3A_3 = vector.broadcast %max3A : f32 to vector<2048x1xf32>
    %max3A_4 = arith.maximumf %sqrt3A, %max3A_3 : vector<2048x1xf32>
    %div3A = vector.broadcast %max3A_4 : vector<2048x1xf32> to vector<2048x1024xf32>
    %div3A_5 = arith.divf %get3A_1, %div3A : vector<2048x1024xf32>
    %get3A_6 = arith.constant 0 : index
    %get3A_7 = arith.constant 0 : index
    %get3A_8 = vector.load %arg1[%get3A_6, %get3A_7] : memref<1024x8xf32, #tpu.memory_space<vmem>>, vector<1024x8xf32>
    %mul3A_9 = arith.mulf %get3A_8, %get3A_8 : vector<1024x8xf32>
    %reduce_sum3A_10 = arith.constant dense<0.000000e+00> : vector<8xf32>
    %reduce_sum3A_11 = vector.multi_reduction <add>, %mul3A_9, %reduce_sum3A_10 [0] : vector<1024x8xf32> to vector<8xf32>
    %broadcast_in_dim3A_12 = vector.shape_cast %reduce_sum3A_11 : vector<8xf32> to vector<1x8xf32>
    %sqrt3A_13 = math.sqrt %broadcast_in_dim3A_12 : vector<1x8xf32>
    %max3A_14 = arith.constant 9.99999996E-13 : f32
    %max3A_15 = vector.broadcast %max3A_14 : f32 to vector<1x8xf32>
    %max3A_16 = arith.maximumf %sqrt3A_13, %max3A_15 : vector<1x8xf32>
    %div3A_17 = vector.broadcast %max3A_16 : vector<1x8xf32> to vector<1024x8xf32>
    %div3A_18 = arith.divf %get3A_8, %div3A_17 : vector<1024x8xf32>
    %convert_element_type3A = arith.truncf %div3A_5 : vector<2048x1024xf32> to vector<2048x1024xbf16>
    %convert_element_type3A_19 = arith.truncf %div3A_18 : vector<1024x8xf32> to vector<1024x8xbf16>
    %dot_general3A = arith.constant dense<0.000000e+00> : vector<2048x8xf32>
    %dot_general3A_20 = tpu.matmul %convert_element_type3A, %convert_element_type3A_19, %dot_general3A {dimension_numbers = #tpu.dot_dimension_numbers<[1], [0], [0], [1], [0, 0, 1, 1], [], []>, transpose_lhs_hint = false} : vector<2048x1024xbf16>, vector<1024x8xbf16>, vector<2048x8xf32> -> vector<2048x8xf32>
    %swap3A = arith.constant 0 : index
    %swap3A_21 = arith.constant 0 : index
    %swap3A_22 = vector.load %arg2[%swap3A, %swap3A_21] : memref<2048x8xf32, #tpu.memory_space<vmem>>, vector<2048x8xf32>
    tpu.vector_store %arg2[%swap3A, %swap3A_21], %dot_general3A_20 {strides = array<i32>} : memref<2048x8xf32, #tpu.memory_space<vmem>>, vector<2048x8xf32>,
    %reduce_max3A = arith.constant dense<0xFF800000> : vector<2048xf32>
    %reduce_max3A_23 = vector.multi_reduction <maximumf>, %dot_general3A_20, %reduce_max3A [1] : vector<2048x8xf32> to vector<2048xf32>
    %broadcast_in_dim3A_24 = vector.shape_cast %reduce_max3A_23 : vector<2048xf32> to vector<2048x1xf32>
    %sub3A = vector.broadcast %broadcast_in_dim3A_24 : vector<2048x1xf32> to vector<2048x8xf32>
    %sub3A_25 = arith.subf %dot_general3A_20, %sub3A : vector<2048x8xf32>
    %exp3A = math.exp %sub3A_25 : vector<2048x8xf32>
    %reduce_sum3A_26 = arith.constant dense<0.000000e+00> : vector<2048xf32>
    %reduce_sum3A_27 = vector.multi_reduction <add>, %exp3A, %reduce_sum3A_26 [1] : vector<2048x8xf32> to vector<2048xf32>
    %broadcast_in_dim3A_28 = vector.shape_cast %reduce_sum3A_27 : vector<2048xf32> to vector<2048x1xf32>
    %div3A_29 = vector.broadcast %broadcast_in_dim3A_28 : vector<2048x1xf32> to vector<2048x8xf32>
    %div3A_30 = arith.divf %exp3A, %div3A_29 : vector<2048x8xf32>
    %reduce_max3A_31 = arith.constant dense<0xFF800000> : vector<2048xf32>
    %reduce_max3A_32 = vector.multi_reduction <maximumf>, %div3A_30, %reduce_max3A_31 [1] : vector<2048x8xf32> to vector<2048xf32>
    %broadcast_in_dim3A_33 = vector.shape_cast %reduce_max3A_32 : vector<2048xf32> to vector<2048x1xf32>
    %ge3A = vector.broadcast %broadcast_in_dim3A_33 : vector<2048x1xf32> to vector<2048x8xf32>
    %ge3A_34 = arith.cmpf oge, %div3A_30, %ge3A : vector<2048x8xf32>
    %jit3A = arith.constant 0xFF800000 : f32
    %broadcast_in_dim3A_35 = vector.broadcast %jit3A : f32 to vector<2048x8xf32>
    %select_n3A = arith.select %ge3A_34, %broadcast_in_dim3A_35, %div3A_30 : vector<2048x8xi1>, vector<2048x8xf32>
    %reduce_max3A_36 = arith.constant dense<0xFF800000> : vector<2048xf32>
    %reduce_max3A_37 = vector.multi_reduction <maximumf>, %select_n3A, %reduce_max3A_36 [1] : vector<2048x8xf32> to vector<2048xf32>
    %broadcast_in_dim3A_38 = vector.shape_cast %reduce_max3A_37 : vector<2048xf32> to vector<2048x1xf32>
    %ge3A_39 = vector.broadcast %broadcast_in_dim3A_38 : vector<2048x1xf32> to vector<2048x8xf32>
    %ge3A_40 = arith.cmpf oge, %div3A_30, %ge3A_39 : vector<2048x8xf32>
    %convert_element_type3A_41 = arith.extui %ge3A_40 : vector<2048x8xi1> to vector<2048x8xi32>
    %broadcast_in_dim3A_42 = arith.constant 0 : i32
    %broadcast_in_dim3A_43 = vector.broadcast %broadcast_in_dim3A_42 : i32 to vector<1x8xi32>
    %slice3A = vector.extract_strided_slice %convert_element_type3A_41 {offsets = [0, 0], sizes = [2047, 8], strides = [1, 1]} : vector<2048x8xi32> to vector<2047x8xi32>
    %concatenate3A = tpu.concatenate %broadcast_in_dim3A_43, %slice3A in 0 : vector<1x8xi32>, vector<2047x8xi32> -> vector<2048x8xi32>
    %add3A = arith.addi %convert_element_type3A_41, %concatenate3A : vector<2048x8xi32>
    %broadcast_in_dim3A_44 = arith.constant 0 : i32
    %broadcast_in_dim3A_45 = vector.broadcast %broadcast_in_dim3A_44 : i32 to vector<2x8xi32>
    %slice3A_46 = vector.extract_strided_slice %add3A {offsets = [0, 0], sizes = [2046, 8], strides = [1, 1]} : vector<2048x8xi32> to vector<2046x8xi32>
    %concatenate3A_47 = tpu.concatenate %broadcast_in_dim3A_45, %slice3A_46 in 0 : vector<2x8xi32>, vector<2046x8xi32> -> vector<2048x8xi32>
    %add3A_48 = arith.addi %add3A, %concatenate3A_47 : vector<2048x8xi32>
    %broadcast_in_dim3A_49 = arith.constant 0 : i32
    %broadcast_in_dim3A_50 = vector.broadcast %broadcast_in_dim3A_49 : i32 to vector<4x8xi32>
    %slice3A_51 = vector.extract_strided_slice %add3A_48 {offsets = [0, 0], sizes = [2044, 8], strides = [1, 1]} : vector<2048x8xi32> to vector<2044x8xi32>
    %concatenate3A_52 = tpu.concatenate %broadcast_in_dim3A_50, %slice3A_51 in 0 : vector<4x8xi32>, vector<2044x8xi32> -> vector<2048x8xi32>
    %add3A_53 = arith.addi %add3A_48, %concatenate3A_52 : vector<2048x8xi32>
    %broadcast_in_dim3A_54 = arith.constant 0 : i32
    %broadcast_in_dim3A_55 = vector.broadcast %broadcast_in_dim3A_54 : i32 to vector<8x8xi32>
    %slice3A_56 = vector.extract_strided_slice %add3A_53 {offsets = [0, 0], sizes = [2040, 8], strides = [1, 1]} : vector<2048x8xi32> to vector<2040x8xi32>
    %concatenate3A_57 = tpu.concatenate %broadcast_in_dim3A_55, %slice3A_56 in 0 : vector<8x8xi32>, vector<2040x8xi32> -> vector<2048x8xi32>
    %add3A_58 = arith.addi %add3A_53, %concatenate3A_57 : vector<2048x8xi32>
    %broadcast_in_dim3A_59 = arith.constant 0 : i32
    %broadcast_in_dim3A_60 = vector.broadcast %broadcast_in_dim3A_59 : i32 to vector<16x8xi32>
    %slice3A_61 = vector.extract_strided_slice %add3A_58 {offsets = [0, 0], sizes = [2032, 8], strides = [1, 1]} : vector<2048x8xi32> to vector<2032x8xi32>
    %concatenate3A_62 = tpu.concatenate %broadcast_in_dim3A_60, %slice3A_61 in 0 : vector<16x8xi32>, vector<2032x8xi32> -> vector<2048x8xi32>
    %add3A_63 = arith.addi %add3A_58, %concatenate3A_62 : vector<2048x8xi32>
    %broadcast_in_dim3A_64 = arith.constant 0 : i32
    %broadcast_in_dim3A_65 = vector.broadcast %broadcast_in_dim3A_64 : i32 to vector<32x8xi32>
    %slice3A_66 = vector.extract_strided_slice %add3A_63 {offsets = [0, 0], sizes = [2016, 8], strides = [1, 1]} : vector<2048x8xi32> to vector<2016x8xi32>
    %concatenate3A_67 = tpu.concatenate %broadcast_in_dim3A_65, %slice3A_66 in 0 : vector<32x8xi32>, vector<2016x8xi32> -> vector<2048x8xi32>
    %add3A_68 = arith.addi %add3A_63, %concatenate3A_67 : vector<2048x8xi32>
    %broadcast_in_dim3A_69 = arith.constant 0 : i32
    %broadcast_in_dim3A_70 = vector.broadcast %broadcast_in_dim3A_69 : i32 to vector<64x8xi32>
    %slice3A_71 = vector.extract_strided_slice %add3A_68 {offsets = [0, 0], sizes = [1984, 8], strides = [1, 1]} : vector<2048x8xi32> to vector<1984x8xi32>
    %concatenate3A_72 = tpu.concatenate %broadcast_in_dim3A_70, %slice3A_71 in 0 : vector<64x8xi32>, vector<1984x8xi32> -> vector<2048x8xi32>
    %add3A_73 = arith.addi %add3A_68, %concatenate3A_72 : vector<2048x8xi32>
    %broadcast_in_dim3A_74 = arith.constant 0 : i32
    %broadcast_in_dim3A_75 = vector.broadcast %broadcast_in_dim3A_74 : i32 to vector<128x8xi32>
    %slice3A_76 = vector.extract_strided_slice %add3A_73 {offsets = [0, 0], sizes = [1920, 8], strides = [1, 1]} : vector<2048x8xi32> to vector<1920x8xi32>
    %concatenate3A_77 = tpu.concatenate %broadcast_in_dim3A_75, %slice3A_76 in 0 : vector<128x8xi32>, vector<1920x8xi32> -> vector<2048x8xi32>
    %add3A_78 = arith.addi %add3A_73, %concatenate3A_77 : vector<2048x8xi32>
    %broadcast_in_dim3A_79 = arith.constant 0 : i32
    %broadcast_in_dim3A_80 = vector.broadcast %broadcast_in_dim3A_79 : i32 to vector<256x8xi32>
    %slice3A_81 = vector.extract_strided_slice %add3A_78 {offsets = [0, 0], sizes = [1792, 8], strides = [1, 1]} : vector<2048x8xi32> to vector<1792x8xi32>
    %concatenate3A_82 = tpu.concatenate %broadcast_in_dim3A_80, %slice3A_81 in 0 : vector<256x8xi32>, vector<1792x8xi32> -> vector<2048x8xi32>
    %add3A_83 = arith.addi %add3A_78, %concatenate3A_82 : vector<2048x8xi32>
    %broadcast_in_dim3A_84 = arith.constant 0 : i32
    %broadcast_in_dim3A_85 = vector.broadcast %broadcast_in_dim3A_84 : i32 to vector<512x8xi32>
    %slice3A_86 = vector.extract_strided_slice %add3A_83 {offsets = [0, 0], sizes = [1536, 8], strides = [1, 1]} : vector<2048x8xi32> to vector<1536x8xi32>
    %concatenate3A_87 = tpu.concatenate %broadcast_in_dim3A_85, %slice3A_86 in 0 : vector<512x8xi32>, vector<1536x8xi32> -> vector<2048x8xi32>
    %add3A_88 = arith.addi %add3A_83, %concatenate3A_87 : vector<2048x8xi32>
    %broadcast_in_dim3A_89 = arith.constant 0 : i32
    %broadcast_in_dim3A_90 = vector.broadcast %broadcast_in_dim3A_89 : i32 to vector<1024x8xi32>
    %slice3A_91 = vector.extract_strided_slice %add3A_88 {offsets = [0, 0], sizes = [1024, 8], strides = [1, 1]} : vector<2048x8xi32> to vector<1024x8xi32>
    %concatenate3A_92 = tpu.concatenate %broadcast_in_dim3A_90, %slice3A_91 in 0 : vector<1024x8xi32>, vector<1024x8xi32> -> vector<2048x8xi32>
    %add3A_93 = arith.addi %add3A_88, %concatenate3A_92 : vector<2048x8xi32>
    %sub3A_94 = arith.subi %add3A_93, %convert_element_type3A_41 : vector<2048x8xi32>
    %iota3A = tpu.iota {dimensions = array<i32: 1>} : vector<1x8xi32>
    %broadcast_in_dim3A_95 = arith.constant 0 : i32
    %broadcast_in_dim3A_96 = vector.broadcast %broadcast_in_dim3A_95 : i32 to vector<1x8xi32>
    %broadcast_in_dim3A_97 = arith.constant 0 : i32
    %broadcast_in_dim3A_98 = vector.broadcast %broadcast_in_dim3A_97 : i32 to vector<1x24xi32>
    %iota3A_99 = tpu.iota {dimensions = array<i32: 1>} : vector<1x24xi32>
    %mul3A_100 = arith.constant 256 : i32
    %mul3A_101 = vector.broadcast %mul3A_100 : i32 to vector<1x24xi32>
    %mul3A_102 = arith.muli %iota3A_99, %mul3A_101 : vector<1x24xi32>
    %slice3A_103 = vector.extract_strided_slice %convert_element_type3A_41 {offsets = [0, 0], sizes = [2048, 1], strides = [1, 1]} : vector<2048x8xi32> to vector<2048x1xi32>
    %reduce_sum3A_104 = vector.shape_cast %slice3A_103 : vector<2048x1xi32> to vector<1x2048x1xi32>
    %reduce_sum3A_105 = arith.constant dense<0> : vector<1xi32>
    %reduce_sum3A_106 = vector.multi_reduction <add>, %reduce_sum3A_104, %reduce_sum3A_105 [1, 2] : vector<1x2048x1xi32> to vector<1xi32>
    %reduce_sum3A_107 = vector.shape_cast %reduce_sum3A_106 : vector<1xi32> to vector<1x1x1xi32>
    %reduce_sum3A_108 = vector.extract %reduce_sum3A_107[0, 0, 0] : i32 from vector<1x1x1xi32>
    %add3A_109 = arith.constant 256 : i32
    %add3A_110 = arith.addi %reduce_sum3A_108, %add3A_109 : i32
    %sub3A_111 = arith.constant 1 : i32
    %sub3A_112 = arith.subi %add3A_110, %sub3A_111 : i32
    %shift_right_arithmetic3A = arith.constant 8 : i32
    %shift_right_arithmetic3A_113 = arith.shrsi %sub3A_112, %shift_right_arithmetic3A : i32
    %shift_left3A = arith.constant 8 : i32
    %shift_left3A_114 = arith.shli %shift_right_arithmetic3A_113, %shift_left3A : i32
    %eq3A = arith.constant 0 : i32
    %eq3A_115 = vector.broadcast %eq3A : i32 to vector<1x8xi32>
    %eq3A_116 = arith.cmpi eq, %iota3A, %eq3A_115 : vector<1x8xi32>
    %jit3A_117 = arith.constant 0 : i32
    %jit3A_118 = arith.constant 0 : i32
    %broadcast_in_dim3A_119 = vector.broadcast %jit3A_117 : i32 to vector<1x8xi32>
    %broadcast_in_dim3A_120 = vector.broadcast %jit3A_118 : i32 to vector<1x8xi32>
    %select_n3A_121 = arith.select %eq3A_116, %broadcast_in_dim3A_119, %broadcast_in_dim3A_120 : vector<1x8xi1>, vector<1x8xi32>
    %add3A_122 = arith.addi %broadcast_in_dim3A_96, %select_n3A_121 : vector<1x8xi32>
    %add3A_123 = arith.constant 0 : i32
    %add3A_124 = arith.addi %add3A_123, %shift_left3A_114 : i32
    %ge3A_125 = vector.broadcast %add3A_124 : i32 to vector<1x24xi32>
    %ge3A_126 = arith.cmpi sge, %mul3A_102, %ge3A_125 : vector<1x24xi32>
    %convert_element_type3A_127 = arith.extui %ge3A_126 : vector<1x24xi1> to vector<1x24xi32>
    %add3A_128 = arith.addi %broadcast_in_dim3A_98, %convert_element_type3A_127 : vector<1x24xi32>
    %slice3A_129 = vector.extract_strided_slice %convert_element_type3A_41 {offsets = [0, 1], sizes = [2048, 1], strides = [1, 1]} : vector<2048x8xi32> to vector<2048x1xi32>
    %reduce_sum3A_130 = vector.shape_cast %slice3A_129 : vector<2048x1xi32> to vector<1x2048x1xi32>
    %reduce_sum3A_131 = arith.constant dense<0> : vector<1xi32>
    %reduce_sum3A_132 = vector.multi_reduction <add>, %reduce_sum3A_130, %reduce_sum3A_131 [1, 2] : vector<1x2048x1xi32> to vector<1xi32>
    %reduce_sum3A_133 = vector.shape_cast %reduce_sum3A_132 : vector<1xi32> to vector<1x1x1xi32>
    %reduce_sum3A_134 = vector.extract %reduce_sum3A_133[0, 0, 0] : i32 from vector<1x1x1xi32>
    %add3A_135 = arith.constant 256 : i32
    %add3A_136 = arith.addi %reduce_sum3A_134, %add3A_135 : i32
    %sub3A_137 = arith.constant 1 : i32
    %sub3A_138 = arith.subi %add3A_136, %sub3A_137 : i32
    %shift_right_arithmetic3A_139 = arith.constant 8 : i32
    %shift_right_arithmetic3A_140 = arith.shrsi %sub3A_138, %shift_right_arithmetic3A_139 : i32
    %shift_left3A_141 = arith.constant 8 : i32
    %shift_left3A_142 = arith.shli %shift_right_arithmetic3A_140, %shift_left3A_141 : i32
    %eq3A_143 = arith.constant 1 : i32
    %eq3A_144 = vector.broadcast %eq3A_143 : i32 to vector<1x8xi32>
    %eq3A_145 = arith.cmpi eq, %iota3A, %eq3A_144 : vector<1x8xi32>
    %jit3A_146 = arith.constant 0 : i32
    %broadcast_in_dim3A_147 = vector.broadcast %add3A_124 : i32 to vector<1x8xi32>
    %broadcast_in_dim3A_148 = vector.broadcast %jit3A_146 : i32 to vector<1x8xi32>
    %select_n3A_149 = arith.select %eq3A_145, %broadcast_in_dim3A_147, %broadcast_in_dim3A_148 : vector<1x8xi1>, vector<1x8xi32>
    %add3A_150 = arith.addi %add3A_122, %select_n3A_149 : vector<1x8xi32>
    %add3A_151 = arith.addi %add3A_124, %shift_left3A_142 : i32
    %ge3A_152 = vector.broadcast %add3A_151 : i32 to vector<1x24xi32>
    %ge3A_153 = arith.cmpi sge, %mul3A_102, %ge3A_152 : vector<1x24xi32>
    %convert_element_type3A_154 = arith.extui %ge3A_153 : vector<1x24xi1> to vector<1x24xi32>
    %add3A_155 = arith.addi %add3A_128, %convert_element_type3A_154 : vector<1x24xi32>
    %slice3A_156 = vector.extract_strided_slice %convert_element_type3A_41 {offsets = [0, 2], sizes = [2048, 1], strides = [1, 1]} : vector<2048x8xi32> to vector<2048x1xi32>
    %reduce_sum3A_157 = vector.shape_cast %slice3A_156 : vector<2048x1xi32> to vector<1x2048x1xi32>
    %reduce_sum3A_158 = arith.constant dense<0> : vector<1xi32>
    %reduce_sum3A_159 = vector.multi_reduction <add>, %reduce_sum3A_157, %reduce_sum3A_158 [1, 2] : vector<1x2048x1xi32> to vector<1xi32>
    %reduce_sum3A_160 = vector.shape_cast %reduce_sum3A_159 : vector<1xi32> to vector<1x1x1xi32>
    %reduce_sum3A_161 = vector.extract %reduce_sum3A_160[0, 0, 0] : i32 from vector<1x1x1xi32>
    %add3A_162 = arith.constant 256 : i32
    %add3A_163 = arith.addi %reduce_sum3A_161, %add3A_162 : i32
    %sub3A_164 = arith.constant 1 : i32
    %sub3A_165 = arith.subi %add3A_163, %sub3A_164 : i32
    %shift_right_arithmetic3A_166 = arith.constant 8 : i32
    %shift_right_arithmetic3A_167 = arith.shrsi %sub3A_165, %shift_right_arithmetic3A_166 : i32
    %shift_left3A_168 = arith.constant 8 : i32
    %shift_left3A_169 = arith.shli %shift_right_arithmetic3A_167, %shift_left3A_168 : i32
    %eq3A_170 = arith.constant 2 : i32
    %eq3A_171 = vector.broadcast %eq3A_170 : i32 to vector<1x8xi32>
    %eq3A_172 = arith.cmpi eq, %iota3A, %eq3A_171 : vector<1x8xi32>
    %jit3A_173 = arith.constant 0 : i32
    %broadcast_in_dim3A_174 = vector.broadcast %add3A_151 : i32 to vector<1x8xi32>
    %broadcast_in_dim3A_175 = vector.broadcast %jit3A_173 : i32 to vector<1x8xi32>
    %select_n3A_176 = arith.select %eq3A_172, %broadcast_in_dim3A_174, %broadcast_in_dim3A_175 : vector<1x8xi1>, vector<1x8xi32>
    %add3A_177 = arith.addi %add3A_150, %select_n3A_176 : vector<1x8xi32>
    %add3A_178 = arith.addi %add3A_151, %shift_left3A_169 : i32
    %ge3A_179 = vector.broadcast %add3A_178 : i32 to vector<1x24xi32>
    %ge3A_180 = arith.cmpi sge, %mul3A_102, %ge3A_179 : vector<1x24xi32>
    %convert_element_type3A_181 = arith.extui %ge3A_180 : vector<1x24xi1> to vector<1x24xi32>
    %add3A_182 = arith.addi %add3A_155, %convert_element_type3A_181 : vector<1x24xi32>
    %slice3A_183 = vector.extract_strided_slice %convert_element_type3A_41 {offsets = [0, 3], sizes = [2048, 1], strides = [1, 1]} : vector<2048x8xi32> to vector<2048x1xi32>
    %reduce_sum3A_184 = vector.shape_cast %slice3A_183 : vector<2048x1xi32> to vector<1x2048x1xi32>
    %reduce_sum3A_185 = arith.constant dense<0> : vector<1xi32>
    %reduce_sum3A_186 = vector.multi_reduction <add>, %reduce_sum3A_184, %reduce_sum3A_185 [1, 2] : vector<1x2048x1xi32> to vector<1xi32>
    %reduce_sum3A_187 = vector.shape_cast %reduce_sum3A_186 : vector<1xi32> to vector<1x1x1xi32>
    %reduce_sum3A_188 = vector.extract %reduce_sum3A_187[0, 0, 0] : i32 from vector<1x1x1xi32>
    %add3A_189 = arith.constant 256 : i32
    %add3A_190 = arith.addi %reduce_sum3A_188, %add3A_189 : i32
    %sub3A_191 = arith.constant 1 : i32
    %sub3A_192 = arith.subi %add3A_190, %sub3A_191 : i32
    %shift_right_arithmetic3A_193 = arith.constant 8 : i32
    %shift_right_arithmetic3A_194 = arith.shrsi %sub3A_192, %shift_right_arithmetic3A_193 : i32
    %shift_left3A_195 = arith.constant 8 : i32
    %shift_left3A_196 = arith.shli %shift_right_arithmetic3A_194, %shift_left3A_195 : i32
    %eq3A_197 = arith.constant 3 : i32
    %eq3A_198 = vector.broadcast %eq3A_197 : i32 to vector<1x8xi32>
    %eq3A_199 = arith.cmpi eq, %iota3A, %eq3A_198 : vector<1x8xi32>
    %jit3A_200 = arith.constant 0 : i32
    %broadcast_in_dim3A_201 = vector.broadcast %add3A_178 : i32 to vector<1x8xi32>
    %broadcast_in_dim3A_202 = vector.broadcast %jit3A_200 : i32 to vector<1x8xi32>
    %select_n3A_203 = arith.select %eq3A_199, %broadcast_in_dim3A_201, %broadcast_in_dim3A_202 : vector<1x8xi1>, vector<1x8xi32>
    %add3A_204 = arith.addi %add3A_177, %select_n3A_203 : vector<1x8xi32>
    %add3A_205 = arith.addi %add3A_178, %shift_left3A_196 : i32
    %ge3A_206 = vector.broadcast %add3A_205 : i32 to vector<1x24xi32>
    %ge3A_207 = arith.cmpi sge, %mul3A_102, %ge3A_206 : vector<1x24xi32>
    %convert_element_type3A_208 = arith.extui %ge3A_207 : vector<1x24xi1> to vector<1x24xi32>
    %add3A_209 = arith.addi %add3A_182, %convert_element_type3A_208 : vector<1x24xi32>
    %slice3A_210 = vector.extract_strided_slice %convert_element_type3A_41 {offsets = [0, 4], sizes = [2048, 1], strides = [1, 1]} : vector<2048x8xi32> to vector<2048x1xi32>
    %reduce_sum3A_211 = vector.shape_cast %slice3A_210 : vector<2048x1xi32> to vector<1x2048x1xi32>
    %reduce_sum3A_212 = arith.constant dense<0> : vector<1xi32>
    %reduce_sum3A_213 = vector.multi_reduction <add>, %reduce_sum3A_211, %reduce_sum3A_212 [1, 2] : vector<1x2048x1xi32> to vector<1xi32>
    %reduce_sum3A_214 = vector.shape_cast %reduce_sum3A_213 : vector<1xi32> to vector<1x1x1xi32>
    %reduce_sum3A_215 = vector.extract %reduce_sum3A_214[0, 0, 0] : i32 from vector<1x1x1xi32>
    %add3A_216 = arith.constant 256 : i32
    %add3A_217 = arith.addi %reduce_sum3A_215, %add3A_216 : i32
    %sub3A_218 = arith.constant 1 : i32
    %sub3A_219 = arith.subi %add3A_217, %sub3A_218 : i32
    %shift_right_arithmetic3A_220 = arith.constant 8 : i32
    %shift_right_arithmetic3A_221 = arith.shrsi %sub3A_219, %shift_right_arithmetic3A_220 : i32
    %shift_left3A_222 = arith.constant 8 : i32
    %shift_left3A_223 = arith.shli %shift_right_arithmetic3A_221, %shift_left3A_222 : i32
    %eq3A_224 = arith.constant 4 : i32
    %eq3A_225 = vector.broadcast %eq3A_224 : i32 to vector<1x8xi32>
    %eq3A_226 = arith.cmpi eq, %iota3A, %eq3A_225 : vector<1x8xi32>
    %jit3A_227 = arith.constant 0 : i32
    %broadcast_in_dim3A_228 = vector.broadcast %add3A_205 : i32 to vector<1x8xi32>
    %broadcast_in_dim3A_229 = vector.broadcast %jit3A_227 : i32 to vector<1x8xi32>
    %select_n3A_230 = arith.select %eq3A_226, %broadcast_in_dim3A_228, %broadcast_in_dim3A_229 : vector<1x8xi1>, vector<1x8xi32>
    %add3A_231 = arith.addi %add3A_204, %select_n3A_230 : vector<1x8xi32>
    %add3A_232 = arith.addi %add3A_205, %shift_left3A_223 : i32
    %ge3A_233 = vector.broadcast %add3A_232 : i32 to vector<1x24xi32>
    %ge3A_234 = arith.cmpi sge, %mul3A_102, %ge3A_233 : vector<1x24xi32>
    %convert_element_type3A_235 = arith.extui %ge3A_234 : vector<1x24xi1> to vector<1x24xi32>
    %add3A_236 = arith.addi %add3A_209, %convert_element_type3A_235 : vector<1x24xi32>
    %slice3A_237 = vector.extract_strided_slice %convert_element_type3A_41 {offsets = [0, 5], sizes = [2048, 1], strides = [1, 1]} : vector<2048x8xi32> to vector<2048x1xi32>
    %reduce_sum3A_238 = vector.shape_cast %slice3A_237 : vector<2048x1xi32> to vector<1x2048x1xi32>
    %reduce_sum3A_239 = arith.constant dense<0> : vector<1xi32>
    %reduce_sum3A_240 = vector.multi_reduction <add>, %reduce_sum3A_238, %reduce_sum3A_239 [1, 2] : vector<1x2048x1xi32> to vector<1xi32>
    %reduce_sum3A_241 = vector.shape_cast %reduce_sum3A_240 : vector<1xi32> to vector<1x1x1xi32>
    %reduce_sum3A_242 = vector.extract %reduce_sum3A_241[0, 0, 0] : i32 from vector<1x1x1xi32>
    %add3A_243 = arith.constant 256 : i32
    %add3A_244 = arith.addi %reduce_sum3A_242, %add3A_243 : i32
    %sub3A_245 = arith.constant 1 : i32
    %sub3A_246 = arith.subi %add3A_244, %sub3A_245 : i32
    %shift_right_arithmetic3A_247 = arith.constant 8 : i32
    %shift_right_arithmetic3A_248 = arith.shrsi %sub3A_246, %shift_right_arithmetic3A_247 : i32
    %shift_left3A_249 = arith.constant 8 : i32
    %shift_left3A_250 = arith.shli %shift_right_arithmetic3A_248, %shift_left3A_249 : i32
    %eq3A_251 = arith.constant 5 : i32
    %eq3A_252 = vector.broadcast %eq3A_251 : i32 to vector<1x8xi32>
    %eq3A_253 = arith.cmpi eq, %iota3A, %eq3A_252 : vector<1x8xi32>
    %jit3A_254 = arith.constant 0 : i32
    %broadcast_in_dim3A_255 = vector.broadcast %add3A_232 : i32 to vector<1x8xi32>
    %broadcast_in_dim3A_256 = vector.broadcast %jit3A_254 : i32 to vector<1x8xi32>
    %select_n3A_257 = arith.select %eq3A_253, %broadcast_in_dim3A_255, %broadcast_in_dim3A_256 : vector<1x8xi1>, vector<1x8xi32>
    %add3A_258 = arith.addi %add3A_231, %select_n3A_257 : vector<1x8xi32>
    %add3A_259 = arith.addi %add3A_232, %shift_left3A_250 : i32
    %ge3A_260 = vector.broadcast %add3A_259 : i32 to vector<1x24xi32>
    %ge3A_261 = arith.cmpi sge, %mul3A_102, %ge3A_260 : vector<1x24xi32>
    %convert_element_type3A_262 = arith.extui %ge3A_261 : vector<1x24xi1> to vector<1x24xi32>
    %add3A_263 = arith.addi %add3A_236, %convert_element_type3A_262 : vector<1x24xi32>
    %slice3A_264 = vector.extract_strided_slice %convert_element_type3A_41 {offsets = [0, 6], sizes = [2048, 1], strides = [1, 1]} : vector<2048x8xi32> to vector<2048x1xi32>
    %reduce_sum3A_265 = vector.shape_cast %slice3A_264 : vector<2048x1xi32> to vector<1x2048x1xi32>
    %reduce_sum3A_266 = arith.constant dense<0> : vector<1xi32>
    %reduce_sum3A_267 = vector.multi_reduction <add>, %reduce_sum3A_265, %reduce_sum3A_266 [1, 2] : vector<1x2048x1xi32> to vector<1xi32>
    %reduce_sum3A_268 = vector.shape_cast %reduce_sum3A_267 : vector<1xi32> to vector<1x1x1xi32>
    %reduce_sum3A_269 = vector.extract %reduce_sum3A_268[0, 0, 0] : i32 from vector<1x1x1xi32>
    %add3A_270 = arith.constant 256 : i32
    %add3A_271 = arith.addi %reduce_sum3A_269, %add3A_270 : i32
    %sub3A_272 = arith.constant 1 : i32
    %sub3A_273 = arith.subi %add3A_271, %sub3A_272 : i32
    %shift_right_arithmetic3A_274 = arith.constant 8 : i32
    %shift_right_arithmetic3A_275 = arith.shrsi %sub3A_273, %shift_right_arithmetic3A_274 : i32
    %shift_left3A_276 = arith.constant 8 : i32
    %shift_left3A_277 = arith.shli %shift_right_arithmetic3A_275, %shift_left3A_276 : i32
    %eq3A_278 = arith.constant 6 : i32
    %eq3A_279 = vector.broadcast %eq3A_278 : i32 to vector<1x8xi32>
    %eq3A_280 = arith.cmpi eq, %iota3A, %eq3A_279 : vector<1x8xi32>
    %jit3A_281 = arith.constant 0 : i32
    %broadcast_in_dim3A_282 = vector.broadcast %add3A_259 : i32 to vector<1x8xi32>
    %broadcast_in_dim3A_283 = vector.broadcast %jit3A_281 : i32 to vector<1x8xi32>
    %select_n3A_284 = arith.select %eq3A_280, %broadcast_in_dim3A_282, %broadcast_in_dim3A_283 : vector<1x8xi1>, vector<1x8xi32>
    %add3A_285 = arith.addi %add3A_258, %select_n3A_284 : vector<1x8xi32>
    %add3A_286 = arith.addi %add3A_259, %shift_left3A_277 : i32
    %ge3A_287 = vector.broadcast %add3A_286 : i32 to vector<1x24xi32>
    %ge3A_288 = arith.cmpi sge, %mul3A_102, %ge3A_287 : vector<1x24xi32>
    %convert_element_type3A_289 = arith.extui %ge3A_288 : vector<1x24xi1> to vector<1x24xi32>
    %add3A_290 = arith.addi %add3A_263, %convert_element_type3A_289 : vector<1x24xi32>
    %slice3A_291 = vector.extract_strided_slice %convert_element_type3A_41 {offsets = [0, 7], sizes = [2048, 1], strides = [1, 1]} : vector<2048x8xi32> to vector<2048x1xi32>
    %reduce_sum3A_292 = vector.shape_cast %slice3A_291 : vector<2048x1xi32> to vector<1x2048x1xi32>
    %reduce_sum3A_293 = arith.constant dense<0> : vector<1xi32>
    %reduce_sum3A_294 = vector.multi_reduction <add>, %reduce_sum3A_292, %reduce_sum3A_293 [1, 2] : vector<1x2048x1xi32> to vector<1xi32>
    %reduce_sum3A_295 = vector.shape_cast %reduce_sum3A_294 : vector<1xi32> to vector<1x1x1xi32>
    %reduce_sum3A_296 = vector.extract %reduce_sum3A_295[0, 0, 0] : i32 from vector<1x1x1xi32>
    %add3A_297 = arith.constant 256 : i32
    %add3A_298 = arith.addi %reduce_sum3A_296, %add3A_297 : i32
    %sub3A_299 = arith.constant 1 : i32
    %sub3A_300 = arith.subi %add3A_298, %sub3A_299 : i32
    %shift_right_arithmetic3A_301 = arith.constant 8 : i32
    %shift_right_arithmetic3A_302 = arith.shrsi %sub3A_300, %shift_right_arithmetic3A_301 : i32
    %shift_left3A_303 = arith.constant 8 : i32
    %shift_left3A_304 = arith.shli %shift_right_arithmetic3A_302, %shift_left3A_303 : i32
    %eq3A_305 = arith.constant 7 : i32
    %eq3A_306 = vector.broadcast %eq3A_305 : i32 to vector<1x8xi32>
    %eq3A_307 = arith.cmpi eq, %iota3A, %eq3A_306 : vector<1x8xi32>
    %jit3A_308 = arith.constant 0 : i32
    %broadcast_in_dim3A_309 = vector.broadcast %add3A_286 : i32 to vector<1x8xi32>
    %broadcast_in_dim3A_310 = vector.broadcast %jit3A_308 : i32 to vector<1x8xi32>
    %select_n3A_311 = arith.select %eq3A_307, %broadcast_in_dim3A_309, %broadcast_in_dim3A_310 : vector<1x8xi1>, vector<1x8xi32>
    %add3A_312 = arith.addi %add3A_285, %select_n3A_311 : vector<1x8xi32>
    %add3A_313 = arith.addi %add3A_286, %shift_left3A_304 : i32
    %ge3A_314 = vector.broadcast %add3A_313 : i32 to vector<1x24xi32>
    %ge3A_315 = arith.cmpi sge, %mul3A_102, %ge3A_314 : vector<1x24xi32>
    %convert_element_type3A_316 = arith.extui %ge3A_315 : vector<1x24xi1> to vector<1x24xi32>
    %add3A_317 = arith.addi %add3A_290, %convert_element_type3A_316 : vector<1x24xi32>
    %swap3A_318 = arith.constant 0 : index
    %swap3A_319 = arith.constant 0 : index
    %swap3A_320 = vector.load %arg4[%swap3A_318, %swap3A_319] : memref<1x24xi32, #tpu.memory_space<vmem>>, vector<1x24xi32>
    tpu.vector_store %arg4[%swap3A_318, %swap3A_319], %add3A_317 {strides = array<i32>} : memref<1x24xi32, #tpu.memory_space<vmem>>, vector<1x24xi32>,
    %add3A_321 = vector.broadcast %add3A_312 : vector<1x8xi32> to vector<2048x8xi32>
    %add3A_322 = arith.addi %add3A_321, %sub3A_94 : vector<2048x8xi32>
    %ge3A_323 = vector.broadcast %broadcast_in_dim3A_33 : vector<2048x1xf32> to vector<2048x8xf32>
    %ge3A_324 = arith.cmpf oge, %div3A_30, %ge3A_323 : vector<2048x8xf32>
    %not3A = arith.constant dense<true> : vector<2048x8xi1>
    %not3A_325 = arith.xori %ge3A_324, %not3A : vector<2048x8xi1>
    %and3A = arith.andi %ge3A_40, %not3A_325 : vector<2048x8xi1>
    %jit3A_326 = arith.constant 0 : i32
    %broadcast_in_dim3A_327 = vector.broadcast %jit3A_326 : i32 to vector<2048x8xi32>
    %select_n3A_328 = arith.select %ge3A_324, %add3A_322, %broadcast_in_dim3A_327 : vector<2048x8xi1>, vector<2048x8xi32>
    %reduce_sum3A_329 = arith.constant dense<0> : vector<2048xi32>
    %reduce_sum3A_330 = vector.multi_reduction <add>, %select_n3A_328, %reduce_sum3A_329 [1] : vector<2048x8xi32> to vector<2048xi32>
    %broadcast_in_dim3A_331 = vector.shape_cast %reduce_sum3A_330 : vector<2048xi32> to vector<2048x1xi32>
    %jit3A_332 = arith.constant 0 : i32
    %broadcast_in_dim3A_333 = vector.broadcast %jit3A_332 : i32 to vector<2048x8xi32>
    %select_n3A_334 = arith.select %and3A, %add3A_322, %broadcast_in_dim3A_333 : vector<2048x8xi1>, vector<2048x8xi32>
    %reduce_sum3A_335 = arith.constant dense<0> : vector<2048xi32>
    %reduce_sum3A_336 = vector.multi_reduction <add>, %select_n3A_334, %reduce_sum3A_335 [1] : vector<2048x8xi32> to vector<2048xi32>
    %broadcast_in_dim3A_337 = vector.shape_cast %reduce_sum3A_336 : vector<2048xi32> to vector<2048x1xi32>
    %bitcast_convert_type3A = tpu.bitcast %broadcast_in_dim3A_33 : vector<2048x1xf32> -> vector<2048x1xi32>
    %bitcast_convert_type3A_338 = tpu.bitcast %broadcast_in_dim3A_38 : vector<2048x1xf32> -> vector<2048x1xi32>
    %concatenate3A_339 = tpu.concatenate %broadcast_in_dim3A_331, %broadcast_in_dim3A_337, %bitcast_convert_type3A, %bitcast_convert_type3A_338 in 1 : vector<2048x1xi32>, vector<2048x1xi32>, vector<2048x1xi32>, vector<2048x1xi32> -> vector<2048x4xi32>
    %swap3A_340 = arith.constant 0 : index
    %swap3A_341 = arith.constant 0 : index
    %swap3A_342 = vector.load %arg3[%swap3A_340, %swap3A_341] : memref<2048x4xi32, #tpu.memory_space<vmem>>, vector<2048x4xi32>
    tpu.vector_store %arg3[%swap3A_340, %swap3A_341], %concatenate3A_339 {strides = array<i32>} : memref<2048x4xi32, #tpu.memory_space<vmem>>, vector<2048x4xi32>,
    %broadcast_in_dim3A_343 = vector.shape_cast %broadcast_in_dim3A_33 : vector<2048x1xf32> to vector<2048x1xf32>
    %broadcast_in_dim3A_344 = vector.broadcast %broadcast_in_dim3A_343 : vector<2048x1xf32> to vector<2048x16xf32>
    %swap3A_345 = arith.constant 0 : index
    %swap3A_346 = arith.constant 0 : index
    %swap3A_347 = vector.load %arg6[%swap3A_345, %swap3A_346] : memref<2048x16xf32, #tpu.memory_space<vmem>>, vector<2048x16xf32>
    tpu.vector_store %arg6[%swap3A_345, %swap3A_346], %broadcast_in_dim3A_344 {strides = array<i32>} : memref<2048x16xf32, #tpu.memory_space<vmem>>, vector<2048x16xf32>,
    %broadcast_in_dim3A_348 = vector.shape_cast %broadcast_in_dim3A_38 : vector<2048x1xf32> to vector<2048x1xf32>
    %broadcast_in_dim3A_349 = vector.broadcast %broadcast_in_dim3A_348 : vector<2048x1xf32> to vector<2048x16xf32>
    %swap3A_350 = arith.constant 0 : index
    %swap3A_351 = arith.constant 0 : index
    %swap3A_352 = vector.load %arg7[%swap3A_350, %swap3A_351] : memref<2048x16xf32, #tpu.memory_space<vmem>>, vector<2048x16xf32>
    tpu.vector_store %arg7[%swap3A_350, %swap3A_351], %broadcast_in_dim3A_349 {strides = array<i32>} : memref<2048x16xf32, #tpu.memory_space<vmem>>, vector<2048x16xf32>,
    %slice3A_353 = vector.extract_strided_slice %get3A_1 {offsets = [0, 0], sizes = [2048, 512], strides = [1, 1]} : vector<2048x1024xf32> to vector<2048x512xf32>
    %convert_element_type3A_354 = arith.truncf %slice3A_353 : vector<2048x512xf32> to vector<2048x512xbf16>
    %convert_element_type3A_355 = arith.extf %convert_element_type3A_354 : vector<2048x512xbf16> to vector<2048x512xf32>
    %bitcast_convert_type3A_356 = tpu.bitcast %convert_element_type3A_355 : vector<2048x512xf32> -> vector<2048x512xi32>
    %shift_right_logical3A = arith.constant 16 : i32
    %shift_right_logical3A_357 = vector.broadcast %shift_right_logical3A : i32 to vector<2048x512xi32>
    %shift_right_logical3A_358 = arith.shrui %bitcast_convert_type3A_356, %shift_right_logical3A_357 : vector<2048x512xi32>
    %slice3A_359 = vector.extract_strided_slice %get3A_1 {offsets = [0, 512], sizes = [2048, 512], strides = [1, 1]} : vector<2048x1024xf32> to vector<2048x512xf32>
    %convert_element_type3A_360 = arith.truncf %slice3A_359 : vector<2048x512xf32> to vector<2048x512xbf16>
    %convert_element_type3A_361 = arith.extf %convert_element_type3A_360 : vector<2048x512xbf16> to vector<2048x512xf32>
    %bitcast_convert_type3A_362 = tpu.bitcast %convert_element_type3A_361 : vector<2048x512xf32> -> vector<2048x512xi32>
    %and3A_363 = arith.constant -65536 : i32
    %and3A_364 = vector.broadcast %and3A_363 : i32 to vector<2048x512xi32>
    %and3A_365 = arith.andi %bitcast_convert_type3A_362, %and3A_364 : vector<2048x512xi32>
    %or3A = arith.ori %shift_right_logical3A_358, %and3A_365 : vector<2048x512xi32>
    %swap3A_366 = arith.constant 0 : index
    %swap3A_367 = arith.constant 0 : index
    %swap3A_368 = vector.load %arg5[%swap3A_366, %swap3A_367] : memref<2048x512xi32, #tpu.memory_space<vmem>>, vector<2048x512xi32>
    tpu.vector_store %arg5[%swap3A_366, %swap3A_367], %or3A {strides = array<i32>} : memref<2048x512xi32, #tpu.memory_space<vmem>>, vector<2048x512xi32>,
    return
  }
}

module attributes {stable_mosaic.version = 14 : i64} {
  func.func @_gemm_kernel(%arg0: i32, %arg1: memref<1x24xi32, #tpu.memory_space<smem>>, %arg2: memref<256x512xi32, #tpu.memory_space<vmem>>, %arg3: memref<8x1024x512xbf16, #tpu.memory_space<vmem>>, %arg4: memref<8x1024x512xbf16, #tpu.memory_space<vmem>>, %arg5: memref<8x512x1024xbf16, #tpu.memory_space<vmem>>, %arg6: memref<256x1024xf32, #tpu.memory_space<vmem>>) attributes {dimension_semantics = [#tpu.dimension_semantics<arbitrary>], iteration_bounds = array<i64: 24>, scalar_prefetch = 0 : i64, scratch_operands = 0 : i64, tpu.core_type = #tpu.core_type<tc>, window_params = [{transform_indices = @transform_0, window_bounds = array<i64: 1, 24>}, {transform_indices = @transform_1, window_bounds = array<i64: 256, 512>}, {pipeline_mode = #tpu.pipeline_mode<synchronous>, transform_indices = @transform_2, window_bounds = array<i64: 8, 1024, 512>}, {pipeline_mode = #tpu.pipeline_mode<synchronous>, transform_indices = @transform_3, window_bounds = array<i64: 8, 1024, 512>}, {pipeline_mode = #tpu.pipeline_mode<synchronous>, transform_indices = @transform_4, window_bounds = array<i64: 8, 512, 1024>}, {transform_indices = @transform_5, window_bounds = array<i64: 256, 1024>}]} {
    %get3A = arith.constant 0 : index
    %get3A_0 = arith.index_cast %arg0 : i32 to index
    %get3A_1 = memref.load %arg1[%get3A, %get3A_0] : memref<1x24xi32, #tpu.memory_space<smem>>
    %lt3A = arith.constant 8 : i32
    %lt3A_2 = arith.cmpi slt, %get3A_1, %lt3A : i32
    %convert_element_type3A = arith.extui %lt3A_2 : i1 to i32
    %cond3A = arith.constant 0 : i32
    %cond3A_3 = arith.cmpi ne, %convert_element_type3A, %cond3A : i32
    scf.if %cond3A_3 {
      %get3A_4 = arith.constant 0 : index
      %get3A_5 = arith.constant 0 : index
      %get3A_6 = vector.load %arg2[%get3A_4, %get3A_5] : memref<256x512xi32, #tpu.memory_space<vmem>>, vector<256x512xi32>
      %shift_left3A = arith.constant 16 : i32
      %shift_left3A_7 = vector.broadcast %shift_left3A : i32 to vector<256x512xi32>
      %shift_left3A_8 = arith.shli %get3A_6, %shift_left3A_7 : vector<256x512xi32>
      %bitcast_convert_type3A = tpu.bitcast %shift_left3A_8 : vector<256x512xi32> -> vector<256x512xf32>
      %convert_element_type3A_9 = arith.truncf %bitcast_convert_type3A : vector<256x512xf32> to vector<256x512xbf16>
      %and3A = arith.constant -65536 : i32
      %and3A_10 = vector.broadcast %and3A : i32 to vector<256x512xi32>
      %and3A_11 = arith.andi %get3A_6, %and3A_10 : vector<256x512xi32>
      %bitcast_convert_type3A_12 = tpu.bitcast %and3A_11 : vector<256x512xi32> -> vector<256x512xf32>
      %convert_element_type3A_13 = arith.truncf %bitcast_convert_type3A_12 : vector<256x512xf32> to vector<256x512xbf16>
      %get3A_14 = arith.index_cast %get3A_1 : i32 to index
      %get3A_15 = arith.constant 0 : index
      %get3A_16 = arith.constant 0 : index
      %get3A_17 = vector.load %arg3[%get3A_14, %get3A_15, %get3A_16] : memref<8x1024x512xbf16, #tpu.memory_space<vmem>>, vector<1x1024x512xbf16>
      %get3A_18 = vector.shape_cast %get3A_17 : vector<1x1024x512xbf16> to vector<1024x512xbf16>
      %get3A_19 = arith.index_cast %get3A_1 : i32 to index
      %get3A_20 = arith.constant 0 : index
      %get3A_21 = arith.constant 0 : index
      %get3A_22 = vector.load %arg4[%get3A_19, %get3A_20, %get3A_21] : memref<8x1024x512xbf16, #tpu.memory_space<vmem>>, vector<1x1024x512xbf16>
      %get3A_23 = vector.shape_cast %get3A_22 : vector<1x1024x512xbf16> to vector<1024x512xbf16>
      %slice3A = vector.extract_strided_slice %get3A_18 {offsets = [0, 0], sizes = [512, 512], strides = [1, 1]} : vector<1024x512xbf16> to vector<512x512xbf16>
      %dot_general3A = arith.constant dense<0.000000e+00> : vector<256x512xf32>
      %dot_general3A_24 = tpu.matmul %convert_element_type3A_9, %slice3A, %dot_general3A {dimension_numbers = #tpu.dot_dimension_numbers<[1], [0], [0], [1], [0, 0, 1, 1], [], []>, transpose_lhs_hint = false} : vector<256x512xbf16>, vector<512x512xbf16>, vector<256x512xf32> -> vector<256x512xf32>
      %slice3A_25 = vector.extract_strided_slice %get3A_18 {offsets = [512, 0], sizes = [512, 512], strides = [1, 1]} : vector<1024x512xbf16> to vector<512x512xbf16>
      %dot_general3A_26 = arith.constant dense<0.000000e+00> : vector<256x512xf32>
      %dot_general3A_27 = tpu.matmul %convert_element_type3A_13, %slice3A_25, %dot_general3A_26 {dimension_numbers = #tpu.dot_dimension_numbers<[1], [0], [0], [1], [0, 0, 1, 1], [], []>, transpose_lhs_hint = false} : vector<256x512xbf16>, vector<512x512xbf16>, vector<256x512xf32> -> vector<256x512xf32>
      %add3A = arith.addf %dot_general3A_24, %dot_general3A_27 : vector<256x512xf32>
      %slice3A_28 = vector.extract_strided_slice %get3A_23 {offsets = [0, 0], sizes = [512, 512], strides = [1, 1]} : vector<1024x512xbf16> to vector<512x512xbf16>
      %dot_general3A_29 = arith.constant dense<0.000000e+00> : vector<256x512xf32>
      %dot_general3A_30 = tpu.matmul %convert_element_type3A_9, %slice3A_28, %dot_general3A_29 {dimension_numbers = #tpu.dot_dimension_numbers<[1], [0], [0], [1], [0, 0, 1, 1], [], []>, transpose_lhs_hint = false} : vector<256x512xbf16>, vector<512x512xbf16>, vector<256x512xf32> -> vector<256x512xf32>
      %slice3A_31 = vector.extract_strided_slice %get3A_23 {offsets = [512, 0], sizes = [512, 512], strides = [1, 1]} : vector<1024x512xbf16> to vector<512x512xbf16>
      %dot_general3A_32 = arith.constant dense<0.000000e+00> : vector<256x512xf32>
      %dot_general3A_33 = tpu.matmul %convert_element_type3A_13, %slice3A_31, %dot_general3A_32 {dimension_numbers = #tpu.dot_dimension_numbers<[1], [0], [0], [1], [0, 0, 1, 1], [], []>, transpose_lhs_hint = false} : vector<256x512xbf16>, vector<512x512xbf16>, vector<256x512xf32> -> vector<256x512xf32>
      %add3A_34 = arith.addf %dot_general3A_30, %dot_general3A_33 : vector<256x512xf32>
      %neg3A = arith.constant 0.000000e+00 : f32
      %neg3A_35 = vector.broadcast %neg3A : f32 to vector<256x512xf32>
      %neg3A_36 = arith.subf %neg3A_35, %add3A : vector<256x512xf32>
      %exp3A = math.exp %neg3A_36 : vector<256x512xf32>
      %add3A_37 = arith.constant 1.000000e+00 : f32
      %add3A_38 = vector.broadcast %add3A_37 : f32 to vector<256x512xf32>
      %add3A_39 = arith.addf %add3A_38, %exp3A : vector<256x512xf32>
      %div3A = arith.divf %add3A, %add3A_39 : vector<256x512xf32>
      %mul3A = arith.mulf %div3A, %add3A_34 : vector<256x512xf32>
      %convert_element_type3A_40 = arith.truncf %mul3A : vector<256x512xf32> to vector<256x512xbf16>
      %get3A_41 = arith.index_cast %get3A_1 : i32 to index
      %get3A_42 = arith.constant 0 : index
      %get3A_43 = arith.constant 0 : index
      %get3A_44 = vector.load %arg5[%get3A_41, %get3A_42, %get3A_43] : memref<8x512x1024xbf16, #tpu.memory_space<vmem>>, vector<1x512x1024xbf16>
      %get3A_45 = vector.shape_cast %get3A_44 : vector<1x512x1024xbf16> to vector<512x1024xbf16>
      %dot_general3A_46 = arith.constant dense<0.000000e+00> : vector<256x1024xf32>
      %dot_general3A_47 = tpu.matmul %convert_element_type3A_40, %get3A_45, %dot_general3A_46 {dimension_numbers = #tpu.dot_dimension_numbers<[1], [0], [0], [1], [0, 0, 1, 1], [], []>, transpose_lhs_hint = false} : vector<256x512xbf16>, vector<512x1024xbf16>, vector<256x1024xf32> -> vector<256x1024xf32>
      %swap3A = arith.constant 0 : index
      %swap3A_48 = arith.constant 0 : index
      %swap3A_49 = vector.load %arg6[%swap3A, %swap3A_48] : memref<256x1024xf32, #tpu.memory_space<vmem>>, vector<256x1024xf32>
      tpu.vector_store %arg6[%swap3A, %swap3A_48], %dot_general3A_47 {strides = array<i32>} : memref<256x1024xf32, #tpu.memory_space<vmem>>, vector<256x1024xf32>,
    } else {
    }
    return
  }
  func.func @transform_0(%arg0: i32) -> (i32, i32) {
    %c0_i32 = arith.constant 0 : i32
    %c0_i32_0 = arith.constant 0 : i32
    %c0_i32_1 = arith.constant 0 : i32
    return %c0_i32, %c0_i32_0 : i32, i32
  }
  func.func @transform_1(%arg0: i32) -> (i32, i32) {
    %c0_i32 = arith.constant 0 : i32
    %c0_i32_0 = arith.constant 0 : i32
    return %arg0, %c0_i32 : i32, i32
  }
  func.func @transform_2(%arg0: i32) -> (i32, i32, i32) {
    %c0_i32 = arith.constant 0 : i32
    %c0_i32_0 = arith.constant 0 : i32
    %c0_i32_1 = arith.constant 0 : i32
    %c0_i32_2 = arith.constant 0 : i32
    return %c0_i32, %c0_i32_0, %c0_i32_1 : i32, i32, i32
  }
  func.func @transform_3(%arg0: i32) -> (i32, i32, i32) {
    %c0_i32 = arith.constant 0 : i32
    %c0_i32_0 = arith.constant 0 : i32
    %c0_i32_1 = arith.constant 0 : i32
    %c0_i32_2 = arith.constant 0 : i32
    return %c0_i32, %c0_i32_0, %c0_i32_1 : i32, i32, i32
  }
  func.func @transform_4(%arg0: i32) -> (i32, i32, i32) {
    %c0_i32 = arith.constant 0 : i32
    %c0_i32_0 = arith.constant 0 : i32
    %c0_i32_1 = arith.constant 0 : i32
    %c0_i32_2 = arith.constant 0 : i32
    return %c0_i32, %c0_i32_0, %c0_i32_1 : i32, i32, i32
  }
  func.func @transform_5(%arg0: i32) -> (i32, i32) {
    %c0_i32 = arith.constant 0 : i32
    %c0_i32_0 = arith.constant 0 : i32
    return %arg0, %c0_i32 : i32, i32
  }
}

</mosaic_0001>

<sc_bundles>
// kernel: kernel.6.cloned.1.call-start
scs
__scs_entry_jumppad:
0x0: {  	(pc) =	sbr.rel $0x88, $3  }
0x1: {  	(tag) =	ssettag $0x0;
	lr =	simm.s32 $0x1  }
0x2: {  	[smem:$0x3F9C] =	sst lr;
	_ =	strace $0xD0000000  }
0x3: {  	_ = 	snop  }
0x4: {  	_ = 	snop  }
0x5: {  	_ = 	snop  }
0x6: {  	_ = 	snop  }
0x7: {  	_ = 	snop  }
__scs_overlays_trampoline_lowered:
0x8: {  	[smem:$0x3FAB] =	sst s0  }
0x9: {  	[smem:$0x3FAC] =	sst s1  }
0xa: {  	[smem:$0x3FAD] =	sst s2  }
0xb: {  	[smem:$0x3FAE] =	sst s3  }
0xc: {  	[smem:$0x3FAF] =	sst s4  }
0xd: {  	[smem:$0x3FB0] =	sst s5  }
0xe: {  	[smem:$0x3FB1] =	sst s6  }
0xf: {  	[smem:$0x3FB2] =	sst s7  }
0x10: {  	[smem:$0x3FB3] =	sst s8  }
0x11: {  	[smem:$0x3FB4] =	sst s9;
	s0 =	simm.s32 @!p0 $0x0  }
0x12: {  	s1 =	sld [smem:$0x3F9A];
	s0 =	simm.s32 @p0 $0x1  }
0x13: {  	[smem:$0x3FB5] =	sst s0;
	s0 =	simm.s32 @!p1 $0x0  }
0x14: {  	s2 =	sld [smem:$0x3F99];
	s0 =	simm.s32 @p1 $0x1  }
0x15: {  	[smem:$0x3FB6] =	sst s0;
	s0 =	simm.s32 @!p2 $0x0  }
0x16: {  	s3 =	sld [smem:$0x3FDB];
	s0 =	simm.s32 @p2 $0x1  }
0x17: {  	s4 =	simm.s32 $0x1BF5;
	[smem:$0x3FB8] =	sst s0  }
0x18: {  	s0 =	sld [smem:$0x3F9B];
	_ =	swait.ge [sflag:s4], $0x0  }
0x19: {  	s7 =	sld [smem:$0x3F9C]  }
0x1a: {  	s8 =	sadd.s32 $0xFFFFE003, lr  }
0x1b: {  	s9 =	sadd.s32 $0xFFFFFEF7, lr;
	s5 =	simm.s32 $0xFFFFFFFF;
	p2 =	slt.u32 s8, $0xFFFFF086  }
0x1c: {  	p1 =	slt.u32 s9, $0xF7A;
	s5 =	simm.s32 @!p2 $0x0  }
0x1d: {  	s5 =	simm.s32 @p1 $0x1;
	p0 =	seq.s32 s7, s2  }
0x1e: {  	s7 =	smul.u32 @!p0 $0xF7A, s2;
	p2 =	seq.s32 @!p0 s5, $0x0  }
0x1f: {  	s9 =	smul.u32 $0xF7A, s1;
	s8 =	simm.s32 @!p0 $0x1BF5;
	p2 =	por !p2, p0  }
0x20: {  	[sflag:s8] =	ssyncset.s32 @!p0 $0xFFFFF086;
	s6 =	sadd.s32 @!p0 s3, s7;
	s7 =	simm.s32 @!p0 $0x108  }
0x21: {  	s3 =	sadd.s32 s3, s9;
	s6 =	sadd.s32 @!p0 $0x88, s6;
	s7 =	simm.s32 @p2 $0x1082  }
0x22: {  	[simem:s7], [sflag:s8] =	dma.local @!p0 [hbm:s6], $0xF7A  }
0x23: {  	s9 =	sor.u32 $0xD0000000, s2;
	s6 =	simm.s32 $0x108;
	_ =	swait.ge @!p0 [sflag:s8], $0x0  }
0x24: {  	s3 =	sadd.s32 $0x88, s3;
	s6 =	simm.s32 @!p1 $0x1082;
	[sflag:s4] =	ssyncset.s32 $0xFFFFF086  }
0x25: {  	[simem:s6], [sflag:s4] =	dma.local [hbm:s3], $0xF7A  }
0x26: {  	[smem:$0x3F9C] =	sst s1;
	(tag) =	ssettag s2;
	_ =	strace s9  }
0x27: {  	s1 =	sld [smem:$0x3FAC]  }
0x28: {  	s2 =	sld [smem:$0x3FAD]  }
0x29: {  	s4 =	sld [smem:$0x3FAF]  }
0x2a: {  	p0 =	seq.s32 s5, $0x0;
	s5 =	sld [smem:$0x3FB0]  }
0x2b: {  	s6 =	sld [smem:$0x3FB1]  }
0x2c: {  	s7 =	sld [smem:$0x3FB2]  }
0x2d: {  	s3 =	simm.s32 $0x108;
	s8 =	sld [smem:$0x3FB3]  }
0x2e: {  	s3 =	simm.s32 @!p0 $0x1082;
	s9 =	sld [smem:$0x3FB4]  }
0x2f: {  	lr =	sadd.s32 s0, s3;
	s0 =	sld [smem:$0x3FAB]  }
0x30: {  	s3 =	sld [smem:$0x3FAE]  }
0x31: {  	[smem:$0x3FB7] =	sst s10  }
0x32: {  	s10 =	sld [smem:$0x3FB5];
	_ =	sdelay $0x3  }
0x33: {  	p0 =	seq.s32 s10, $0x1;
	s10 =	sld [smem:$0x3FB7];
	_ =	sdelay $0x3  }
0x34: {  	[smem:$0x3FB7] =	sst s10  }
0x35: {  	s10 =	sld [smem:$0x3FB6];
	_ =	sdelay $0x3  }
0x36: {  	p1 =	seq.s32 s10, $0x1;
	s10 =	sld [smem:$0x3FB7];
	_ =	sdelay $0x3  }
0x37: {  	[smem:$0x3FB7] =	sst s10  }
0x38: {  	s10 =	sld [smem:$0x3FB8]  }
0x39: {  	_ = 	snop;
	(pc) =	sbr.ind lr, $3  }
0x3a: {  	_ = 	snop  }
0x3b: {  	_ = 	snop  }
0x3c: {  	p2 =	seq.s32 s10, $0x1;
	s10 =	sld [smem:$0x3FB7]  }
0x3d: {  	_ =	shalt  }
0x3e: {  	_ =	shalt  }
0x3f: {  	_ =	shalt  }
0x40: {  	_ =	shalt  }
0x41: {  	_ =	shalt  }
0x42: {  	_ =	shalt  }
0x43: {  	_ =	shalt  }
0x44: {  	_ =	shalt  }
0x45: {  	_ =	shalt  }
0x46: {  	_ =	shalt  }
0x47: {  	_ =	shalt  }
0x48: {  	_ =	shalt  }
0x49: {  	_ =	shalt  }
0x4a: {  	_ =	shalt  }
0x4b: {  	_ =	shalt  }
0x4c: {  	_ =	shalt  }
0x4d: {  	_ =	shalt  }
0x4e: {  	_ =	shalt  }
0x4f: {  	_ =	shalt  }
0x50: {  	_ =	shalt  }
0x51: {  	_ =	shalt  }
0x52: {  	_ =	shalt  }
0x53: {  	_ =	shalt  }
0x54: {  	_ =	shalt  }
0x55: {  	_ =	shalt  }
0x56: {  	_ =	shalt  }
0x57: {  	_ =	shalt  }
0x58: {  	_ =	shalt  }
0x59: {  	_ =	shalt  }
0x5a: {  	_ =	shalt  }
0x5b: {  	_ =	shalt  }
0x5c: {  	_ =	shalt  }
0x5d: {  	_ =	shalt  }
0x5e: {  	_ =	shalt  }
0x5f: {  	_ =	shalt  }
0x60: {  	_ =	shalt  }
0x61: {  	_ =	shalt  }
0x62: {  	_ =	shalt  }
0x63: {  	_ =	shalt  }
0x64: {  	_ =	shalt  }
0x65: {  	_ =	shalt  }
0x66: {  	_ =	shalt  }
0x67: {  	_ =	shalt  }
0x68: {  	_ =	shalt  }
0x69: {  	_ =	shalt  }
0x6a: {  	_ =	shalt  }
0x6b: {  	_ =	shalt  }
0x6c: {  	_ =	shalt  }
0x6d: {  	_ =	shalt  }
0x6e: {  	_ =	shalt  }
0x6f: {  	_ =	shalt  }
0x70: {  	_ =	shalt  }
0x71: {  	_ =	shalt  }
0x72: {  	_ =	shalt  }
0x73: {  	_ =	shalt  }
0x74: {  	_ =	shalt  }
0x75: {  	_ =	shalt  }
0x76: {  	_ =	shalt  }
0x77: {  	_ =	shalt  }
0x78: {  	_ =	shalt  }
0x79: {  	_ =	shalt  }
0x7a: {  	_ =	shalt  }
0x7b: {  	_ =	shalt  }
0x7c: {  	_ =	shalt  }
0x7d: {  	_ =	shalt  }
0x7e: {  	_ =	shalt  }
0x7f: {  	_ =	shalt  }
0x80: {  	_ =	shalt  }
0x81: {  	_ =	shalt  }
0x82: {  	_ =	shalt  }
0x83: {  	_ =	shalt  }
0x84: {  	_ =	shalt  }
0x85: {  	_ =	shalt  }
0x86: {  	_ =	shalt  }
0x87: {  	_ =	shalt  }
.Lfunc_end0:
.L_simem_size_0:
called_computation_lowered:
.L_overlay_start_0:
0x88: {  	s2 =	sld [smem:$0x3FD9]  }
0x89: {  	s3 =	sld [smem:$0x3FFE];
	_ =	sdelay $0x1  }
0x8a: {  	s1 =	srdreg.scid  }
0x8b: {  	s0 =	sand.u32 $0x1, s1  }
0x8c: {  	s14 =	sshll.u32 s0, $0xA;
	s2 =	sadd.s32 s3, s2  }
0x8d: {  	s2 =	sadd.s32 s2, s14  }
0x8e: {  	[smem:$0x3FC3] =	sst s2  }
0x8f: {  	_ = 	snop  }
0x90: {  	s2 =	sld [smem:$0x3FD0];
	_ =	sdelay $0x2  }
0x91: {  	s15 =	simm.s32 $0xA;
	s4 =	simm.s32 $0x10  }
0x92: {  	[smem:s4], [sflag:s15] =	dma.local [hbm:s2], $0x1  }
0x93: {  	_ =	swait.eq [sflag:s15], $0x1  }
0x94: {  	[sflag:s15] =	ssyncset.done $0x0  }
0x95: {  	[sflag:s15] =	ssyncadd.s32 $0xFFFFFFFF  }
0x96: {  	s16 =	sld [smem:$0x11];
	(tm) =	ssettm $0x1  }
0x97: {  	s17 =	sld [smem:$0x3FFB];
	_ =	sdelay $0x3  }
0x98: {  	_ =	strace s17  }
0x99: {  	s3 =	sld [smem:$0x3FFC];
	_ =	sdelay $0x3  }
0x9a: {  	_ =	strace s3  }
0x9b: {  	s3 =	sld [smem:$0x3FFD];
	_ =	sdelay $0x3  }
0x9c: {  	_ =	strace s3  }
0x9d: {  	_ =	strace $0x8FFFFFFF  }
0x9e: {  	s18 =	sld [smem:$0x3FDB];
	_ =	sdelay $0x1  }
0x9f: {  	s19 =	simm.s32 $_scs_section_size  }
0xa0: {  	s5 =	simm.s32 $_size__tile_overlayer_lowered;
	s6 =	simm.s32 $_tile_overlayer_lowered  }
0xa1: {  	s22 =	simm.s32 $0x1BFF;
	s21 =	sshll.u32 s6, $0x1;
	s3 =	sadd.s32 s19, s18  }
0xa2: {  	s7 =	simm.s32 $0x0;
	s20 =	sshll.u32 s5, $0x1;
	s5 =	sadd.s32 s21, s3  }
0xa3: {  	[timem:s7], [sflag:s22] =	dma.local [hbm:s5], s20  }
0xa4: {  	_ =	swait.ge [sflag:s22], s20  }
0xa5: {  	s4 =	ssub.s32 $0x0, s20;
	[sflag:s22] =	ssyncset.done $0x0  }
0xa6: {  	[sflag:s22] =	ssyncadd.s32 s4;
	_ =	sdelay $0x1  }
0xa7: {  	s23 =	simm.s32 $0x1B8B  }
0xa8: {  	_ =	swait.ge [sflag:s23], $0x1  }
0xa9: {  	[sflag:s23] =	ssyncset.done $0x0  }
0xaa: {  	s25 =	simm.s32 $0x1B8E;
	s24 =	sld [smem:$0x3FFE];
	[sflag:s23] =	ssyncadd.s32 $0xFFFFFFFF  }
0xab: {  	s26 =	simm.s32 $execute0_lowered;
	[smem:$0x3FD2] =	sst s25  }
0xac: {  	s5 =	sshll.u32 s26, $0x1;
	_ =	strace $0x80000046;
	[dreg:$0x1] =	wrdreg $0xFFFFFFFF  }
0xad: {  	s28 =	simm.s32 $_size_execute0_lowered;
	s3 =	sadd.s32 s3, s5;
	[dreg:$0x0] =	wrdreg $0x0  }
0xae: {  	s5 =	sshll.u32 s28, $0x1;
	[dreg:$0x2] =	wrdreg s3  }
0xaf: {  	[dreg:$0x3] =	wrdreg s5  }
0xb0: {  	[dreg:$0x4] =	wrdreg $0xC0  }
0xb1: {  	_ =	task [dreg:s7], $0x5FFFF  }
0xb2: {  	[dreg:$0x1] =	wrdreg $0xFFFFFFFF  }
0xb3: {  	[dreg:$0x0] =	wrdreg $0x60  }
0xb4: {  	[dreg:$0x2] =	wrdreg s24  }
0xb5: {  	[dreg:$0x3] =	wrdreg s16  }
0xb6: {  	[dreg:$0x4] =	wrdreg $0x9  }
0xb7: {  	_ =	task.clear_ibuf [dreg:s7], $0x5FFFF;
	_ =	strace $0x90000046  }
0xb8: {  	s29 =	simm.s32 $0x9;
	_ =	strace $0x80000048  }
0xb9: {  	_ =	swait.ge [sflag:s29], $0x1  }
0xba: {  	[sflag:s29] =	ssyncadd.s32 $0xFFFFFFFF  }
0xbb: {  	_ =	strace $0x90000048  }
0xbc: {  	_ =	sfence  }
0xbd: {  	s30 =	sld [smem:$0x0];
	_ =	sdelay $0x2  }
0xbe: {  	s31 =	sshll.u32 s1, $0xD;
	s1 =	sshrl.u32 s1, $0x2  }
0xbf: {  	s3 =	sand.u32 $0x4000, s31;
	s1 =	sadd.s32 s1, s30  }
0xc0: {  	s0 =	sor.u32 s3, s0;
	s1 =	sshll.u32 s1, $0x11  }
0xc1: {  	s0 =	sor.u32 s1, s0  }
0xc2: {  	s0 =	sadd.s32 $0x8F2B, s0  }
0xc3: {  	[sflag:s0] =	ssyncadd.remote.s32 $0x1  }
0xc4: {  	_ =	sfence.sel $0xFFFF  }
0xc5: {  	[dreg:$0x0] =	wrdreg $0xFFFFFFFF;
	(pc) =	sbr.abs _section_cstart, $3  }
0xc6: {  	[dreg:$0x1] =	wrdreg $0xFFFFFFFF  }
0xc7: {  	_ =	task.clear_ibuf [dreg:s7], $0x2FFFF;
	_ =	strace $0x9FFFFFFF  }
0xc8: {  	(tm) =	ssettm $0x7FFFFFFF  }
0xc9: {  	_ =	shalt  }
tec
execute0_lowered:
.L_overlay_start_1:
0x0: {  	(tag) =	ssettag $0x1  }
0x1: {  	s6 =	rddreg [dreg:$0x0]  }
0x2: {  	s4 =	rddreg [dreg:$0x1]  }
0x3: {  	s0 =	rddreg [dreg:$0x2];
	s3 =	srdreg.scid  }
0x4: {  	s1 =	stileid.u32;
	s2 =	simm.s32 $0x0;
	s10 =	simm.s32 $0xA00  }
0x5: {  	s11 =	simm.s32 $0x1200;
	s12 =	simm.s32 $0x1A00;
	s13 =	simm.s32 $0x2200  }
0x6: {  	s14 =	simm.s32 $0x2A00;
	s15 =	simm.s32 $0x3200;
	s16 =	simm.s32 $0x3A00  }
0x7: {  	s17 =	simm.s32 $0x4200;
	s18 =	simm.s32 $0x4A00;
	s19 =	simm.s32 $0x5200  }
0x8: {  	s20 =	simm.s32 $0x5A00;
	s21 =	simm.s32 $0x6200;
	s22 =	simm.s32 $0x6A00  }
0x9: {  	s23 =	simm.s32 $0x7200;
	s24 =	simm.s32 $0x7A00;
	s25 =	simm.s32 $0x1  }
0xa: {  	s3 =	sand.u32 $0x1, s3;
	s5 =	sshll.u32 s1, $0x1;
	[smem:$0x7FF] =	sst s2  }
0xb: {  	s5 =	sor.u32 s3, s5;
	_ =	strace $0x80000047;
	s8 =	ssub.s32 $0x2, s3  }
0xc: {  	s3 =	sadd.s32 $0x31A00, s6;
	s7 =	sshll.u32 s5, $0xC;
	s9 =	sshrl.u32 s8, $0x1  }
0xd: {  	v2 =	vlaneseq.u32;
	s5 =	sshll.u32 s5, $0x6;
	s7 =	sadd.s32 s7, s6;
	s8 =	ssub.s32 s8, s9  }
0xe: {  	vm0 =	vmmov $0xffff;
	v1 =	vshrl.u32 v2, $0x3;
	s4 =	sadd.s32 s4, s5;
	s6 =	sadd.s32 $0x31B00, s6;
	s9 =	simm.s32 $0x200  }
0xf: {  	v0 =	vand.u32 $0x7, v2;
	v2 =	vor.u32 $0x8, v2;
	v1 =	vmul.u32 $0x8, v1;
	s5 =	sadd.s32 $0x1A00, s7;
	s7 =	smax.u32 s8, $0x1;
	s8 =	simm.s32 $0x2  }
.LBB2_1:
0x10: {  	[tilespmem:s2], [sflag:$0x2] =	stream.linear.gather [hbm4b:s4+s2], $0x200, $0x38;
	[tilespmem:$0x8200] =	vst v63  }
0x11: {  	_ =	swait.ge [sflag:s8], $0x200  }
0x12: {  	[sflag:s8] =	ssyncset.done $0x0  }
0x13: {  	[sflag:s8] =	ssyncadd.s32 $0xFFFFFE00  }
0x14: {  	[tilespmem:s9], [sflag:$0x2] =	stream.linear.gather [hbm4b:s5+s2], $0x8000, $0x38;
	[tilespmem:$0x8200] =	vst v63  }
0x15: {  	_ =	swait.ge [sflag:s8], $0x8000  }
0x16: {  	[sflag:s8] =	ssyncset.done $0x0  }
0x17: {  	[sflag:s8] =	ssyncadd.s32 $0xFFFF8000  }
0x18: {  	v3 =	vld [tilespmem:$0x0];
	_ =	sdelay $0x4  }
0x19: {  	v4 =	vshll.u32 v3, $0x2  }
0x1a: {  	v3 =	vand.u32 $0x7, v3;
	v4 =	vand.u32 $0xFFFFFFE0, v4  }
0x1b: {  	v3 =	vor.u32 v3, v4  }
0x1c: {  	v4 =	vperm.xlane v3, v0;
	_ =	sdelay $0x1  }
0x1d: {  	v4 =	vadd.s32 v1, v4;
	_ =	sdelay $0x1  }
0x1e: {  	v3 =	vperm.xlane v3, v2;
	_ =	sdelay $0x1  }
0x1f: {  	v3 =	vadd.s32 v1, v3  }
0x20: {  	[hbm4b:s3+s2] =	stream.indirect_vreg.scatter [tilespmem:s9], [sflag:$0x1], $0x80, v4, vm0, $0xb8;
	[tilespmem:$0x8200] =	vst v63  }
0x21: {  	_ = 	snop  }
0x22: {  	[hbm4b:s6+s2] =	stream.indirect_vreg.scatter [tilespmem:s10], [sflag:$0x1], $0x80, v4, vm0, $0xb8;
	[tilespmem:$0x8200] =	vst v63  }
0x23: {  	_ = 	snop  }
0x24: {  	[hbm4b:s3+s2] =	stream.indirect_vreg.scatter [tilespmem:s11], [sflag:$0x1], $0x80, v3, vm0, $0xb8;
	[tilespmem:$0x8200] =	vst v63  }
0x25: {  	_ = 	snop  }
0x26: {  	[hbm4b:s6+s2] =	stream.indirect_vreg.scatter [tilespmem:s12], [sflag:$0x1], $0x80, v3, vm0, $0xb8;
	[tilespmem:$0x8200] =	vst v63  }
0x27: {  	v3 =	vld [tilespmem:$0x10];
	_ =	sdelay $0x4  }
0x28: {  	v57 =	vshll.u32 v3, $0x2  }
0x29: {  	v3 =	vand.u32 $0x7, v3;
	v4 =	vand.u32 $0xFFFFFFE0, v57  }
0x2a: {  	v3 =	vor.u32 v3, v4  }
0x2b: {  	v4 =	vperm.xlane v3, v0;
	_ =	sdelay $0x1  }
0x2c: {  	v4 =	vadd.s32 v1, v4;
	_ =	sdelay $0x1  }
0x2d: {  	v3 =	vperm.xlane v3, v2;
	_ =	sdelay $0x1  }
0x2e: {  	v3 =	vadd.s32 v1, v3  }
0x2f: {  	[hbm4b:s3+s2] =	stream.indirect_vreg.scatter [tilespmem:s13], [sflag:$0x1], $0x80, v4, vm0, $0xb8;
	[tilespmem:$0x8200] =	vst v63  }
0x30: {  	_ = 	snop  }
0x31: {  	[hbm4b:s6+s2] =	stream.indirect_vreg.scatter [tilespmem:s14], [sflag:$0x1], $0x80, v4, vm0, $0xb8;
	[tilespmem:$0x8200] =	vst v63  }
0x32: {  	_ = 	snop  }
0x33: {  	[hbm4b:s3+s2] =	stream.indirect_vreg.scatter [tilespmem:s15], [sflag:$0x1], $0x80, v3, vm0, $0xb8;
	[tilespmem:$0x8200] =	vst v63  }
0x34: {  	_ = 	snop  }
0x35: {  	[hbm4b:s6+s2] =	stream.indirect_vreg.scatter [tilespmem:s16], [sflag:$0x1], $0x80, v3, vm0, $0xb8;
	[tilespmem:$0x8200] =	vst v63  }
0x36: {  	v3 =	vld [tilespmem:$0x20];
	_ =	sdelay $0x4  }
0x37: {  	v58 =	vshll.u32 v3, $0x2  }
0x38: {  	v3 =	vand.u32 $0x7, v3;
	v4 =	vand.u32 $0xFFFFFFE0, v58  }
0x39: {  	v3 =	vor.u32 v3, v4  }
0x3a: {  	v4 =	vperm.xlane v3, v0;
	_ =	sdelay $0x1  }
0x3b: {  	v4 =	vadd.s32 v1, v4;
	_ =	sdelay $0x1  }
0x3c: {  	v3 =	vperm.xlane v3, v2;
	_ =	sdelay $0x1  }
0x3d: {  	v3 =	vadd.s32 v1, v3  }
0x3e: {  	[hbm4b:s3+s2] =	stream.indirect_vreg.scatter [tilespmem:s17], [sflag:$0x1], $0x80, v4, vm0, $0xb8;
	[tilespmem:$0x8200] =	vst v63  }
0x3f: {  	_ = 	snop  }
0x40: {  	[hbm4b:s6+s2] =	stream.indirect_vreg.scatter [tilespmem:s18], [sflag:$0x1], $0x80, v4, vm0, $0xb8;
	[tilespmem:$0x8200] =	vst v63  }
0x41: {  	_ = 	snop  }
0x42: {  	[hbm4b:s3+s2] =	stream.indirect_vreg.scatter [tilespmem:s19], [sflag:$0x1], $0x80, v3, vm0, $0xb8;
	[tilespmem:$0x8200] =	vst v63  }
0x43: {  	_ = 	snop  }
0x44: {  	[hbm4b:s6+s2] =	stream.indirect_vreg.scatter [tilespmem:s20], [sflag:$0x1], $0x80, v3, vm0, $0xb8;
	[tilespmem:$0x8200] =	vst v63  }
0x45: {  	v3 =	vld [tilespmem:$0x30];
	_ =	sdelay $0x4  }
0x46: {  	v59 =	vshll.u32 v3, $0x2  }
0x47: {  	v3 =	vand.u32 $0x7, v3;
	v4 =	vand.u32 $0xFFFFFFE0, v59  }
0x48: {  	v3 =	vor.u32 v3, v4  }
0x49: {  	v4 =	vperm.xlane v3, v0;
	_ =	sdelay $0x1  }
0x4a: {  	v4 =	vadd.s32 v1, v4;
	_ =	sdelay $0x1  }
0x4b: {  	v3 =	vperm.xlane v3, v2;
	_ =	sdelay $0x1  }
0x4c: {  	v3 =	vadd.s32 v1, v3  }
0x4d: {  	[hbm4b:s3+s2] =	stream.indirect_vreg.scatter [tilespmem:s21], [sflag:$0x1], $0x80, v4, vm0, $0xb8;
	[tilespmem:$0x8200] =	vst v63  }
0x4e: {  	_ = 	snop  }
0x4f: {  	[hbm4b:s6+s2] =	stream.indirect_vreg.scatter [tilespmem:s22], [sflag:$0x1], $0x80, v4, vm0, $0xb8;
	[tilespmem:$0x8200] =	vst v63  }
0x50: {  	_ = 	snop  }
0x51: {  	[hbm4b:s3+s2] =	stream.indirect_vreg.scatter [tilespmem:s23], [sflag:$0x1], $0x80, v3, vm0, $0xb8;
	[tilespmem:$0x8200] =	vst v63  }
0x52: {  	_ = 	snop  }
0x53: {  	[hbm4b:s6+s2] =	stream.indirect_vreg.scatter [tilespmem:s24], [sflag:$0x1], $0x80, v3, vm0, $0xb8;
	[tilespmem:$0x8200] =	vst v63  }
0x54: {  	v3 =	vld [tilespmem:$0x80];
	_ =	sdelay $0x4  }
0x55: {  	v60 =	vshll.u32 v3, $0x2  }
0x56: {  	v3 =	vand.u32 $0x7, v3;
	v4 =	vand.u32 $0xFFFFFFE0, v60  }
0x57: {  	v3 =	vor.u32 v3, v4  }
0x58: {  	v4 =	vperm.xlane v3, v0;
	_ =	sdelay $0x1  }
0x59: {  	v4 =	vadd.s32 v1, v4;
	_ =	sdelay $0x1  }
0x5a: {  	v3 =	vperm.xlane v3, v2;
	_ =	sdelay $0x1  }
0x5b: {  	v3 =	vadd.s32 v1, v3  }
0x5c: {  	[hbm4b:s3+s2] =	stream.indirect_vreg.scatter [tilespmem:s9], [sflag:$0x1], $0x80, v4, vm0, $0xb8;
	[tilespmem:$0x8200] =	vst v63  }
0x5d: {  	_ = 	snop  }
0x5e: {  	[hbm4b:s6+s2] =	stream.indirect_vreg.scatter [tilespmem:s10], [sflag:$0x1], $0x80, v4, vm0, $0xb8;
	[tilespmem:$0x8200] =	vst v63  }
0x5f: {  	_ = 	snop  }
0x60: {  	[hbm4b:s3+s2] =	stream.indirect_vreg.scatter [tilespmem:s11], [sflag:$0x1], $0x80, v3, vm0, $0xb8;
	[tilespmem:$0x8200] =	vst v63  }
0x61: {  	_ = 	snop  }
0x62: {  	[hbm4b:s6+s2] =	stream.indirect_vreg.scatter [tilespmem:s12], [sflag:$0x1], $0x80, v3, vm0, $0xb8;
	[tilespmem:$0x8200] =	vst v63  }
0x63: {  	v3 =	vld [tilespmem:$0x90];
	_ =	sdelay $0x4  }
0x64: {  	v61 =	vshll.u32 v3, $0x2  }
0x65: {  	v3 =	vand.u32 $0x7, v3;
	v4 =	vand.u32 $0xFFFFFFE0, v61  }
0x66: {  	v3 =	vor.u32 v3, v4  }
0x67: {  	v4 =	vperm.xlane v3, v0;
	_ =	sdelay $0x1  }
0x68: {  	v4 =	vadd.s32 v1, v4;
	_ =	sdelay $0x1  }
0x69: {  	v3 =	vperm.xlane v3, v2;
	_ =	sdelay $0x1  }
0x6a: {  	v3 =	vadd.s32 v1, v3  }
0x6b: {  	[hbm4b:s3+s2] =	stream.indirect_vreg.scatter [tilespmem:s13], [sflag:$0x1], $0x80, v4, vm0, $0xb8;
	[tilespmem:$0x8200] =	vst v63  }
0x6c: {  	_ = 	snop  }
0x6d: {  	[hbm4b:s6+s2] =	stream.indirect_vreg.scatter [tilespmem:s14], [sflag:$0x1], $0x80, v4, vm0, $0xb8;
	[tilespmem:$0x8200] =	vst v63  }
0x6e: {  	_ = 	snop  }
0x6f: {  	[hbm4b:s3+s2] =	stream.indirect_vreg.scatter [tilespmem:s15], [sflag:$0x1], $0x80, v3, vm0, $0xb8;
	[tilespmem:$0x8200] =	vst v63  }
0x70: {  	_ = 	snop  }
0x71: {  	[hbm4b:s6+s2] =	stream.indirect_vreg.scatter [tilespmem:s16], [sflag:$0x1], $0x80, v3, vm0, $0xb8;
	[tilespmem:$0x8200] =	vst v63  }
0x72: {  	v3 =	vld [tilespmem:$0xA0];
	_ =	sdelay $0x4  }
0x73: {  	v62 =	vshll.u32 v3, $0x2  }
0x74: {  	v3 =	vand.u32 $0x7, v3;
	v4 =	vand.u32 $0xFFFFFFE0, v62  }
0x75: {  	v3 =	vor.u32 v3, v4  }
0x76: {  	v4 =	vperm.xlane v3, v0;
	_ =	sdelay $0x1  }
0x77: {  	v4 =	vadd.s32 v1, v4;
	_ =	sdelay $0x1  }
0x78: {  	v3 =	vperm.xlane v3, v2;
	_ =	sdelay $0x1  }
0x79: {  	v3 =	vadd.s32 v1, v3  }
0x7a: {  	[hbm4b:s3+s2] =	stream.indirect_vreg.scatter [tilespmem:s17], [sflag:$0x1], $0x80, v4, vm0, $0xb8;
	[tilespmem:$0x8200] =	vst v63  }
0x7b: {  	_ = 	snop  }
0x7c: {  	[hbm4b:s6+s2] =	stream.indirect_vreg.scatter [tilespmem:s18], [sflag:$0x1], $0x80, v4, vm0, $0xb8;
	[tilespmem:$0x8200] =	vst v63  }
0x7d: {  	_ = 	snop  }
0x7e: {  	[hbm4b:s3+s2] =	stream.indirect_vreg.scatter [tilespmem:s19], [sflag:$0x1], $0x80, v3, vm0, $0xb8;
	[tilespmem:$0x8200] =	vst v63  }
0x7f: {  	_ = 	snop  }
0x80: {  	[hbm4b:s6+s2] =	stream.indirect_vreg.scatter [tilespmem:s20], [sflag:$0x1], $0x80, v3, vm0, $0xb8;
	[tilespmem:$0x8200] =	vst v63  }
0x81: {  	v3 =	vld [tilespmem:$0xB0];
	_ =	sdelay $0x4  }
0x82: {  	v63 =	vshll.u32 v3, $0x2  }
0x83: {  	v3 =	vand.u32 $0x7, v3;
	v4 =	vand.u32 $0xFFFFFFE0, v63  }
0x84: {  	v3 =	vor.u32 v3, v4  }
0x85: {  	v4 =	vperm.xlane v3, v0;
	_ =	sdelay $0x1  }
0x86: {  	v4 =	vadd.s32 v1, v4;
	_ =	sdelay $0x1  }
0x87: {  	v3 =	vperm.xlane v3, v2;
	_ =	sdelay $0x1  }
0x88: {  	v3 =	vadd.s32 v1, v3  }
0x89: {  	[hbm4b:s3+s2] =	stream.indirect_vreg.scatter [tilespmem:s21], [sflag:$0x1], $0x80, v4, vm0, $0xb8;
	[tilespmem:$0x8200] =	vst v63  }
0x8a: {  	_ = 	snop  }
0x8b: {  	[hbm4b:s6+s2] =	stream.indirect_vreg.scatter [tilespmem:s22], [sflag:$0x1], $0x80, v4, vm0, $0xb8;
	[tilespmem:$0x8200] =	vst v63  }
0x8c: {  	_ = 	snop  }
0x8d: {  	[hbm4b:s3+s2] =	stream.indirect_vreg.scatter [tilespmem:s23], [sflag:$0x1], $0x80, v3, vm0, $0xb8;
	[tilespmem:$0x8200] =	vst v63  }
0x8e: {  	_ = 	snop  }
0x8f: {  	[hbm4b:s6+s2] =	stream.indirect_vreg.scatter [tilespmem:s24], [sflag:$0x1], $0x80, v3, vm0, $0xb8;
	[tilespmem:$0x8200] =	vst v63  }
0x90: {  	p0 =	sne.s32 s7, $0x1;
	_ =	swait.ge [sflag:s25], $0x8000  }
.Ltmp0:
0x91: {  	[sflag:s25] =	ssyncset.done $0x0;
	(pc) =	sbr.rel @p0 .LBB2_1-.Ltmp0, $4  }
0x92: {  	[sflag:s25] =	ssyncadd.s32 $0xFFFF8000  }
0x93: {  	_ =	swait.ge [sflag:s25], $0x8000  }
0x94: {  	[sflag:s25] =	ssyncset.done $0x0  }
0x95: {  	s7 =	sadd.s32 $0xFFFFFFFF, s7;
	[sflag:s25] =	ssyncadd.s32 $0xFFFF8000  }
0x96: {  	_ =	sfence.sel $0x180000  }
0x97: {  	[bflag:$0x0] =	sbarrier.arrive $0xFFFF  }
0x98: {  	p0 =	sne.s32 s1, $0x0;
	_ =	strace $0x90000047  }
0x99: {  	s0 =	sadd.s32 @!p0 $0x100000, s0;
	[bflag:$0x2] =	sbarrier.arrive $0xFFFF  }
0x9a: {  	[sflag:s0] =	ssyncadd.tile.s32 @!p0 $0x1;
	_ =	shalt  }
.Lfunc_end2:
_tile_overlayer_lowered:
.L_overlay_start_2:
0x9b: {  	(tag) =	ssettag $0x2  }
0x9c: {  	s0 =	rddreg [dreg:$0x0];
	s2 =	stileid.u32  }
0x9d: {  	s1 =	rddreg [dreg:$0x1];
	p0 =	sne.s32 s2, $0x0  }
0x9e: {  	s3 =	rddreg [dreg:$0x2];
	[bflag:$0x3] =	sbarrier.arrive $0xFFFF;
	s2 =	simm.s32 @!p0 $0x1C02  }
0x9f: {  	[timem:s3], [sflag:s2] =	dma.local @!p0 [hbm:s0], s1  }
0xa0: {  	s0 =	simm.s32 @!p0 $0x2  }
0xa1: {  	_ =	swait.ge @!p0 [sflag:s0], s1  }
0xa2: {  	s1 =	ssub.s32 @!p0 $0x0, s1;
	[sflag:s0] =	ssyncset.done @!p0 $0x0  }
0xa3: {  	[sflag:s0] =	ssyncadd.s32 @!p0 s1  }
0xa4: {  	[bflag:$0x3] =	sbarrier.arrive $0xFFFF  }
0xa5: {  	_ =	shalt  }

// kernel: kernel.9.cloned.1.call-start
scs
__scs_entry_jumppad:
0x0: {  	(pc) =	sbr.rel $0x88, $3  }
0x1: {  	(tag) =	ssettag $0x0;
	lr =	simm.s32 $0x1  }
0x2: {  	[smem:$0x3F9C] =	sst lr;
	_ =	strace $0xD0000000  }
0x3: {  	_ = 	snop  }
0x4: {  	_ = 	snop  }
0x5: {  	_ = 	snop  }
0x6: {  	_ = 	snop  }
0x7: {  	_ = 	snop  }
__scs_overlays_trampoline_lowered:
0x8: {  	[smem:$0x3FAB] =	sst s0  }
0x9: {  	[smem:$0x3FAC] =	sst s1  }
0xa: {  	[smem:$0x3FAD] =	sst s2  }
0xb: {  	[smem:$0x3FAE] =	sst s3  }
0xc: {  	[smem:$0x3FAF] =	sst s4  }
0xd: {  	[smem:$0x3FB0] =	sst s5  }
0xe: {  	[smem:$0x3FB1] =	sst s6  }
0xf: {  	[smem:$0x3FB2] =	sst s7  }
0x10: {  	[smem:$0x3FB3] =	sst s8  }
0x11: {  	[smem:$0x3FB4] =	sst s9;
	s0 =	simm.s32 @!p0 $0x0  }
0x12: {  	s1 =	sld [smem:$0x3F9A];
	s0 =	simm.s32 @p0 $0x1  }
0x13: {  	[smem:$0x3FB5] =	sst s0;
	s0 =	simm.s32 @!p1 $0x0  }
0x14: {  	s2 =	sld [smem:$0x3F99];
	s0 =	simm.s32 @p1 $0x1  }
0x15: {  	[smem:$0x3FB6] =	sst s0;
	s0 =	simm.s32 @!p2 $0x0  }
0x16: {  	s3 =	sld [smem:$0x3FDB];
	s0 =	simm.s32 @p2 $0x1  }
0x17: {  	s4 =	simm.s32 $0x1BF5;
	[smem:$0x3FB8] =	sst s0  }
0x18: {  	s0 =	sld [smem:$0x3F9B];
	_ =	swait.ge [sflag:s4], $0x0  }
0x19: {  	s7 =	sld [smem:$0x3F9C]  }
0x1a: {  	s8 =	sadd.s32 $0xFFFFE003, lr  }
0x1b: {  	s9 =	sadd.s32 $0xFFFFFEF7, lr;
	s5 =	simm.s32 $0xFFFFFFFF;
	p2 =	slt.u32 s8, $0xFFFFF086  }
0x1c: {  	p1 =	slt.u32 s9, $0xF7A;
	s5 =	simm.s32 @!p2 $0x0  }
0x1d: {  	s5 =	simm.s32 @p1 $0x1;
	p0 =	seq.s32 s7, s2  }
0x1e: {  	s7 =	smul.u32 @!p0 $0xF7A, s2;
	p2 =	seq.s32 @!p0 s5, $0x0  }
0x1f: {  	s9 =	smul.u32 $0xF7A, s1;
	s8 =	simm.s32 @!p0 $0x1BF5;
	p2 =	por !p2, p0  }
0x20: {  	[sflag:s8] =	ssyncset.s32 @!p0 $0xFFFFF086;
	s6 =	sadd.s32 @!p0 s3, s7;
	s7 =	simm.s32 @!p0 $0x108  }
0x21: {  	s3 =	sadd.s32 s3, s9;
	s6 =	sadd.s32 @!p0 $0x88, s6;
	s7 =	simm.s32 @p2 $0x1082  }
0x22: {  	[simem:s7], [sflag:s8] =	dma.local @!p0 [hbm:s6], $0xF7A  }
0x23: {  	s9 =	sor.u32 $0xD0000000, s2;
	s6 =	simm.s32 $0x108;
	_ =	swait.ge @!p0 [sflag:s8], $0x0  }
0x24: {  	s3 =	sadd.s32 $0x88, s3;
	s6 =	simm.s32 @!p1 $0x1082;
	[sflag:s4] =	ssyncset.s32 $0xFFFFF086  }
0x25: {  	[simem:s6], [sflag:s4] =	dma.local [hbm:s3], $0xF7A  }
0x26: {  	[smem:$0x3F9C] =	sst s1;
	(tag) =	ssettag s2;
	_ =	strace s9  }
0x27: {  	s1 =	sld [smem:$0x3FAC]  }
0x28: {  	s2 =	sld [smem:$0x3FAD]  }
0x29: {  	s4 =	sld [smem:$0x3FAF]  }
0x2a: {  	p0 =	seq.s32 s5, $0x0;
	s5 =	sld [smem:$0x3FB0]  }
0x2b: {  	s6 =	sld [smem:$0x3FB1]  }
0x2c: {  	s7 =	sld [smem:$0x3FB2]  }
0x2d: {  	s3 =	simm.s32 $0x108;
	s8 =	sld [smem:$0x3FB3]  }
0x2e: {  	s3 =	simm.s32 @!p0 $0x1082;
	s9 =	sld [smem:$0x3FB4]  }
0x2f: {  	lr =	sadd.s32 s0, s3;
	s0 =	sld [smem:$0x3FAB]  }
0x30: {  	s3 =	sld [smem:$0x3FAE]  }
0x31: {  	[smem:$0x3FB7] =	sst s10  }
0x32: {  	s10 =	sld [smem:$0x3FB5];
	_ =	sdelay $0x3  }
0x33: {  	p0 =	seq.s32 s10, $0x1;
	s10 =	sld [smem:$0x3FB7];
	_ =	sdelay $0x3  }
0x34: {  	[smem:$0x3FB7] =	sst s10  }
0x35: {  	s10 =	sld [smem:$0x3FB6];
	_ =	sdelay $0x3  }
0x36: {  	p1 =	seq.s32 s10, $0x1;
	s10 =	sld [smem:$0x3FB7];
	_ =	sdelay $0x3  }
0x37: {  	[smem:$0x3FB7] =	sst s10  }
0x38: {  	s10 =	sld [smem:$0x3FB8]  }
0x39: {  	_ = 	snop;
	(pc) =	sbr.ind lr, $3  }
0x3a: {  	_ = 	snop  }
0x3b: {  	_ = 	snop  }
0x3c: {  	p2 =	seq.s32 s10, $0x1;
	s10 =	sld [smem:$0x3FB7]  }
0x3d: {  	_ =	shalt  }
0x3e: {  	_ =	shalt  }
0x3f: {  	_ =	shalt  }
0x40: {  	_ =	shalt  }
0x41: {  	_ =	shalt  }
0x42: {  	_ =	shalt  }
0x43: {  	_ =	shalt  }
0x44: {  	_ =	shalt  }
0x45: {  	_ =	shalt  }
0x46: {  	_ =	shalt  }
0x47: {  	_ =	shalt  }
0x48: {  	_ =	shalt  }
0x49: {  	_ =	shalt  }
0x4a: {  	_ =	shalt  }
0x4b: {  	_ =	shalt  }
0x4c: {  	_ =	shalt  }
0x4d: {  	_ =	shalt  }
0x4e: {  	_ =	shalt  }
0x4f: {  	_ =	shalt  }
0x50: {  	_ =	shalt  }
0x51: {  	_ =	shalt  }
0x52: {  	_ =	shalt  }
0x53: {  	_ =	shalt  }
0x54: {  	_ =	shalt  }
0x55: {  	_ =	shalt  }
0x56: {  	_ =	shalt  }
0x57: {  	_ =	shalt  }
0x58: {  	_ =	shalt  }
0x59: {  	_ =	shalt  }
0x5a: {  	_ =	shalt  }
0x5b: {  	_ =	shalt  }
0x5c: {  	_ =	shalt  }
0x5d: {  	_ =	shalt  }
0x5e: {  	_ =	shalt  }
0x5f: {  	_ =	shalt  }
0x60: {  	_ =	shalt  }
0x61: {  	_ =	shalt  }
0x62: {  	_ =	shalt  }
0x63: {  	_ =	shalt  }
0x64: {  	_ =	shalt  }
0x65: {  	_ =	shalt  }
0x66: {  	_ =	shalt  }
0x67: {  	_ =	shalt  }
0x68: {  	_ =	shalt  }
0x69: {  	_ =	shalt  }
0x6a: {  	_ =	shalt  }
0x6b: {  	_ =	shalt  }
0x6c: {  	_ =	shalt  }
0x6d: {  	_ =	shalt  }
0x6e: {  	_ =	shalt  }
0x6f: {  	_ =	shalt  }
0x70: {  	_ =	shalt  }
0x71: {  	_ =	shalt  }
0x72: {  	_ =	shalt  }
0x73: {  	_ =	shalt  }
0x74: {  	_ =	shalt  }
0x75: {  	_ =	shalt  }
0x76: {  	_ =	shalt  }
0x77: {  	_ =	shalt  }
0x78: {  	_ =	shalt  }
0x79: {  	_ =	shalt  }
0x7a: {  	_ =	shalt  }
0x7b: {  	_ =	shalt  }
0x7c: {  	_ =	shalt  }
0x7d: {  	_ =	shalt  }
0x7e: {  	_ =	shalt  }
0x7f: {  	_ =	shalt  }
0x80: {  	_ =	shalt  }
0x81: {  	_ =	shalt  }
0x82: {  	_ =	shalt  }
0x83: {  	_ =	shalt  }
0x84: {  	_ =	shalt  }
0x85: {  	_ =	shalt  }
0x86: {  	_ =	shalt  }
0x87: {  	_ =	shalt  }
.Lfunc_end0:
.L_simem_size_0:
called_computation.1_lowered:
.L_overlay_start_0:
0x88: {  	s2 =	sld [smem:$0x3FD9]  }
0x89: {  	s3 =	sld [smem:$0x3FFE];
	_ =	sdelay $0x1  }
0x8a: {  	s1 =	srdreg.scid  }
0x8b: {  	s0 =	sand.u32 $0x1, s1  }
0x8c: {  	s14 =	sshll.u32 s0, $0xA;
	s2 =	sadd.s32 s3, s2  }
0x8d: {  	s2 =	sadd.s32 s2, s14  }
0x8e: {  	[smem:$0x3FC3] =	sst s2  }
0x8f: {  	_ = 	snop  }
0x90: {  	s2 =	sld [smem:$0x3FD0];
	_ =	sdelay $0x2  }
0x91: {  	s15 =	simm.s32 $0xA;
	s4 =	simm.s32 $0x10  }
0x92: {  	[smem:s4], [sflag:s15] =	dma.local [hbm:s2], $0x1  }
0x93: {  	_ =	swait.eq [sflag:s15], $0x1  }
0x94: {  	[sflag:s15] =	ssyncset.done $0x0  }
0x95: {  	[sflag:s15] =	ssyncadd.s32 $0xFFFFFFFF  }
0x96: {  	s16 =	sld [smem:$0x10];
	(tm) =	ssettm $0x1  }
0x97: {  	s17 =	sld [smem:$0x3FFB];
	_ =	sdelay $0x3  }
0x98: {  	_ =	strace s17  }
0x99: {  	s3 =	sld [smem:$0x3FFC];
	_ =	sdelay $0x3  }
0x9a: {  	_ =	strace s3  }
0x9b: {  	s3 =	sld [smem:$0x3FFD];
	_ =	sdelay $0x3  }
0x9c: {  	_ =	strace s3  }
0x9d: {  	_ =	strace $0x8FFFFFFF  }
0x9e: {  	s18 =	sld [smem:$0x3FDB];
	_ =	sdelay $0x1  }
0x9f: {  	s19 =	simm.s32 $_scs_section_size  }
0xa0: {  	s5 =	simm.s32 $_size__tile_overlayer_lowered;
	s6 =	simm.s32 $_tile_overlayer_lowered  }
0xa1: {  	s22 =	simm.s32 $0x1BFF;
	s21 =	sshll.u32 s6, $0x1;
	s3 =	sadd.s32 s19, s18  }
0xa2: {  	s7 =	simm.s32 $0x0;
	s20 =	sshll.u32 s5, $0x1;
	s5 =	sadd.s32 s21, s3  }
0xa3: {  	[timem:s7], [sflag:s22] =	dma.local [hbm:s5], s20  }
0xa4: {  	_ =	swait.ge [sflag:s22], s20  }
0xa5: {  	s4 =	ssub.s32 $0x0, s20;
	[sflag:s22] =	ssyncset.done $0x0  }
0xa6: {  	[sflag:s22] =	ssyncadd.s32 s4;
	_ =	sdelay $0x1  }
0xa7: {  	s23 =	simm.s32 $0x1B8B  }
0xa8: {  	_ =	swait.ge [sflag:s23], $0x1  }
0xa9: {  	[sflag:s23] =	ssyncset.done $0x0  }
0xaa: {  	s25 =	simm.s32 $0x1B8E;
	s24 =	sld [smem:$0x3FFE];
	[sflag:s23] =	ssyncadd.s32 $0xFFFFFFFF  }
0xab: {  	s26 =	simm.s32 $execute0_lowered;
	[smem:$0x3FD2] =	sst s25  }
0xac: {  	s5 =	sshll.u32 s26, $0x1;
	_ =	strace $0x80000049;
	[dreg:$0x1] =	wrdreg $0xFFFFFFFF  }
0xad: {  	s28 =	simm.s32 $_size_execute0_lowered;
	s3 =	sadd.s32 s3, s5;
	[dreg:$0x0] =	wrdreg $0x0  }
0xae: {  	s5 =	sshll.u32 s28, $0x1;
	[dreg:$0x2] =	wrdreg s3  }
0xaf: {  	[dreg:$0x3] =	wrdreg s5  }
0xb0: {  	[dreg:$0x4] =	wrdreg $0xC0  }
0xb1: {  	_ =	task [dreg:s7], $0x5FFFF  }
0xb2: {  	[dreg:$0x1] =	wrdreg $0xFFFFFFFF  }
0xb3: {  	[dreg:$0x0] =	wrdreg $0x60  }
0xb4: {  	[dreg:$0x2] =	wrdreg s24  }
0xb5: {  	[dreg:$0x3] =	wrdreg s16  }
0xb6: {  	[dreg:$0x4] =	wrdreg $0x9  }
0xb7: {  	_ =	task.clear_ibuf [dreg:s7], $0x5FFFF;
	_ =	strace $0x90000049  }
0xb8: {  	s29 =	simm.s32 $0x9;
	_ =	strace $0x8000004B  }
0xb9: {  	_ =	swait.ge [sflag:s29], $0x1  }
0xba: {  	[sflag:s29] =	ssyncadd.s32 $0xFFFFFFFF  }
0xbb: {  	_ =	strace $0x9000004B  }
0xbc: {  	_ =	sfence  }
0xbd: {  	s30 =	sld [smem:$0x0];
	_ =	sdelay $0x2  }
0xbe: {  	s31 =	sshll.u32 s1, $0xD;
	s1 =	sshrl.u32 s1, $0x2  }
0xbf: {  	s3 =	sand.u32 $0x4000, s31;
	s1 =	sadd.s32 s1, s30  }
0xc0: {  	s0 =	sor.u32 s3, s0;
	s1 =	sshll.u32 s1, $0x11  }
0xc1: {  	s0 =	sor.u32 s1, s0  }
0xc2: {  	s0 =	sadd.s32 $0x8F2B, s0  }
0xc3: {  	[sflag:s0] =	ssyncadd.remote.s32 $0x1  }
0xc4: {  	_ =	sfence.sel $0xFFFF  }
0xc5: {  	[dreg:$0x0] =	wrdreg $0xFFFFFFFF;
	(pc) =	sbr.abs _section_cstart, $3  }
0xc6: {  	[dreg:$0x1] =	wrdreg $0xFFFFFFFF  }
0xc7: {  	_ =	task.clear_ibuf [dreg:s7], $0x2FFFF;
	_ =	strace $0x9FFFFFFF  }
0xc8: {  	(tm) =	ssettm $0x7FFFFFFF  }
0xc9: {  	_ =	shalt  }
tec
execute0_lowered:
.L_overlay_start_1:
0x0: {  	(tag) =	ssettag $0x1  }
0x1: {  	s0 =	rddreg [dreg:$0x0]  }
0x2: {  	s2 =	rddreg [dreg:$0x1];
	s1 =	simm.s32 $0x0;
	s4 =	srdreg.scid  }
0x3: {  	s8 =	stileid.u32;
	s18 =	simm.s32 $0x2;
	s28 =	simm.s32 $0xF100  }
0x4: {  	s29 =	simm.s32 $0xF900;
	s30 =	simm.s32 $0x10900;
	s14 =	simm.s32 $0x11100  }
0x5: {  	s31 =	simm.s32 $0x11900;
	s15 =	simm.s32 $0x0;
	[smem:$0x7FF] =	sst s1  }
0x6: {  	s3 =	sadd.s32 $0x92200, s0;
	s4 =	sand.u32 $0x1, s4;
	s5 =	sadd.s32 $0x91E00, s0  }
0x7: {  	s7 =	sadd.s32 $0x91A00, s0;
	s11 =	sadd.s32 $0x21A00, s0;
	s12 =	sadd.s32 $0x29A00, s0  }
0x8: {  	_ =	strace $0x8000004A;
	s6 =	sshll.u32 s4, $0x4;
	s4 =	ssub.s32 $0x2, s4  }
0x9: {  	s6 =	sor.u32 s8, s6;
	s8 =	sshll.u32 s8, $0x5;
	s10 =	sshrl.u32 s4, $0x1  }
0xa: {  	s9 =	sshll.u32 s6, $0x5;
	s8 =	sand.u32 $0x60, s8;
	s4 =	ssub.s32 s4, s10  }
0xb: {  	s20 =	sshll.u32 s6, $0xA;
	s10 =	sadd.s32 $0x92500, s0;
	s22 =	sshll.u32 s6, $0x3  }
0xc: {  	s6 =	sshll.u32 s6, $0xD;
	s9 =	sand.u32 $0x380, s9;
	s21 =	sadd.s32 s11, s20  }
0xd: {  	s6 =	sadd.s32 s2, s6;
	s26 =	smax.u32 s4, $0x1;
	[dreg:$0x5] =	wrdreg s21  }
0xe: {  	s13 =	sor.u32 s8, s9;
	s9 =	sadd.s32 $0x92400, s0;
	[dreg:$0x7] =	wrdreg s6  }
0xf: {  	[dreg:$0xd] =	wrdreg s26;
	s21 =	simm.s32 $0xB100;
	s8 =	sadd.s32 s5, s13  }
0x10: {  	s26 =	simm.s32 $0xE100;
	s19 =	sadd.s32 s7, s13;
	[dreg:$0x3] =	wrdreg s8  }
0x11: {  	s13 =	sor.u32 $0x10, s13;
	[dreg:$0x4] =	wrdreg s19;
	s8 =	sadd.s32 s12, s20  }
0x12: {  	s5 =	sadd.s32 s5, s13;
	s24 =	sadd.s32 s7, s13;
	[dreg:$0x6] =	wrdreg s8  }
0x13: {  	s20 =	simm.s32 $0x2100;
	s13 =	simm.s32 $0x10100;
	[dreg:$0x8] =	wrdreg s5  }
0x14: {  	s8 =	sadd.s32 $0x92300, s0;
	s0 =	sor.u32 $0x4, s22;
	[dreg:$0x9] =	wrdreg s24  }
0x15: {  	v2 =	vlaneseq.u32;
	s22 =	simm.s32 $0xB900;
	s24 =	simm.s32 $0xC900;
	s23 =	sshll.u32 s0, $0x7  }
0x16: {  	v0 =	vand.u32 $0x7, v2;
	v1 =	vshrl.u32 v2, $0x3;
	s0 =	sshll.u32 s0, $0xA;
	s25 =	sadd.s32 s11, s23;
	s5 =	sadd.s32 s12, s23  }
0x17: {  	v63 =	vor.u32 $0x8, v2;
	[tilespmem:$0x1FFD0] =	vst v0;
	v62 =	vmul.u32 $0x8, v1;
	s0 =	sadd.s32 s2, s0;
	s23 =	simm.s32 $0xC100;
	[dreg:$0xa] =	wrdreg s25  }
0x18: {  	[tilespmem:$0x1FFF0] =	vst v63;
	s11 =	simm.s32 $0xD900;
	s12 =	simm.s32 $0xE900;
	[dreg:$0xb] =	wrdreg s5  }
0x19: {  	vm0 =	vmmov $0xffff;
	[tilespmem:$0x1FFE0] =	vst v62;
	[dreg:$0xc] =	wrdreg s0;
	s25 =	simm.s32 $0xD100;
	s0 =	simm.s32 $0x1  }
.LBB2_1:
0x1a: {  	s2 =	rddreg [dreg:$0x3]  }
0x1b: {  	[tilespmem:s1], [sflag:$0x2] =	stream.linear.gather [hbm4b:s2+s1], $0x80, $0x38;
	[tilespmem:$0x12100] =	vst v63  }
0x1c: {  	_ =	swait.ge [sflag:s18], $0x80  }
0x1d: {  	[sflag:s18] =	ssyncset.done $0x0  }
0x1e: {  	s4 =	simm.s32 $0x80;
	s5 =	rddreg [dreg:$0x4];
	[sflag:s18] =	ssyncadd.s32 $0xFFFFFF80  }
0x1f: {  	[tilespmem:s4], [sflag:$0x2] =	stream.linear.gather [hbm4b:s5+s1], $0x80, $0x38;
	[tilespmem:$0x12100] =	vst v63  }
0x20: {  	_ =	swait.ge [sflag:s18], $0x80  }
0x21: {  	[sflag:s18] =	ssyncset.done $0x0  }
0x22: {  	s2 =	simm.s32 $0x100;
	s6 =	rddreg [dreg:$0x5];
	[sflag:s18] =	ssyncadd.s32 $0xFFFFFF80  }
0x23: {  	[tilespmem:s2], [sflag:$0x2] =	stream.linear.gather [hbm4b:s6+s1], $0x1000, $0x38;
	[tilespmem:$0x12100] =	vst v63  }
0x24: {  	_ =	swait.ge [sflag:s18], $0x1000  }
0x25: {  	[sflag:s18] =	ssyncset.done $0x0  }
0x26: {  	s16 =	simm.s32 $0x1100;
	s7 =	rddreg [dreg:$0x6];
	[sflag:s18] =	ssyncadd.s32 $0xFFFFF000  }
0x27: {  	[tilespmem:s16], [sflag:$0x2] =	stream.linear.gather [hbm4b:s7+s1], $0x1000, $0x38;
	[tilespmem:$0x12100] =	vst v63  }
0x28: {  	_ =	swait.ge [sflag:s18], $0x1000  }
0x29: {  	[sflag:s18] =	ssyncset.done $0x0  }
0x2a: {  	[sflag:s18] =	ssyncadd.s32 $0xFFFFF000  }
0x2b: {  	v3 =	vld [tilespmem:$0x0];
	_ =	sdelay $0x2  }
0x2c: {  	v0 =	vld [tilespmem:$0x1FFD0];
	_ =	sdelay $0x1  }
0x2d: {  	v1 =	vld [tilespmem:$0x1FFE0];
	v4 =	vshll.u32 v3, $0x3  }
0x2e: {  	v3 =	vand.u32 $0x7, v3;
	v4 =	vand.u32 $0xFFFFFFC0, v4  }
0x2f: {  	v3 =	vor.u32 v3, v4  }
0x30: {  	v4 =	vperm.xlane v3, v0;
	_ =	sdelay $0x1  }
0x31: {  	v4 =	vadd.s32 v1, v4  }
0x32: {  	v2 =	vld [tilespmem:$0x1FFF0];
	_ =	sdelay $0x3  }
0x33: {  	[tilespmem:s20], [sflag:$0x1] =	stream.indirect_vreg.gather [hbm4b:s3+s1], $0x80, v4, vm0, $0xb8;
	[tilespmem:$0x12100] =	vst v63  }
0x34: {  	s17 =	simm.s32 $0x2900;
	v3 =	vperm.xlane v3, v2  }
0x35: {  	[tilespmem:s17], [sflag:$0x1] =	stream.indirect_vreg.gather [hbm4b:s8+s1], $0x80, v4, vm0, $0xb8;
	[tilespmem:$0x12100] =	vst v63  }
0x36: {  	s19 =	simm.s32 $0x3100;
	v3 =	vadd.s32 v1, v3  }
0x37: {  	[tilespmem:s19], [sflag:$0x1] =	stream.indirect_vreg.gather [hbm4b:s9+s1], $0x80, v4, vm0, $0xb8;
	[tilespmem:$0x12100] =	vst v63  }
0x38: {  	s5 =	simm.s32 $0x3900  }
0x39: {  	[tilespmem:s5], [sflag:$0x1] =	stream.indirect_vreg.gather [hbm4b:s10+s1], $0x80, v4, vm0, $0xb8;
	[tilespmem:$0x12100] =	vst v63  }
0x3a: {  	s6 =	simm.s32 $0x4100  }
0x3b: {  	[tilespmem:s6], [sflag:$0x1] =	stream.indirect_vreg.gather [hbm4b:s3+s1], $0x80, v3, vm0, $0xb8;
	[tilespmem:$0x12100] =	vst v63  }
0x3c: {  	s7 =	simm.s32 $0x4900  }
0x3d: {  	[tilespmem:s7], [sflag:$0x1] =	stream.indirect_vreg.gather [hbm4b:s8+s1], $0x80, v3, vm0, $0xb8;
	[tilespmem:$0x12100] =	vst v63  }
0x3e: {  	s17 =	simm.s32 $0x5100  }
0x3f: {  	[tilespmem:s17], [sflag:$0x1] =	stream.indirect_vreg.gather [hbm4b:s9+s1], $0x80, v3, vm0, $0xb8;
	[tilespmem:$0x12100] =	vst v63  }
0x40: {  	s19 =	simm.s32 $0x5900  }
0x41: {  	[tilespmem:s19], [sflag:$0x1] =	stream.indirect_vreg.gather [hbm4b:s10+s1], $0x80, v3, vm0, $0xb8;
	[tilespmem:$0x12100] =	vst v63  }
0x42: {  	v3 =	vld [tilespmem:$0x10];
	_ =	sdelay $0x4  }
0x43: {  	v61 =	vshll.u32 v3, $0x3  }
0x44: {  	v3 =	vand.u32 $0x7, v3;
	v4 =	vand.u32 $0xFFFFFFC0, v61  }
0x45: {  	v3 =	vor.u32 v3, v4  }
0x46: {  	v4 =	vperm.xlane v3, v0;
	_ =	sdelay $0x1  }
0x47: {  	v4 =	vadd.s32 v1, v4;
	_ =	sdelay $0x3  }
0x48: {  	s5 =	simm.s32 $0x6100  }
0x49: {  	[tilespmem:s5], [sflag:$0x1] =	stream.indirect_vreg.gather [hbm4b:s3+s1], $0x80, v4, vm0, $0xb8;
	[tilespmem:$0x12100] =	vst v63  }
0x4a: {  	s6 =	simm.s32 $0x6900;
	v3 =	vperm.xlane v3, v2  }
0x4b: {  	[tilespmem:s6], [sflag:$0x1] =	stream.indirect_vreg.gather [hbm4b:s8+s1], $0x80, v4, vm0, $0xb8;
	[tilespmem:$0x12100] =	vst v63  }
0x4c: {  	s7 =	simm.s32 $0x7100;
	v3 =	vadd.s32 v1, v3  }
0x4d: {  	[tilespmem:s7], [sflag:$0x1] =	stream.indirect_vreg.gather [hbm4b:s9+s1], $0x80, v4, vm0, $0xb8;
	[tilespmem:$0x12100] =	vst v63  }
0x4e: {  	s17 =	simm.s32 $0x7900  }
0x4f: {  	[tilespmem:s17], [sflag:$0x1] =	stream.indirect_vreg.gather [hbm4b:s10+s1], $0x80, v4, vm0, $0xb8;
	[tilespmem:$0x12100] =	vst v63  }
0x50: {  	s19 =	simm.s32 $0x8100  }
0x51: {  	[tilespmem:s19], [sflag:$0x1] =	stream.indirect_vreg.gather [hbm4b:s3+s1], $0x80, v3, vm0, $0xb8;
	[tilespmem:$0x12100] =	vst v63  }
0x52: {  	s5 =	simm.s32 $0x8900  }
0x53: {  	[tilespmem:s5], [sflag:$0x1] =	stream.indirect_vreg.gather [hbm4b:s8+s1], $0x80, v3, vm0, $0xb8;
	[tilespmem:$0x12100] =	vst v63  }
0x54: {  	s6 =	simm.s32 $0x9100  }
0x55: {  	[tilespmem:s6], [sflag:$0x1] =	stream.indirect_vreg.gather [hbm4b:s9+s1], $0x80, v3, vm0, $0xb8;
	[tilespmem:$0x12100] =	vst v63  }
0x56: {  	s7 =	simm.s32 $0x9900  }
0x57: {  	[tilespmem:s7], [sflag:$0x1] =	stream.indirect_vreg.gather [hbm4b:s10+s1], $0x80, v3, vm0, $0xb8;
	[tilespmem:$0x12100] =	vst v63  }
0x58: {  	v3 =	vld [tilespmem:$0x80];
	_ =	sdelay $0x4  }
0x59: {  	v62 =	vshll.u32 v3, $0x3  }
0x5a: {  	v3 =	vand.u32 $0x7, v3;
	v4 =	vand.u32 $0xFFFFFFC0, v62  }
0x5b: {  	v3 =	vor.u32 v3, v4  }
0x5c: {  	v4 =	vperm.xlane v3, v0;
	_ =	sdelay $0x1  }
0x5d: {  	v4 =	vadd.s32 v1, v4;
	_ =	sdelay $0x3  }
0x5e: {  	s17 =	simm.s32 $0xA100  }
0x5f: {  	[tilespmem:s17], [sflag:$0x1] =	stream.indirect_vreg.gather [hbm4b:s3+s1], $0x80, v4, vm0, $0xb8;
	[tilespmem:$0x12100] =	vst v63  }
0x60: {  	s19 =	simm.s32 $0xA900;
	v3 =	vperm.xlane v3, v2  }
0x61: {  	[tilespmem:s19], [sflag:$0x1] =	stream.indirect_vreg.gather [hbm4b:s8+s1], $0x80, v4, vm0, $0xb8;
	[tilespmem:$0x12100] =	vst v63  }
0x62: {  	v3 =	vadd.s32 v1, v3  }
0x63: {  	[tilespmem:s21], [sflag:$0x1] =	stream.indirect_vreg.gather [hbm4b:s9+s1], $0x80, v4, vm0, $0xb8;
	[tilespmem:$0x12100] =	vst v63  }
0x64: {  	_ = 	snop  }
0x65: {  	[tilespmem:s22], [sflag:$0x1] =	stream.indirect_vreg.gather [hbm4b:s10+s1], $0x80, v4, vm0, $0xb8;
	[tilespmem:$0x12100] =	vst v63  }
0x66: {  	_ = 	snop  }
0x67: {  	[tilespmem:s23], [sflag:$0x1] =	stream.indirect_vreg.gather [hbm4b:s3+s1], $0x80, v3, vm0, $0xb8;
	[tilespmem:$0x12100] =	vst v63  }
0x68: {  	_ = 	snop  }
0x69: {  	[tilespmem:s24], [sflag:$0x1] =	stream.indirect_vreg.gather [hbm4b:s8+s1], $0x80, v3, vm0, $0xb8;
	[tilespmem:$0x12100] =	vst v63  }
0x6a: {  	_ = 	snop  }
0x6b: {  	[tilespmem:s25], [sflag:$0x1] =	stream.indirect_vreg.gather [hbm4b:s9+s1], $0x80, v3, vm0, $0xb8;
	[tilespmem:$0x12100] =	vst v63  }
0x6c: {  	_ = 	snop  }
0x6d: {  	[tilespmem:s11], [sflag:$0x1] =	stream.indirect_vreg.gather [hbm4b:s10+s1], $0x80, v3, vm0, $0xb8;
	[tilespmem:$0x12100] =	vst v63  }
0x6e: {  	v3 =	vld [tilespmem:$0x90];
	_ =	sdelay $0x4  }
0x6f: {  	v63 =	vshll.u32 v3, $0x3  }
0x70: {  	v3 =	vand.u32 $0x7, v3;
	v4 =	vand.u32 $0xFFFFFFC0, v63  }
0x71: {  	v3 =	vor.u32 v3, v4  }
0x72: {  	v4 =	vperm.xlane v3, v0;
	_ =	sdelay $0x1  }
0x73: {  	v4 =	vadd.s32 v1, v4;
	_ =	sdelay $0x4  }
0x74: {  	[tilespmem:s26], [sflag:$0x1] =	stream.indirect_vreg.gather [hbm4b:s3+s1], $0x80, v4, vm0, $0xb8;
	[tilespmem:$0x12100] =	vst v63  }
0x75: {  	v3 =	vperm.xlane v3, v2  }
0x76: {  	[tilespmem:s12], [sflag:$0x1] =	stream.indirect_vreg.gather [hbm4b:s8+s1], $0x80, v4, vm0, $0xb8;
	[tilespmem:$0x12100] =	vst v63  }
0x77: {  	v3 =	vadd.s32 v1, v3  }
0x78: {  	[tilespmem:s28], [sflag:$0x1] =	stream.indirect_vreg.gather [hbm4b:s9+s1], $0x80, v4, vm0, $0xb8;
	[tilespmem:$0x12100] =	vst v63  }
0x79: {  	_ = 	snop  }
0x7a: {  	[tilespmem:s29], [sflag:$0x1] =	stream.indirect_vreg.gather [hbm4b:s10+s1], $0x80, v4, vm0, $0xb8;
	[tilespmem:$0x12100] =	vst v63  }
0x7b: {  	_ = 	snop  }
0x7c: {  	[tilespmem:s13], [sflag:$0x1] =	stream.indirect_vreg.gather [hbm4b:s3+s1], $0x80, v3, vm0, $0xb8;
	[tilespmem:$0x12100] =	vst v63  }
0x7d: {  	_ = 	snop  }
0x7e: {  	[tilespmem:s30], [sflag:$0x1] =	stream.indirect_vreg.gather [hbm4b:s8+s1], $0x80, v3, vm0, $0xb8;
	[tilespmem:$0x12100] =	vst v63  }
0x7f: {  	_ = 	snop  }
0x80: {  	[tilespmem:s14], [sflag:$0x1] =	stream.indirect_vreg.gather [hbm4b:s9+s1], $0x80, v3, vm0, $0xb8;
	[tilespmem:$0x12100] =	vst v63  }
0x81: {  	_ = 	snop  }
0x82: {  	[tilespmem:s31], [sflag:$0x1] =	stream.indirect_vreg.gather [hbm4b:s10+s1], $0x80, v3, vm0, $0xb8;
	[tilespmem:$0x12100] =	vst v63  }
0x83: {  	_ =	swait.ge [sflag:s0], $0x8000  }
0x84: {  	[sflag:s0] =	ssyncset.done $0x0  }
0x85: {  	[sflag:s0] =	ssyncadd.s32 $0xFFFF8000  }
0x86: {  	_ =	swait.ge [sflag:s0], $0x8000  }
0x87: {  	s4 =	simm.s32 $0x0;
	[sflag:s0] =	ssyncset.done $0x0  }
0x88: {  	s5 =	simm.s32 $0x0;
	s17 =	simm.s32 $0x0;
	[sflag:s0] =	ssyncadd.s32 $0xFFFF8000  }
.LBB2_2:
0x89: {  	v3 =	vld [tilespmem:s2+$0x0];
	s6 =	sand.u32 $0x6000, s17;
	s7 =	sand.u32 $0x380, s5  }
0x8a: {  	v4 =	vld [tilespmem:s16+$0x0];
	s6 =	sor.u32 s7, s6  }
0x8b: {  	v6 =	vld [tilespmem:s6+$0x2100]  }
0x8c: {  	v7 =	vld [tilespmem:s6+$0xA100]  }
0x8d: {  	v10 =	vld [tilespmem:s6+$0x2110]  }
0x8e: {  	v11 =	vld [tilespmem:s6+$0xA110]  }
0x8f: {  	v14 =	vld [tilespmem:s6+$0x2120]  }
0x90: {  	v17 =	vld [tilespmem:s6+$0xA120]  }
0x91: {  	v20 =	vld [tilespmem:s6+$0x2130]  }
0x92: {  	v21 =	vld [tilespmem:s6+$0xA130]  }
0x93: {  	v26 =	vld [tilespmem:s6+$0x2140]  }
0x94: {  	v27 =	vld [tilespmem:s6+$0xA140]  }
0x95: {  	v28 =	vld [tilespmem:s6+$0x2150]  }
0x96: {  	v29 =	vld [tilespmem:s6+$0xA150]  }
0x97: {  	v30 =	vld [tilespmem:s6+$0x2160]  }
0x98: {  	v31 =	vld [tilespmem:s6+$0xA160]  }
0x99: {  	v32 =	vld [tilespmem:s6+$0x2170]  }
0x9a: {  	v33 =	vld [tilespmem:s6+$0xA170]  }
0x9b: {  	v34 =	vld [tilespmem:s6+$0x2500]  }
0x9c: {  	v35 =	vld [tilespmem:s6+$0xA500]  }
0x9d: {  	v36 =	vld [tilespmem:s6+$0x2510]  }
0x9e: {  	v37 =	vld [tilespmem:s6+$0xA510]  }
0x9f: {  	v38 =	vld [tilespmem:s6+$0x2520]  }
0xa0: {  	v39 =	vld [tilespmem:s6+$0xA520]  }
0xa1: {  	v40 =	vld [tilespmem:s6+$0x2530]  }
0xa2: {  	v41 =	vld [tilespmem:s6+$0xA530]  }
0xa3: {  	v42 =	vld [tilespmem:s6+$0x2540]  }
0xa4: {  	v43 =	vld [tilespmem:s6+$0xA540]  }
0xa5: {  	v44 =	vld [tilespmem:s6+$0x2550]  }
0xa6: {  	v45 =	vld [tilespmem:s6+$0xA550]  }
0xa7: {  	v46 =	vld [tilespmem:s6+$0x2560]  }
0xa8: {  	v47 =	vld [tilespmem:s6+$0xA560]  }
0xa9: {  	v48 =	vld [tilespmem:s6+$0x2570]  }
0xaa: {  	v49 =	vld [tilespmem:s6+$0xA570]  }
0xab: {  	v50 =	vld [tilespmem:s6+$0x2900]  }
0xac: {  	v51 =	vld [tilespmem:s6+$0xA900]  }
0xad: {  	v52 =	vld [tilespmem:s6+$0x2910]  }
0xae: {  	v53 =	vld [tilespmem:s6+$0xA910]  }
0xaf: {  	v54 =	vld [tilespmem:s6+$0x2920]  }
0xb0: {  	v55 =	vld [tilespmem:s6+$0xA920]  }
0xb1: {  	v56 =	vld [tilespmem:s6+$0x2930]  }
0xb2: {  	v57 =	vld [tilespmem:s6+$0xA930]  }
0xb3: {  	v58 =	vld [tilespmem:s6+$0x2940]  }
0xb4: {  	v59 =	vld [tilespmem:s6+$0xA940]  }
0xb5: {  	v60 =	vld [tilespmem:s6+$0x2950]  }
0xb6: {  	v61 =	vld [tilespmem:s6+$0xA950]  }
0xb7: {  	v62 =	vld [tilespmem:s6+$0x2960]  }
0xb8: {  	v63 =	vld [tilespmem:s6+$0xA960]  }
0xb9: {  	v5 =	vld [tilespmem:s6+$0x2970]  }
0xba: {  	v2 =	vld [tilespmem:s6+$0xA970]  }
0xbb: {  	v24 =	vld [tilespmem:s6+$0x2D00]  }
0xbc: {  	v25 =	vld [tilespmem:s6+$0xAD00]  }
0xbd: {  	v22 =	vld [tilespmem:s6+$0x2D10]  }
0xbe: {  	v23 =	vld [tilespmem:s6+$0xAD10]  }
0xbf: {  	v18 =	vld [tilespmem:s6+$0x2D20]  }
0xc0: {  	v0 =	vld [tilespmem:s6+$0x2D60]  }
0xc1: {  	v19 =	vld [tilespmem:s6+$0xAD20]  }
0xc2: {  	v15 =	vld [tilespmem:s6+$0x2D30]  }
0xc3: {  	v16 =	vld [tilespmem:s6+$0xAD30]  }
0xc4: {  	v12 =	vld [tilespmem:s6+$0x2D40];
	v1 =	vmul.f32 v6, v3  }
0xc5: {  	v13 =	vld [tilespmem:s6+$0xAD40];
	[tilespmem:$0x1FFC0] =	vst v0;
	v0 =	vmul.f32 v7, v4;
	v10 =	vmul.f32 v10, v3  }
0xc6: {  	v8 =	vld [tilespmem:s6+$0x2D50];
	v11 =	vmul.f32 v11, v4;
	v14 =	vmul.f32 v14, v3  }
0xc7: {  	v9 =	vld [tilespmem:s6+$0xAD50];
	v17 =	vmul.f32 v17, v4;
	v20 =	vmul.f32 v20, v3  }
0xc8: {  	v7 =	vld [tilespmem:s6+$0xAD60];
	v21 =	vmul.f32 v21, v4;
	v26 =	vmul.f32 v26, v3  }
0xc9: {  	v6 =	vld [tilespmem:s6+$0x2D70];
	v27 =	vmul.f32 v27, v4;
	v34 =	vmul.f32 v34, v3  }
0xca: {  	v35 =	vmul.f32 v35, v4;
	v38 =	vmul.f32 v38, v3;
	v1 =	vadd.f32 v0, v1;
	v0 =	vld [tilespmem:s6+$0xAD70]  }
0xcb: {  	v39 =	vmul.f32 v39, v4;
	v40 =	vmul.f32 v40, v3;
	v10 =	vadd.f32 v11, v10;
	v11 =	vld [tilespmem:s6+$0x3100]  }
0xcc: {  	v5 =	vmul.f32 v5, v3;
	v2 =	vmul.f32 v2, v4;
	[tilespmem:s6+$0x2100] =	vst v1;
	v1 =	vadd.f32 v17, v14;
	v14 =	vld [tilespmem:s6+$0xB100]  }
0xcd: {  	[tilespmem:s6+$0x2110] =	vst v10;
	v10 =	vadd.f32 v21, v20;
	v21 =	vmul.f32 v28, v3;
	v28 =	vmul.f32 v29, v4;
	v17 =	vld [tilespmem:s6+$0x3110]  }
0xce: {  	v52 =	vmul.f32 v52, v3;
	v2 =	vadd.f32 v2, v5;
	v20 =	vld [tilespmem:s6+$0xB110];
	v29 =	vmul.f32 v33, v4;
	[tilespmem:s6+$0x2120] =	vst v1  }
0xcf: {  	v1 =	vadd.f32 v27, v26;
	v26 =	vmul.f32 v30, v3;
	[tilespmem:s6+$0x2130] =	vst v10;
	v10 =	vadd.f32 v28, v21;
	v21 =	vld [tilespmem:s6+$0x3120]  }
0xd0: {  	v27 =	vmul.f32 v31, v4;
	v28 =	vmul.f32 v32, v3;
	v31 =	vld [tilespmem:s6+$0x3130]  }
0xd1: {  	v24 =	vmul.f32 v24, v3;
	v25 =	vmul.f32 v25, v4;
	[tilespmem:s6+$0x2970] =	vst v2;
	v32 =	vld [tilespmem:s6+$0xB130]  }
0xd2: {  	v18 =	vmul.f32 v18, v3;
	v33 =	vadd.f32 v27, v26;
	v26 =	vld [tilespmem:s6+$0xB120];
	[tilespmem:s6+$0x2150] =	vst v10;
	v10 =	vadd.f32 v29, v28  }
0xd3: {  	[tilespmem:s6+$0x2140] =	vst v1;
	v28 =	vmul.f32 v36, v3;
	v36 =	vmul.f32 v37, v4;
	v37 =	vadd.f32 v35, v34;
	v34 =	vld [tilespmem:s6+$0xB140]  }
0xd4: {  	v19 =	vmul.f32 v19, v4;
	v12 =	vmul.f32 v12, v3;
	v35 =	vld [tilespmem:s6+$0x3150];
	[tilespmem:s6+$0x2160] =	vst v33  }
0xd5: {  	v13 =	vmul.f32 v13, v4;
	v27 =	vld [tilespmem:s6+$0xB520];
	v29 =	vadd.f32 v25, v24;
	[tilespmem:s6+$0x2170] =	vst v10;
	v10 =	vadd.f32 v36, v28  }
0xd6: {  	v36 =	vmul.f32 v41, v4;
	v33 =	vld [tilespmem:s6+$0x3140];
	[tilespmem:s6+$0x2500] =	vst v37;
	v37 =	vadd.f32 v39, v38;
	v38 =	vmul.f32 v42, v3  }
0xd7: {  	v39 =	vmul.f32 v43, v4;
	v41 =	vmul.f32 v45, v4;
	v28 =	vld [tilespmem:s6+$0x3520];
	[tilespmem:s6+$0x2D00] =	vst v29  }
0xd8: {  	v43 =	vmul.f32 v46, v3;
	[tilespmem:s6+$0x2510] =	vst v10;
	v10 =	vadd.f32 v36, v40;
	v40 =	vmul.f32 v44, v3;
	v36 =	vld [tilespmem:s6+$0xB150]  }
0xd9: {  	v46 =	vmul.f32 v48, v3;
	[tilespmem:s6+$0x2520] =	vst v37;
	v42 =	vadd.f32 v39, v38;
	v44 =	vmul.f32 v47, v4;
	v37 =	vld [tilespmem:s6+$0x3160]  }
0xda: {  	v47 =	vmul.f32 v49, v4;
	v49 =	vmul.f32 v50, v3;
	v38 =	vld [tilespmem:s6+$0xB160];
	[tilespmem:s6+$0x2530] =	vst v10;
	v45 =	vadd.f32 v41, v40  }
0xdb: {  	v50 =	vmul.f32 v51, v4;
	v39 =	vld [tilespmem:s6+$0x3170];
	[tilespmem:s6+$0x2540] =	vst v42;
	v48 =	vadd.f32 v44, v43;
	v44 =	vmul.f32 v53, v4  }
0xdc: {  	v51 =	vadd.f32 v47, v46;
	v46 =	vmul.f32 v54, v3;
	v47 =	vmul.f32 v55, v4;
	v40 =	vld [tilespmem:s6+$0xB170];
	[tilespmem:s6+$0x2550] =	vst v45  }
0xdd: {  	v41 =	vld [tilespmem:s6+$0x3500];
	v53 =	vmul.f32 v59, v4;
	v55 =	vmul.f32 v60, v3;
	[tilespmem:s6+$0x2560] =	vst v48;
	v45 =	vadd.f32 v50, v49  }
0xde: {  	v42 =	vld [tilespmem:s6+$0xB500];
	v59 =	vmul.f32 v63, v4;
	v63 =	vmul.f32 v23, v4;
	[tilespmem:s6+$0x2570] =	vst v51;
	v48 =	vadd.f32 v44, v52  }
0xdf: {  	v43 =	vld [tilespmem:s6+$0x3510];
	v49 =	vmul.f32 v56, v3;
	v50 =	vmul.f32 v57, v4;
	v51 =	vadd.f32 v47, v46;
	[tilespmem:s6+$0x2900] =	vst v45  }
0xe0: {  	v23 =	vld [tilespmem:s6+$0xB530];
	v25 =	vmul.f32 v33, v3;
	v52 =	vmul.f32 v58, v3;
	v47 =	vadd.f32 v19, v18;
	[tilespmem:s6+$0x2910] =	vst v48  }
0xe1: {  	v56 =	vmul.f32 v61, v4;
	v58 =	vmul.f32 v62, v3;
	v44 =	vld [tilespmem:s6+$0xB510];
	v54 =	vadd.f32 v50, v49;
	[tilespmem:s6+$0x2920] =	vst v51  }
0xe2: {  	v62 =	vmul.f32 v22, v3;
	v22 =	vld [tilespmem:s6+$0x3530];
	v46 =	vmul.f32 v16, v4;
	v57 =	vadd.f32 v53, v52;
	[tilespmem:s6+$0x2D20] =	vst v47  }
0xe3: {  	v16 =	vld [tilespmem:s6+$0xB540];
	v33 =	vmul.f32 v37, v3;
	v60 =	vadd.f32 v56, v55;
	v45 =	vmul.f32 v15, v3;
	[tilespmem:s6+$0x2930] =	vst v54  }
0xe4: {  	v18 =	vld [tilespmem:s6+$0x3910];
	v61 =	vadd.f32 v59, v58;
	v49 =	vmul.f32 v8, v3;
	v50 =	vmul.f32 v9, v4;
	[tilespmem:s6+$0x2940] =	vst v57  }
0xe5: {  	v19 =	vld [tilespmem:s6+$0xB910];
	v30 =	vadd.f32 v63, v62;
	v56 =	vmul.f32 v11, v3;
	v58 =	vmul.f32 v17, v3;
	[tilespmem:s6+$0x2950] =	vst v60  }
0xe6: {  	v15 =	vld [tilespmem:s6+$0x3540];
	v51 =	vadd.f32 v13, v12;
	v59 =	vmul.f32 v20, v4;
	v62 =	vmul.f32 v26, v4;
	[tilespmem:s6+$0x2960] =	vst v61  }
0xe7: {  	v9 =	vld [tilespmem:s6+$0x3550];
	v20 =	vmul.f32 v31, v3;
	v26 =	vmul.f32 v34, v4;
	[tilespmem:s6+$0x2D10] =	vst v30;
	v48 =	vadd.f32 v46, v45  }
0xe8: {  	v52 =	vld [tilespmem:$0x1FFC0];
	v31 =	vmul.f32 v36, v4;
	v34 =	vmul.f32 v38, v4;
	v53 =	vadd.f32 v50, v49;
	[tilespmem:s6+$0x2D40] =	vst v51  }
0xe9: {  	v12 =	vld [tilespmem:s6+$0xB550];
	v36 =	vmul.f32 v39, v3;
	v37 =	vmul.f32 v40, v4;
	v63 =	vadd.f32 v59, v58;
	[tilespmem:s6+$0x2D30] =	vst v48  }
0xea: {  	v11 =	vld [tilespmem:s6+$0x3570];
	v61 =	vmul.f32 v21, v3;
	v21 =	vmul.f32 v32, v4;
	v32 =	vadd.f32 v26, v25;
	[tilespmem:s6+$0x2D50] =	vst v53  }
0xeb: {  	v13 =	vld [tilespmem:s6+$0xB570];
	v39 =	vmul.f32 v41, v3;
	v40 =	vmul.f32 v42, v4;
	v38 =	vadd.f32 v34, v33;
	[tilespmem:s6+$0x3110] =	vst v63  }
0xec: {  	v0 =	vmul.f32 v0, v4;
	v17 =	vld [tilespmem:s6+$0xB900];
	v54 =	vmul.f32 v6, v3;
	v42 =	vadd.f32 v37, v36;
	[tilespmem:s6+$0x3140] =	vst v32  }
0xed: {  	v41 =	vld [tilespmem:s6+$0xB920];
	v57 =	vmul.f32 v14, v4;
	v47 =	vadd.f32 v40, v39;
	[tilespmem:s6+$0x3160] =	vst v38  }
0xee: {  	v6 =	vld [tilespmem:s6+$0x3560];
	v0 =	vadd.f32 v0, v54;
	[tilespmem:s6+$0x3170] =	vst v42  }
0xef: {  	v14 =	vld [tilespmem:s6+$0x3900];
	v60 =	vadd.f32 v57, v56;
	[tilespmem:s6+$0x3500] =	vst v47  }
0xf0: {  	v7 =	vmul.f32 v7, v4;
	v30 =	vmul.f32 v35, v3;
	v46 =	vld [tilespmem:s6+$0x3930];
	v24 =	vadd.f32 v62, v61;
	[tilespmem:s6+$0x2D70] =	vst v0  }
0xf1: {  	v43 =	vmul.f32 v43, v3;
	v50 =	vld [tilespmem:s6+$0xB930];
	v45 =	vmul.f32 v44, v4;
	v29 =	vadd.f32 v21, v20;
	[tilespmem:s6+$0x3100] =	vst v60  }
0xf2: {  	v49 =	vmul.f32 v27, v4;
	v58 =	vld [tilespmem:s6+$0x3950];
	v35 =	vadd.f32 v31, v30;
	v10 =	vmul.f32 v52, v3;
	[tilespmem:s6+$0x3120] =	vst v24  }
0xf3: {  	v36 =	vld [tilespmem:s6+$0xB970];
	v53 =	vmul.f32 v23, v4;
	v51 =	vadd.f32 v45, v43;
	v52 =	vmul.f32 v22, v3;
	[tilespmem:s6+$0x3130] =	vst v29  }
0xf4: {  	v40 =	vld [tilespmem:s6+$0xB940];
	v57 =	vmul.f32 v16, v4;
	v56 =	vmul.f32 v15, v3;
	[tilespmem:s6+$0x3150] =	vst v35;
	v55 =	vadd.f32 v7, v10  }
0xf5: {  	v20 =	vld [tilespmem:s6+$0x3920];
	v26 =	vmul.f32 v11, v3;
	v27 =	vmul.f32 v13, v4;
	[tilespmem:s6+$0x3510] =	vst v51;
	v59 =	vadd.f32 v53, v52  }
0xf6: {  	v62 =	vld [tilespmem:s6+$0xB950];
	v61 =	vmul.f32 v12, v4;
	v60 =	vmul.f32 v9, v3;
	v63 =	vadd.f32 v57, v56;
	[tilespmem:s6+$0x2D60] =	vst v55  }
0xf7: {  	v34 =	vmul.f32 v18, v3;
	v16 =	vld [tilespmem:s6+$0x3960];
	v35 =	vmul.f32 v19, v4;
	v33 =	vadd.f32 v27, v26;
	[tilespmem:s6+$0x3530] =	vst v59  }
0xf8: {  	v48 =	vmul.f32 v28, v3;
	v28 =	vld [tilespmem:s6+$0xB960];
	v31 =	vmul.f32 v17, v4;
	v23 =	vadd.f32 v61, v60;
	[tilespmem:s6+$0x3540] =	vst v63  }
0xf9: {  	v32 =	vld [tilespmem:s6+$0x3970];
	v39 =	vmul.f32 v41, v4;
	v30 =	vmul.f32 v14, v3;
	v41 =	vadd.f32 v35, v34;
	[tilespmem:s6+$0x3570] =	vst v33  }
0xfa: {  	v10 =	vld [tilespmem:s6+$0xB560];
	v42 =	vmul.f32 v46, v3;
	v43 =	vmul.f32 v50, v4;
	v55 =	vadd.f32 v49, v48;
	[tilespmem:s6+$0x3550] =	vst v23  }
0xfb: {  	v54 =	vld [tilespmem:s6+$0x3940];
	v37 =	vadd.f32 v31, v30;
	v38 =	vmul.f32 v20, v3;
	[tilespmem:s6+$0x3910] =	vst v41  }
0xfc: {  	v45 =	vmul.f32 v58, v3;
	v46 =	vmul.f32 v62, v4;
	v47 =	vadd.f32 v43, v42;
	[tilespmem:s6+$0x3520] =	vst v55  }
0xfd: {  	v48 =	vmul.f32 v16, v3;
	v49 =	vmul.f32 v28, v4;
	[tilespmem:s6+$0x3900] =	vst v37;
	v44 =	vadd.f32 v39, v38  }
0xfe: {  	v52 =	vmul.f32 v36, v4;
	v51 =	vmul.f32 v32, v3;
	v50 =	vadd.f32 v46, v45;
	[tilespmem:s6+$0x3930] =	vst v47  }
0xff: {  	v6 =	vmul.f32 v6, v3;
	v53 =	vadd.f32 v49, v48;
	v12 =	vmul.f32 v10, v4;
	[tilespmem:s6+$0x3920] =	vst v44  }
0x100: {  	s19 =	sand.u32 $0x7, s4;
	v54 =	vmul.f32 v54, v3;
	v55 =	vmul.f32 v40, v4;
	v56 =	vadd.f32 v52, v51;
	[tilespmem:s6+$0x3950] =	vst v50  }
0x101: {  	s7 =	sshll.u32 s19, $0x7;
	[tilespmem:s6+$0x3960] =	vst v53;
	v29 =	vadd.f32 v12, v6  }
0x102: {  	s7 =	sadd.s32 s7, s17;
	v2 =	vadd.f32 v55, v54;
	[tilespmem:s6+$0x3970] =	vst v56  }
0x103: {  	s19 =	sor.u32 $0x1C00, s7;
	[tilespmem:s6+$0x3560] =	vst v29  }
0x104: {  	[tilespmem:s6+$0x3940] =	vst v2;
	v0 =	vld [tilespmem:s19+$0x2100]  }
0x105: {  	v1 =	vld [tilespmem:s19+$0xA100];
	_ =	sdelay $0x4  }
0x106: {  	v0 =	vmul.f32 v0, v3;
	v1 =	vmul.f32 v1, v4;
	_ =	sdelay $0x1  }
0x107: {  	v0 =	vadd.f32 v1, v0;
	_ =	sdelay $0x1  }
0x108: {  	[tilespmem:s19+$0x2100] =	vst v0;
	s19 =	sor.u32 $0x1C10, s7  }
0x109: {  	v0 =	vld [tilespmem:s19+$0x2100]  }
0x10a: {  	v57 =	vld [tilespmem:s19+$0xA100];
	_ =	sdelay $0x4  }
0x10b: {  	v0 =	vmul.f32 v0, v3;
	v1 =	vmul.f32 v57, v4;
	_ =	sdelay $0x1  }
0x10c: {  	v0 =	vadd.f32 v1, v0;
	_ =	sdelay $0x1  }
0x10d: {  	[tilespmem:s19+$0x2100] =	vst v0;
	s19 =	sor.u32 $0x1C20, s7  }
0x10e: {  	v0 =	vld [tilespmem:s19+$0x2100]  }
0x10f: {  	v58 =	vld [tilespmem:s19+$0xA100];
	_ =	sdelay $0x4  }
0x110: {  	v0 =	vmul.f32 v0, v3;
	v1 =	vmul.f32 v58, v4;
	_ =	sdelay $0x1  }
0x111: {  	v0 =	vadd.f32 v1, v0;
	_ =	sdelay $0x1  }
0x112: {  	[tilespmem:s19+$0x2100] =	vst v0;
	s19 =	sor.u32 $0x1C30, s7  }
0x113: {  	v0 =	vld [tilespmem:s19+$0x2100]  }
0x114: {  	v59 =	vld [tilespmem:s19+$0xA100];
	_ =	sdelay $0x4  }
0x115: {  	v0 =	vmul.f32 v0, v3;
	v1 =	vmul.f32 v59, v4;
	_ =	sdelay $0x1  }
0x116: {  	v0 =	vadd.f32 v1, v0;
	_ =	sdelay $0x1  }
0x117: {  	[tilespmem:s19+$0x2100] =	vst v0;
	s19 =	sor.u32 $0x1C40, s7  }
0x118: {  	v0 =	vld [tilespmem:s19+$0x2100]  }
0x119: {  	v60 =	vld [tilespmem:s19+$0xA100];
	_ =	sdelay $0x4  }
0x11a: {  	v0 =	vmul.f32 v0, v3;
	v1 =	vmul.f32 v60, v4;
	_ =	sdelay $0x1  }
0x11b: {  	v0 =	vadd.f32 v1, v0;
	_ =	sdelay $0x1  }
0x11c: {  	[tilespmem:s19+$0x2100] =	vst v0;
	s19 =	sor.u32 $0x1C50, s7  }
0x11d: {  	v0 =	vld [tilespmem:s19+$0x2100]  }
0x11e: {  	v61 =	vld [tilespmem:s19+$0xA100];
	_ =	sdelay $0x4  }
0x11f: {  	v0 =	vmul.f32 v0, v3;
	v1 =	vmul.f32 v61, v4;
	_ =	sdelay $0x1  }
0x120: {  	v0 =	vadd.f32 v1, v0;
	_ =	sdelay $0x1  }
0x121: {  	[tilespmem:s19+$0x2100] =	vst v0;
	s19 =	sor.u32 $0x1C60, s7  }
0x122: {  	v0 =	vld [tilespmem:s19+$0x2100]  }
0x123: {  	v62 =	vld [tilespmem:s19+$0xA100];
	_ =	sdelay $0x4  }
0x124: {  	v0 =	vmul.f32 v0, v3;
	v1 =	vmul.f32 v62, v4;
	_ =	sdelay $0x1  }
0x125: {  	v0 =	vadd.f32 v1, v0;
	_ =	sdelay $0x1  }
0x126: {  	[tilespmem:s19+$0x2100] =	vst v0;
	s19 =	sor.u32 $0x1C70, s7  }
0x127: {  	v0 =	vld [tilespmem:s19+$0x2100]  }
0x128: {  	v63 =	vld [tilespmem:s19+$0xA100];
	_ =	sdelay $0x3  }
0x129: {  	p0 =	sne.s32 s5, $0xF80  }
.Ltmp0:
0x12a: {  	v0 =	vmul.f32 v0, v3;
	v1 =	vmul.f32 v63, v4;
	(pc) =	sbr.rel @p0 .LBB2_2-.Ltmp0, $4  }
0x12b: {  	_ = 	snop  }
0x12c: {  	v0 =	vadd.f32 v1, v0  }
0x12d: {  	s4 =	sadd.s32 $0x1, s4;
	s2 =	sadd.s32 $0x80, s2  }
0x12e: {  	s16 =	sadd.s32 $0x80, s16;
	s5 =	sadd.s32 $0x80, s5;
	s17 =	sadd.s32 $0x400, s17;
	[tilespmem:s19+$0x2100] =	vst v0  }
0x12f: {  	s2 =	simm.s32 $0x0;
	s4 =	rddreg [dreg:$0x7]  }
0x130: {  	[hbm4b:s4+s2] =	stream.linear.scatter [tilespmem:s20], [sflag:$0x2], $0x8000, $0x38;
	[tilespmem:$0x12100] =	vst v63  }
0x131: {  	_ =	swait.ge [sflag:s18], $0x8000  }
0x132: {  	[sflag:s18] =	ssyncset.done $0x0  }
0x133: {  	s5 =	rddreg [dreg:$0x8];
	[sflag:s18] =	ssyncadd.s32 $0xFFFF8000  }
0x134: {  	[tilespmem:s2], [sflag:$0x2] =	stream.linear.gather [hbm4b:s5+s2], $0x80, $0x38;
	[tilespmem:$0x12100] =	vst v63  }
0x135: {  	_ =	swait.ge [sflag:s18], $0x80  }
0x136: {  	[sflag:s18] =	ssyncset.done $0x0  }
0x137: {  	s5 =	simm.s32 $0x80;
	s6 =	rddreg [dreg:$0x9];
	[sflag:s18] =	ssyncadd.s32 $0xFFFFFF80  }
0x138: {  	[tilespmem:s5], [sflag:$0x2] =	stream.linear.gather [hbm4b:s6+s2], $0x80, $0x38;
	[tilespmem:$0x12100] =	vst v63  }
0x139: {  	_ =	swait.ge [sflag:s18], $0x80  }
0x13a: {  	[sflag:s18] =	ssyncset.done $0x0  }
0x13b: {  	s16 =	simm.s32 $0x100;
	s7 =	rddreg [dreg:$0xa];
	[sflag:s18] =	ssyncadd.s32 $0xFFFFFF80  }
0x13c: {  	[tilespmem:s16], [sflag:$0x2] =	stream.linear.gather [hbm4b:s7+s2], $0x1000, $0x38;
	[tilespmem:$0x12100] =	vst v63  }
0x13d: {  	_ =	swait.ge [sflag:s18], $0x1000  }
0x13e: {  	[sflag:s18] =	ssyncset.done $0x0  }
0x13f: {  	s4 =	simm.s32 $0x1100;
	s17 =	rddreg [dreg:$0xb];
	[sflag:s18] =	ssyncadd.s32 $0xFFFFF000  }
0x140: {  	[tilespmem:s4], [sflag:$0x2] =	stream.linear.gather [hbm4b:s17+s2], $0x1000, $0x38;
	[tilespmem:$0x12100] =	vst v63  }
0x141: {  	_ =	swait.ge [sflag:s18], $0x1000  }
0x142: {  	[sflag:s18] =	ssyncset.done $0x0  }
0x143: {  	[sflag:s18] =	ssyncadd.s32 $0xFFFFF000  }
0x144: {  	v0 =	vld [tilespmem:$0x0];
	_ =	sdelay $0x2  }
0x145: {  	v2 =	vld [tilespmem:$0x1FFD0];
	_ =	sdelay $0x1  }
0x146: {  	v3 =	vld [tilespmem:$0x1FFE0];
	v1 =	vshll.u32 v0, $0x3  }
0x147: {  	v0 =	vand.u32 $0x7, v0;
	v1 =	vand.u32 $0xFFFFFFC0, v1  }
0x148: {  	v0 =	vor.u32 v0, v1  }
0x149: {  	v1 =	vperm.xlane v0, v2;
	_ =	sdelay $0x1  }
0x14a: {  	v1 =	vadd.s32 v3, v1  }
0x14b: {  	v4 =	vld [tilespmem:$0x1FFF0];
	_ =	sdelay $0x3  }
0x14c: {  	[tilespmem:s20], [sflag:$0x1] =	stream.indirect_vreg.gather [hbm4b:s3+s2], $0x80, v1, vm0, $0xb8;
	[tilespmem:$0x12100] =	vst v63  }
0x14d: {  	s19 =	simm.s32 $0x2900;
	v0 =	vperm.xlane v0, v4  }
0x14e: {  	[tilespmem:s19], [sflag:$0x1] =	stream.indirect_vreg.gather [hbm4b:s8+s2], $0x80, v1, vm0, $0xb8;
	[tilespmem:$0x12100] =	vst v63  }
0x14f: {  	s6 =	simm.s32 $0x3100;
	v0 =	vadd.s32 v3, v0  }
0x150: {  	[tilespmem:s6], [sflag:$0x1] =	stream.indirect_vreg.gather [hbm4b:s9+s2], $0x80, v1, vm0, $0xb8;
	[tilespmem:$0x12100] =	vst v63  }
0x151: {  	s7 =	simm.s32 $0x3900  }
0x152: {  	[tilespmem:s7], [sflag:$0x1] =	stream.indirect_vreg.gather [hbm4b:s10+s2], $0x80, v1, vm0, $0xb8;
	[tilespmem:$0x12100] =	vst v63  }
0x153: {  	s17 =	simm.s32 $0x4100  }
0x154: {  	[tilespmem:s17], [sflag:$0x1] =	stream.indirect_vreg.gather [hbm4b:s3+s2], $0x80, v0, vm0, $0xb8;
	[tilespmem:$0x12100] =	vst v63  }
0x155: {  	s19 =	simm.s32 $0x4900  }
0x156: {  	[tilespmem:s19], [sflag:$0x1] =	stream.indirect_vreg.gather [hbm4b:s8+s2], $0x80, v0, vm0, $0xb8;
	[tilespmem:$0x12100] =	vst v63  }
0x157: {  	s6 =	simm.s32 $0x5100  }
0x158: {  	[tilespmem:s6], [sflag:$0x1] =	stream.indirect_vreg.gather [hbm4b:s9+s2], $0x80, v0, vm0, $0xb8;
	[tilespmem:$0x12100] =	vst v63  }
0x159: {  	s7 =	simm.s32 $0x5900  }
0x15a: {  	[tilespmem:s7], [sflag:$0x1] =	stream.indirect_vreg.gather [hbm4b:s10+s2], $0x80, v0, vm0, $0xb8;
	[tilespmem:$0x12100] =	vst v63  }
0x15b: {  	v0 =	vld [tilespmem:$0x10];
	_ =	sdelay $0x4  }
0x15c: {  	v61 =	vshll.u32 v0, $0x3  }
0x15d: {  	v0 =	vand.u32 $0x7, v0;
	v1 =	vand.u32 $0xFFFFFFC0, v61  }
0x15e: {  	v0 =	vor.u32 v0, v1  }
0x15f: {  	v1 =	vperm.xlane v0, v2;
	_ =	sdelay $0x1  }
0x160: {  	v1 =	vadd.s32 v3, v1;
	_ =	sdelay $0x3  }
0x161: {  	s17 =	simm.s32 $0x6100  }
0x162: {  	[tilespmem:s17], [sflag:$0x1] =	stream.indirect_vreg.gather [hbm4b:s3+s2], $0x80, v1, vm0, $0xb8;
	[tilespmem:$0x12100] =	vst v63  }
0x163: {  	s19 =	simm.s32 $0x6900;
	v0 =	vperm.xlane v0, v4  }
0x164: {  	[tilespmem:s19], [sflag:$0x1] =	stream.indirect_vreg.gather [hbm4b:s8+s2], $0x80, v1, vm0, $0xb8;
	[tilespmem:$0x12100] =	vst v63  }
0x165: {  	s6 =	simm.s32 $0x7100;
	v0 =	vadd.s32 v3, v0  }
0x166: {  	[tilespmem:s6], [sflag:$0x1] =	stream.indirect_vreg.gather [hbm4b:s9+s2], $0x80, v1, vm0, $0xb8;
	[tilespmem:$0x12100] =	vst v63  }
0x167: {  	s7 =	simm.s32 $0x7900  }
0x168: {  	[tilespmem:s7], [sflag:$0x1] =	stream.indirect_vreg.gather [hbm4b:s10+s2], $0x80, v1, vm0, $0xb8;
	[tilespmem:$0x12100] =	vst v63  }
0x169: {  	s17 =	simm.s32 $0x8100  }
0x16a: {  	[tilespmem:s17], [sflag:$0x1] =	stream.indirect_vreg.gather [hbm4b:s3+s2], $0x80, v0, vm0, $0xb8;
	[tilespmem:$0x12100] =	vst v63  }
0x16b: {  	s19 =	simm.s32 $0x8900  }
0x16c: {  	[tilespmem:s19], [sflag:$0x1] =	stream.indirect_vreg.gather [hbm4b:s8+s2], $0x80, v0, vm0, $0xb8;
	[tilespmem:$0x12100] =	vst v63  }
0x16d: {  	s6 =	simm.s32 $0x9100  }
0x16e: {  	[tilespmem:s6], [sflag:$0x1] =	stream.indirect_vreg.gather [hbm4b:s9+s2], $0x80, v0, vm0, $0xb8;
	[tilespmem:$0x12100] =	vst v63  }
0x16f: {  	s7 =	simm.s32 $0x9900  }
0x170: {  	[tilespmem:s7], [sflag:$0x1] =	stream.indirect_vreg.gather [hbm4b:s10+s2], $0x80, v0, vm0, $0xb8;
	[tilespmem:$0x12100] =	vst v63  }
0x171: {  	v0 =	vld [tilespmem:$0x80];
	_ =	sdelay $0x4  }
0x172: {  	v62 =	vshll.u32 v0, $0x3  }
0x173: {  	v0 =	vand.u32 $0x7, v0;
	v1 =	vand.u32 $0xFFFFFFC0, v62  }
0x174: {  	v0 =	vor.u32 v0, v1  }
0x175: {  	v1 =	vperm.xlane v0, v2;
	_ =	sdelay $0x1  }
0x176: {  	v1 =	vadd.s32 v3, v1;
	_ =	sdelay $0x3  }
0x177: {  	s17 =	simm.s32 $0xA100  }
0x178: {  	[tilespmem:s17], [sflag:$0x1] =	stream.indirect_vreg.gather [hbm4b:s3+s2], $0x80, v1, vm0, $0xb8;
	[tilespmem:$0x12100] =	vst v63  }
0x179: {  	s19 =	simm.s32 $0xA900;
	v0 =	vperm.xlane v0, v4  }
0x17a: {  	[tilespmem:s19], [sflag:$0x1] =	stream.indirect_vreg.gather [hbm4b:s8+s2], $0x80, v1, vm0, $0xb8;
	[tilespmem:$0x12100] =	vst v63  }
0x17b: {  	v0 =	vadd.s32 v3, v0  }
0x17c: {  	[tilespmem:s21], [sflag:$0x1] =	stream.indirect_vreg.gather [hbm4b:s9+s2], $0x80, v1, vm0, $0xb8;
	[tilespmem:$0x12100] =	vst v63  }
0x17d: {  	_ = 	snop  }
0x17e: {  	[tilespmem:s22], [sflag:$0x1] =	stream.indirect_vreg.gather [hbm4b:s10+s2], $0x80, v1, vm0, $0xb8;
	[tilespmem:$0x12100] =	vst v63  }
0x17f: {  	_ = 	snop  }
0x180: {  	[tilespmem:s23], [sflag:$0x1] =	stream.indirect_vreg.gather [hbm4b:s3+s2], $0x80, v0, vm0, $0xb8;
	[tilespmem:$0x12100] =	vst v63  }
0x181: {  	_ = 	snop  }
0x182: {  	[tilespmem:s24], [sflag:$0x1] =	stream.indirect_vreg.gather [hbm4b:s8+s2], $0x80, v0, vm0, $0xb8;
	[tilespmem:$0x12100] =	vst v63  }
0x183: {  	_ = 	snop  }
0x184: {  	[tilespmem:s25], [sflag:$0x1] =	stream.indirect_vreg.gather [hbm4b:s9+s2], $0x80, v0, vm0, $0xb8;
	[tilespmem:$0x12100] =	vst v63  }
0x185: {  	_ = 	snop  }
0x186: {  	[tilespmem:s11], [sflag:$0x1] =	stream.indirect_vreg.gather [hbm4b:s10+s2], $0x80, v0, vm0, $0xb8;
	[tilespmem:$0x12100] =	vst v63  }
0x187: {  	v0 =	vld [tilespmem:$0x90];
	_ =	sdelay $0x4  }
0x188: {  	v63 =	vshll.u32 v0, $0x3  }
0x189: {  	v0 =	vand.u32 $0x7, v0;
	v1 =	vand.u32 $0xFFFFFFC0, v63  }
0x18a: {  	v0 =	vor.u32 v0, v1  }
0x18b: {  	v1 =	vperm.xlane v0, v2;
	_ =	sdelay $0x1  }
0x18c: {  	v1 =	vadd.s32 v3, v1;
	_ =	sdelay $0x4  }
0x18d: {  	[tilespmem:s26], [sflag:$0x1] =	stream.indirect_vreg.gather [hbm4b:s3+s2], $0x80, v1, vm0, $0xb8;
	[tilespmem:$0x12100] =	vst v63  }
0x18e: {  	v0 =	vperm.xlane v0, v4  }
0x18f: {  	[tilespmem:s12], [sflag:$0x1] =	stream.indirect_vreg.gather [hbm4b:s8+s2], $0x80, v1, vm0, $0xb8;
	[tilespmem:$0x12100] =	vst v63  }
0x190: {  	v0 =	vadd.s32 v3, v0  }
0x191: {  	[tilespmem:s28], [sflag:$0x1] =	stream.indirect_vreg.gather [hbm4b:s9+s2], $0x80, v1, vm0, $0xb8;
	[tilespmem:$0x12100] =	vst v63  }
0x192: {  	_ = 	snop  }
0x193: {  	[tilespmem:s29], [sflag:$0x1] =	stream.indirect_vreg.gather [hbm4b:s10+s2], $0x80, v1, vm0, $0xb8;
	[tilespmem:$0x12100] =	vst v63  }
0x194: {  	_ = 	snop  }
0x195: {  	[tilespmem:s13], [sflag:$0x1] =	stream.indirect_vreg.gather [hbm4b:s3+s2], $0x80, v0, vm0, $0xb8;
	[tilespmem:$0x12100] =	vst v63  }
0x196: {  	_ = 	snop  }
0x197: {  	[tilespmem:s30], [sflag:$0x1] =	stream.indirect_vreg.gather [hbm4b:s8+s2], $0x80, v0, vm0, $0xb8;
	[tilespmem:$0x12100] =	vst v63  }
0x198: {  	_ = 	snop  }
0x199: {  	[tilespmem:s14], [sflag:$0x1] =	stream.indirect_vreg.gather [hbm4b:s9+s2], $0x80, v0, vm0, $0xb8;
	[tilespmem:$0x12100] =	vst v63  }
0x19a: {  	_ = 	snop  }
0x19b: {  	[tilespmem:s31], [sflag:$0x1] =	stream.indirect_vreg.gather [hbm4b:s10+s2], $0x80, v0, vm0, $0xb8;
	[tilespmem:$0x12100] =	vst v63  }
0x19c: {  	_ =	swait.ge [sflag:s0], $0x8000  }
0x19d: {  	[sflag:s0] =	ssyncset.done $0x0  }
0x19e: {  	[sflag:s0] =	ssyncadd.s32 $0xFFFF8000  }
0x19f: {  	_ =	swait.ge [sflag:s0], $0x8000  }
0x1a0: {  	[sflag:s0] =	ssyncset.done $0x0  }
0x1a1: {  	s5 =	simm.s32 $0x0;
	s17 =	simm.s32 $0x0;
	[sflag:s0] =	ssyncadd.s32 $0xFFFF8000  }
.LBB2_4:
0x1a2: {  	v3 =	vld [tilespmem:s16+$0x0];
	s6 =	sand.u32 $0x6000, s17;
	s7 =	sand.u32 $0x380, s5  }
0x1a3: {  	v4 =	vld [tilespmem:s4+$0x0];
	s6 =	sor.u32 s7, s6  }
0x1a4: {  	v0 =	vld [tilespmem:s6+$0x2100]  }
0x1a5: {  	v1 =	vld [tilespmem:s6+$0xA100]  }
0x1a6: {  	v2 =	vld [tilespmem:s6+$0x2110]  }
0x1a7: {  	v6 =	vld [tilespmem:s6+$0xA110]  }
0x1a8: {  	v10 =	vld [tilespmem:s6+$0x2120]  }
0x1a9: {  	v11 =	vld [tilespmem:s6+$0xA120]  }
0x1aa: {  	v14 =	vld [tilespmem:s6+$0x2130]  }
0x1ab: {  	v17 =	vld [tilespmem:s6+$0xA130]  }
0x1ac: {  	v20 =	vld [tilespmem:s6+$0x2140]  }
0x1ad: {  	v21 =	vld [tilespmem:s6+$0xA140]  }
0x1ae: {  	v26 =	vld [tilespmem:s6+$0x2150]  }
0x1af: {  	v27 =	vld [tilespmem:s6+$0xA150]  }
0x1b0: {  	v28 =	vld [tilespmem:s6+$0x2160]  }
0x1b1: {  	v29 =	vld [tilespmem:s6+$0xA160]  }
0x1b2: {  	v30 =	vld [tilespmem:s6+$0x2170]  }
0x1b3: {  	v31 =	vld [tilespmem:s6+$0xA170]  }
0x1b4: {  	v32 =	vld [tilespmem:s6+$0x2500]  }
0x1b5: {  	v33 =	vld [tilespmem:s6+$0xA500]  }
0x1b6: {  	v34 =	vld [tilespmem:s6+$0x2510]  }
0x1b7: {  	v35 =	vld [tilespmem:s6+$0xA510]  }
0x1b8: {  	v36 =	vld [tilespmem:s6+$0x2520]  }
0x1b9: {  	v37 =	vld [tilespmem:s6+$0xA520]  }
0x1ba: {  	v38 =	vld [tilespmem:s6+$0x2530]  }
0x1bb: {  	v39 =	vld [tilespmem:s6+$0xA530]  }
0x1bc: {  	v40 =	vld [tilespmem:s6+$0x2540]  }
0x1bd: {  	v41 =	vld [tilespmem:s6+$0xA540]  }
0x1be: {  	v42 =	vld [tilespmem:s6+$0x2550]  }
0x1bf: {  	v43 =	vld [tilespmem:s6+$0xA550]  }
0x1c0: {  	v44 =	vld [tilespmem:s6+$0x2560]  }
0x1c1: {  	v45 =	vld [tilespmem:s6+$0xA560]  }
0x1c2: {  	v46 =	vld [tilespmem:s6+$0x2570]  }
0x1c3: {  	v47 =	vld [tilespmem:s6+$0xA570]  }
0x1c4: {  	v48 =	vld [tilespmem:s6+$0x2900]  }
0x1c5: {  	v49 =	vld [tilespmem:s6+$0xA900]  }
0x1c6: {  	v50 =	vld [tilespmem:s6+$0x2910]  }
0x1c7: {  	v51 =	vld [tilespmem:s6+$0xA910]  }
0x1c8: {  	v52 =	vld [tilespmem:s6+$0x2920]  }
0x1c9: {  	v53 =	vld [tilespmem:s6+$0xA920]  }
0x1ca: {  	v54 =	vld [tilespmem:s6+$0x2930]  }
0x1cb: {  	v55 =	vld [tilespmem:s6+$0xA930]  }
0x1cc: {  	v56 =	vld [tilespmem:s6+$0x2940]  }
0x1cd: {  	v57 =	vld [tilespmem:s6+$0xA940]  }
0x1ce: {  	v58 =	vld [tilespmem:s6+$0x2950]  }
0x1cf: {  	v59 =	vld [tilespmem:s6+$0xA950]  }
0x1d0: {  	v60 =	vld [tilespmem:s6+$0x2960]  }
0x1d1: {  	v61 =	vld [tilespmem:s6+$0xA960]  }
0x1d2: {  	v62 =	vld [tilespmem:s6+$0x2970]  }
0x1d3: {  	v63 =	vld [tilespmem:s6+$0xA970]  }
0x1d4: {  	v24 =	vld [tilespmem:s6+$0x2D00]  }
0x1d5: {  	v25 =	vld [tilespmem:s6+$0xAD00]  }
0x1d6: {  	v22 =	vld [tilespmem:s6+$0x2D10]  }
0x1d7: {  	v23 =	vld [tilespmem:s6+$0xAD10]  }
0x1d8: {  	v18 =	vld [tilespmem:s6+$0x2D20]  }
0x1d9: {  	v19 =	vld [tilespmem:s6+$0xAD20]  }
0x1da: {  	v15 =	vld [tilespmem:s6+$0x2D30]  }
0x1db: {  	v16 =	vld [tilespmem:s6+$0xAD30]  }
0x1dc: {  	v5 =	vld [tilespmem:s6+$0x2D60]  }
0x1dd: {  	v12 =	vld [tilespmem:s6+$0x2D40]  }
0x1de: {  	v13 =	vld [tilespmem:s6+$0xAD40]  }
0x1df: {  	v8 =	vld [tilespmem:s6+$0x2D50]  }
0x1e0: {  	v9 =	vld [tilespmem:s6+$0xAD50];
	v0 =	vmul.f32 v0, v3;
	v1 =	vmul.f32 v1, v4  }
0x1e1: {  	v7 =	vld [tilespmem:s6+$0xAD60];
	[tilespmem:$0x1FFA0] =	vst v5;
	v5 =	vmul.f32 v2, v3;
	v2 =	vmul.f32 v6, v4  }
0x1e2: {  	v6 =	vld [tilespmem:s6+$0x2D70];
	v17 =	vmul.f32 v17, v4;
	v0 =	vadd.f32 v1, v0  }
0x1e3: {  	v1 =	vmul.f32 v10, v3;
	v10 =	vld [tilespmem:s6+$0xAD70];
	v5 =	vadd.f32 v2, v5;
	v2 =	vmul.f32 v14, v3  }
0x1e4: {  	v11 =	vmul.f32 v11, v4;
	v14 =	vld [tilespmem:s6+$0xB100]  }
0x1e5: {  	v26 =	vmul.f32 v26, v3;
	v2 =	vadd.f32 v17, v2;
	v17 =	vld [tilespmem:s6+$0x3110]  }
0x1e6: {  	[tilespmem:s6+$0x2100] =	vst v0;
	v0 =	vadd.f32 v11, v1;
	v1 =	vmul.f32 v20, v3;
	v11 =	vmul.f32 v21, v4;
	v20 =	vld [tilespmem:s6+$0xB110]  }
0x1e7: {  	v27 =	vmul.f32 v27, v4;
	v30 =	vmul.f32 v30, v3;
	v21 =	vld [tilespmem:s6+$0x3120];
	[tilespmem:$0x1FFB0] =	vst v6  }
0x1e8: {  	v31 =	vmul.f32 v31, v4;
	v33 =	vmul.f32 v33, v4;
	v6 =	vld [tilespmem:s6+$0x3100];
	[tilespmem:s6+$0x2120] =	vst v0;
	v0 =	vadd.f32 v11, v1  }
0x1e9: {  	v1 =	vmul.f32 v28, v3;
	v11 =	vmul.f32 v29, v4;
	[tilespmem:s6+$0x2130] =	vst v2;
	v2 =	vadd.f32 v27, v26;
	v26 =	vld [tilespmem:s6+$0xB120]  }
0x1ea: {  	v42 =	vmul.f32 v42, v3;
	[tilespmem:s6+$0x2110] =	vst v5;
	v5 =	vmul.f32 v34, v3;
	v28 =	vld [tilespmem:s6+$0x3130]  }
0x1eb: {  	v34 =	vmul.f32 v37, v4;
	v29 =	vld [tilespmem:s6+$0xB130];
	[tilespmem:s6+$0x2140] =	vst v0;
	v0 =	vadd.f32 v11, v1;
	v1 =	vmul.f32 v32, v3  }
0x1ec: {  	v37 =	vmul.f32 v39, v4;
	[tilespmem:s6+$0x2150] =	vst v2;
	v2 =	vadd.f32 v31, v30;
	v32 =	vmul.f32 v35, v4;
	v30 =	vld [tilespmem:s6+$0x3140]  }
0x1ed: {  	v31 =	vld [tilespmem:s6+$0xB140];
	[tilespmem:s6+$0x2160] =	vst v0;
	v0 =	vadd.f32 v33, v1;
	v33 =	vmul.f32 v36, v3;
	v36 =	vmul.f32 v38, v3  }
0x1ee: {  	v39 =	vmul.f32 v40, v3;
	v40 =	vmul.f32 v41, v4;
	v11 =	vld [tilespmem:s6+$0xB550];
	[tilespmem:s6+$0x2170] =	vst v2;
	v35 =	vadd.f32 v32, v5  }
0x1ef: {  	v56 =	vmul.f32 v56, v3;
	v32 =	vld [tilespmem:s6+$0x3150];
	[tilespmem:s6+$0x2500] =	vst v0;
	v38 =	vadd.f32 v34, v33;
	v41 =	vadd.f32 v37, v36  }
0x1f0: {  	[tilespmem:s6+$0x2510] =	vst v35;
	v36 =	vmul.f32 v43, v4;
	v37 =	vadd.f32 v40, v39;
	v39 =	vmul.f32 v45, v4;
	v33 =	vld [tilespmem:s6+$0xB150]  }
0x1f1: {  	v34 =	vld [tilespmem:s6+$0x3160];
	v45 =	vmul.f32 v49, v4;
	[tilespmem:s6+$0x2520] =	vst v38;
	v38 =	vmul.f32 v44, v3  }
0x1f2: {  	v35 =	vld [tilespmem:s6+$0xB160];
	[tilespmem:s6+$0x2530] =	vst v41;
	v40 =	vadd.f32 v36, v42;
	v41 =	vmul.f32 v46, v3;
	v42 =	vmul.f32 v47, v4  }
0x1f3: {  	[tilespmem:s6+$0x2540] =	vst v37;
	v44 =	vmul.f32 v48, v3;
	v47 =	vmul.f32 v50, v3;
	v36 =	vld [tilespmem:s6+$0x3170];
	v43 =	vadd.f32 v39, v38  }
0x1f4: {  	v48 =	vmul.f32 v51, v4;
	v50 =	vmul.f32 v52, v3;
	v37 =	vld [tilespmem:s6+$0xB170];
	[tilespmem:s6+$0x2550] =	vst v40;
	v46 =	vadd.f32 v42, v41  }
0x1f5: {  	v51 =	vmul.f32 v53, v4;
	v53 =	vmul.f32 v54, v3;
	v49 =	vadd.f32 v45, v44;
	v38 =	vld [tilespmem:s6+$0x3500];
	[tilespmem:s6+$0x2560] =	vst v43  }
0x1f6: {  	v54 =	vmul.f32 v55, v4;
	v52 =	vadd.f32 v48, v47;
	v44 =	vmul.f32 v57, v4;
	v39 =	vld [tilespmem:s6+$0xB500];
	[tilespmem:s6+$0x2570] =	vst v46  }
0x1f7: {  	v55 =	vadd.f32 v51, v50;
	v47 =	vmul.f32 v59, v4;
	v40 =	vld [tilespmem:s6+$0x3510];
	v50 =	vmul.f32 v61, v4;
	[tilespmem:s6+$0x2900] =	vst v49  }
0x1f8: {  	v45 =	vadd.f32 v54, v53;
	v41 =	vld [tilespmem:s6+$0xB510];
	v53 =	vmul.f32 v63, v4;
	[tilespmem:s6+$0x2910] =	vst v52;
	v46 =	vmul.f32 v58, v3  }
0x1f9: {  	v42 =	vld [tilespmem:s6+$0x3520];
	v59 =	vmul.f32 v23, v4;
	[tilespmem:s6+$0x2920] =	vst v55;
	v48 =	vadd.f32 v44, v56;
	v49 =	vmul.f32 v60, v3  }
0x1fa: {  	v23 =	vld [tilespmem:s6+$0x3530];
	v61 =	vmul.f32 v18, v3;
	[tilespmem:s6+$0x2930] =	vst v45;
	v52 =	vmul.f32 v62, v3;
	v51 =	vadd.f32 v47, v46  }
0x1fb: {  	v18 =	vld [tilespmem:s6+$0xB530];
	v55 =	vmul.f32 v24, v3;
	v56 =	vmul.f32 v25, v4;
	[tilespmem:s6+$0x2940] =	vst v48;
	v54 =	vadd.f32 v50, v49  }
0x1fc: {  	v24 =	vld [tilespmem:s6+$0xB520];
	v58 =	vmul.f32 v22, v3;
	v62 =	vmul.f32 v19, v4;
	v57 =	vadd.f32 v53, v52;
	[tilespmem:s6+$0x2950] =	vst v51  }
0x1fd: {  	v22 =	vmul.f32 v15, v3;
	v25 =	vmul.f32 v16, v4;
	v16 =	vld [tilespmem:s6+$0x3540];
	v60 =	vadd.f32 v56, v55;
	[tilespmem:s6+$0x2960] =	vst v54  }
0x1fe: {  	v43 =	vmul.f32 v12, v3;
	v44 =	vmul.f32 v13, v4;
	v12 =	vld [tilespmem:s6+$0xB540];
	v63 =	vadd.f32 v59, v58;
	[tilespmem:s6+$0x2970] =	vst v57  }
0x1ff: {  	v13 =	vld [tilespmem:s6+$0x3570];
	v27 =	vadd.f32 v62, v61;
	v46 =	vmul.f32 v8, v3;
	v47 =	vmul.f32 v9, v4;
	[tilespmem:s6+$0x2D00] =	vst v60  }
0x200: {  	v15 =	vld [tilespmem:s6+$0x3900];
	v45 =	vadd.f32 v25, v22;
	v55 =	vmul.f32 v14, v4;
	v58 =	vmul.f32 v20, v4;
	[tilespmem:s6+$0x2D10] =	vst v63  }
0x201: {  	v19 =	vld [tilespmem:s6+$0x3910];
	v48 =	vadd.f32 v44, v43;
	v22 =	vmul.f32 v30, v3;
	v25 =	vmul.f32 v31, v4;
	[tilespmem:s6+$0x2D20] =	vst v27  }
0x202: {  	v9 =	vld [tilespmem:s6+$0x3550];
	v30 =	vmul.f32 v34, v3;
	v31 =	vmul.f32 v35, v4;
	[tilespmem:s6+$0x2D30] =	vst v45;
	v50 =	vadd.f32 v47, v46  }
0x203: {  	v49 =	vld [tilespmem:$0x1FFA0];
	v20 =	vmul.f32 v29, v4;
	[tilespmem:s6+$0x2D40] =	vst v48;
	v54 =	vmul.f32 v6, v3;
	v29 =	vadd.f32 v25, v22  }
0x204: {  	v52 =	vmul.f32 v10, v4;
	v10 =	vld [tilespmem:s6+$0x3560];
	v57 =	vmul.f32 v17, v3;
	v35 =	vadd.f32 v31, v30;
	[tilespmem:s6+$0x2D50] =	vst v50  }
0x205: {  	v61 =	vmul.f32 v26, v4;
	v14 =	vld [tilespmem:s6+$0xB570];
	v60 =	vmul.f32 v21, v3;
	v59 =	vadd.f32 v55, v54;
	[tilespmem:s6+$0x3140] =	vst v29  }
0x206: {  	v7 =	vmul.f32 v7, v4;
	v44 =	vld [tilespmem:s6+$0x3930];
	v63 =	vmul.f32 v28, v3;
	v62 =	vadd.f32 v58, v57;
	[tilespmem:s6+$0x3160] =	vst v35  }
0x207: {  	v51 =	vld [tilespmem:$0x1FFB0];
	v27 =	vmul.f32 v32, v3;
	v28 =	vmul.f32 v33, v4;
	v21 =	vadd.f32 v61, v60;
	[tilespmem:s6+$0x3100] =	vst v59  }
0x208: {  	v34 =	vmul.f32 v37, v4;
	v17 =	vld [tilespmem:s6+$0xB900];
	v33 =	vmul.f32 v36, v3;
	v26 =	vadd.f32 v20, v63;
	[tilespmem:s6+$0x3110] =	vst v62  }
0x209: {  	v37 =	vmul.f32 v39, v4;
	v36 =	vmul.f32 v38, v3;
	v38 =	vld [tilespmem:s6+$0xB920];
	v32 =	vadd.f32 v28, v27;
	[tilespmem:s6+$0x3120] =	vst v21  }
0x20a: {  	v40 =	vmul.f32 v40, v3;
	v43 =	vmul.f32 v41, v4;
	v48 =	vld [tilespmem:s6+$0xB930];
	v39 =	vadd.f32 v34, v33;
	[tilespmem:s6+$0x3130] =	vst v26  }
0x20b: {  	v31 =	vld [tilespmem:s6+$0x3970];
	v45 =	vadd.f32 v37, v36;
	v50 =	vmul.f32 v23, v3;
	v1 =	vmul.f32 v49, v3;
	[tilespmem:s6+$0x3150] =	vst v32  }
0x20c: {  	v20 =	vld [tilespmem:s6+$0xB910];
	v23 =	vmul.f32 v13, v3;
	v49 =	vadd.f32 v43, v40;
	[tilespmem:s6+$0x3170] =	vst v39;
	v26 =	vmul.f32 v14, v4  }
0x20d: {  	v46 =	vmul.f32 v42, v3;
	v55 =	vld [tilespmem:s6+$0x3950];
	[tilespmem:s6+$0x3500] =	vst v45;
	v5 =	vmul.f32 v51, v3;
	v53 =	vadd.f32 v7, v1  }
0x20e: {  	v47 =	vmul.f32 v24, v4;
	v58 =	vmul.f32 v11, v4;
	v63 =	vld [tilespmem:s6+$0x3960];
	[tilespmem:s6+$0x3510] =	vst v49;
	v32 =	vadd.f32 v26, v23  }
0x20f: {  	v27 =	vld [tilespmem:s6+$0xB960];
	v29 =	vmul.f32 v15, v3;
	v57 =	vmul.f32 v9, v3;
	v56 =	vadd.f32 v52, v5;
	[tilespmem:s6+$0x2D60] =	vst v53  }
0x210: {  	v35 =	vld [tilespmem:s6+$0xB970];
	v41 =	vmul.f32 v44, v3;
	v30 =	vmul.f32 v17, v4;
	v52 =	vadd.f32 v47, v46;
	[tilespmem:s6+$0x3570] =	vst v32  }
0x211: {  	v21 =	vld [tilespmem:s6+$0x3920];
	v42 =	vmul.f32 v48, v4;
	v53 =	vmul.f32 v16, v3;
	v16 =	vadd.f32 v58, v57;
	[tilespmem:s6+$0x2D70] =	vst v56  }
0x212: {  	v59 =	vld [tilespmem:s6+$0xB950];
	v51 =	vmul.f32 v18, v4;
	v36 =	vadd.f32 v30, v29;
	[tilespmem:s6+$0x3520] =	vst v52  }
0x213: {  	v54 =	vmul.f32 v12, v4;
	v39 =	vld [tilespmem:s6+$0xB940];
	v46 =	vadd.f32 v42, v41;
	[tilespmem:s6+$0x3550] =	vst v16  }
0x214: {  	v33 =	vmul.f32 v19, v3;
	v7 =	vld [tilespmem:s6+$0xB560];
	v34 =	vmul.f32 v20, v4;
	v56 =	vadd.f32 v51, v50;
	[tilespmem:s6+$0x3900] =	vst v36  }
0x215: {  	v18 =	vld [tilespmem:s6+$0x3940];
	v47 =	vmul.f32 v63, v3;
	v48 =	vmul.f32 v27, v4;
	v60 =	vadd.f32 v54, v53;
	[tilespmem:s6+$0x3930] =	vst v46  }
0x216: {  	v38 =	vmul.f32 v38, v4;
	v37 =	vmul.f32 v21, v3;
	v40 =	vadd.f32 v34, v33;
	[tilespmem:s6+$0x3530] =	vst v56  }
0x217: {  	v44 =	vmul.f32 v55, v3;
	v45 =	vmul.f32 v59, v4;
	v52 =	vadd.f32 v48, v47;
	[tilespmem:s6+$0x3540] =	vst v60  }
0x218: {  	v50 =	vmul.f32 v31, v3;
	v51 =	vmul.f32 v35, v4;
	v43 =	vadd.f32 v38, v37;
	[tilespmem:s6+$0x3910] =	vst v40  }
0x219: {  	v61 =	vmul.f32 v10, v3;
	v62 =	vmul.f32 v7, v4;
	v49 =	vadd.f32 v45, v44;
	[tilespmem:s6+$0x3960] =	vst v52  }
0x21a: {  	s19 =	sand.u32 $0x7, s2;
	v54 =	vmul.f32 v39, v4;
	v53 =	vmul.f32 v18, v3;
	v55 =	vadd.f32 v51, v50;
	[tilespmem:s6+$0x3920] =	vst v43  }
0x21b: {  	s7 =	sshll.u32 s19, $0x7;
	v28 =	vadd.f32 v62, v61;
	[tilespmem:s6+$0x3950] =	vst v49  }
0x21c: {  	s7 =	sadd.s32 s7, s17;
	v56 =	vadd.f32 v54, v53;
	[tilespmem:s6+$0x3970] =	vst v55  }
0x21d: {  	s19 =	sor.u32 $0x1C00, s7;
	[tilespmem:s6+$0x3560] =	vst v28  }
0x21e: {  	[tilespmem:s6+$0x3940] =	vst v56;
	v0 =	vld [tilespmem:s19+$0x2100]  }
0x21f: {  	v1 =	vld [tilespmem:s19+$0xA100];
	_ =	sdelay $0x4  }
0x220: {  	v0 =	vmul.f32 v0, v3;
	v1 =	vmul.f32 v1, v4;
	_ =	sdelay $0x1  }
0x221: {  	v0 =	vadd.f32 v1, v0;
	_ =	sdelay $0x1  }
0x222: {  	[tilespmem:s19+$0x2100] =	vst v0;
	s19 =	sor.u32 $0x1C10, s7  }
0x223: {  	v0 =	vld [tilespmem:s19+$0x2100]  }
0x224: {  	v57 =	vld [tilespmem:s19+$0xA100];
	_ =	sdelay $0x4  }
0x225: {  	v0 =	vmul.f32 v0, v3;
	v1 =	vmul.f32 v57, v4;
	_ =	sdelay $0x1  }
0x226: {  	v0 =	vadd.f32 v1, v0;
	_ =	sdelay $0x1  }
0x227: {  	[tilespmem:s19+$0x2100] =	vst v0;
	s19 =	sor.u32 $0x1C20, s7  }
0x228: {  	v0 =	vld [tilespmem:s19+$0x2100]  }
0x229: {  	v58 =	vld [tilespmem:s19+$0xA100];
	_ =	sdelay $0x4  }
0x22a: {  	v0 =	vmul.f32 v0, v3;
	v1 =	vmul.f32 v58, v4;
	_ =	sdelay $0x1  }
0x22b: {  	v0 =	vadd.f32 v1, v0;
	_ =	sdelay $0x1  }
0x22c: {  	[tilespmem:s19+$0x2100] =	vst v0;
	s19 =	sor.u32 $0x1C30, s7  }
0x22d: {  	v0 =	vld [tilespmem:s19+$0x2100]  }
0x22e: {  	v59 =	vld [tilespmem:s19+$0xA100];
	_ =	sdelay $0x4  }
0x22f: {  	v0 =	vmul.f32 v0, v3;
	v1 =	vmul.f32 v59, v4;
	_ =	sdelay $0x1  }
0x230: {  	v0 =	vadd.f32 v1, v0;
	_ =	sdelay $0x1  }
0x231: {  	[tilespmem:s19+$0x2100] =	vst v0;
	s19 =	sor.u32 $0x1C40, s7  }
0x232: {  	v0 =	vld [tilespmem:s19+$0x2100]  }
0x233: {  	v60 =	vld [tilespmem:s19+$0xA100];
	_ =	sdelay $0x4  }
0x234: {  	v0 =	vmul.f32 v0, v3;
	v1 =	vmul.f32 v60, v4;
	_ =	sdelay $0x1  }
0x235: {  	v0 =	vadd.f32 v1, v0;
	_ =	sdelay $0x1  }
0x236: {  	[tilespmem:s19+$0x2100] =	vst v0;
	s19 =	sor.u32 $0x1C50, s7  }
0x237: {  	v0 =	vld [tilespmem:s19+$0x2100]  }
0x238: {  	v61 =	vld [tilespmem:s19+$0xA100];
	_ =	sdelay $0x4  }
0x239: {  	v0 =	vmul.f32 v0, v3;
	v1 =	vmul.f32 v61, v4;
	_ =	sdelay $0x1  }
0x23a: {  	v0 =	vadd.f32 v1, v0;
	_ =	sdelay $0x1  }
0x23b: {  	[tilespmem:s19+$0x2100] =	vst v0;
	s19 =	sor.u32 $0x1C60, s7  }
0x23c: {  	v0 =	vld [tilespmem:s19+$0x2100]  }
0x23d: {  	v62 =	vld [tilespmem:s19+$0xA100];
	_ =	sdelay $0x4  }
0x23e: {  	v0 =	vmul.f32 v0, v3;
	v1 =	vmul.f32 v62, v4;
	_ =	sdelay $0x1  }
0x23f: {  	v0 =	vadd.f32 v1, v0;
	_ =	sdelay $0x1  }
0x240: {  	[tilespmem:s19+$0x2100] =	vst v0;
	s19 =	sor.u32 $0x1C70, s7  }
0x241: {  	v0 =	vld [tilespmem:s19+$0x2100]  }
0x242: {  	v63 =	vld [tilespmem:s19+$0xA100];
	_ =	sdelay $0x3  }
0x243: {  	p0 =	sne.s32 s5, $0xF80  }
.Ltmp1:
0x244: {  	v0 =	vmul.f32 v0, v3;
	v1 =	vmul.f32 v63, v4;
	(pc) =	sbr.rel @p0 .LBB2_4-.Ltmp1, $4  }
0x245: {  	_ = 	snop  }
0x246: {  	v0 =	vadd.f32 v1, v0  }
0x247: {  	s2 =	sadd.s32 $0x1, s2;
	s16 =	sadd.s32 $0x80, s16  }
0x248: {  	s4 =	sadd.s32 $0x80, s4;
	s5 =	sadd.s32 $0x80, s5;
	s17 =	sadd.s32 $0x400, s17;
	[tilespmem:s19+$0x2100] =	vst v0  }
0x249: {  	s2 =	rddreg [dreg:$0xc]  }
0x24a: {  	[hbm4b:s2+s1] =	stream.linear.scatter [tilespmem:s20], [sflag:$0x2], $0x8000, $0x38;
	[tilespmem:$0x12100] =	vst v63  }
0x24b: {  	_ =	swait.ge [sflag:s18], $0x8000  }
0x24c: {  	s15 =	sadd.s32 $0x1, s15;
	s19 =	rddreg [dreg:$0xd]  }
0x24d: {  	p0 =	sne.s32 s15, s19  }
.Ltmp2:
0x24e: {  	_ = 	snop;
	(pc) =	sbr.rel @p0 .LBB2_1-.Ltmp2, $3  }
0x24f: {  	_ =	sdelay $0x1  }
0x250: {  	[sflag:s18] =	ssyncset.done $0x0  }
0x251: {  	[sflag:s18] =	ssyncadd.s32 $0xFFFF8000  }
0x252: {  	_ =	sfence.sel $0x180000  }
0x253: {  	[bflag:$0x0] =	sbarrier.arrive $0xFFFF  }
0x254: {  	_ =	strace $0x9000004A  }
0x255: {  	s0 =	stileid.u32;
	[bflag:$0x2] =	sbarrier.arrive $0xFFFF  }
0x256: {  	p0 =	sne.s32 s0, $0x0;
	s0 =	rddreg [dreg:$0x2]  }
0x257: {  	s0 =	sadd.s32 @!p0 $0x100000, s0  }
0x258: {  	[sflag:s0] =	ssyncadd.tile.s32 @!p0 $0x1;
	_ =	shalt  }
.Lfunc_end2:
_tile_overlayer_lowered:
.L_overlay_start_2:
0x259: {  	(tag) =	ssettag $0x2  }
0x25a: {  	s0 =	rddreg [dreg:$0x0];
	s2 =	stileid.u32  }
0x25b: {  	s1 =	rddreg [dreg:$0x1];
	p0 =	sne.s32 s2, $0x0  }
0x25c: {  	s3 =	rddreg [dreg:$0x2];
	[bflag:$0x3] =	sbarrier.arrive $0xFFFF;
	s2 =	simm.s32 @!p0 $0x1C02  }
0x25d: {  	[timem:s3], [sflag:s2] =	dma.local @!p0 [hbm:s0], s1  }
0x25e: {  	s0 =	simm.s32 @!p0 $0x2  }
0x25f: {  	_ =	swait.ge @!p0 [sflag:s0], s1  }
0x260: {  	s1 =	ssub.s32 @!p0 $0x0, s1;
	[sflag:s0] =	ssyncset.done @!p0 $0x0  }
0x261: {  	[sflag:s0] =	ssyncadd.s32 @!p0 s1  }
0x262: {  	[bflag:$0x3] =	sbarrier.arrive $0xFFFF  }
0x263: {  	_ =	shalt  }

</sc_bundles>
